<compile_context>
chip_gen: v7x
topology: tpu7x:2x2x1
jax: 0.10.2.dev20260603
libtpu: 0.0.44.dev20260713+nightly
codegen_flags: <defaults>
</compile_context>

<pallas_src>
import functools

import jax
import jax.numpy as jnp
from jax import lax
from jax.experimental import pallas as pl
from jax.experimental.pallas import tpu as pltpu
from jax.experimental.pallas import tpu_sc as plsc

_B, _T = 512, 50
_K = 1000
_D = 16
_N = _B * _T


def _mlp_body(fm_ref, wh_ref, bh_ref, wo_ref, bo_ref, o_ref):
    h = jnp.tanh(jnp.dot(fm_ref[...], wh_ref[...],
                         preferred_element_type=jnp.float32) + bh_ref[...])
    o = jnp.dot(h, wo_ref[...],
                preferred_element_type=jnp.float32) + bo_ref[...]
    o_ref[...] = o.T


def _lae(a, b):
    m = jnp.maximum(a, b)
    return m + jnp.log1p(jnp.exp(jnp.minimum(a, b) - m))


def _recur_body(g_ref, o0_ref, o1_ref, kc_ref, corr_ref, out_ref, ah_ref,
                pre_ref, lap_ref):
    def gs(c):
        return g_ref[c * _T:(c + 1) * _T]

    G0, G1, G2, G3, G4 = gs(0), gs(1), gs(2), gs(3), gs(4)
    G5, G6, G7, G8, G9 = gs(5), gs(6), gs(7), gs(8), gs(9)
    o0s = o0_ref[...].T
    o1s = o1_ref[...].T
    ol00 = G4 + o0s
    ol01 = G5 - o0s
    ol10 = G6 + o1s
    ol11 = G7 - o1s
    d0 = _lae(ol00, ol01)
    d1 = _lae(ol10, ol11)
    n0 = _lae(G0, G2)
    n1 = _lae(G1, G3)
    ni = _lae(G8, G9)
    y0s = corr_ref[...] == 0
    pre_ref[0 * _T:1 * _T] = G0 - n0
    pre_ref[1 * _T:2 * _T] = G1 - n1
    pre_ref[2 * _T:3 * _T] = G2 - n0
    pre_ref[3 * _T:4 * _T] = G3 - n1
    pre_ref[4 * _T:5 * _T] = jnp.where(y0s, ol00, ol01)
    pre_ref[5 * _T:6 * _T] = jnp.where(y0s, ol10, ol11)
    pre_ref[6 * _T:7 * _T] = G8 - ni - d0
    pre_ref[7 * _T:8 * _T] = G9 - ni - d1
    pre_ref[8 * _T:9 * _T] = d0
    pre_ref[9 * _T:10 * _T] = d1

    kc_all = kc_ref[...]
    iota_t = lax.broadcasted_iota(jnp.int32, (_T, _B), 0)

    def step(t):
        t8 = min(-(-max(t, 1) // 8) * 8, _T)

        def pr(c):
            return pre_ref[pl.ds(c * _T + t, 1)]

        if t == 0:
            lap0, lap1 = pr(6), pr(7)
        else:
            kct = kc_ref[pl.ds(t, 1)]
            eq = (kc_all[0:t8] == kct) & (iota_t[0:t8] < t)
            previ = jnp.max(jnp.where(eq, iota_t[0:t8], -1), axis=0,
                            keepdims=True)
            sel = iota_t[0:t8] == previ
            a0g = jnp.sum(jnp.where(sel, ah_ref[0:t8, :], 0.0), axis=0,
                          keepdims=True)
            a1g = jnp.sum(jnp.where(sel, ah_ref[_T:_T + t8, :], 0.0), axis=0,
                          keepdims=True)
            has = previ >= 0
            lap0 = jnp.where(has, a0g - pr(8), pr(6))
            lap1 = jnp.where(has, a1g - pr(9), pr(7))
        lap_ref[pl.ds(t, 1)] = lap0
        lap_ref[pl.ds(_T + t, 1)] = lap1
        c0 = pr(4) + lap0
        c1 = pr(5) + lap1
        ah_ref[pl.ds(t, 1)] = _lae(c0 + pr(0), c1 + pr(1))
        ah_ref[pl.ds(_T + t, 1)] = _lae(c0 + pr(2), c1 + pr(3))

    for t in range(_T):
        step(t)

    LA0 = lap_ref[0:_T]
    LA1 = lap_ref[_T:2 * _T]
    P0 = _lae(ol00 + LA0, ol10 + LA1)
    P1 = _lae(ol01 + LA0, ol11 + LA1)
    NZ = _lae(P0, P1)
    out_ref[0:_T] = P0 - NZ
    out_ref[_T:2 * _T] = P1 - NZ


def _sc_gather(table, idx):
    info = plsc.get_sparse_core_info()
    nc, ns = info.num_cores, info.num_subcores
    nw = nc * ns
    n_per_w = _N // nw
    mesh = plsc.VectorSubcoreMesh(core_axis_name="c", subcore_axis_name="s")

    @functools.partial(
        pl.kernel, mesh=mesh,
        compiler_params=pltpu.CompilerParams(use_tc_tiling_on_sc=False),
        out_type=jax.ShapeDtypeStruct((_N, _D), jnp.float32),
        scratch_types=[
            pltpu.VMEM((n_per_w,), jnp.int32),
            pltpu.VMEM((n_per_w, _D), jnp.float32),
            pltpu.SemaphoreType.DMA,
        ],
    )
    def gather_k(table_hbm, idx_hbm, out_hbm, idx_v, rows_v, sem):
        wid = lax.axis_index("s") * nc + lax.axis_index("c")
        base = wid * n_per_w
        pltpu.sync_copy(idx_hbm.at[pl.ds(base, n_per_w)], idx_v)
        pltpu.async_copy(table_hbm.at[idx_v], rows_v, sem).wait()
        pltpu.sync_copy(rows_v, out_hbm.at[pl.ds(base, n_per_w)])

    return gather_k(table, idx)


def kernel(corr, kc, FM, W_h, b_h, W_o, b_o, trans_logits, obs_logits, init_logits):
    mb = 6400
    o = pl.pallas_call(
        _mlp_body,
        grid=(_N // mb,),
        in_specs=[
            pl.BlockSpec((mb, 128), lambda i: (i, 0)),
            pl.BlockSpec((128, 64), lambda i: (0, 0)),
            pl.BlockSpec((1, 64), lambda i: (0, 0)),
            pl.BlockSpec((64, 2), lambda i: (0, 0)),
            pl.BlockSpec((1, 2), lambda i: (0, 0)),
        ],
        out_specs=pl.BlockSpec((2, mb), lambda i: (0, i)),
        out_shape=jax.ShapeDtypeStruct((2, _N), jnp.float32),
    )(FM.reshape(_N, 128), W_h, b_h.reshape(1, 64), W_o, b_o.reshape(1, 2))
    o0_raw = o[0].reshape(_B, _T)
    o1_raw = o[1].reshape(_B, _T)

    table = jnp.concatenate([
        trans_logits.reshape(_K, 4),
        obs_logits.reshape(_K, 4),
        init_logits,
        jnp.zeros((_K, _D - 10), jnp.float32),
    ], axis=1)
    kc_t = kc.T.astype(jnp.int32)
    idx = kc_t.reshape(-1)
    gathered = _sc_gather(table, idx)
    g_l = gathered.reshape(_T, _B, _D).transpose(2, 0, 1).reshape(_D * _T, _B)

    res = pl.pallas_call(
        _recur_body,
        out_shape=jax.ShapeDtypeStruct((2 * _T, _B), jnp.float32),
        scratch_shapes=[pltpu.VMEM((2 * _T, _B), jnp.float32),
                        pltpu.VMEM((10 * _T, _B), jnp.float32),
                        pltpu.VMEM((2 * _T, _B), jnp.float32)],
    )(g_l, o0_raw, o1_raw, kc_t, corr.T.astype(jnp.int32))

    return res

# --- scband reference (transcript-rebuilt; emitter-appended) ---
"""Pipeline reference for scband-bkt-model-39728447488368 (READ-ONLY COPY).

The authoritative reference and input builder live on the scoring server;
editing this copy changes nothing except your own understanding.
"""

import jax, jax.numpy as jnp
import numpy as np

B, T = 512, 50
N_KCS, N_FEATURES, N_HIDDEN = 1000, 128, 64
N_STATES, N_OUTPUTS = 2, 2


def setup_inputs(seed: int = 0) -> dict:
    key = jax.random.key(seed)
    ks = jax.random.split(key, 10)
    corr = jax.random.randint(ks[0], (B, T), 0, 2)
    kc = jax.random.randint(ks[1], (B, T), 0, N_KCS)
    FM = jax.random.normal(ks[2], (B, T, N_FEATURES), dtype=jnp.float32)
    W_h = jax.random.normal(ks[3], (N_FEATURES, N_HIDDEN), dtype=jnp.float32) * 0.05
    b_h = jnp.zeros((N_HIDDEN,), dtype=jnp.float32)
    W_o = jax.random.normal(ks[4], (N_HIDDEN, 2), dtype=jnp.float32) * 0.05
    b_o = jnp.zeros((2,), dtype=jnp.float32)
    trans_logits = jax.random.normal(ks[5], (N_KCS, N_STATES, N_STATES), dtype=jnp.float32)
    obs_logits = jax.random.normal(ks[6], (N_KCS, N_STATES, N_OUTPUTS), dtype=jnp.float32)
    init_logits = jax.random.normal(ks[7], (N_KCS, N_STATES), dtype=jnp.float32)
    return {"corr": corr, "kc": kc, "FM": FM, "W_h": W_h, "b_h": b_h,
            "W_o": W_o, "b_o": b_o, "trans_logits": trans_logits,
            "obs_logits": obs_logits, "init_logits": init_logits}


def reference(corr, kc, FM, W_h, b_h, W_o, b_o, trans_logits, obs_logits, init_logits):
    n_batch = corr.shape[0]
    # feature MLP producing per-step observation logit adjustments
    h = jnp.tanh(jnp.einsum('btf,fh->bth', FM, W_h) + b_h)
    o = jnp.einsum('bth,ho->bto', h, W_o) + b_o            # [B, T, 2]
    fv = jnp.concatenate([o[..., None], -o[..., None]], axis=3)  # [B, T, 2, 2]

    log_t = jax.nn.log_softmax(trans_logits, axis=1)       # [K, S, S]
    log_alpha0 = jnp.broadcast_to(
        jax.nn.log_softmax(init_logits, axis=1)[None, :, :],
        (n_batch, N_KCS, N_STATES)).astype(jnp.float32)
    batch_idx = jnp.arange(n_batch)
    lse = jax.scipy.special.logsumexp

    def step(log_alpha, inp):
        curr_chain, curr_y, fv_i = inp                     # [B], [B], [B,S,O]
        obs_logit = obs_logits[curr_chain] + fv_i          # gather [B,S,O]
        log_obs = jax.nn.log_softmax(obs_logit, axis=2)
        la_c = log_alpha[batch_idx, curr_chain, :]         # gather [B,S]
        log_py = lse(log_obs + la_c[:, :, None], axis=1)   # [B,O]
        log_py = log_py - lse(log_py, axis=1, keepdims=True)
        lp = log_obs[batch_idx, :, curr_y]                 # [B,S]
        new_la = lse(lp[:, None, :] + la_c[:, None, :] + log_t[curr_chain], axis=2)
        log_alpha = log_alpha.at[batch_idx, curr_chain, :].set(new_la)  # scatter
        return log_alpha, log_py

    xs = (jnp.transpose(kc, (1, 0)), jnp.transpose(corr, (1, 0)),
          jnp.transpose(fv, (1, 0, 2, 3)))
    _, outs = jax.lax.scan(step, log_alpha0, xs)
    return jnp.transpose(outs, (1, 0, 2))                  # [B, T, 2]

if __name__ == "__main__":
    import jax
    _d = setup_inputs()
    print(jax.jit(kernel)(*tuple(_d.values())))

</pallas_src>

<mosaic_0001>
#map = affine_map<(d0, d1) -> (0, 0)>
#map1 = affine_map<(d0, d1) -> (0)>
module attributes {stable_mosaic.version = 14 : i64} {
  func.func @gather_k(%arg0: i32, %arg1: i32, %arg2: memref<1000x16xf32, #tpu.memory_space<hbm>>, %arg3: memref<25600xi32, #tpu.memory_space<hbm>>, %arg4: memref<25600x16xf32, #tpu.memory_space<hbm>>, %arg5: memref<800xi32, #tpu.memory_space<vmem>>, %arg6: memref<800x16xf32, #tpu.memory_space<vmem>>, %arg7: memref<!tpu.dma_semaphore, #tpu.memory_space<semaphore_mem>>) attributes {dimension_semantics = [#tpu.dimension_semantics<core_parallel>, #tpu.dimension_semantics<subcore_parallel>], iteration_bounds = array<i64: 2, 16>, scalar_prefetch = 0 : i64, scratch_operands = 3 : i64, tpu.core_type = #tpu.core_type<sc_vector_subcore>, window_params = [{transform_indices = #map}, {transform_indices = #map1}, {transform_indices = #map}]} {
    %mul3A = arith.constant 2 : i32
    %mul3A_0 = arith.muli %arg1, %mul3A : i32
    %add3A = arith.addi %mul3A_0, %arg0 : i32
    %mul3A_1 = arith.constant 800 : i32
    %mul3A_2 = arith.muli %add3A, %mul3A_1 : i32
    "tpu.region"() ({
      %run_scoped3A = tpu.sem_alloc : memref<!tpu.dma_semaphore, #tpu.memory_space<semaphore_mem>>
      %dma_start3A_7 = tpu.memref_slice %arg3[%mul3A_2] : memref<25600xi32, #tpu.memory_space<hbm>> -> memref<800xi32, #tpu.memory_space<hbm>>
      %dma_start3A_8 = tpu.memref_slice %arg3[%mul3A_2] : memref<25600xi32, #tpu.memory_space<hbm>> -> memref<800xi32, #tpu.memory_space<hbm>>
      tpu.enqueue_dma source(%dma_start3A_8 : memref<800xi32, #tpu.memory_space<hbm>>) target(%arg5 : memref<800xi32, #tpu.memory_space<vmem>>) target_semaphore(%run_scoped3A : memref<!tpu.dma_semaphore, #tpu.memory_space<semaphore_mem>>)
      %dma_wait3A_9 = tpu.memref_slice %arg3[%mul3A_2] : memref<25600xi32, #tpu.memory_space<hbm>> -> memref<800xi32, #tpu.memory_space<hbm>>
      %dma_wait3A_10 = tpu.memref_slice %arg3[%mul3A_2] : memref<25600xi32, #tpu.memory_space<hbm>> -> memref<800xi32, #tpu.memory_space<hbm>>
      tpu.wait_dma2 semaphore(%run_scoped3A : memref<!tpu.dma_semaphore, #tpu.memory_space<semaphore_mem>>) src(%dma_wait3A_10 : memref<800xi32, #tpu.memory_space<hbm>>) dst(%arg5 : memref<800xi32, #tpu.memory_space<vmem>>)
      tpu.yield
    }) : () -> ()
    %dma_start3A = arith.constant 0 : i32
    %dma_start3A_3 = arith.constant 0 : i32
    %dma_start3A_4 = tpu.memref_slice %arg2[%dma_start3A, %dma_start3A_3] : memref<1000x16xf32, #tpu.memory_space<hbm>> -> memref<1000x16xf32, #tpu.memory_space<hbm>>
    tpu.enqueue_indirect_dma source(%dma_start3A_4 : memref<1000x16xf32, #tpu.memory_space<hbm>>) target(%arg6 : memref<800x16xf32, #tpu.memory_space<vmem>>) offsets(%arg5 : memref<800xi32, #tpu.memory_space<vmem>>) semaphore(%arg7 : memref<!tpu.dma_semaphore, #tpu.memory_space<semaphore_mem>>)
    %dma_wait3A = arith.constant 0 : i32
    %dma_wait3A_5 = arith.constant 0 : i32
    %dma_wait3A_6 = tpu.memref_slice %arg2[%dma_wait3A, %dma_wait3A_5] : memref<1000x16xf32, #tpu.memory_space<hbm>> -> memref<1000x16xf32, #tpu.memory_space<hbm>>
    tpu.wait_indirect_dma semaphore(%arg7 : memref<!tpu.dma_semaphore, #tpu.memory_space<semaphore_mem>>) src(%dma_wait3A_6 : memref<1000x16xf32, #tpu.memory_space<hbm>>) dst(%arg6 : memref<800x16xf32, #tpu.memory_space<vmem>>)
    "tpu.region"() ({
      %run_scoped3A = tpu.sem_alloc : memref<!tpu.dma_semaphore, #tpu.memory_space<semaphore_mem>>
      %dma_start3A_7 = arith.constant 0 : i32
      %dma_start3A_8 = tpu.memref_slice %arg4[%mul3A_2, %dma_start3A_7] : memref<25600x16xf32, #tpu.memory_space<hbm>> -> memref<800x16xf32, #tpu.memory_space<hbm>>
      %dma_start3A_9 = arith.constant 0 : i32
      %dma_start3A_10 = tpu.memref_slice %arg4[%mul3A_2, %dma_start3A_9] : memref<25600x16xf32, #tpu.memory_space<hbm>> -> memref<800x16xf32, #tpu.memory_space<hbm>>
      tpu.enqueue_dma source(%arg6 : memref<800x16xf32, #tpu.memory_space<vmem>>) target(%dma_start3A_10 : memref<800x16xf32, #tpu.memory_space<hbm>>) target_semaphore(%run_scoped3A : memref<!tpu.dma_semaphore, #tpu.memory_space<semaphore_mem>>)
      %dma_wait3A_11 = arith.constant 0 : i32
      %dma_wait3A_12 = tpu.memref_slice %arg4[%mul3A_2, %dma_wait3A_11] : memref<25600x16xf32, #tpu.memory_space<hbm>> -> memref<800x16xf32, #tpu.memory_space<hbm>>
      %dma_wait3A_13 = arith.constant 0 : i32
      %dma_wait3A_14 = tpu.memref_slice %arg4[%mul3A_2, %dma_wait3A_13] : memref<25600x16xf32, #tpu.memory_space<hbm>> -> memref<800x16xf32, #tpu.memory_space<hbm>>
      tpu.wait_dma2 semaphore(%run_scoped3A : memref<!tpu.dma_semaphore, #tpu.memory_space<semaphore_mem>>) src(%arg6 : memref<800x16xf32, #tpu.memory_space<vmem>>) dst(%dma_wait3A_14 : memref<800x16xf32, #tpu.memory_space<hbm>>)
      tpu.yield
    }) : () -> ()
    return
  }
}

module attributes {stable_mosaic.version = 14 : i64} {
  func.func @_mlp_body(%arg0: i32, %arg1: memref<6400x128xf32, #tpu.memory_space<vmem>>, %arg2: memref<128x64xf32, #tpu.memory_space<vmem>>, %arg3: memref<1x64xf32, #tpu.memory_space<vmem>>, %arg4: memref<64x2xf32, #tpu.memory_space<vmem>>, %arg5: memref<1x2xf32, #tpu.memory_space<vmem>>, %arg6: memref<2x6400xf32, #tpu.memory_space<vmem>>) attributes {dimension_semantics = [#tpu.dimension_semantics<arbitrary>], iteration_bounds = array<i64: 4>, scalar_prefetch = 0 : i64, scratch_operands = 0 : i64, tpu.core_type = #tpu.core_type<tc>, window_params = [{transform_indices = @transform_0, window_bounds = array<i64: 6400, 128>}, {pipeline_mode = #tpu.pipeline_mode<synchronous>, transform_indices = @transform_1, window_bounds = array<i64: 128, 64>}, {pipeline_mode = #tpu.pipeline_mode<synchronous>, transform_indices = @transform_2, window_bounds = array<i64: 1, 64>}, {pipeline_mode = #tpu.pipeline_mode<synchronous>, transform_indices = @transform_3, window_bounds = array<i64: 64, 2>}, {pipeline_mode = #tpu.pipeline_mode<synchronous>, transform_indices = @transform_4, window_bounds = array<i64: 1, 2>}, {transform_indices = @transform_5, window_bounds = array<i64: 2, 6400>}]} {
    %get3A = arith.constant 0 : index
    %get3A_0 = arith.constant 0 : index
    %get3A_1 = vector.load %arg1[%get3A, %get3A_0] : memref<6400x128xf32, #tpu.memory_space<vmem>>, vector<6400x128xf32>
    %get3A_2 = arith.constant 0 : index
    %get3A_3 = arith.constant 0 : index
    %get3A_4 = vector.load %arg2[%get3A_2, %get3A_3] : memref<128x64xf32, #tpu.memory_space<vmem>>, vector<128x64xf32>
    %dot_general3A = arith.constant dense<0.000000e+00> : vector<6400x64xf32>
    %dot_general3A_5 = tpu.matmul %get3A_1, %get3A_4, %dot_general3A {dimension_numbers = #tpu.dot_dimension_numbers<[1], [0], [0], [1], [0, 0, 1, 1], [], []>, transpose_lhs_hint = false} : vector<6400x128xf32>, vector<128x64xf32>, vector<6400x64xf32> -> vector<6400x64xf32>
    %get3A_6 = arith.constant 0 : index
    %get3A_7 = arith.constant 0 : index
    %get3A_8 = vector.load %arg3[%get3A_6, %get3A_7] : memref<1x64xf32, #tpu.memory_space<vmem>>, vector<1x64xf32>
    %add3A = vector.broadcast %get3A_8 : vector<1x64xf32> to vector<6400x64xf32>
    %add3A_9 = arith.addf %dot_general3A_5, %add3A : vector<6400x64xf32>
    %tanh3A = math.tanh %add3A_9 : vector<6400x64xf32>
    %get3A_10 = arith.constant 0 : index
    %get3A_11 = arith.constant 0 : index
    %get3A_12 = vector.load %arg4[%get3A_10, %get3A_11] : memref<64x2xf32, #tpu.memory_space<vmem>>, vector<64x2xf32>
    %dot_general3A_13 = arith.constant dense<0.000000e+00> : vector<6400x2xf32>
    %dot_general3A_14 = tpu.matmul %tanh3A, %get3A_12, %dot_general3A_13 {dimension_numbers = #tpu.dot_dimension_numbers<[1], [0], [0], [1], [0, 0, 1, 1], [], []>, transpose_lhs_hint = false} : vector<6400x64xf32>, vector<64x2xf32>, vector<6400x2xf32> -> vector<6400x2xf32>
    %get3A_15 = arith.constant 0 : index
    %get3A_16 = arith.constant 0 : index
    %get3A_17 = vector.load %arg5[%get3A_15, %get3A_16] : memref<1x2xf32, #tpu.memory_space<vmem>>, vector<1x2xf32>
    %add3A_18 = vector.broadcast %get3A_17 : vector<1x2xf32> to vector<6400x2xf32>
    %add3A_19 = arith.addf %dot_general3A_14, %add3A_18 : vector<6400x2xf32>
    %transpose3A = tpu.transpose %add3A_19, [1, 0] : vector<6400x2xf32> -> vector<2x6400xf32>
    %swap3A = arith.constant 0 : index
    %swap3A_20 = arith.constant 0 : index
    %swap3A_21 = vector.load %arg6[%swap3A, %swap3A_20] : memref<2x6400xf32, #tpu.memory_space<vmem>>, vector<2x6400xf32>
    tpu.vector_store %arg6[%swap3A, %swap3A_20], %transpose3A {strides = array<i32>} : memref<2x6400xf32, #tpu.memory_space<vmem>>, vector<2x6400xf32>,
    return
  }
  func.func @transform_0(%arg0: i32) -> (i32, i32) {
    %c0_i32 = arith.constant 0 : i32
    %c0_i32_0 = arith.constant 0 : i32
    return %arg0, %c0_i32 : i32, i32
  }
  func.func @transform_1(%arg0: i32) -> (i32, i32) {
    %c0_i32 = arith.constant 0 : i32
    %c0_i32_0 = arith.constant 0 : i32
    %c0_i32_1 = arith.constant 0 : i32
    return %c0_i32, %c0_i32_0 : i32, i32
  }
  func.func @transform_2(%arg0: i32) -> (i32, i32) {
    %c0_i32 = arith.constant 0 : i32
    %c0_i32_0 = arith.constant 0 : i32
    %c0_i32_1 = arith.constant 0 : i32
    return %c0_i32, %c0_i32_0 : i32, i32
  }
  func.func @transform_3(%arg0: i32) -> (i32, i32) {
    %c0_i32 = arith.constant 0 : i32
    %c0_i32_0 = arith.constant 0 : i32
    %c0_i32_1 = arith.constant 0 : i32
    return %c0_i32, %c0_i32_0 : i32, i32
  }
  func.func @transform_4(%arg0: i32) -> (i32, i32) {
    %c0_i32 = arith.constant 0 : i32
    %c0_i32_0 = arith.constant 0 : i32
    %c0_i32_1 = arith.constant 0 : i32
    return %c0_i32, %c0_i32_0 : i32, i32
  }
  func.func @transform_5(%arg0: i32) -> (i32, i32) {
    %c0_i32 = arith.constant 0 : i32
    %c0_i32_0 = arith.constant 0 : i32
    return %c0_i32, %arg0 : i32, i32
  }
}

module attributes {stable_mosaic.version = 14 : i64} {
  func.func @_recur_body(%arg0: memref<800x512xf32, #tpu.memory_space<vmem>>, %arg1: memref<512x50xf32, #tpu.memory_space<vmem>>, %arg2: memref<512x50xf32, #tpu.memory_space<vmem>>, %arg3: memref<50x512xi32, #tpu.memory_space<vmem>>, %arg4: memref<50x512xi32, #tpu.memory_space<vmem>>, %arg5: memref<100x512xf32, #tpu.memory_space<vmem>>, %arg6: memref<100x512xf32, #tpu.memory_space<vmem>>, %arg7: memref<500x512xf32, #tpu.memory_space<vmem>>, %arg8: memref<100x512xf32, #tpu.memory_space<vmem>>) attributes {dimension_semantics = [], scalar_prefetch = 0 : i64, scratch_operands = 3 : i64, tpu.core_type = #tpu.core_type<tc>} {
    %get3A = arith.constant 0 : index
    %get3A_0 = arith.constant 0 : index
    %get3A_1 = vector.load %arg0[%get3A, %get3A_0] : memref<800x512xf32, #tpu.memory_space<vmem>>, vector<50x512xf32>
    %get3A_2 = arith.constant 50 : index
    %get3A_3 = arith.constant 0 : index
    %get3A_4 = vector.load %arg0[%get3A_2, %get3A_3] : memref<800x512xf32, #tpu.memory_space<vmem>>, vector<50x512xf32>
    %get3A_5 = arith.constant 100 : index
    %get3A_6 = arith.constant 0 : index
    %get3A_7 = vector.load %arg0[%get3A_5, %get3A_6] : memref<800x512xf32, #tpu.memory_space<vmem>>, vector<50x512xf32>
    %get3A_8 = arith.constant 150 : index
    %get3A_9 = arith.constant 0 : index
    %get3A_10 = vector.load %arg0[%get3A_8, %get3A_9] : memref<800x512xf32, #tpu.memory_space<vmem>>, vector<50x512xf32>
    %get3A_11 = arith.constant 200 : index
    %get3A_12 = arith.constant 0 : index
    %get3A_13 = vector.load %arg0[%get3A_11, %get3A_12] : memref<800x512xf32, #tpu.memory_space<vmem>>, vector<50x512xf32>
    %get3A_14 = arith.constant 250 : index
    %get3A_15 = arith.constant 0 : index
    %get3A_16 = vector.load %arg0[%get3A_14, %get3A_15] : memref<800x512xf32, #tpu.memory_space<vmem>>, vector<50x512xf32>
    %get3A_17 = arith.constant 300 : index
    %get3A_18 = arith.constant 0 : index
    %get3A_19 = vector.load %arg0[%get3A_17, %get3A_18] : memref<800x512xf32, #tpu.memory_space<vmem>>, vector<50x512xf32>
    %get3A_20 = arith.constant 350 : index
    %get3A_21 = arith.constant 0 : index
    %get3A_22 = vector.load %arg0[%get3A_20, %get3A_21] : memref<800x512xf32, #tpu.memory_space<vmem>>, vector<50x512xf32>
    %get3A_23 = arith.constant 400 : index
    %get3A_24 = arith.constant 0 : index
    %get3A_25 = vector.load %arg0[%get3A_23, %get3A_24] : memref<800x512xf32, #tpu.memory_space<vmem>>, vector<50x512xf32>
    %get3A_26 = arith.constant 450 : index
    %get3A_27 = arith.constant 0 : index
    %get3A_28 = vector.load %arg0[%get3A_26, %get3A_27] : memref<800x512xf32, #tpu.memory_space<vmem>>, vector<50x512xf32>
    %get3A_29 = arith.constant 0 : index
    %get3A_30 = arith.constant 0 : index
    %get3A_31 = vector.load %arg1[%get3A_29, %get3A_30] : memref<512x50xf32, #tpu.memory_space<vmem>>, vector<512x50xf32>
    %transpose3A = tpu.transpose %get3A_31, [1, 0] : vector<512x50xf32> -> vector<50x512xf32>
    %get3A_32 = arith.constant 0 : index
    %get3A_33 = arith.constant 0 : index
    %get3A_34 = vector.load %arg2[%get3A_32, %get3A_33] : memref<512x50xf32, #tpu.memory_space<vmem>>, vector<512x50xf32>
    %transpose3A_35 = tpu.transpose %get3A_34, [1, 0] : vector<512x50xf32> -> vector<50x512xf32>
    %add3A = arith.addf %get3A_13, %transpose3A : vector<50x512xf32>
    %sub3A = arith.subf %get3A_16, %transpose3A : vector<50x512xf32>
    %add3A_36 = arith.addf %get3A_19, %transpose3A_35 : vector<50x512xf32>
    %sub3A_37 = arith.subf %get3A_22, %transpose3A_35 : vector<50x512xf32>
    %max3A = arith.maximumf %add3A, %sub3A : vector<50x512xf32>
    %min3A = arith.minimumf %add3A, %sub3A : vector<50x512xf32>
    %sub3A_38 = arith.subf %min3A, %max3A : vector<50x512xf32>
    %exp3A = math.exp %sub3A_38 : vector<50x512xf32>
    %log1p3A = math.log1p %exp3A : vector<50x512xf32>
    %add3A_39 = arith.addf %max3A, %log1p3A : vector<50x512xf32>
    %max3A_40 = arith.maximumf %add3A_36, %sub3A_37 : vector<50x512xf32>
    %min3A_41 = arith.minimumf %add3A_36, %sub3A_37 : vector<50x512xf32>
    %sub3A_42 = arith.subf %min3A_41, %max3A_40 : vector<50x512xf32>
    %exp3A_43 = math.exp %sub3A_42 : vector<50x512xf32>
    %log1p3A_44 = math.log1p %exp3A_43 : vector<50x512xf32>
    %add3A_45 = arith.addf %max3A_40, %log1p3A_44 : vector<50x512xf32>
    %max3A_46 = arith.maximumf %get3A_1, %get3A_7 : vector<50x512xf32>
    %min3A_47 = arith.minimumf %get3A_1, %get3A_7 : vector<50x512xf32>
    %sub3A_48 = arith.subf %min3A_47, %max3A_46 : vector<50x512xf32>
    %exp3A_49 = math.exp %sub3A_48 : vector<50x512xf32>
    %log1p3A_50 = math.log1p %exp3A_49 : vector<50x512xf32>
    %add3A_51 = arith.addf %max3A_46, %log1p3A_50 : vector<50x512xf32>
    %max3A_52 = arith.maximumf %get3A_4, %get3A_10 : vector<50x512xf32>
    %min3A_53 = arith.minimumf %get3A_4, %get3A_10 : vector<50x512xf32>
    %sub3A_54 = arith.subf %min3A_53, %max3A_52 : vector<50x512xf32>
    %exp3A_55 = math.exp %sub3A_54 : vector<50x512xf32>
    %log1p3A_56 = math.log1p %exp3A_55 : vector<50x512xf32>
    %add3A_57 = arith.addf %max3A_52, %log1p3A_56 : vector<50x512xf32>
    %max3A_58 = arith.maximumf %get3A_25, %get3A_28 : vector<50x512xf32>
    %min3A_59 = arith.minimumf %get3A_25, %get3A_28 : vector<50x512xf32>
    %sub3A_60 = arith.subf %min3A_59, %max3A_58 : vector<50x512xf32>
    %exp3A_61 = math.exp %sub3A_60 : vector<50x512xf32>
    %log1p3A_62 = math.log1p %exp3A_61 : vector<50x512xf32>
    %add3A_63 = arith.addf %max3A_58, %log1p3A_62 : vector<50x512xf32>
    %get3A_64 = arith.constant 0 : index
    %get3A_65 = arith.constant 0 : index
    %get3A_66 = vector.load %arg4[%get3A_64, %get3A_65] : memref<50x512xi32, #tpu.memory_space<vmem>>, vector<50x512xi32>
    %eq3A = arith.constant 0 : i32
    %eq3A_67 = vector.broadcast %eq3A : i32 to vector<50x512xi32>
    %eq3A_68 = arith.cmpi eq, %get3A_66, %eq3A_67 : vector<50x512xi32>
    %sub3A_69 = arith.subf %get3A_1, %add3A_51 : vector<50x512xf32>
    %swap3A = arith.constant 0 : index
    %swap3A_70 = arith.constant 0 : index
    %swap3A_71 = vector.load %arg7[%swap3A, %swap3A_70] : memref<500x512xf32, #tpu.memory_space<vmem>>, vector<50x512xf32>
    tpu.vector_store %arg7[%swap3A, %swap3A_70], %sub3A_69 {strides = array<i32>} : memref<500x512xf32, #tpu.memory_space<vmem>>, vector<50x512xf32>,
    %sub3A_72 = arith.subf %get3A_4, %add3A_57 : vector<50x512xf32>
    %swap3A_73 = arith.constant 50 : index
    %swap3A_74 = arith.constant 0 : index
    %swap3A_75 = vector.load %arg7[%swap3A_73, %swap3A_74] : memref<500x512xf32, #tpu.memory_space<vmem>>, vector<50x512xf32>
    tpu.vector_store %arg7[%swap3A_73, %swap3A_74], %sub3A_72 {strides = array<i32>} : memref<500x512xf32, #tpu.memory_space<vmem>>, vector<50x512xf32>,
    %sub3A_76 = arith.subf %get3A_7, %add3A_51 : vector<50x512xf32>
    %swap3A_77 = arith.constant 100 : index
    %swap3A_78 = arith.constant 0 : index
    %swap3A_79 = vector.load %arg7[%swap3A_77, %swap3A_78] : memref<500x512xf32, #tpu.memory_space<vmem>>, vector<50x512xf32>
    tpu.vector_store %arg7[%swap3A_77, %swap3A_78], %sub3A_76 {strides = array<i32>} : memref<500x512xf32, #tpu.memory_space<vmem>>, vector<50x512xf32>,
    %sub3A_80 = arith.subf %get3A_10, %add3A_57 : vector<50x512xf32>
    %swap3A_81 = arith.constant 150 : index
    %swap3A_82 = arith.constant 0 : index
    %swap3A_83 = vector.load %arg7[%swap3A_81, %swap3A_82] : memref<500x512xf32, #tpu.memory_space<vmem>>, vector<50x512xf32>
    tpu.vector_store %arg7[%swap3A_81, %swap3A_82], %sub3A_80 {strides = array<i32>} : memref<500x512xf32, #tpu.memory_space<vmem>>, vector<50x512xf32>,
    %select_n3A = arith.select %eq3A_68, %add3A, %sub3A : vector<50x512xi1>, vector<50x512xf32>
    %swap3A_84 = arith.constant 200 : index
    %swap3A_85 = arith.constant 0 : index
    %swap3A_86 = vector.load %arg7[%swap3A_84, %swap3A_85] : memref<500x512xf32, #tpu.memory_space<vmem>>, vector<50x512xf32>
    tpu.vector_store %arg7[%swap3A_84, %swap3A_85], %select_n3A {strides = array<i32>} : memref<500x512xf32, #tpu.memory_space<vmem>>, vector<50x512xf32>,
    %select_n3A_87 = arith.select %eq3A_68, %add3A_36, %sub3A_37 : vector<50x512xi1>, vector<50x512xf32>
    %swap3A_88 = arith.constant 250 : index
    %swap3A_89 = arith.constant 0 : index
    %swap3A_90 = vector.load %arg7[%swap3A_88, %swap3A_89] : memref<500x512xf32, #tpu.memory_space<vmem>>, vector<50x512xf32>
    tpu.vector_store %arg7[%swap3A_88, %swap3A_89], %select_n3A_87 {strides = array<i32>} : memref<500x512xf32, #tpu.memory_space<vmem>>, vector<50x512xf32>,
    %sub3A_91 = arith.subf %get3A_25, %add3A_63 : vector<50x512xf32>
    %sub3A_92 = arith.subf %sub3A_91, %add3A_39 : vector<50x512xf32>
    %swap3A_93 = arith.constant 300 : index
    %swap3A_94 = arith.constant 0 : index
    %swap3A_95 = vector.load %arg7[%swap3A_93, %swap3A_94] : memref<500x512xf32, #tpu.memory_space<vmem>>, vector<50x512xf32>
    tpu.vector_store %arg7[%swap3A_93, %swap3A_94], %sub3A_92 {strides = array<i32>} : memref<500x512xf32, #tpu.memory_space<vmem>>, vector<50x512xf32>,
    %sub3A_96 = arith.subf %get3A_28, %add3A_63 : vector<50x512xf32>
    %sub3A_97 = arith.subf %sub3A_96, %add3A_45 : vector<50x512xf32>
    %swap3A_98 = arith.constant 350 : index
    %swap3A_99 = arith.constant 0 : index
    %swap3A_100 = vector.load %arg7[%swap3A_98, %swap3A_99] : memref<500x512xf32, #tpu.memory_space<vmem>>, vector<50x512xf32>
    tpu.vector_store %arg7[%swap3A_98, %swap3A_99], %sub3A_97 {strides = array<i32>} : memref<500x512xf32, #tpu.memory_space<vmem>>, vector<50x512xf32>,
    %swap3A_101 = arith.constant 400 : index
    %swap3A_102 = arith.constant 0 : index
    %swap3A_103 = vector.load %arg7[%swap3A_101, %swap3A_102] : memref<500x512xf32, #tpu.memory_space<vmem>>, vector<50x512xf32>
    tpu.vector_store %arg7[%swap3A_101, %swap3A_102], %add3A_39 {strides = array<i32>} : memref<500x512xf32, #tpu.memory_space<vmem>>, vector<50x512xf32>,
    %swap3A_104 = arith.constant 450 : index
    %swap3A_105 = arith.constant 0 : index
    %swap3A_106 = vector.load %arg7[%swap3A_104, %swap3A_105] : memref<500x512xf32, #tpu.memory_space<vmem>>, vector<50x512xf32>
    tpu.vector_store %arg7[%swap3A_104, %swap3A_105], %add3A_45 {strides = array<i32>} : memref<500x512xf32, #tpu.memory_space<vmem>>, vector<50x512xf32>,
    %get3A_107 = arith.constant 0 : index
    %get3A_108 = arith.constant 0 : index
    %get3A_109 = vector.load %arg3[%get3A_107, %get3A_108] : memref<50x512xi32, #tpu.memory_space<vmem>>, vector<50x512xi32>
    %iota3A = tpu.iota {dimensions = array<i32: 0>} : vector<50x512xi32>
    %get3A_110 = arith.constant 300 : index
    %get3A_111 = arith.constant 0 : index
    %get3A_112 = vector.load %arg7[%get3A_110, %get3A_111] : memref<500x512xf32, #tpu.memory_space<vmem>>, vector<1x512xf32>
    %get3A_113 = arith.constant 350 : index
    %get3A_114 = arith.constant 0 : index
    %get3A_115 = vector.load %arg7[%get3A_113, %get3A_114] : memref<500x512xf32, #tpu.memory_space<vmem>>, vector<1x512xf32>
    %swap3A_116 = arith.constant 0 : index
    %swap3A_117 = arith.constant 0 : index
    %swap3A_118 = vector.load %arg8[%swap3A_116, %swap3A_117] : memref<100x512xf32, #tpu.memory_space<vmem>>, vector<1x512xf32>
    tpu.vector_store %arg8[%swap3A_116, %swap3A_117], %get3A_112 {strides = array<i32>} : memref<100x512xf32, #tpu.memory_space<vmem>>, vector<1x512xf32>,
    %swap3A_119 = arith.constant 50 : index
    %swap3A_120 = arith.constant 0 : index
    %swap3A_121 = vector.load %arg8[%swap3A_119, %swap3A_120] : memref<100x512xf32, #tpu.memory_space<vmem>>, vector<1x512xf32>
    tpu.vector_store %arg8[%swap3A_119, %swap3A_120], %get3A_115 {strides = array<i32>} : memref<100x512xf32, #tpu.memory_space<vmem>>, vector<1x512xf32>,
    %get3A_122 = arith.constant 200 : index
    %get3A_123 = arith.constant 0 : index
    %get3A_124 = vector.load %arg7[%get3A_122, %get3A_123] : memref<500x512xf32, #tpu.memory_space<vmem>>, vector<1x512xf32>
    %add3A_125 = arith.addf %get3A_124, %get3A_112 : vector<1x512xf32>
    %get3A_126 = arith.constant 250 : index
    %get3A_127 = arith.constant 0 : index
    %get3A_128 = vector.load %arg7[%get3A_126, %get3A_127] : memref<500x512xf32, #tpu.memory_space<vmem>>, vector<1x512xf32>
    %add3A_129 = arith.addf %get3A_128, %get3A_115 : vector<1x512xf32>
    %get3A_130 = arith.constant 0 : index
    %get3A_131 = arith.constant 0 : index
    %get3A_132 = vector.load %arg7[%get3A_130, %get3A_131] : memref<500x512xf32, #tpu.memory_space<vmem>>, vector<1x512xf32>
    %add3A_133 = arith.addf %add3A_125, %get3A_132 : vector<1x512xf32>
    %get3A_134 = arith.constant 50 : index
    %get3A_135 = arith.constant 0 : index
    %get3A_136 = vector.load %arg7[%get3A_134, %get3A_135] : memref<500x512xf32, #tpu.memory_space<vmem>>, vector<1x512xf32>
    %add3A_137 = arith.addf %add3A_129, %get3A_136 : vector<1x512xf32>
    %max3A_138 = arith.maximumf %add3A_133, %add3A_137 : vector<1x512xf32>
    %min3A_139 = arith.minimumf %add3A_133, %add3A_137 : vector<1x512xf32>
    %sub3A_140 = arith.subf %min3A_139, %max3A_138 : vector<1x512xf32>
    %exp3A_141 = math.exp %sub3A_140 : vector<1x512xf32>
    %log1p3A_142 = math.log1p %exp3A_141 : vector<1x512xf32>
    %add3A_143 = arith.addf %max3A_138, %log1p3A_142 : vector<1x512xf32>
    %swap3A_144 = arith.constant 0 : index
    %swap3A_145 = arith.constant 0 : index
    %swap3A_146 = vector.load %arg6[%swap3A_144, %swap3A_145] : memref<100x512xf32, #tpu.memory_space<vmem>>, vector<1x512xf32>
    tpu.vector_store %arg6[%swap3A_144, %swap3A_145], %add3A_143 {strides = array<i32>} : memref<100x512xf32, #tpu.memory_space<vmem>>, vector<1x512xf32>,
    %get3A_147 = arith.constant 100 : index
    %get3A_148 = arith.constant 0 : index
    %get3A_149 = vector.load %arg7[%get3A_147, %get3A_148] : memref<500x512xf32, #tpu.memory_space<vmem>>, vector<1x512xf32>
    %add3A_150 = arith.addf %add3A_125, %get3A_149 : vector<1x512xf32>
    %get3A_151 = arith.constant 150 : index
    %get3A_152 = arith.constant 0 : index
    %get3A_153 = vector.load %arg7[%get3A_151, %get3A_152] : memref<500x512xf32, #tpu.memory_space<vmem>>, vector<1x512xf32>
    %add3A_154 = arith.addf %add3A_129, %get3A_153 : vector<1x512xf32>
    %max3A_155 = arith.maximumf %add3A_150, %add3A_154 : vector<1x512xf32>
    %min3A_156 = arith.minimumf %add3A_150, %add3A_154 : vector<1x512xf32>
    %sub3A_157 = arith.subf %min3A_156, %max3A_155 : vector<1x512xf32>
    %exp3A_158 = math.exp %sub3A_157 : vector<1x512xf32>
    %log1p3A_159 = math.log1p %exp3A_158 : vector<1x512xf32>
    %add3A_160 = arith.addf %max3A_155, %log1p3A_159 : vector<1x512xf32>
    %swap3A_161 = arith.constant 50 : index
    %swap3A_162 = arith.constant 0 : index
    %swap3A_163 = vector.load %arg6[%swap3A_161, %swap3A_162] : memref<100x512xf32, #tpu.memory_space<vmem>>, vector<1x512xf32>
    tpu.vector_store %arg6[%swap3A_161, %swap3A_162], %add3A_160 {strides = array<i32>} : memref<100x512xf32, #tpu.memory_space<vmem>>, vector<1x512xf32>,
    %get3A_164 = arith.constant 1 : index
    %get3A_165 = arith.constant 0 : index
    %get3A_166 = vector.load %arg3[%get3A_164, %get3A_165] : memref<50x512xi32, #tpu.memory_space<vmem>>, vector<1x512xi32>
    %slice3A = vector.extract_strided_slice %get3A_109 {offsets = [0, 0], sizes = [8, 512], strides = [1, 1]} : vector<50x512xi32> to vector<8x512xi32>
    %eq3A_167 = vector.broadcast %get3A_166 : vector<1x512xi32> to vector<8x512xi32>
    %eq3A_168 = arith.cmpi eq, %slice3A, %eq3A_167 : vector<8x512xi32>
    %slice3A_169 = vector.extract_strided_slice %iota3A {offsets = [0, 0], sizes = [8, 512], strides = [1, 1]} : vector<50x512xi32> to vector<8x512xi32>
    %lt3A = arith.constant 1 : i32
    %lt3A_170 = vector.broadcast %lt3A : i32 to vector<8x512xi32>
    %lt3A_171 = arith.cmpi slt, %slice3A_169, %lt3A_170 : vector<8x512xi32>
    %and3A = arith.andi %eq3A_168, %lt3A_171 : vector<8x512xi1>
    %slice3A_172 = vector.extract_strided_slice %iota3A {offsets = [0, 0], sizes = [8, 512], strides = [1, 1]} : vector<50x512xi32> to vector<8x512xi32>
    %jit3A = arith.constant -1 : i32
    %broadcast_in_dim3A = vector.broadcast %jit3A : i32 to vector<8x512xi32>
    %select_n3A_173 = arith.select %and3A, %slice3A_172, %broadcast_in_dim3A : vector<8x512xi1>, vector<8x512xi32>
    %reduce_max3A = arith.constant dense<-2147483648> : vector<512xi32>
    %reduce_max3A_174 = vector.multi_reduction <maxsi>, %select_n3A_173, %reduce_max3A [0] : vector<8x512xi32> to vector<512xi32>
    %broadcast_in_dim3A_175 = vector.shape_cast %reduce_max3A_174 : vector<512xi32> to vector<1x512xi32>
    %slice3A_176 = vector.extract_strided_slice %iota3A {offsets = [0, 0], sizes = [8, 512], strides = [1, 1]} : vector<50x512xi32> to vector<8x512xi32>
    %eq3A_177 = vector.broadcast %broadcast_in_dim3A_175 : vector<1x512xi32> to vector<8x512xi32>
    %eq3A_178 = arith.cmpi eq, %slice3A_176, %eq3A_177 : vector<8x512xi32>
    %get3A_179 = arith.constant 0 : index
    %get3A_180 = arith.constant 0 : index
    %get3A_181 = vector.load %arg6[%get3A_179, %get3A_180] : memref<100x512xf32, #tpu.memory_space<vmem>>, vector<8x512xf32>
    %jit3A_182 = arith.constant 0.000000e+00 : f32
    %broadcast_in_dim3A_183 = vector.broadcast %jit3A_182 : f32 to vector<8x512xf32>
    %select_n3A_184 = arith.select %eq3A_178, %get3A_181, %broadcast_in_dim3A_183 : vector<8x512xi1>, vector<8x512xf32>
    %reduce_sum3A = arith.constant dense<0.000000e+00> : vector<512xf32>
    %reduce_sum3A_185 = vector.multi_reduction <add>, %select_n3A_184, %reduce_sum3A [0] : vector<8x512xf32> to vector<512xf32>
    %broadcast_in_dim3A_186 = vector.shape_cast %reduce_sum3A_185 : vector<512xf32> to vector<1x512xf32>
    %get3A_187 = arith.constant 50 : index
    %get3A_188 = arith.constant 0 : index
    %get3A_189 = vector.load %arg6[%get3A_187, %get3A_188] : memref<100x512xf32, #tpu.memory_space<vmem>>, vector<8x512xf32>
    %jit3A_190 = arith.constant 0.000000e+00 : f32
    %broadcast_in_dim3A_191 = vector.broadcast %jit3A_190 : f32 to vector<8x512xf32>
    %select_n3A_192 = arith.select %eq3A_178, %get3A_189, %broadcast_in_dim3A_191 : vector<8x512xi1>, vector<8x512xf32>
    %reduce_sum3A_193 = arith.constant dense<0.000000e+00> : vector<512xf32>
    %reduce_sum3A_194 = vector.multi_reduction <add>, %select_n3A_192, %reduce_sum3A_193 [0] : vector<8x512xf32> to vector<512xf32>
    %broadcast_in_dim3A_195 = vector.shape_cast %reduce_sum3A_194 : vector<512xf32> to vector<1x512xf32>
    %ge3A = arith.constant 0 : i32
    %ge3A_196 = vector.broadcast %ge3A : i32 to vector<1x512xi32>
    %ge3A_197 = arith.cmpi sge, %broadcast_in_dim3A_175, %ge3A_196 : vector<1x512xi32>
    %get3A_198 = arith.constant 401 : index
    %get3A_199 = arith.constant 0 : index
    %get3A_200 = vector.load %arg7[%get3A_198, %get3A_199] : memref<500x512xf32, #tpu.memory_space<vmem>>, vector<1x512xf32>
    %sub3A_201 = arith.subf %broadcast_in_dim3A_186, %get3A_200 : vector<1x512xf32>
    %get3A_202 = arith.constant 301 : index
    %get3A_203 = arith.constant 0 : index
    %get3A_204 = vector.load %arg7[%get3A_202, %get3A_203] : memref<500x512xf32, #tpu.memory_space<vmem>>, vector<1x512xf32>
    %select_n3A_205 = arith.select %ge3A_197, %sub3A_201, %get3A_204 : vector<1x512xi1>, vector<1x512xf32>
    %get3A_206 = arith.constant 451 : index
    %get3A_207 = arith.constant 0 : index
    %get3A_208 = vector.load %arg7[%get3A_206, %get3A_207] : memref<500x512xf32, #tpu.memory_space<vmem>>, vector<1x512xf32>
    %sub3A_209 = arith.subf %broadcast_in_dim3A_195, %get3A_208 : vector<1x512xf32>
    %get3A_210 = arith.constant 351 : index
    %get3A_211 = arith.constant 0 : index
    %get3A_212 = vector.load %arg7[%get3A_210, %get3A_211] : memref<500x512xf32, #tpu.memory_space<vmem>>, vector<1x512xf32>
    %select_n3A_213 = arith.select %ge3A_197, %sub3A_209, %get3A_212 : vector<1x512xi1>, vector<1x512xf32>
    %swap3A_214 = arith.constant 1 : index
    %swap3A_215 = arith.constant 0 : index
    %swap3A_216 = vector.load %arg8[%swap3A_214, %swap3A_215] : memref<100x512xf32, #tpu.memory_space<vmem>>, vector<1x512xf32>
    tpu.vector_store %arg8[%swap3A_214, %swap3A_215], %select_n3A_205 {strides = array<i32>} : memref<100x512xf32, #tpu.memory_space<vmem>>, vector<1x512xf32>,
    %swap3A_217 = arith.constant 51 : index
    %swap3A_218 = arith.constant 0 : index
    %swap3A_219 = vector.load %arg8[%swap3A_217, %swap3A_218] : memref<100x512xf32, #tpu.memory_space<vmem>>, vector<1x512xf32>
    tpu.vector_store %arg8[%swap3A_217, %swap3A_218], %select_n3A_213 {strides = array<i32>} : memref<100x512xf32, #tpu.memory_space<vmem>>, vector<1x512xf32>,
    %get3A_220 = arith.constant 201 : index
    %get3A_221 = arith.constant 0 : index
    %get3A_222 = vector.load %arg7[%get3A_220, %get3A_221] : memref<500x512xf32, #tpu.memory_space<vmem>>, vector<1x512xf32>
    %add3A_223 = arith.addf %get3A_222, %select_n3A_205 : vector<1x512xf32>
    %get3A_224 = arith.constant 251 : index
    %get3A_225 = arith.constant 0 : index
    %get3A_226 = vector.load %arg7[%get3A_224, %get3A_225] : memref<500x512xf32, #tpu.memory_space<vmem>>, vector<1x512xf32>
    %add3A_227 = arith.addf %get3A_226, %select_n3A_213 : vector<1x512xf32>
    %get3A_228 = arith.constant 1 : index
    %get3A_229 = arith.constant 0 : index
    %get3A_230 = vector.load %arg7[%get3A_228, %get3A_229] : memref<500x512xf32, #tpu.memory_space<vmem>>, vector<1x512xf32>
    %add3A_231 = arith.addf %add3A_223, %get3A_230 : vector<1x512xf32>
    %get3A_232 = arith.constant 51 : index
    %get3A_233 = arith.constant 0 : index
    %get3A_234 = vector.load %arg7[%get3A_232, %get3A_233] : memref<500x512xf32, #tpu.memory_space<vmem>>, vector<1x512xf32>
    %add3A_235 = arith.addf %add3A_227, %get3A_234 : vector<1x512xf32>
    %max3A_236 = arith.maximumf %add3A_231, %add3A_235 : vector<1x512xf32>
    %min3A_237 = arith.minimumf %add3A_231, %add3A_235 : vector<1x512xf32>
    %sub3A_238 = arith.subf %min3A_237, %max3A_236 : vector<1x512xf32>
    %exp3A_239 = math.exp %sub3A_238 : vector<1x512xf32>
    %log1p3A_240 = math.log1p %exp3A_239 : vector<1x512xf32>
    %add3A_241 = arith.addf %max3A_236, %log1p3A_240 : vector<1x512xf32>
    %swap3A_242 = arith.constant 1 : index
    %swap3A_243 = arith.constant 0 : index
    %swap3A_244 = vector.load %arg6[%swap3A_242, %swap3A_243] : memref<100x512xf32, #tpu.memory_space<vmem>>, vector<1x512xf32>
    tpu.vector_store %arg6[%swap3A_242, %swap3A_243], %add3A_241 {strides = array<i32>} : memref<100x512xf32, #tpu.memory_space<vmem>>, vector<1x512xf32>,
    %get3A_245 = arith.constant 101 : index
    %get3A_246 = arith.constant 0 : index
    %get3A_247 = vector.load %arg7[%get3A_245, %get3A_246] : memref<500x512xf32, #tpu.memory_space<vmem>>, vector<1x512xf32>
    %add3A_248 = arith.addf %add3A_223, %get3A_247 : vector<1x512xf32>
    %get3A_249 = arith.constant 151 : index
    %get3A_250 = arith.constant 0 : index
    %get3A_251 = vector.load %arg7[%get3A_249, %get3A_250] : memref<500x512xf32, #tpu.memory_space<vmem>>, vector<1x512xf32>
    %add3A_252 = arith.addf %add3A_227, %get3A_251 : vector<1x512xf32>
    %max3A_253 = arith.maximumf %add3A_248, %add3A_252 : vector<1x512xf32>
    %min3A_254 = arith.minimumf %add3A_248, %add3A_252 : vector<1x512xf32>
    %sub3A_255 = arith.subf %min3A_254, %max3A_253 : vector<1x512xf32>
    %exp3A_256 = math.exp %sub3A_255 : vector<1x512xf32>
    %log1p3A_257 = math.log1p %exp3A_256 : vector<1x512xf32>
    %add3A_258 = arith.addf %max3A_253, %log1p3A_257 : vector<1x512xf32>
    %swap3A_259 = arith.constant 51 : index
    %swap3A_260 = arith.constant 0 : index
    %swap3A_261 = vector.load %arg6[%swap3A_259, %swap3A_260] : memref<100x512xf32, #tpu.memory_space<vmem>>, vector<1x512xf32>
    tpu.vector_store %arg6[%swap3A_259, %swap3A_260], %add3A_258 {strides = array<i32>} : memref<100x512xf32, #tpu.memory_space<vmem>>, vector<1x512xf32>,
    %get3A_262 = arith.constant 2 : index
    %get3A_263 = arith.constant 0 : index
    %get3A_264 = vector.load %arg3[%get3A_262, %get3A_263] : memref<50x512xi32, #tpu.memory_space<vmem>>, vector<1x512xi32>
    %slice3A_265 = vector.extract_strided_slice %get3A_109 {offsets = [0, 0], sizes = [8, 512], strides = [1, 1]} : vector<50x512xi32> to vector<8x512xi32>
    %eq3A_266 = vector.broadcast %get3A_264 : vector<1x512xi32> to vector<8x512xi32>
    %eq3A_267 = arith.cmpi eq, %slice3A_265, %eq3A_266 : vector<8x512xi32>
    %slice3A_268 = vector.extract_strided_slice %iota3A {offsets = [0, 0], sizes = [8, 512], strides = [1, 1]} : vector<50x512xi32> to vector<8x512xi32>
    %lt3A_269 = arith.constant 2 : i32
    %lt3A_270 = vector.broadcast %lt3A_269 : i32 to vector<8x512xi32>
    %lt3A_271 = arith.cmpi slt, %slice3A_268, %lt3A_270 : vector<8x512xi32>
    %and3A_272 = arith.andi %eq3A_267, %lt3A_271 : vector<8x512xi1>
    %slice3A_273 = vector.extract_strided_slice %iota3A {offsets = [0, 0], sizes = [8, 512], strides = [1, 1]} : vector<50x512xi32> to vector<8x512xi32>
    %jit3A_274 = arith.constant -1 : i32
    %broadcast_in_dim3A_275 = vector.broadcast %jit3A_274 : i32 to vector<8x512xi32>
    %select_n3A_276 = arith.select %and3A_272, %slice3A_273, %broadcast_in_dim3A_275 : vector<8x512xi1>, vector<8x512xi32>
    %reduce_max3A_277 = arith.constant dense<-2147483648> : vector<512xi32>
    %reduce_max3A_278 = vector.multi_reduction <maxsi>, %select_n3A_276, %reduce_max3A_277 [0] : vector<8x512xi32> to vector<512xi32>
    %broadcast_in_dim3A_279 = vector.shape_cast %reduce_max3A_278 : vector<512xi32> to vector<1x512xi32>
    %slice3A_280 = vector.extract_strided_slice %iota3A {offsets = [0, 0], sizes = [8, 512], strides = [1, 1]} : vector<50x512xi32> to vector<8x512xi32>
    %eq3A_281 = vector.broadcast %broadcast_in_dim3A_279 : vector<1x512xi32> to vector<8x512xi32>
    %eq3A_282 = arith.cmpi eq, %slice3A_280, %eq3A_281 : vector<8x512xi32>
    %get3A_283 = arith.constant 0 : index
    %get3A_284 = arith.constant 0 : index
    %get3A_285 = vector.load %arg6[%get3A_283, %get3A_284] : memref<100x512xf32, #tpu.memory_space<vmem>>, vector<8x512xf32>
    %jit3A_286 = arith.constant 0.000000e+00 : f32
    %broadcast_in_dim3A_287 = vector.broadcast %jit3A_286 : f32 to vector<8x512xf32>
    %select_n3A_288 = arith.select %eq3A_282, %get3A_285, %broadcast_in_dim3A_287 : vector<8x512xi1>, vector<8x512xf32>
    %reduce_sum3A_289 = arith.constant dense<0.000000e+00> : vector<512xf32>
    %reduce_sum3A_290 = vector.multi_reduction <add>, %select_n3A_288, %reduce_sum3A_289 [0] : vector<8x512xf32> to vector<512xf32>
    %broadcast_in_dim3A_291 = vector.shape_cast %reduce_sum3A_290 : vector<512xf32> to vector<1x512xf32>
    %get3A_292 = arith.constant 50 : index
    %get3A_293 = arith.constant 0 : index
    %get3A_294 = vector.load %arg6[%get3A_292, %get3A_293] : memref<100x512xf32, #tpu.memory_space<vmem>>, vector<8x512xf32>
    %jit3A_295 = arith.constant 0.000000e+00 : f32
    %broadcast_in_dim3A_296 = vector.broadcast %jit3A_295 : f32 to vector<8x512xf32>
    %select_n3A_297 = arith.select %eq3A_282, %get3A_294, %broadcast_in_dim3A_296 : vector<8x512xi1>, vector<8x512xf32>
    %reduce_sum3A_298 = arith.constant dense<0.000000e+00> : vector<512xf32>
    %reduce_sum3A_299 = vector.multi_reduction <add>, %select_n3A_297, %reduce_sum3A_298 [0] : vector<8x512xf32> to vector<512xf32>
    %broadcast_in_dim3A_300 = vector.shape_cast %reduce_sum3A_299 : vector<512xf32> to vector<1x512xf32>
    %ge3A_301 = arith.constant 0 : i32
    %ge3A_302 = vector.broadcast %ge3A_301 : i32 to vector<1x512xi32>
    %ge3A_303 = arith.cmpi sge, %broadcast_in_dim3A_279, %ge3A_302 : vector<1x512xi32>
    %get3A_304 = arith.constant 402 : index
    %get3A_305 = arith.constant 0 : index
    %get3A_306 = vector.load %arg7[%get3A_304, %get3A_305] : memref<500x512xf32, #tpu.memory_space<vmem>>, vector<1x512xf32>
    %sub3A_307 = arith.subf %broadcast_in_dim3A_291, %get3A_306 : vector<1x512xf32>
    %get3A_308 = arith.constant 302 : index
    %get3A_309 = arith.constant 0 : index
    %get3A_310 = vector.load %arg7[%get3A_308, %get3A_309] : memref<500x512xf32, #tpu.memory_space<vmem>>, vector<1x512xf32>
    %select_n3A_311 = arith.select %ge3A_303, %sub3A_307, %get3A_310 : vector<1x512xi1>, vector<1x512xf32>
    %get3A_312 = arith.constant 452 : index
    %get3A_313 = arith.constant 0 : index
    %get3A_314 = vector.load %arg7[%get3A_312, %get3A_313] : memref<500x512xf32, #tpu.memory_space<vmem>>, vector<1x512xf32>
    %sub3A_315 = arith.subf %broadcast_in_dim3A_300, %get3A_314 : vector<1x512xf32>
    %get3A_316 = arith.constant 352 : index
    %get3A_317 = arith.constant 0 : index
    %get3A_318 = vector.load %arg7[%get3A_316, %get3A_317] : memref<500x512xf32, #tpu.memory_space<vmem>>, vector<1x512xf32>
    %select_n3A_319 = arith.select %ge3A_303, %sub3A_315, %get3A_318 : vector<1x512xi1>, vector<1x512xf32>
    %swap3A_320 = arith.constant 2 : index
    %swap3A_321 = arith.constant 0 : index
    %swap3A_322 = vector.load %arg8[%swap3A_320, %swap3A_321] : memref<100x512xf32, #tpu.memory_space<vmem>>, vector<1x512xf32>
    tpu.vector_store %arg8[%swap3A_320, %swap3A_321], %select_n3A_311 {strides = array<i32>} : memref<100x512xf32, #tpu.memory_space<vmem>>, vector<1x512xf32>,
    %swap3A_323 = arith.constant 52 : index
    %swap3A_324 = arith.constant 0 : index
    %swap3A_325 = vector.load %arg8[%swap3A_323, %swap3A_324] : memref<100x512xf32, #tpu.memory_space<vmem>>, vector<1x512xf32>
    tpu.vector_store %arg8[%swap3A_323, %swap3A_324], %select_n3A_319 {strides = array<i32>} : memref<100x512xf32, #tpu.memory_space<vmem>>, vector<1x512xf32>,
    %get3A_326 = arith.constant 202 : index
    %get3A_327 = arith.constant 0 : index
    %get3A_328 = vector.load %arg7[%get3A_326, %get3A_327] : memref<500x512xf32, #tpu.memory_space<vmem>>, vector<1x512xf32>
    %add3A_329 = arith.addf %get3A_328, %select_n3A_311 : vector<1x512xf32>
    %get3A_330 = arith.constant 252 : index
    %get3A_331 = arith.constant 0 : index
    %get3A_332 = vector.load %arg7[%get3A_330, %get3A_331] : memref<500x512xf32, #tpu.memory_space<vmem>>, vector<1x512xf32>
    %add3A_333 = arith.addf %get3A_332, %select_n3A_319 : vector<1x512xf32>
    %get3A_334 = arith.constant 2 : index
    %get3A_335 = arith.constant 0 : index
    %get3A_336 = vector.load %arg7[%get3A_334, %get3A_335] : memref<500x512xf32, #tpu.memory_space<vmem>>, vector<1x512xf32>
    %add3A_337 = arith.addf %add3A_329, %get3A_336 : vector<1x512xf32>
    %get3A_338 = arith.constant 52 : index
    %get3A_339 = arith.constant 0 : index
    %get3A_340 = vector.load %arg7[%get3A_338, %get3A_339] : memref<500x512xf32, #tpu.memory_space<vmem>>, vector<1x512xf32>
    %add3A_341 = arith.addf %add3A_333, %get3A_340 : vector<1x512xf32>
    %max3A_342 = arith.maximumf %add3A_337, %add3A_341 : vector<1x512xf32>
    %min3A_343 = arith.minimumf %add3A_337, %add3A_341 : vector<1x512xf32>
    %sub3A_344 = arith.subf %min3A_343, %max3A_342 : vector<1x512xf32>
    %exp3A_345 = math.exp %sub3A_344 : vector<1x512xf32>
    %log1p3A_346 = math.log1p %exp3A_345 : vector<1x512xf32>
    %add3A_347 = arith.addf %max3A_342, %log1p3A_346 : vector<1x512xf32>
    %swap3A_348 = arith.constant 2 : index
    %swap3A_349 = arith.constant 0 : index
    %swap3A_350 = vector.load %arg6[%swap3A_348, %swap3A_349] : memref<100x512xf32, #tpu.memory_space<vmem>>, vector<1x512xf32>
    tpu.vector_store %arg6[%swap3A_348, %swap3A_349], %add3A_347 {strides = array<i32>} : memref<100x512xf32, #tpu.memory_space<vmem>>, vector<1x512xf32>,
    %get3A_351 = arith.constant 102 : index
    %get3A_352 = arith.constant 0 : index
    %get3A_353 = vector.load %arg7[%get3A_351, %get3A_352] : memref<500x512xf32, #tpu.memory_space<vmem>>, vector<1x512xf32>
    %add3A_354 = arith.addf %add3A_329, %get3A_353 : vector<1x512xf32>
    %get3A_355 = arith.constant 152 : index
    %get3A_356 = arith.constant 0 : index
    %get3A_357 = vector.load %arg7[%get3A_355, %get3A_356] : memref<500x512xf32, #tpu.memory_space<vmem>>, vector<1x512xf32>
    %add3A_358 = arith.addf %add3A_333, %get3A_357 : vector<1x512xf32>
    %max3A_359 = arith.maximumf %add3A_354, %add3A_358 : vector<1x512xf32>
    %min3A_360 = arith.minimumf %add3A_354, %add3A_358 : vector<1x512xf32>
    %sub3A_361 = arith.subf %min3A_360, %max3A_359 : vector<1x512xf32>
    %exp3A_362 = math.exp %sub3A_361 : vector<1x512xf32>
    %log1p3A_363 = math.log1p %exp3A_362 : vector<1x512xf32>
    %add3A_364 = arith.addf %max3A_359, %log1p3A_363 : vector<1x512xf32>
    %swap3A_365 = arith.constant 52 : index
    %swap3A_366 = arith.constant 0 : index
    %swap3A_367 = vector.load %arg6[%swap3A_365, %swap3A_366] : memref<100x512xf32, #tpu.memory_space<vmem>>, vector<1x512xf32>
    tpu.vector_store %arg6[%swap3A_365, %swap3A_366], %add3A_364 {strides = array<i32>} : memref<100x512xf32, #tpu.memory_space<vmem>>, vector<1x512xf32>,
    %get3A_368 = arith.constant 3 : index
    %get3A_369 = arith.constant 0 : index
    %get3A_370 = vector.load %arg3[%get3A_368, %get3A_369] : memref<50x512xi32, #tpu.memory_space<vmem>>, vector<1x512xi32>
    %slice3A_371 = vector.extract_strided_slice %get3A_109 {offsets = [0, 0], sizes = [8, 512], strides = [1, 1]} : vector<50x512xi32> to vector<8x512xi32>
    %eq3A_372 = vector.broadcast %get3A_370 : vector<1x512xi32> to vector<8x512xi32>
    %eq3A_373 = arith.cmpi eq, %slice3A_371, %eq3A_372 : vector<8x512xi32>
    %slice3A_374 = vector.extract_strided_slice %iota3A {offsets = [0, 0], sizes = [8, 512], strides = [1, 1]} : vector<50x512xi32> to vector<8x512xi32>
    %lt3A_375 = arith.constant 3 : i32
    %lt3A_376 = vector.broadcast %lt3A_375 : i32 to vector<8x512xi32>
    %lt3A_377 = arith.cmpi slt, %slice3A_374, %lt3A_376 : vector<8x512xi32>
    %and3A_378 = arith.andi %eq3A_373, %lt3A_377 : vector<8x512xi1>
    %slice3A_379 = vector.extract_strided_slice %iota3A {offsets = [0, 0], sizes = [8, 512], strides = [1, 1]} : vector<50x512xi32> to vector<8x512xi32>
    %jit3A_380 = arith.constant -1 : i32
    %broadcast_in_dim3A_381 = vector.broadcast %jit3A_380 : i32 to vector<8x512xi32>
    %select_n3A_382 = arith.select %and3A_378, %slice3A_379, %broadcast_in_dim3A_381 : vector<8x512xi1>, vector<8x512xi32>
    %reduce_max3A_383 = arith.constant dense<-2147483648> : vector<512xi32>
    %reduce_max3A_384 = vector.multi_reduction <maxsi>, %select_n3A_382, %reduce_max3A_383 [0] : vector<8x512xi32> to vector<512xi32>
    %broadcast_in_dim3A_385 = vector.shape_cast %reduce_max3A_384 : vector<512xi32> to vector<1x512xi32>
    %slice3A_386 = vector.extract_strided_slice %iota3A {offsets = [0, 0], sizes = [8, 512], strides = [1, 1]} : vector<50x512xi32> to vector<8x512xi32>
    %eq3A_387 = vector.broadcast %broadcast_in_dim3A_385 : vector<1x512xi32> to vector<8x512xi32>
    %eq3A_388 = arith.cmpi eq, %slice3A_386, %eq3A_387 : vector<8x512xi32>
    %get3A_389 = arith.constant 0 : index
    %get3A_390 = arith.constant 0 : index
    %get3A_391 = vector.load %arg6[%get3A_389, %get3A_390] : memref<100x512xf32, #tpu.memory_space<vmem>>, vector<8x512xf32>
    %jit3A_392 = arith.constant 0.000000e+00 : f32
    %broadcast_in_dim3A_393 = vector.broadcast %jit3A_392 : f32 to vector<8x512xf32>
    %select_n3A_394 = arith.select %eq3A_388, %get3A_391, %broadcast_in_dim3A_393 : vector<8x512xi1>, vector<8x512xf32>
    %reduce_sum3A_395 = arith.constant dense<0.000000e+00> : vector<512xf32>
    %reduce_sum3A_396 = vector.multi_reduction <add>, %select_n3A_394, %reduce_sum3A_395 [0] : vector<8x512xf32> to vector<512xf32>
    %broadcast_in_dim3A_397 = vector.shape_cast %reduce_sum3A_396 : vector<512xf32> to vector<1x512xf32>
    %get3A_398 = arith.constant 50 : index
    %get3A_399 = arith.constant 0 : index
    %get3A_400 = vector.load %arg6[%get3A_398, %get3A_399] : memref<100x512xf32, #tpu.memory_space<vmem>>, vector<8x512xf32>
    %jit3A_401 = arith.constant 0.000000e+00 : f32
    %broadcast_in_dim3A_402 = vector.broadcast %jit3A_401 : f32 to vector<8x512xf32>
    %select_n3A_403 = arith.select %eq3A_388, %get3A_400, %broadcast_in_dim3A_402 : vector<8x512xi1>, vector<8x512xf32>
    %reduce_sum3A_404 = arith.constant dense<0.000000e+00> : vector<512xf32>
    %reduce_sum3A_405 = vector.multi_reduction <add>, %select_n3A_403, %reduce_sum3A_404 [0] : vector<8x512xf32> to vector<512xf32>
    %broadcast_in_dim3A_406 = vector.shape_cast %reduce_sum3A_405 : vector<512xf32> to vector<1x512xf32>
    %ge3A_407 = arith.constant 0 : i32
    %ge3A_408 = vector.broadcast %ge3A_407 : i32 to vector<1x512xi32>
    %ge3A_409 = arith.cmpi sge, %broadcast_in_dim3A_385, %ge3A_408 : vector<1x512xi32>
    %get3A_410 = arith.constant 403 : index
    %get3A_411 = arith.constant 0 : index
    %get3A_412 = vector.load %arg7[%get3A_410, %get3A_411] : memref<500x512xf32, #tpu.memory_space<vmem>>, vector<1x512xf32>
    %sub3A_413 = arith.subf %broadcast_in_dim3A_397, %get3A_412 : vector<1x512xf32>
    %get3A_414 = arith.constant 303 : index
    %get3A_415 = arith.constant 0 : index
    %get3A_416 = vector.load %arg7[%get3A_414, %get3A_415] : memref<500x512xf32, #tpu.memory_space<vmem>>, vector<1x512xf32>
    %select_n3A_417 = arith.select %ge3A_409, %sub3A_413, %get3A_416 : vector<1x512xi1>, vector<1x512xf32>
    %get3A_418 = arith.constant 453 : index
    %get3A_419 = arith.constant 0 : index
    %get3A_420 = vector.load %arg7[%get3A_418, %get3A_419] : memref<500x512xf32, #tpu.memory_space<vmem>>, vector<1x512xf32>
    %sub3A_421 = arith.subf %broadcast_in_dim3A_406, %get3A_420 : vector<1x512xf32>
    %get3A_422 = arith.constant 353 : index
    %get3A_423 = arith.constant 0 : index
    %get3A_424 = vector.load %arg7[%get3A_422, %get3A_423] : memref<500x512xf32, #tpu.memory_space<vmem>>, vector<1x512xf32>
    %select_n3A_425 = arith.select %ge3A_409, %sub3A_421, %get3A_424 : vector<1x512xi1>, vector<1x512xf32>
    %swap3A_426 = arith.constant 3 : index
    %swap3A_427 = arith.constant 0 : index
    %swap3A_428 = vector.load %arg8[%swap3A_426, %swap3A_427] : memref<100x512xf32, #tpu.memory_space<vmem>>, vector<1x512xf32>
    tpu.vector_store %arg8[%swap3A_426, %swap3A_427], %select_n3A_417 {strides = array<i32>} : memref<100x512xf32, #tpu.memory_space<vmem>>, vector<1x512xf32>,
    %swap3A_429 = arith.constant 53 : index
    %swap3A_430 = arith.constant 0 : index
    %swap3A_431 = vector.load %arg8[%swap3A_429, %swap3A_430] : memref<100x512xf32, #tpu.memory_space<vmem>>, vector<1x512xf32>
    tpu.vector_store %arg8[%swap3A_429, %swap3A_430], %select_n3A_425 {strides = array<i32>} : memref<100x512xf32, #tpu.memory_space<vmem>>, vector<1x512xf32>,
    %get3A_432 = arith.constant 203 : index
    %get3A_433 = arith.constant 0 : index
    %get3A_434 = vector.load %arg7[%get3A_432, %get3A_433] : memref<500x512xf32, #tpu.memory_space<vmem>>, vector<1x512xf32>
    %add3A_435 = arith.addf %get3A_434, %select_n3A_417 : vector<1x512xf32>
    %get3A_436 = arith.constant 253 : index
    %get3A_437 = arith.constant 0 : index
    %get3A_438 = vector.load %arg7[%get3A_436, %get3A_437] : memref<500x512xf32, #tpu.memory_space<vmem>>, vector<1x512xf32>
    %add3A_439 = arith.addf %get3A_438, %select_n3A_425 : vector<1x512xf32>
    %get3A_440 = arith.constant 3 : index
    %get3A_441 = arith.constant 0 : index
    %get3A_442 = vector.load %arg7[%get3A_440, %get3A_441] : memref<500x512xf32, #tpu.memory_space<vmem>>, vector<1x512xf32>
    %add3A_443 = arith.addf %add3A_435, %get3A_442 : vector<1x512xf32>
    %get3A_444 = arith.constant 53 : index
    %get3A_445 = arith.constant 0 : index
    %get3A_446 = vector.load %arg7[%get3A_444, %get3A_445] : memref<500x512xf32, #tpu.memory_space<vmem>>, vector<1x512xf32>
    %add3A_447 = arith.addf %add3A_439, %get3A_446 : vector<1x512xf32>
    %max3A_448 = arith.maximumf %add3A_443, %add3A_447 : vector<1x512xf32>
    %min3A_449 = arith.minimumf %add3A_443, %add3A_447 : vector<1x512xf32>
    %sub3A_450 = arith.subf %min3A_449, %max3A_448 : vector<1x512xf32>
    %exp3A_451 = math.exp %sub3A_450 : vector<1x512xf32>
    %log1p3A_452 = math.log1p %exp3A_451 : vector<1x512xf32>
    %add3A_453 = arith.addf %max3A_448, %log1p3A_452 : vector<1x512xf32>
    %swap3A_454 = arith.constant 3 : index
    %swap3A_455 = arith.constant 0 : index
    %swap3A_456 = vector.load %arg6[%swap3A_454, %swap3A_455] : memref<100x512xf32, #tpu.memory_space<vmem>>, vector<1x512xf32>
    tpu.vector_store %arg6[%swap3A_454, %swap3A_455], %add3A_453 {strides = array<i32>} : memref<100x512xf32, #tpu.memory_space<vmem>>, vector<1x512xf32>,
    %get3A_457 = arith.constant 103 : index
    %get3A_458 = arith.constant 0 : index
    %get3A_459 = vector.load %arg7[%get3A_457, %get3A_458] : memref<500x512xf32, #tpu.memory_space<vmem>>, vector<1x512xf32>
    %add3A_460 = arith.addf %add3A_435, %get3A_459 : vector<1x512xf32>
    %get3A_461 = arith.constant 153 : index
    %get3A_462 = arith.constant 0 : index
    %get3A_463 = vector.load %arg7[%get3A_461, %get3A_462] : memref<500x512xf32, #tpu.memory_space<vmem>>, vector<1x512xf32>
    %add3A_464 = arith.addf %add3A_439, %get3A_463 : vector<1x512xf32>
    %max3A_465 = arith.maximumf %add3A_460, %add3A_464 : vector<1x512xf32>
    %min3A_466 = arith.minimumf %add3A_460, %add3A_464 : vector<1x512xf32>
    %sub3A_467 = arith.subf %min3A_466, %max3A_465 : vector<1x512xf32>
    %exp3A_468 = math.exp %sub3A_467 : vector<1x512xf32>
    %log1p3A_469 = math.log1p %exp3A_468 : vector<1x512xf32>
    %add3A_470 = arith.addf %max3A_465, %log1p3A_469 : vector<1x512xf32>
    %swap3A_471 = arith.constant 53 : index
    %swap3A_472 = arith.constant 0 : index
    %swap3A_473 = vector.load %arg6[%swap3A_471, %swap3A_472] : memref<100x512xf32, #tpu.memory_space<vmem>>, vector<1x512xf32>
    tpu.vector_store %arg6[%swap3A_471, %swap3A_472], %add3A_470 {strides = array<i32>} : memref<100x512xf32, #tpu.memory_space<vmem>>, vector<1x512xf32>,
    %get3A_474 = arith.constant 4 : index
    %get3A_475 = arith.constant 0 : index
    %get3A_476 = vector.load %arg3[%get3A_474, %get3A_475] : memref<50x512xi32, #tpu.memory_space<vmem>>, vector<1x512xi32>
    %slice3A_477 = vector.extract_strided_slice %get3A_109 {offsets = [0, 0], sizes = [8, 512], strides = [1, 1]} : vector<50x512xi32> to vector<8x512xi32>
    %eq3A_478 = vector.broadcast %get3A_476 : vector<1x512xi32> to vector<8x512xi32>
    %eq3A_479 = arith.cmpi eq, %slice3A_477, %eq3A_478 : vector<8x512xi32>
    %slice3A_480 = vector.extract_strided_slice %iota3A {offsets = [0, 0], sizes = [8, 512], strides = [1, 1]} : vector<50x512xi32> to vector<8x512xi32>
    %lt3A_481 = arith.constant 4 : i32
    %lt3A_482 = vector.broadcast %lt3A_481 : i32 to vector<8x512xi32>
    %lt3A_483 = arith.cmpi slt, %slice3A_480, %lt3A_482 : vector<8x512xi32>
    %and3A_484 = arith.andi %eq3A_479, %lt3A_483 : vector<8x512xi1>
    %slice3A_485 = vector.extract_strided_slice %iota3A {offsets = [0, 0], sizes = [8, 512], strides = [1, 1]} : vector<50x512xi32> to vector<8x512xi32>
    %jit3A_486 = arith.constant -1 : i32
    %broadcast_in_dim3A_487 = vector.broadcast %jit3A_486 : i32 to vector<8x512xi32>
    %select_n3A_488 = arith.select %and3A_484, %slice3A_485, %broadcast_in_dim3A_487 : vector<8x512xi1>, vector<8x512xi32>
    %reduce_max3A_489 = arith.constant dense<-2147483648> : vector<512xi32>
    %reduce_max3A_490 = vector.multi_reduction <maxsi>, %select_n3A_488, %reduce_max3A_489 [0] : vector<8x512xi32> to vector<512xi32>
    %broadcast_in_dim3A_491 = vector.shape_cast %reduce_max3A_490 : vector<512xi32> to vector<1x512xi32>
    %slice3A_492 = vector.extract_strided_slice %iota3A {offsets = [0, 0], sizes = [8, 512], strides = [1, 1]} : vector<50x512xi32> to vector<8x512xi32>
    %eq3A_493 = vector.broadcast %broadcast_in_dim3A_491 : vector<1x512xi32> to vector<8x512xi32>
    %eq3A_494 = arith.cmpi eq, %slice3A_492, %eq3A_493 : vector<8x512xi32>
    %get3A_495 = arith.constant 0 : index
    %get3A_496 = arith.constant 0 : index
    %get3A_497 = vector.load %arg6[%get3A_495, %get3A_496] : memref<100x512xf32, #tpu.memory_space<vmem>>, vector<8x512xf32>
    %jit3A_498 = arith.constant 0.000000e+00 : f32
    %broadcast_in_dim3A_499 = vector.broadcast %jit3A_498 : f32 to vector<8x512xf32>
    %select_n3A_500 = arith.select %eq3A_494, %get3A_497, %broadcast_in_dim3A_499 : vector<8x512xi1>, vector<8x512xf32>
    %reduce_sum3A_501 = arith.constant dense<0.000000e+00> : vector<512xf32>
    %reduce_sum3A_502 = vector.multi_reduction <add>, %select_n3A_500, %reduce_sum3A_501 [0] : vector<8x512xf32> to vector<512xf32>
    %broadcast_in_dim3A_503 = vector.shape_cast %reduce_sum3A_502 : vector<512xf32> to vector<1x512xf32>
    %get3A_504 = arith.constant 50 : index
    %get3A_505 = arith.constant 0 : index
    %get3A_506 = vector.load %arg6[%get3A_504, %get3A_505] : memref<100x512xf32, #tpu.memory_space<vmem>>, vector<8x512xf32>
    %jit3A_507 = arith.constant 0.000000e+00 : f32
    %broadcast_in_dim3A_508 = vector.broadcast %jit3A_507 : f32 to vector<8x512xf32>
    %select_n3A_509 = arith.select %eq3A_494, %get3A_506, %broadcast_in_dim3A_508 : vector<8x512xi1>, vector<8x512xf32>
    %reduce_sum3A_510 = arith.constant dense<0.000000e+00> : vector<512xf32>
    %reduce_sum3A_511 = vector.multi_reduction <add>, %select_n3A_509, %reduce_sum3A_510 [0] : vector<8x512xf32> to vector<512xf32>
    %broadcast_in_dim3A_512 = vector.shape_cast %reduce_sum3A_511 : vector<512xf32> to vector<1x512xf32>
    %ge3A_513 = arith.constant 0 : i32
    %ge3A_514 = vector.broadcast %ge3A_513 : i32 to vector<1x512xi32>
    %ge3A_515 = arith.cmpi sge, %broadcast_in_dim3A_491, %ge3A_514 : vector<1x512xi32>
    %get3A_516 = arith.constant 404 : index
    %get3A_517 = arith.constant 0 : index
    %get3A_518 = vector.load %arg7[%get3A_516, %get3A_517] : memref<500x512xf32, #tpu.memory_space<vmem>>, vector<1x512xf32>
    %sub3A_519 = arith.subf %broadcast_in_dim3A_503, %get3A_518 : vector<1x512xf32>
    %get3A_520 = arith.constant 304 : index
    %get3A_521 = arith.constant 0 : index
    %get3A_522 = vector.load %arg7[%get3A_520, %get3A_521] : memref<500x512xf32, #tpu.memory_space<vmem>>, vector<1x512xf32>
    %select_n3A_523 = arith.select %ge3A_515, %sub3A_519, %get3A_522 : vector<1x512xi1>, vector<1x512xf32>
    %get3A_524 = arith.constant 454 : index
    %get3A_525 = arith.constant 0 : index
    %get3A_526 = vector.load %arg7[%get3A_524, %get3A_525] : memref<500x512xf32, #tpu.memory_space<vmem>>, vector<1x512xf32>
    %sub3A_527 = arith.subf %broadcast_in_dim3A_512, %get3A_526 : vector<1x512xf32>
    %get3A_528 = arith.constant 354 : index
    %get3A_529 = arith.constant 0 : index
    %get3A_530 = vector.load %arg7[%get3A_528, %get3A_529] : memref<500x512xf32, #tpu.memory_space<vmem>>, vector<1x512xf32>
    %select_n3A_531 = arith.select %ge3A_515, %sub3A_527, %get3A_530 : vector<1x512xi1>, vector<1x512xf32>
    %swap3A_532 = arith.constant 4 : index
    %swap3A_533 = arith.constant 0 : index
    %swap3A_534 = vector.load %arg8[%swap3A_532, %swap3A_533] : memref<100x512xf32, #tpu.memory_space<vmem>>, vector<1x512xf32>
    tpu.vector_store %arg8[%swap3A_532, %swap3A_533], %select_n3A_523 {strides = array<i32>} : memref<100x512xf32, #tpu.memory_space<vmem>>, vector<1x512xf32>,
    %swap3A_535 = arith.constant 54 : index
    %swap3A_536 = arith.constant 0 : index
    %swap3A_537 = vector.load %arg8[%swap3A_535, %swap3A_536] : memref<100x512xf32, #tpu.memory_space<vmem>>, vector<1x512xf32>
    tpu.vector_store %arg8[%swap3A_535, %swap3A_536], %select_n3A_531 {strides = array<i32>} : memref<100x512xf32, #tpu.memory_space<vmem>>, vector<1x512xf32>,
    %get3A_538 = arith.constant 204 : index
    %get3A_539 = arith.constant 0 : index
    %get3A_540 = vector.load %arg7[%get3A_538, %get3A_539] : memref<500x512xf32, #tpu.memory_space<vmem>>, vector<1x512xf32>
    %add3A_541 = arith.addf %get3A_540, %select_n3A_523 : vector<1x512xf32>
    %get3A_542 = arith.constant 254 : index
    %get3A_543 = arith.constant 0 : index
    %get3A_544 = vector.load %arg7[%get3A_542, %get3A_543] : memref<500x512xf32, #tpu.memory_space<vmem>>, vector<1x512xf32>
    %add3A_545 = arith.addf %get3A_544, %select_n3A_531 : vector<1x512xf32>
    %get3A_546 = arith.constant 4 : index
    %get3A_547 = arith.constant 0 : index
    %get3A_548 = vector.load %arg7[%get3A_546, %get3A_547] : memref<500x512xf32, #tpu.memory_space<vmem>>, vector<1x512xf32>
    %add3A_549 = arith.addf %add3A_541, %get3A_548 : vector<1x512xf32>
    %get3A_550 = arith.constant 54 : index
    %get3A_551 = arith.constant 0 : index
    %get3A_552 = vector.load %arg7[%get3A_550, %get3A_551] : memref<500x512xf32, #tpu.memory_space<vmem>>, vector<1x512xf32>
    %add3A_553 = arith.addf %add3A_545, %get3A_552 : vector<1x512xf32>
    %max3A_554 = arith.maximumf %add3A_549, %add3A_553 : vector<1x512xf32>
    %min3A_555 = arith.minimumf %add3A_549, %add3A_553 : vector<1x512xf32>
    %sub3A_556 = arith.subf %min3A_555, %max3A_554 : vector<1x512xf32>
    %exp3A_557 = math.exp %sub3A_556 : vector<1x512xf32>
    %log1p3A_558 = math.log1p %exp3A_557 : vector<1x512xf32>
    %add3A_559 = arith.addf %max3A_554, %log1p3A_558 : vector<1x512xf32>
    %swap3A_560 = arith.constant 4 : index
    %swap3A_561 = arith.constant 0 : index
    %swap3A_562 = vector.load %arg6[%swap3A_560, %swap3A_561] : memref<100x512xf32, #tpu.memory_space<vmem>>, vector<1x512xf32>
    tpu.vector_store %arg6[%swap3A_560, %swap3A_561], %add3A_559 {strides = array<i32>} : memref<100x512xf32, #tpu.memory_space<vmem>>, vector<1x512xf32>,
    %get3A_563 = arith.constant 104 : index
    %get3A_564 = arith.constant 0 : index
    %get3A_565 = vector.load %arg7[%get3A_563, %get3A_564] : memref<500x512xf32, #tpu.memory_space<vmem>>, vector<1x512xf32>
    %add3A_566 = arith.addf %add3A_541, %get3A_565 : vector<1x512xf32>
    %get3A_567 = arith.constant 154 : index
    %get3A_568 = arith.constant 0 : index
    %get3A_569 = vector.load %arg7[%get3A_567, %get3A_568] : memref<500x512xf32, #tpu.memory_space<vmem>>, vector<1x512xf32>
    %add3A_570 = arith.addf %add3A_545, %get3A_569 : vector<1x512xf32>
    %max3A_571 = arith.maximumf %add3A_566, %add3A_570 : vector<1x512xf32>
    %min3A_572 = arith.minimumf %add3A_566, %add3A_570 : vector<1x512xf32>
    %sub3A_573 = arith.subf %min3A_572, %max3A_571 : vector<1x512xf32>
    %exp3A_574 = math.exp %sub3A_573 : vector<1x512xf32>
    %log1p3A_575 = math.log1p %exp3A_574 : vector<1x512xf32>
    %add3A_576 = arith.addf %max3A_571, %log1p3A_575 : vector<1x512xf32>
    %swap3A_577 = arith.constant 54 : index
    %swap3A_578 = arith.constant 0 : index
    %swap3A_579 = vector.load %arg6[%swap3A_577, %swap3A_578] : memref<100x512xf32, #tpu.memory_space<vmem>>, vector<1x512xf32>
    tpu.vector_store %arg6[%swap3A_577, %swap3A_578], %add3A_576 {strides = array<i32>} : memref<100x512xf32, #tpu.memory_space<vmem>>, vector<1x512xf32>,
    %get3A_580 = arith.constant 5 : index
    %get3A_581 = arith.constant 0 : index
    %get3A_582 = vector.load %arg3[%get3A_580, %get3A_581] : memref<50x512xi32, #tpu.memory_space<vmem>>, vector<1x512xi32>
    %slice3A_583 = vector.extract_strided_slice %get3A_109 {offsets = [0, 0], sizes = [8, 512], strides = [1, 1]} : vector<50x512xi32> to vector<8x512xi32>
    %eq3A_584 = vector.broadcast %get3A_582 : vector<1x512xi32> to vector<8x512xi32>
    %eq3A_585 = arith.cmpi eq, %slice3A_583, %eq3A_584 : vector<8x512xi32>
    %slice3A_586 = vector.extract_strided_slice %iota3A {offsets = [0, 0], sizes = [8, 512], strides = [1, 1]} : vector<50x512xi32> to vector<8x512xi32>
    %lt3A_587 = arith.constant 5 : i32
    %lt3A_588 = vector.broadcast %lt3A_587 : i32 to vector<8x512xi32>
    %lt3A_589 = arith.cmpi slt, %slice3A_586, %lt3A_588 : vector<8x512xi32>
    %and3A_590 = arith.andi %eq3A_585, %lt3A_589 : vector<8x512xi1>
    %slice3A_591 = vector.extract_strided_slice %iota3A {offsets = [0, 0], sizes = [8, 512], strides = [1, 1]} : vector<50x512xi32> to vector<8x512xi32>
    %jit3A_592 = arith.constant -1 : i32
    %broadcast_in_dim3A_593 = vector.broadcast %jit3A_592 : i32 to vector<8x512xi32>
    %select_n3A_594 = arith.select %and3A_590, %slice3A_591, %broadcast_in_dim3A_593 : vector<8x512xi1>, vector<8x512xi32>
    %reduce_max3A_595 = arith.constant dense<-2147483648> : vector<512xi32>
    %reduce_max3A_596 = vector.multi_reduction <maxsi>, %select_n3A_594, %reduce_max3A_595 [0] : vector<8x512xi32> to vector<512xi32>
    %broadcast_in_dim3A_597 = vector.shape_cast %reduce_max3A_596 : vector<512xi32> to vector<1x512xi32>
    %slice3A_598 = vector.extract_strided_slice %iota3A {offsets = [0, 0], sizes = [8, 512], strides = [1, 1]} : vector<50x512xi32> to vector<8x512xi32>
    %eq3A_599 = vector.broadcast %broadcast_in_dim3A_597 : vector<1x512xi32> to vector<8x512xi32>
    %eq3A_600 = arith.cmpi eq, %slice3A_598, %eq3A_599 : vector<8x512xi32>
    %get3A_601 = arith.constant 0 : index
    %get3A_602 = arith.constant 0 : index
    %get3A_603 = vector.load %arg6[%get3A_601, %get3A_602] : memref<100x512xf32, #tpu.memory_space<vmem>>, vector<8x512xf32>
    %jit3A_604 = arith.constant 0.000000e+00 : f32
    %broadcast_in_dim3A_605 = vector.broadcast %jit3A_604 : f32 to vector<8x512xf32>
    %select_n3A_606 = arith.select %eq3A_600, %get3A_603, %broadcast_in_dim3A_605 : vector<8x512xi1>, vector<8x512xf32>
    %reduce_sum3A_607 = arith.constant dense<0.000000e+00> : vector<512xf32>
    %reduce_sum3A_608 = vector.multi_reduction <add>, %select_n3A_606, %reduce_sum3A_607 [0] : vector<8x512xf32> to vector<512xf32>
    %broadcast_in_dim3A_609 = vector.shape_cast %reduce_sum3A_608 : vector<512xf32> to vector<1x512xf32>
    %get3A_610 = arith.constant 50 : index
    %get3A_611 = arith.constant 0 : index
    %get3A_612 = vector.load %arg6[%get3A_610, %get3A_611] : memref<100x512xf32, #tpu.memory_space<vmem>>, vector<8x512xf32>
    %jit3A_613 = arith.constant 0.000000e+00 : f32
    %broadcast_in_dim3A_614 = vector.broadcast %jit3A_613 : f32 to vector<8x512xf32>
    %select_n3A_615 = arith.select %eq3A_600, %get3A_612, %broadcast_in_dim3A_614 : vector<8x512xi1>, vector<8x512xf32>
    %reduce_sum3A_616 = arith.constant dense<0.000000e+00> : vector<512xf32>
    %reduce_sum3A_617 = vector.multi_reduction <add>, %select_n3A_615, %reduce_sum3A_616 [0] : vector<8x512xf32> to vector<512xf32>
    %broadcast_in_dim3A_618 = vector.shape_cast %reduce_sum3A_617 : vector<512xf32> to vector<1x512xf32>
    %ge3A_619 = arith.constant 0 : i32
    %ge3A_620 = vector.broadcast %ge3A_619 : i32 to vector<1x512xi32>
    %ge3A_621 = arith.cmpi sge, %broadcast_in_dim3A_597, %ge3A_620 : vector<1x512xi32>
    %get3A_622 = arith.constant 405 : index
    %get3A_623 = arith.constant 0 : index
    %get3A_624 = vector.load %arg7[%get3A_622, %get3A_623] : memref<500x512xf32, #tpu.memory_space<vmem>>, vector<1x512xf32>
    %sub3A_625 = arith.subf %broadcast_in_dim3A_609, %get3A_624 : vector<1x512xf32>
    %get3A_626 = arith.constant 305 : index
    %get3A_627 = arith.constant 0 : index
    %get3A_628 = vector.load %arg7[%get3A_626, %get3A_627] : memref<500x512xf32, #tpu.memory_space<vmem>>, vector<1x512xf32>
    %select_n3A_629 = arith.select %ge3A_621, %sub3A_625, %get3A_628 : vector<1x512xi1>, vector<1x512xf32>
    %get3A_630 = arith.constant 455 : index
    %get3A_631 = arith.constant 0 : index
    %get3A_632 = vector.load %arg7[%get3A_630, %get3A_631] : memref<500x512xf32, #tpu.memory_space<vmem>>, vector<1x512xf32>
    %sub3A_633 = arith.subf %broadcast_in_dim3A_618, %get3A_632 : vector<1x512xf32>
    %get3A_634 = arith.constant 355 : index
    %get3A_635 = arith.constant 0 : index
    %get3A_636 = vector.load %arg7[%get3A_634, %get3A_635] : memref<500x512xf32, #tpu.memory_space<vmem>>, vector<1x512xf32>
    %select_n3A_637 = arith.select %ge3A_621, %sub3A_633, %get3A_636 : vector<1x512xi1>, vector<1x512xf32>
    %swap3A_638 = arith.constant 5 : index
    %swap3A_639 = arith.constant 0 : index
    %swap3A_640 = vector.load %arg8[%swap3A_638, %swap3A_639] : memref<100x512xf32, #tpu.memory_space<vmem>>, vector<1x512xf32>
    tpu.vector_store %arg8[%swap3A_638, %swap3A_639], %select_n3A_629 {strides = array<i32>} : memref<100x512xf32, #tpu.memory_space<vmem>>, vector<1x512xf32>,
    %swap3A_641 = arith.constant 55 : index
    %swap3A_642 = arith.constant 0 : index
    %swap3A_643 = vector.load %arg8[%swap3A_641, %swap3A_642] : memref<100x512xf32, #tpu.memory_space<vmem>>, vector<1x512xf32>
    tpu.vector_store %arg8[%swap3A_641, %swap3A_642], %select_n3A_637 {strides = array<i32>} : memref<100x512xf32, #tpu.memory_space<vmem>>, vector<1x512xf32>,
    %get3A_644 = arith.constant 205 : index
    %get3A_645 = arith.constant 0 : index
    %get3A_646 = vector.load %arg7[%get3A_644, %get3A_645] : memref<500x512xf32, #tpu.memory_space<vmem>>, vector<1x512xf32>
    %add3A_647 = arith.addf %get3A_646, %select_n3A_629 : vector<1x512xf32>
    %get3A_648 = arith.constant 255 : index
    %get3A_649 = arith.constant 0 : index
    %get3A_650 = vector.load %arg7[%get3A_648, %get3A_649] : memref<500x512xf32, #tpu.memory_space<vmem>>, vector<1x512xf32>
    %add3A_651 = arith.addf %get3A_650, %select_n3A_637 : vector<1x512xf32>
    %get3A_652 = arith.constant 5 : index
    %get3A_653 = arith.constant 0 : index
    %get3A_654 = vector.load %arg7[%get3A_652, %get3A_653] : memref<500x512xf32, #tpu.memory_space<vmem>>, vector<1x512xf32>
    %add3A_655 = arith.addf %add3A_647, %get3A_654 : vector<1x512xf32>
    %get3A_656 = arith.constant 55 : index
    %get3A_657 = arith.constant 0 : index
    %get3A_658 = vector.load %arg7[%get3A_656, %get3A_657] : memref<500x512xf32, #tpu.memory_space<vmem>>, vector<1x512xf32>
    %add3A_659 = arith.addf %add3A_651, %get3A_658 : vector<1x512xf32>
    %max3A_660 = arith.maximumf %add3A_655, %add3A_659 : vector<1x512xf32>
    %min3A_661 = arith.minimumf %add3A_655, %add3A_659 : vector<1x512xf32>
    %sub3A_662 = arith.subf %min3A_661, %max3A_660 : vector<1x512xf32>
    %exp3A_663 = math.exp %sub3A_662 : vector<1x512xf32>
    %log1p3A_664 = math.log1p %exp3A_663 : vector<1x512xf32>
    %add3A_665 = arith.addf %max3A_660, %log1p3A_664 : vector<1x512xf32>
    %swap3A_666 = arith.constant 5 : index
    %swap3A_667 = arith.constant 0 : index
    %swap3A_668 = vector.load %arg6[%swap3A_666, %swap3A_667] : memref<100x512xf32, #tpu.memory_space<vmem>>, vector<1x512xf32>
    tpu.vector_store %arg6[%swap3A_666, %swap3A_667], %add3A_665 {strides = array<i32>} : memref<100x512xf32, #tpu.memory_space<vmem>>, vector<1x512xf32>,
    %get3A_669 = arith.constant 105 : index
    %get3A_670 = arith.constant 0 : index
    %get3A_671 = vector.load %arg7[%get3A_669, %get3A_670] : memref<500x512xf32, #tpu.memory_space<vmem>>, vector<1x512xf32>
    %add3A_672 = arith.addf %add3A_647, %get3A_671 : vector<1x512xf32>
    %get3A_673 = arith.constant 155 : index
    %get3A_674 = arith.constant 0 : index
    %get3A_675 = vector.load %arg7[%get3A_673, %get3A_674] : memref<500x512xf32, #tpu.memory_space<vmem>>, vector<1x512xf32>
    %add3A_676 = arith.addf %add3A_651, %get3A_675 : vector<1x512xf32>
    %max3A_677 = arith.maximumf %add3A_672, %add3A_676 : vector<1x512xf32>
    %min3A_678 = arith.minimumf %add3A_672, %add3A_676 : vector<1x512xf32>
    %sub3A_679 = arith.subf %min3A_678, %max3A_677 : vector<1x512xf32>
    %exp3A_680 = math.exp %sub3A_679 : vector<1x512xf32>
    %log1p3A_681 = math.log1p %exp3A_680 : vector<1x512xf32>
    %add3A_682 = arith.addf %max3A_677, %log1p3A_681 : vector<1x512xf32>
    %swap3A_683 = arith.constant 55 : index
    %swap3A_684 = arith.constant 0 : index
    %swap3A_685 = vector.load %arg6[%swap3A_683, %swap3A_684] : memref<100x512xf32, #tpu.memory_space<vmem>>, vector<1x512xf32>
    tpu.vector_store %arg6[%swap3A_683, %swap3A_684], %add3A_682 {strides = array<i32>} : memref<100x512xf32, #tpu.memory_space<vmem>>, vector<1x512xf32>,
    %get3A_686 = arith.constant 6 : index
    %get3A_687 = arith.constant 0 : index
    %get3A_688 = vector.load %arg3[%get3A_686, %get3A_687] : memref<50x512xi32, #tpu.memory_space<vmem>>, vector<1x512xi32>
    %slice3A_689 = vector.extract_strided_slice %get3A_109 {offsets = [0, 0], sizes = [8, 512], strides = [1, 1]} : vector<50x512xi32> to vector<8x512xi32>
    %eq3A_690 = vector.broadcast %get3A_688 : vector<1x512xi32> to vector<8x512xi32>
    %eq3A_691 = arith.cmpi eq, %slice3A_689, %eq3A_690 : vector<8x512xi32>
    %slice3A_692 = vector.extract_strided_slice %iota3A {offsets = [0, 0], sizes = [8, 512], strides = [1, 1]} : vector<50x512xi32> to vector<8x512xi32>
    %lt3A_693 = arith.constant 6 : i32
    %lt3A_694 = vector.broadcast %lt3A_693 : i32 to vector<8x512xi32>
    %lt3A_695 = arith.cmpi slt, %slice3A_692, %lt3A_694 : vector<8x512xi32>
    %and3A_696 = arith.andi %eq3A_691, %lt3A_695 : vector<8x512xi1>
    %slice3A_697 = vector.extract_strided_slice %iota3A {offsets = [0, 0], sizes = [8, 512], strides = [1, 1]} : vector<50x512xi32> to vector<8x512xi32>
    %jit3A_698 = arith.constant -1 : i32
    %broadcast_in_dim3A_699 = vector.broadcast %jit3A_698 : i32 to vector<8x512xi32>
    %select_n3A_700 = arith.select %and3A_696, %slice3A_697, %broadcast_in_dim3A_699 : vector<8x512xi1>, vector<8x512xi32>
    %reduce_max3A_701 = arith.constant dense<-2147483648> : vector<512xi32>
    %reduce_max3A_702 = vector.multi_reduction <maxsi>, %select_n3A_700, %reduce_max3A_701 [0] : vector<8x512xi32> to vector<512xi32>
    %broadcast_in_dim3A_703 = vector.shape_cast %reduce_max3A_702 : vector<512xi32> to vector<1x512xi32>
    %slice3A_704 = vector.extract_strided_slice %iota3A {offsets = [0, 0], sizes = [8, 512], strides = [1, 1]} : vector<50x512xi32> to vector<8x512xi32>
    %eq3A_705 = vector.broadcast %broadcast_in_dim3A_703 : vector<1x512xi32> to vector<8x512xi32>
    %eq3A_706 = arith.cmpi eq, %slice3A_704, %eq3A_705 : vector<8x512xi32>
    %get3A_707 = arith.constant 0 : index
    %get3A_708 = arith.constant 0 : index
    %get3A_709 = vector.load %arg6[%get3A_707, %get3A_708] : memref<100x512xf32, #tpu.memory_space<vmem>>, vector<8x512xf32>
    %jit3A_710 = arith.constant 0.000000e+00 : f32
    %broadcast_in_dim3A_711 = vector.broadcast %jit3A_710 : f32 to vector<8x512xf32>
    %select_n3A_712 = arith.select %eq3A_706, %get3A_709, %broadcast_in_dim3A_711 : vector<8x512xi1>, vector<8x512xf32>
    %reduce_sum3A_713 = arith.constant dense<0.000000e+00> : vector<512xf32>
    %reduce_sum3A_714 = vector.multi_reduction <add>, %select_n3A_712, %reduce_sum3A_713 [0] : vector<8x512xf32> to vector<512xf32>
    %broadcast_in_dim3A_715 = vector.shape_cast %reduce_sum3A_714 : vector<512xf32> to vector<1x512xf32>
    %get3A_716 = arith.constant 50 : index
    %get3A_717 = arith.constant 0 : index
    %get3A_718 = vector.load %arg6[%get3A_716, %get3A_717] : memref<100x512xf32, #tpu.memory_space<vmem>>, vector<8x512xf32>
    %jit3A_719 = arith.constant 0.000000e+00 : f32
    %broadcast_in_dim3A_720 = vector.broadcast %jit3A_719 : f32 to vector<8x512xf32>
    %select_n3A_721 = arith.select %eq3A_706, %get3A_718, %broadcast_in_dim3A_720 : vector<8x512xi1>, vector<8x512xf32>
    %reduce_sum3A_722 = arith.constant dense<0.000000e+00> : vector<512xf32>
    %reduce_sum3A_723 = vector.multi_reduction <add>, %select_n3A_721, %reduce_sum3A_722 [0] : vector<8x512xf32> to vector<512xf32>
    %broadcast_in_dim3A_724 = vector.shape_cast %reduce_sum3A_723 : vector<512xf32> to vector<1x512xf32>
    %ge3A_725 = arith.constant 0 : i32
    %ge3A_726 = vector.broadcast %ge3A_725 : i32 to vector<1x512xi32>
    %ge3A_727 = arith.cmpi sge, %broadcast_in_dim3A_703, %ge3A_726 : vector<1x512xi32>
    %get3A_728 = arith.constant 406 : index
    %get3A_729 = arith.constant 0 : index
    %get3A_730 = vector.load %arg7[%get3A_728, %get3A_729] : memref<500x512xf32, #tpu.memory_space<vmem>>, vector<1x512xf32>
    %sub3A_731 = arith.subf %broadcast_in_dim3A_715, %get3A_730 : vector<1x512xf32>
    %get3A_732 = arith.constant 306 : index
    %get3A_733 = arith.constant 0 : index
    %get3A_734 = vector.load %arg7[%get3A_732, %get3A_733] : memref<500x512xf32, #tpu.memory_space<vmem>>, vector<1x512xf32>
    %select_n3A_735 = arith.select %ge3A_727, %sub3A_731, %get3A_734 : vector<1x512xi1>, vector<1x512xf32>
    %get3A_736 = arith.constant 456 : index
    %get3A_737 = arith.constant 0 : index
    %get3A_738 = vector.load %arg7[%get3A_736, %get3A_737] : memref<500x512xf32, #tpu.memory_space<vmem>>, vector<1x512xf32>
    %sub3A_739 = arith.subf %broadcast_in_dim3A_724, %get3A_738 : vector<1x512xf32>
    %get3A_740 = arith.constant 356 : index
    %get3A_741 = arith.constant 0 : index
    %get3A_742 = vector.load %arg7[%get3A_740, %get3A_741] : memref<500x512xf32, #tpu.memory_space<vmem>>, vector<1x512xf32>
    %select_n3A_743 = arith.select %ge3A_727, %sub3A_739, %get3A_742 : vector<1x512xi1>, vector<1x512xf32>
    %swap3A_744 = arith.constant 6 : index
    %swap3A_745 = arith.constant 0 : index
    %swap3A_746 = vector.load %arg8[%swap3A_744, %swap3A_745] : memref<100x512xf32, #tpu.memory_space<vmem>>, vector<1x512xf32>
    tpu.vector_store %arg8[%swap3A_744, %swap3A_745], %select_n3A_735 {strides = array<i32>} : memref<100x512xf32, #tpu.memory_space<vmem>>, vector<1x512xf32>,
    %swap3A_747 = arith.constant 56 : index
    %swap3A_748 = arith.constant 0 : index
    %swap3A_749 = vector.load %arg8[%swap3A_747, %swap3A_748] : memref<100x512xf32, #tpu.memory_space<vmem>>, vector<1x512xf32>
    tpu.vector_store %arg8[%swap3A_747, %swap3A_748], %select_n3A_743 {strides = array<i32>} : memref<100x512xf32, #tpu.memory_space<vmem>>, vector<1x512xf32>,
    %get3A_750 = arith.constant 206 : index
    %get3A_751 = arith.constant 0 : index
    %get3A_752 = vector.load %arg7[%get3A_750, %get3A_751] : memref<500x512xf32, #tpu.memory_space<vmem>>, vector<1x512xf32>
    %add3A_753 = arith.addf %get3A_752, %select_n3A_735 : vector<1x512xf32>
    %get3A_754 = arith.constant 256 : index
    %get3A_755 = arith.constant 0 : index
    %get3A_756 = vector.load %arg7[%get3A_754, %get3A_755] : memref<500x512xf32, #tpu.memory_space<vmem>>, vector<1x512xf32>
    %add3A_757 = arith.addf %get3A_756, %select_n3A_743 : vector<1x512xf32>
    %get3A_758 = arith.constant 6 : index
    %get3A_759 = arith.constant 0 : index
    %get3A_760 = vector.load %arg7[%get3A_758, %get3A_759] : memref<500x512xf32, #tpu.memory_space<vmem>>, vector<1x512xf32>
    %add3A_761 = arith.addf %add3A_753, %get3A_760 : vector<1x512xf32>
    %get3A_762 = arith.constant 56 : index
    %get3A_763 = arith.constant 0 : index
    %get3A_764 = vector.load %arg7[%get3A_762, %get3A_763] : memref<500x512xf32, #tpu.memory_space<vmem>>, vector<1x512xf32>
    %add3A_765 = arith.addf %add3A_757, %get3A_764 : vector<1x512xf32>
    %max3A_766 = arith.maximumf %add3A_761, %add3A_765 : vector<1x512xf32>
    %min3A_767 = arith.minimumf %add3A_761, %add3A_765 : vector<1x512xf32>
    %sub3A_768 = arith.subf %min3A_767, %max3A_766 : vector<1x512xf32>
    %exp3A_769 = math.exp %sub3A_768 : vector<1x512xf32>
    %log1p3A_770 = math.log1p %exp3A_769 : vector<1x512xf32>
    %add3A_771 = arith.addf %max3A_766, %log1p3A_770 : vector<1x512xf32>
    %swap3A_772 = arith.constant 6 : index
    %swap3A_773 = arith.constant 0 : index
    %swap3A_774 = vector.load %arg6[%swap3A_772, %swap3A_773] : memref<100x512xf32, #tpu.memory_space<vmem>>, vector<1x512xf32>
    tpu.vector_store %arg6[%swap3A_772, %swap3A_773], %add3A_771 {strides = array<i32>} : memref<100x512xf32, #tpu.memory_space<vmem>>, vector<1x512xf32>,
    %get3A_775 = arith.constant 106 : index
    %get3A_776 = arith.constant 0 : index
    %get3A_777 = vector.load %arg7[%get3A_775, %get3A_776] : memref<500x512xf32, #tpu.memory_space<vmem>>, vector<1x512xf32>
    %add3A_778 = arith.addf %add3A_753, %get3A_777 : vector<1x512xf32>
    %get3A_779 = arith.constant 156 : index
    %get3A_780 = arith.constant 0 : index
    %get3A_781 = vector.load %arg7[%get3A_779, %get3A_780] : memref<500x512xf32, #tpu.memory_space<vmem>>, vector<1x512xf32>
    %add3A_782 = arith.addf %add3A_757, %get3A_781 : vector<1x512xf32>
    %max3A_783 = arith.maximumf %add3A_778, %add3A_782 : vector<1x512xf32>
    %min3A_784 = arith.minimumf %add3A_778, %add3A_782 : vector<1x512xf32>
    %sub3A_785 = arith.subf %min3A_784, %max3A_783 : vector<1x512xf32>
    %exp3A_786 = math.exp %sub3A_785 : vector<1x512xf32>
    %log1p3A_787 = math.log1p %exp3A_786 : vector<1x512xf32>
    %add3A_788 = arith.addf %max3A_783, %log1p3A_787 : vector<1x512xf32>
    %swap3A_789 = arith.constant 56 : index
    %swap3A_790 = arith.constant 0 : index
    %swap3A_791 = vector.load %arg6[%swap3A_789, %swap3A_790] : memref<100x512xf32, #tpu.memory_space<vmem>>, vector<1x512xf32>
    tpu.vector_store %arg6[%swap3A_789, %swap3A_790], %add3A_788 {strides = array<i32>} : memref<100x512xf32, #tpu.memory_space<vmem>>, vector<1x512xf32>,
    %get3A_792 = arith.constant 7 : index
    %get3A_793 = arith.constant 0 : index
    %get3A_794 = vector.load %arg3[%get3A_792, %get3A_793] : memref<50x512xi32, #tpu.memory_space<vmem>>, vector<1x512xi32>
    %slice3A_795 = vector.extract_strided_slice %get3A_109 {offsets = [0, 0], sizes = [8, 512], strides = [1, 1]} : vector<50x512xi32> to vector<8x512xi32>
    %eq3A_796 = vector.broadcast %get3A_794 : vector<1x512xi32> to vector<8x512xi32>
    %eq3A_797 = arith.cmpi eq, %slice3A_795, %eq3A_796 : vector<8x512xi32>
    %slice3A_798 = vector.extract_strided_slice %iota3A {offsets = [0, 0], sizes = [8, 512], strides = [1, 1]} : vector<50x512xi32> to vector<8x512xi32>
    %lt3A_799 = arith.constant 7 : i32
    %lt3A_800 = vector.broadcast %lt3A_799 : i32 to vector<8x512xi32>
    %lt3A_801 = arith.cmpi slt, %slice3A_798, %lt3A_800 : vector<8x512xi32>
    %and3A_802 = arith.andi %eq3A_797, %lt3A_801 : vector<8x512xi1>
    %slice3A_803 = vector.extract_strided_slice %iota3A {offsets = [0, 0], sizes = [8, 512], strides = [1, 1]} : vector<50x512xi32> to vector<8x512xi32>
    %jit3A_804 = arith.constant -1 : i32
    %broadcast_in_dim3A_805 = vector.broadcast %jit3A_804 : i32 to vector<8x512xi32>
    %select_n3A_806 = arith.select %and3A_802, %slice3A_803, %broadcast_in_dim3A_805 : vector<8x512xi1>, vector<8x512xi32>
    %reduce_max3A_807 = arith.constant dense<-2147483648> : vector<512xi32>
    %reduce_max3A_808 = vector.multi_reduction <maxsi>, %select_n3A_806, %reduce_max3A_807 [0] : vector<8x512xi32> to vector<512xi32>
    %broadcast_in_dim3A_809 = vector.shape_cast %reduce_max3A_808 : vector<512xi32> to vector<1x512xi32>
    %slice3A_810 = vector.extract_strided_slice %iota3A {offsets = [0, 0], sizes = [8, 512], strides = [1, 1]} : vector<50x512xi32> to vector<8x512xi32>
    %eq3A_811 = vector.broadcast %broadcast_in_dim3A_809 : vector<1x512xi32> to vector<8x512xi32>
    %eq3A_812 = arith.cmpi eq, %slice3A_810, %eq3A_811 : vector<8x512xi32>
    %get3A_813 = arith.constant 0 : index
    %get3A_814 = arith.constant 0 : index
    %get3A_815 = vector.load %arg6[%get3A_813, %get3A_814] : memref<100x512xf32, #tpu.memory_space<vmem>>, vector<8x512xf32>
    %jit3A_816 = arith.constant 0.000000e+00 : f32
    %broadcast_in_dim3A_817 = vector.broadcast %jit3A_816 : f32 to vector<8x512xf32>
    %select_n3A_818 = arith.select %eq3A_812, %get3A_815, %broadcast_in_dim3A_817 : vector<8x512xi1>, vector<8x512xf32>
    %reduce_sum3A_819 = arith.constant dense<0.000000e+00> : vector<512xf32>
    %reduce_sum3A_820 = vector.multi_reduction <add>, %select_n3A_818, %reduce_sum3A_819 [0] : vector<8x512xf32> to vector<512xf32>
    %broadcast_in_dim3A_821 = vector.shape_cast %reduce_sum3A_820 : vector<512xf32> to vector<1x512xf32>
    %get3A_822 = arith.constant 50 : index
    %get3A_823 = arith.constant 0 : index
    %get3A_824 = vector.load %arg6[%get3A_822, %get3A_823] : memref<100x512xf32, #tpu.memory_space<vmem>>, vector<8x512xf32>
    %jit3A_825 = arith.constant 0.000000e+00 : f32
    %broadcast_in_dim3A_826 = vector.broadcast %jit3A_825 : f32 to vector<8x512xf32>
    %select_n3A_827 = arith.select %eq3A_812, %get3A_824, %broadcast_in_dim3A_826 : vector<8x512xi1>, vector<8x512xf32>
    %reduce_sum3A_828 = arith.constant dense<0.000000e+00> : vector<512xf32>
    %reduce_sum3A_829 = vector.multi_reduction <add>, %select_n3A_827, %reduce_sum3A_828 [0] : vector<8x512xf32> to vector<512xf32>
    %broadcast_in_dim3A_830 = vector.shape_cast %reduce_sum3A_829 : vector<512xf32> to vector<1x512xf32>
    %ge3A_831 = arith.constant 0 : i32
    %ge3A_832 = vector.broadcast %ge3A_831 : i32 to vector<1x512xi32>
    %ge3A_833 = arith.cmpi sge, %broadcast_in_dim3A_809, %ge3A_832 : vector<1x512xi32>
    %get3A_834 = arith.constant 407 : index
    %get3A_835 = arith.constant 0 : index
    %get3A_836 = vector.load %arg7[%get3A_834, %get3A_835] : memref<500x512xf32, #tpu.memory_space<vmem>>, vector<1x512xf32>
    %sub3A_837 = arith.subf %broadcast_in_dim3A_821, %get3A_836 : vector<1x512xf32>
    %get3A_838 = arith.constant 307 : index
    %get3A_839 = arith.constant 0 : index
    %get3A_840 = vector.load %arg7[%get3A_838, %get3A_839] : memref<500x512xf32, #tpu.memory_space<vmem>>, vector<1x512xf32>
    %select_n3A_841 = arith.select %ge3A_833, %sub3A_837, %get3A_840 : vector<1x512xi1>, vector<1x512xf32>
    %get3A_842 = arith.constant 457 : index
    %get3A_843 = arith.constant 0 : index
    %get3A_844 = vector.load %arg7[%get3A_842, %get3A_843] : memref<500x512xf32, #tpu.memory_space<vmem>>, vector<1x512xf32>
    %sub3A_845 = arith.subf %broadcast_in_dim3A_830, %get3A_844 : vector<1x512xf32>
    %get3A_846 = arith.constant 357 : index
    %get3A_847 = arith.constant 0 : index
    %get3A_848 = vector.load %arg7[%get3A_846, %get3A_847] : memref<500x512xf32, #tpu.memory_space<vmem>>, vector<1x512xf32>
    %select_n3A_849 = arith.select %ge3A_833, %sub3A_845, %get3A_848 : vector<1x512xi1>, vector<1x512xf32>
    %swap3A_850 = arith.constant 7 : index
    %swap3A_851 = arith.constant 0 : index
    %swap3A_852 = vector.load %arg8[%swap3A_850, %swap3A_851] : memref<100x512xf32, #tpu.memory_space<vmem>>, vector<1x512xf32>
    tpu.vector_store %arg8[%swap3A_850, %swap3A_851], %select_n3A_841 {strides = array<i32>} : memref<100x512xf32, #tpu.memory_space<vmem>>, vector<1x512xf32>,
    %swap3A_853 = arith.constant 57 : index
    %swap3A_854 = arith.constant 0 : index
    %swap3A_855 = vector.load %arg8[%swap3A_853, %swap3A_854] : memref<100x512xf32, #tpu.memory_space<vmem>>, vector<1x512xf32>
    tpu.vector_store %arg8[%swap3A_853, %swap3A_854], %select_n3A_849 {strides = array<i32>} : memref<100x512xf32, #tpu.memory_space<vmem>>, vector<1x512xf32>,
    %get3A_856 = arith.constant 207 : index
    %get3A_857 = arith.constant 0 : index
    %get3A_858 = vector.load %arg7[%get3A_856, %get3A_857] : memref<500x512xf32, #tpu.memory_space<vmem>>, vector<1x512xf32>
    %add3A_859 = arith.addf %get3A_858, %select_n3A_841 : vector<1x512xf32>
    %get3A_860 = arith.constant 257 : index
    %get3A_861 = arith.constant 0 : index
    %get3A_862 = vector.load %arg7[%get3A_860, %get3A_861] : memref<500x512xf32, #tpu.memory_space<vmem>>, vector<1x512xf32>
    %add3A_863 = arith.addf %get3A_862, %select_n3A_849 : vector<1x512xf32>
    %get3A_864 = arith.constant 7 : index
    %get3A_865 = arith.constant 0 : index
    %get3A_866 = vector.load %arg7[%get3A_864, %get3A_865] : memref<500x512xf32, #tpu.memory_space<vmem>>, vector<1x512xf32>
    %add3A_867 = arith.addf %add3A_859, %get3A_866 : vector<1x512xf32>
    %get3A_868 = arith.constant 57 : index
    %get3A_869 = arith.constant 0 : index
    %get3A_870 = vector.load %arg7[%get3A_868, %get3A_869] : memref<500x512xf32, #tpu.memory_space<vmem>>, vector<1x512xf32>
    %add3A_871 = arith.addf %add3A_863, %get3A_870 : vector<1x512xf32>
    %max3A_872 = arith.maximumf %add3A_867, %add3A_871 : vector<1x512xf32>
    %min3A_873 = arith.minimumf %add3A_867, %add3A_871 : vector<1x512xf32>
    %sub3A_874 = arith.subf %min3A_873, %max3A_872 : vector<1x512xf32>
    %exp3A_875 = math.exp %sub3A_874 : vector<1x512xf32>
    %log1p3A_876 = math.log1p %exp3A_875 : vector<1x512xf32>
    %add3A_877 = arith.addf %max3A_872, %log1p3A_876 : vector<1x512xf32>
    %swap3A_878 = arith.constant 7 : index
    %swap3A_879 = arith.constant 0 : index
    %swap3A_880 = vector.load %arg6[%swap3A_878, %swap3A_879] : memref<100x512xf32, #tpu.memory_space<vmem>>, vector<1x512xf32>
    tpu.vector_store %arg6[%swap3A_878, %swap3A_879], %add3A_877 {strides = array<i32>} : memref<100x512xf32, #tpu.memory_space<vmem>>, vector<1x512xf32>,
    %get3A_881 = arith.constant 107 : index
    %get3A_882 = arith.constant 0 : index
    %get3A_883 = vector.load %arg7[%get3A_881, %get3A_882] : memref<500x512xf32, #tpu.memory_space<vmem>>, vector<1x512xf32>
    %add3A_884 = arith.addf %add3A_859, %get3A_883 : vector<1x512xf32>
    %get3A_885 = arith.constant 157 : index
    %get3A_886 = arith.constant 0 : index
    %get3A_887 = vector.load %arg7[%get3A_885, %get3A_886] : memref<500x512xf32, #tpu.memory_space<vmem>>, vector<1x512xf32>
    %add3A_888 = arith.addf %add3A_863, %get3A_887 : vector<1x512xf32>
    %max3A_889 = arith.maximumf %add3A_884, %add3A_888 : vector<1x512xf32>
    %min3A_890 = arith.minimumf %add3A_884, %add3A_888 : vector<1x512xf32>
    %sub3A_891 = arith.subf %min3A_890, %max3A_889 : vector<1x512xf32>
    %exp3A_892 = math.exp %sub3A_891 : vector<1x512xf32>
    %log1p3A_893 = math.log1p %exp3A_892 : vector<1x512xf32>
    %add3A_894 = arith.addf %max3A_889, %log1p3A_893 : vector<1x512xf32>
    %swap3A_895 = arith.constant 57 : index
    %swap3A_896 = arith.constant 0 : index
    %swap3A_897 = vector.load %arg6[%swap3A_895, %swap3A_896] : memref<100x512xf32, #tpu.memory_space<vmem>>, vector<1x512xf32>
    tpu.vector_store %arg6[%swap3A_895, %swap3A_896], %add3A_894 {strides = array<i32>} : memref<100x512xf32, #tpu.memory_space<vmem>>, vector<1x512xf32>,
    %get3A_898 = arith.constant 8 : index
    %get3A_899 = arith.constant 0 : index
    %get3A_900 = vector.load %arg3[%get3A_898, %get3A_899] : memref<50x512xi32, #tpu.memory_space<vmem>>, vector<1x512xi32>
    %slice3A_901 = vector.extract_strided_slice %get3A_109 {offsets = [0, 0], sizes = [8, 512], strides = [1, 1]} : vector<50x512xi32> to vector<8x512xi32>
    %eq3A_902 = vector.broadcast %get3A_900 : vector<1x512xi32> to vector<8x512xi32>
    %eq3A_903 = arith.cmpi eq, %slice3A_901, %eq3A_902 : vector<8x512xi32>
    %slice3A_904 = vector.extract_strided_slice %iota3A {offsets = [0, 0], sizes = [8, 512], strides = [1, 1]} : vector<50x512xi32> to vector<8x512xi32>
    %lt3A_905 = arith.constant 8 : i32
    %lt3A_906 = vector.broadcast %lt3A_905 : i32 to vector<8x512xi32>
    %lt3A_907 = arith.cmpi slt, %slice3A_904, %lt3A_906 : vector<8x512xi32>
    %and3A_908 = arith.andi %eq3A_903, %lt3A_907 : vector<8x512xi1>
    %slice3A_909 = vector.extract_strided_slice %iota3A {offsets = [0, 0], sizes = [8, 512], strides = [1, 1]} : vector<50x512xi32> to vector<8x512xi32>
    %jit3A_910 = arith.constant -1 : i32
    %broadcast_in_dim3A_911 = vector.broadcast %jit3A_910 : i32 to vector<8x512xi32>
    %select_n3A_912 = arith.select %and3A_908, %slice3A_909, %broadcast_in_dim3A_911 : vector<8x512xi1>, vector<8x512xi32>
    %reduce_max3A_913 = arith.constant dense<-2147483648> : vector<512xi32>
    %reduce_max3A_914 = vector.multi_reduction <maxsi>, %select_n3A_912, %reduce_max3A_913 [0] : vector<8x512xi32> to vector<512xi32>
    %broadcast_in_dim3A_915 = vector.shape_cast %reduce_max3A_914 : vector<512xi32> to vector<1x512xi32>
    %slice3A_916 = vector.extract_strided_slice %iota3A {offsets = [0, 0], sizes = [8, 512], strides = [1, 1]} : vector<50x512xi32> to vector<8x512xi32>
    %eq3A_917 = vector.broadcast %broadcast_in_dim3A_915 : vector<1x512xi32> to vector<8x512xi32>
    %eq3A_918 = arith.cmpi eq, %slice3A_916, %eq3A_917 : vector<8x512xi32>
    %get3A_919 = arith.constant 0 : index
    %get3A_920 = arith.constant 0 : index
    %get3A_921 = vector.load %arg6[%get3A_919, %get3A_920] : memref<100x512xf32, #tpu.memory_space<vmem>>, vector<8x512xf32>
    %jit3A_922 = arith.constant 0.000000e+00 : f32
    %broadcast_in_dim3A_923 = vector.broadcast %jit3A_922 : f32 to vector<8x512xf32>
    %select_n3A_924 = arith.select %eq3A_918, %get3A_921, %broadcast_in_dim3A_923 : vector<8x512xi1>, vector<8x512xf32>
    %reduce_sum3A_925 = arith.constant dense<0.000000e+00> : vector<512xf32>
    %reduce_sum3A_926 = vector.multi_reduction <add>, %select_n3A_924, %reduce_sum3A_925 [0] : vector<8x512xf32> to vector<512xf32>
    %broadcast_in_dim3A_927 = vector.shape_cast %reduce_sum3A_926 : vector<512xf32> to vector<1x512xf32>
    %get3A_928 = arith.constant 50 : index
    %get3A_929 = arith.constant 0 : index
    %get3A_930 = vector.load %arg6[%get3A_928, %get3A_929] : memref<100x512xf32, #tpu.memory_space<vmem>>, vector<8x512xf32>
    %jit3A_931 = arith.constant 0.000000e+00 : f32
    %broadcast_in_dim3A_932 = vector.broadcast %jit3A_931 : f32 to vector<8x512xf32>
    %select_n3A_933 = arith.select %eq3A_918, %get3A_930, %broadcast_in_dim3A_932 : vector<8x512xi1>, vector<8x512xf32>
    %reduce_sum3A_934 = arith.constant dense<0.000000e+00> : vector<512xf32>
    %reduce_sum3A_935 = vector.multi_reduction <add>, %select_n3A_933, %reduce_sum3A_934 [0] : vector<8x512xf32> to vector<512xf32>
    %broadcast_in_dim3A_936 = vector.shape_cast %reduce_sum3A_935 : vector<512xf32> to vector<1x512xf32>
    %ge3A_937 = arith.constant 0 : i32
    %ge3A_938 = vector.broadcast %ge3A_937 : i32 to vector<1x512xi32>
    %ge3A_939 = arith.cmpi sge, %broadcast_in_dim3A_915, %ge3A_938 : vector<1x512xi32>
    %get3A_940 = arith.constant 408 : index
    %get3A_941 = arith.constant 0 : index
    %get3A_942 = vector.load %arg7[%get3A_940, %get3A_941] : memref<500x512xf32, #tpu.memory_space<vmem>>, vector<1x512xf32>
    %sub3A_943 = arith.subf %broadcast_in_dim3A_927, %get3A_942 : vector<1x512xf32>
    %get3A_944 = arith.constant 308 : index
    %get3A_945 = arith.constant 0 : index
    %get3A_946 = vector.load %arg7[%get3A_944, %get3A_945] : memref<500x512xf32, #tpu.memory_space<vmem>>, vector<1x512xf32>
    %select_n3A_947 = arith.select %ge3A_939, %sub3A_943, %get3A_946 : vector<1x512xi1>, vector<1x512xf32>
    %get3A_948 = arith.constant 458 : index
    %get3A_949 = arith.constant 0 : index
    %get3A_950 = vector.load %arg7[%get3A_948, %get3A_949] : memref<500x512xf32, #tpu.memory_space<vmem>>, vector<1x512xf32>
    %sub3A_951 = arith.subf %broadcast_in_dim3A_936, %get3A_950 : vector<1x512xf32>
    %get3A_952 = arith.constant 358 : index
    %get3A_953 = arith.constant 0 : index
    %get3A_954 = vector.load %arg7[%get3A_952, %get3A_953] : memref<500x512xf32, #tpu.memory_space<vmem>>, vector<1x512xf32>
    %select_n3A_955 = arith.select %ge3A_939, %sub3A_951, %get3A_954 : vector<1x512xi1>, vector<1x512xf32>
    %swap3A_956 = arith.constant 8 : index
    %swap3A_957 = arith.constant 0 : index
    %swap3A_958 = vector.load %arg8[%swap3A_956, %swap3A_957] : memref<100x512xf32, #tpu.memory_space<vmem>>, vector<1x512xf32>
    tpu.vector_store %arg8[%swap3A_956, %swap3A_957], %select_n3A_947 {strides = array<i32>} : memref<100x512xf32, #tpu.memory_space<vmem>>, vector<1x512xf32>,
    %swap3A_959 = arith.constant 58 : index
    %swap3A_960 = arith.constant 0 : index
    %swap3A_961 = vector.load %arg8[%swap3A_959, %swap3A_960] : memref<100x512xf32, #tpu.memory_space<vmem>>, vector<1x512xf32>
    tpu.vector_store %arg8[%swap3A_959, %swap3A_960], %select_n3A_955 {strides = array<i32>} : memref<100x512xf32, #tpu.memory_space<vmem>>, vector<1x512xf32>,
    %get3A_962 = arith.constant 208 : index
    %get3A_963 = arith.constant 0 : index
    %get3A_964 = vector.load %arg7[%get3A_962, %get3A_963] : memref<500x512xf32, #tpu.memory_space<vmem>>, vector<1x512xf32>
    %add3A_965 = arith.addf %get3A_964, %select_n3A_947 : vector<1x512xf32>
    %get3A_966 = arith.constant 258 : index
    %get3A_967 = arith.constant 0 : index
    %get3A_968 = vector.load %arg7[%get3A_966, %get3A_967] : memref<500x512xf32, #tpu.memory_space<vmem>>, vector<1x512xf32>
    %add3A_969 = arith.addf %get3A_968, %select_n3A_955 : vector<1x512xf32>
    %get3A_970 = arith.constant 8 : index
    %get3A_971 = arith.constant 0 : index
    %get3A_972 = vector.load %arg7[%get3A_970, %get3A_971] : memref<500x512xf32, #tpu.memory_space<vmem>>, vector<1x512xf32>
    %add3A_973 = arith.addf %add3A_965, %get3A_972 : vector<1x512xf32>
    %get3A_974 = arith.constant 58 : index
    %get3A_975 = arith.constant 0 : index
    %get3A_976 = vector.load %arg7[%get3A_974, %get3A_975] : memref<500x512xf32, #tpu.memory_space<vmem>>, vector<1x512xf32>
    %add3A_977 = arith.addf %add3A_969, %get3A_976 : vector<1x512xf32>
    %max3A_978 = arith.maximumf %add3A_973, %add3A_977 : vector<1x512xf32>
    %min3A_979 = arith.minimumf %add3A_973, %add3A_977 : vector<1x512xf32>
    %sub3A_980 = arith.subf %min3A_979, %max3A_978 : vector<1x512xf32>
    %exp3A_981 = math.exp %sub3A_980 : vector<1x512xf32>
    %log1p3A_982 = math.log1p %exp3A_981 : vector<1x512xf32>
    %add3A_983 = arith.addf %max3A_978, %log1p3A_982 : vector<1x512xf32>
    %swap3A_984 = arith.constant 8 : index
    %swap3A_985 = arith.constant 0 : index
    %swap3A_986 = vector.load %arg6[%swap3A_984, %swap3A_985] : memref<100x512xf32, #tpu.memory_space<vmem>>, vector<1x512xf32>
    tpu.vector_store %arg6[%swap3A_984, %swap3A_985], %add3A_983 {strides = array<i32>} : memref<100x512xf32, #tpu.memory_space<vmem>>, vector<1x512xf32>,
    %get3A_987 = arith.constant 108 : index
    %get3A_988 = arith.constant 0 : index
    %get3A_989 = vector.load %arg7[%get3A_987, %get3A_988] : memref<500x512xf32, #tpu.memory_space<vmem>>, vector<1x512xf32>
    %add3A_990 = arith.addf %add3A_965, %get3A_989 : vector<1x512xf32>
    %get3A_991 = arith.constant 158 : index
    %get3A_992 = arith.constant 0 : index
    %get3A_993 = vector.load %arg7[%get3A_991, %get3A_992] : memref<500x512xf32, #tpu.memory_space<vmem>>, vector<1x512xf32>
    %add3A_994 = arith.addf %add3A_969, %get3A_993 : vector<1x512xf32>
    %max3A_995 = arith.maximumf %add3A_990, %add3A_994 : vector<1x512xf32>
    %min3A_996 = arith.minimumf %add3A_990, %add3A_994 : vector<1x512xf32>
    %sub3A_997 = arith.subf %min3A_996, %max3A_995 : vector<1x512xf32>
    %exp3A_998 = math.exp %sub3A_997 : vector<1x512xf32>
    %log1p3A_999 = math.log1p %exp3A_998 : vector<1x512xf32>
    %add3A_1000 = arith.addf %max3A_995, %log1p3A_999 : vector<1x512xf32>
    %swap3A_1001 = arith.constant 58 : index
    %swap3A_1002 = arith.constant 0 : index
    %swap3A_1003 = vector.load %arg6[%swap3A_1001, %swap3A_1002] : memref<100x512xf32, #tpu.memory_space<vmem>>, vector<1x512xf32>
    tpu.vector_store %arg6[%swap3A_1001, %swap3A_1002], %add3A_1000 {strides = array<i32>} : memref<100x512xf32, #tpu.memory_space<vmem>>, vector<1x512xf32>,
    %get3A_1004 = arith.constant 9 : index
    %get3A_1005 = arith.constant 0 : index
    %get3A_1006 = vector.load %arg3[%get3A_1004, %get3A_1005] : memref<50x512xi32, #tpu.memory_space<vmem>>, vector<1x512xi32>
    %slice3A_1007 = vector.extract_strided_slice %get3A_109 {offsets = [0, 0], sizes = [16, 512], strides = [1, 1]} : vector<50x512xi32> to vector<16x512xi32>
    %eq3A_1008 = vector.broadcast %get3A_1006 : vector<1x512xi32> to vector<16x512xi32>
    %eq3A_1009 = arith.cmpi eq, %slice3A_1007, %eq3A_1008 : vector<16x512xi32>
    %slice3A_1010 = vector.extract_strided_slice %iota3A {offsets = [0, 0], sizes = [16, 512], strides = [1, 1]} : vector<50x512xi32> to vector<16x512xi32>
    %lt3A_1011 = arith.constant 9 : i32
    %lt3A_1012 = vector.broadcast %lt3A_1011 : i32 to vector<16x512xi32>
    %lt3A_1013 = arith.cmpi slt, %slice3A_1010, %lt3A_1012 : vector<16x512xi32>
    %and3A_1014 = arith.andi %eq3A_1009, %lt3A_1013 : vector<16x512xi1>
    %slice3A_1015 = vector.extract_strided_slice %iota3A {offsets = [0, 0], sizes = [16, 512], strides = [1, 1]} : vector<50x512xi32> to vector<16x512xi32>
    %jit3A_1016 = arith.constant -1 : i32
    %broadcast_in_dim3A_1017 = vector.broadcast %jit3A_1016 : i32 to vector<16x512xi32>
    %select_n3A_1018 = arith.select %and3A_1014, %slice3A_1015, %broadcast_in_dim3A_1017 : vector<16x512xi1>, vector<16x512xi32>
    %reduce_max3A_1019 = arith.constant dense<-2147483648> : vector<512xi32>
    %reduce_max3A_1020 = vector.multi_reduction <maxsi>, %select_n3A_1018, %reduce_max3A_1019 [0] : vector<16x512xi32> to vector<512xi32>
    %broadcast_in_dim3A_1021 = vector.shape_cast %reduce_max3A_1020 : vector<512xi32> to vector<1x512xi32>
    %slice3A_1022 = vector.extract_strided_slice %iota3A {offsets = [0, 0], sizes = [16, 512], strides = [1, 1]} : vector<50x512xi32> to vector<16x512xi32>
    %eq3A_1023 = vector.broadcast %broadcast_in_dim3A_1021 : vector<1x512xi32> to vector<16x512xi32>
    %eq3A_1024 = arith.cmpi eq, %slice3A_1022, %eq3A_1023 : vector<16x512xi32>
    %get3A_1025 = arith.constant 0 : index
    %get3A_1026 = arith.constant 0 : index
    %get3A_1027 = vector.load %arg6[%get3A_1025, %get3A_1026] : memref<100x512xf32, #tpu.memory_space<vmem>>, vector<16x512xf32>
    %jit3A_1028 = arith.constant 0.000000e+00 : f32
    %broadcast_in_dim3A_1029 = vector.broadcast %jit3A_1028 : f32 to vector<16x512xf32>
    %select_n3A_1030 = arith.select %eq3A_1024, %get3A_1027, %broadcast_in_dim3A_1029 : vector<16x512xi1>, vector<16x512xf32>
    %reduce_sum3A_1031 = arith.constant dense<0.000000e+00> : vector<512xf32>
    %reduce_sum3A_1032 = vector.multi_reduction <add>, %select_n3A_1030, %reduce_sum3A_1031 [0] : vector<16x512xf32> to vector<512xf32>
    %broadcast_in_dim3A_1033 = vector.shape_cast %reduce_sum3A_1032 : vector<512xf32> to vector<1x512xf32>
    %get3A_1034 = arith.constant 50 : index
    %get3A_1035 = arith.constant 0 : index
    %get3A_1036 = vector.load %arg6[%get3A_1034, %get3A_1035] : memref<100x512xf32, #tpu.memory_space<vmem>>, vector<16x512xf32>
    %jit3A_1037 = arith.constant 0.000000e+00 : f32
    %broadcast_in_dim3A_1038 = vector.broadcast %jit3A_1037 : f32 to vector<16x512xf32>
    %select_n3A_1039 = arith.select %eq3A_1024, %get3A_1036, %broadcast_in_dim3A_1038 : vector<16x512xi1>, vector<16x512xf32>
    %reduce_sum3A_1040 = arith.constant dense<0.000000e+00> : vector<512xf32>
    %reduce_sum3A_1041 = vector.multi_reduction <add>, %select_n3A_1039, %reduce_sum3A_1040 [0] : vector<16x512xf32> to vector<512xf32>
    %broadcast_in_dim3A_1042 = vector.shape_cast %reduce_sum3A_1041 : vector<512xf32> to vector<1x512xf32>
    %ge3A_1043 = arith.constant 0 : i32
    %ge3A_1044 = vector.broadcast %ge3A_1043 : i32 to vector<1x512xi32>
    %ge3A_1045 = arith.cmpi sge, %broadcast_in_dim3A_1021, %ge3A_1044 : vector<1x512xi32>
    %get3A_1046 = arith.constant 409 : index
    %get3A_1047 = arith.constant 0 : index
    %get3A_1048 = vector.load %arg7[%get3A_1046, %get3A_1047] : memref<500x512xf32, #tpu.memory_space<vmem>>, vector<1x512xf32>
    %sub3A_1049 = arith.subf %broadcast_in_dim3A_1033, %get3A_1048 : vector<1x512xf32>
    %get3A_1050 = arith.constant 309 : index
    %get3A_1051 = arith.constant 0 : index
    %get3A_1052 = vector.load %arg7[%get3A_1050, %get3A_1051] : memref<500x512xf32, #tpu.memory_space<vmem>>, vector<1x512xf32>
    %select_n3A_1053 = arith.select %ge3A_1045, %sub3A_1049, %get3A_1052 : vector<1x512xi1>, vector<1x512xf32>
    %get3A_1054 = arith.constant 459 : index
    %get3A_1055 = arith.constant 0 : index
    %get3A_1056 = vector.load %arg7[%get3A_1054, %get3A_1055] : memref<500x512xf32, #tpu.memory_space<vmem>>, vector<1x512xf32>
    %sub3A_1057 = arith.subf %broadcast_in_dim3A_1042, %get3A_1056 : vector<1x512xf32>
    %get3A_1058 = arith.constant 359 : index
    %get3A_1059 = arith.constant 0 : index
    %get3A_1060 = vector.load %arg7[%get3A_1058, %get3A_1059] : memref<500x512xf32, #tpu.memory_space<vmem>>, vector<1x512xf32>
    %select_n3A_1061 = arith.select %ge3A_1045, %sub3A_1057, %get3A_1060 : vector<1x512xi1>, vector<1x512xf32>
    %swap3A_1062 = arith.constant 9 : index
    %swap3A_1063 = arith.constant 0 : index
    %swap3A_1064 = vector.load %arg8[%swap3A_1062, %swap3A_1063] : memref<100x512xf32, #tpu.memory_space<vmem>>, vector<1x512xf32>
    tpu.vector_store %arg8[%swap3A_1062, %swap3A_1063], %select_n3A_1053 {strides = array<i32>} : memref<100x512xf32, #tpu.memory_space<vmem>>, vector<1x512xf32>,
    %swap3A_1065 = arith.constant 59 : index
    %swap3A_1066 = arith.constant 0 : index
    %swap3A_1067 = vector.load %arg8[%swap3A_1065, %swap3A_1066] : memref<100x512xf32, #tpu.memory_space<vmem>>, vector<1x512xf32>
    tpu.vector_store %arg8[%swap3A_1065, %swap3A_1066], %select_n3A_1061 {strides = array<i32>} : memref<100x512xf32, #tpu.memory_space<vmem>>, vector<1x512xf32>,
    %get3A_1068 = arith.constant 209 : index
    %get3A_1069 = arith.constant 0 : index
    %get3A_1070 = vector.load %arg7[%get3A_1068, %get3A_1069] : memref<500x512xf32, #tpu.memory_space<vmem>>, vector<1x512xf32>
    %add3A_1071 = arith.addf %get3A_1070, %select_n3A_1053 : vector<1x512xf32>
    %get3A_1072 = arith.constant 259 : index
    %get3A_1073 = arith.constant 0 : index
    %get3A_1074 = vector.load %arg7[%get3A_1072, %get3A_1073] : memref<500x512xf32, #tpu.memory_space<vmem>>, vector<1x512xf32>
    %add3A_1075 = arith.addf %get3A_1074, %select_n3A_1061 : vector<1x512xf32>
    %get3A_1076 = arith.constant 9 : index
    %get3A_1077 = arith.constant 0 : index
    %get3A_1078 = vector.load %arg7[%get3A_1076, %get3A_1077] : memref<500x512xf32, #tpu.memory_space<vmem>>, vector<1x512xf32>
    %add3A_1079 = arith.addf %add3A_1071, %get3A_1078 : vector<1x512xf32>
    %get3A_1080 = arith.constant 59 : index
    %get3A_1081 = arith.constant 0 : index
    %get3A_1082 = vector.load %arg7[%get3A_1080, %get3A_1081] : memref<500x512xf32, #tpu.memory_space<vmem>>, vector<1x512xf32>
    %add3A_1083 = arith.addf %add3A_1075, %get3A_1082 : vector<1x512xf32>
    %max3A_1084 = arith.maximumf %add3A_1079, %add3A_1083 : vector<1x512xf32>
    %min3A_1085 = arith.minimumf %add3A_1079, %add3A_1083 : vector<1x512xf32>
    %sub3A_1086 = arith.subf %min3A_1085, %max3A_1084 : vector<1x512xf32>
    %exp3A_1087 = math.exp %sub3A_1086 : vector<1x512xf32>
    %log1p3A_1088 = math.log1p %exp3A_1087 : vector<1x512xf32>
    %add3A_1089 = arith.addf %max3A_1084, %log1p3A_1088 : vector<1x512xf32>
    %swap3A_1090 = arith.constant 9 : index
    %swap3A_1091 = arith.constant 0 : index
    %swap3A_1092 = vector.load %arg6[%swap3A_1090, %swap3A_1091] : memref<100x512xf32, #tpu.memory_space<vmem>>, vector<1x512xf32>
    tpu.vector_store %arg6[%swap3A_1090, %swap3A_1091], %add3A_1089 {strides = array<i32>} : memref<100x512xf32, #tpu.memory_space<vmem>>, vector<1x512xf32>,
    %get3A_1093 = arith.constant 109 : index
    %get3A_1094 = arith.constant 0 : index
    %get3A_1095 = vector.load %arg7[%get3A_1093, %get3A_1094] : memref<500x512xf32, #tpu.memory_space<vmem>>, vector<1x512xf32>
    %add3A_1096 = arith.addf %add3A_1071, %get3A_1095 : vector<1x512xf32>
    %get3A_1097 = arith.constant 159 : index
    %get3A_1098 = arith.constant 0 : index
    %get3A_1099 = vector.load %arg7[%get3A_1097, %get3A_1098] : memref<500x512xf32, #tpu.memory_space<vmem>>, vector<1x512xf32>
    %add3A_1100 = arith.addf %add3A_1075, %get3A_1099 : vector<1x512xf32>
    %max3A_1101 = arith.maximumf %add3A_1096, %add3A_1100 : vector<1x512xf32>
    %min3A_1102 = arith.minimumf %add3A_1096, %add3A_1100 : vector<1x512xf32>
    %sub3A_1103 = arith.subf %min3A_1102, %max3A_1101 : vector<1x512xf32>
    %exp3A_1104 = math.exp %sub3A_1103 : vector<1x512xf32>
    %log1p3A_1105 = math.log1p %exp3A_1104 : vector<1x512xf32>
    %add3A_1106 = arith.addf %max3A_1101, %log1p3A_1105 : vector<1x512xf32>
    %swap3A_1107 = arith.constant 59 : index
    %swap3A_1108 = arith.constant 0 : index
    %swap3A_1109 = vector.load %arg6[%swap3A_1107, %swap3A_1108] : memref<100x512xf32, #tpu.memory_space<vmem>>, vector<1x512xf32>
    tpu.vector_store %arg6[%swap3A_1107, %swap3A_1108], %add3A_1106 {strides = array<i32>} : memref<100x512xf32, #tpu.memory_space<vmem>>, vector<1x512xf32>,
    %get3A_1110 = arith.constant 10 : index
    %get3A_1111 = arith.constant 0 : index
    %get3A_1112 = vector.load %arg3[%get3A_1110, %get3A_1111] : memref<50x512xi32, #tpu.memory_space<vmem>>, vector<1x512xi32>
    %slice3A_1113 = vector.extract_strided_slice %get3A_109 {offsets = [0, 0], sizes = [16, 512], strides = [1, 1]} : vector<50x512xi32> to vector<16x512xi32>
    %eq3A_1114 = vector.broadcast %get3A_1112 : vector<1x512xi32> to vector<16x512xi32>
    %eq3A_1115 = arith.cmpi eq, %slice3A_1113, %eq3A_1114 : vector<16x512xi32>
    %slice3A_1116 = vector.extract_strided_slice %iota3A {offsets = [0, 0], sizes = [16, 512], strides = [1, 1]} : vector<50x512xi32> to vector<16x512xi32>
    %lt3A_1117 = arith.constant 10 : i32
    %lt3A_1118 = vector.broadcast %lt3A_1117 : i32 to vector<16x512xi32>
    %lt3A_1119 = arith.cmpi slt, %slice3A_1116, %lt3A_1118 : vector<16x512xi32>
    %and3A_1120 = arith.andi %eq3A_1115, %lt3A_1119 : vector<16x512xi1>
    %slice3A_1121 = vector.extract_strided_slice %iota3A {offsets = [0, 0], sizes = [16, 512], strides = [1, 1]} : vector<50x512xi32> to vector<16x512xi32>
    %jit3A_1122 = arith.constant -1 : i32
    %broadcast_in_dim3A_1123 = vector.broadcast %jit3A_1122 : i32 to vector<16x512xi32>
    %select_n3A_1124 = arith.select %and3A_1120, %slice3A_1121, %broadcast_in_dim3A_1123 : vector<16x512xi1>, vector<16x512xi32>
    %reduce_max3A_1125 = arith.constant dense<-2147483648> : vector<512xi32>
    %reduce_max3A_1126 = vector.multi_reduction <maxsi>, %select_n3A_1124, %reduce_max3A_1125 [0] : vector<16x512xi32> to vector<512xi32>
    %broadcast_in_dim3A_1127 = vector.shape_cast %reduce_max3A_1126 : vector<512xi32> to vector<1x512xi32>
    %slice3A_1128 = vector.extract_strided_slice %iota3A {offsets = [0, 0], sizes = [16, 512], strides = [1, 1]} : vector<50x512xi32> to vector<16x512xi32>
    %eq3A_1129 = vector.broadcast %broadcast_in_dim3A_1127 : vector<1x512xi32> to vector<16x512xi32>
    %eq3A_1130 = arith.cmpi eq, %slice3A_1128, %eq3A_1129 : vector<16x512xi32>
    %get3A_1131 = arith.constant 0 : index
    %get3A_1132 = arith.constant 0 : index
    %get3A_1133 = vector.load %arg6[%get3A_1131, %get3A_1132] : memref<100x512xf32, #tpu.memory_space<vmem>>, vector<16x512xf32>
    %jit3A_1134 = arith.constant 0.000000e+00 : f32
    %broadcast_in_dim3A_1135 = vector.broadcast %jit3A_1134 : f32 to vector<16x512xf32>
    %select_n3A_1136 = arith.select %eq3A_1130, %get3A_1133, %broadcast_in_dim3A_1135 : vector<16x512xi1>, vector<16x512xf32>
    %reduce_sum3A_1137 = arith.constant dense<0.000000e+00> : vector<512xf32>
    %reduce_sum3A_1138 = vector.multi_reduction <add>, %select_n3A_1136, %reduce_sum3A_1137 [0] : vector<16x512xf32> to vector<512xf32>
    %broadcast_in_dim3A_1139 = vector.shape_cast %reduce_sum3A_1138 : vector<512xf32> to vector<1x512xf32>
    %get3A_1140 = arith.constant 50 : index
    %get3A_1141 = arith.constant 0 : index
    %get3A_1142 = vector.load %arg6[%get3A_1140, %get3A_1141] : memref<100x512xf32, #tpu.memory_space<vmem>>, vector<16x512xf32>
    %jit3A_1143 = arith.constant 0.000000e+00 : f32
    %broadcast_in_dim3A_1144 = vector.broadcast %jit3A_1143 : f32 to vector<16x512xf32>
    %select_n3A_1145 = arith.select %eq3A_1130, %get3A_1142, %broadcast_in_dim3A_1144 : vector<16x512xi1>, vector<16x512xf32>
    %reduce_sum3A_1146 = arith.constant dense<0.000000e+00> : vector<512xf32>
    %reduce_sum3A_1147 = vector.multi_reduction <add>, %select_n3A_1145, %reduce_sum3A_1146 [0] : vector<16x512xf32> to vector<512xf32>
    %broadcast_in_dim3A_1148 = vector.shape_cast %reduce_sum3A_1147 : vector<512xf32> to vector<1x512xf32>
    %ge3A_1149 = arith.constant 0 : i32
    %ge3A_1150 = vector.broadcast %ge3A_1149 : i32 to vector<1x512xi32>
    %ge3A_1151 = arith.cmpi sge, %broadcast_in_dim3A_1127, %ge3A_1150 : vector<1x512xi32>
    %get3A_1152 = arith.constant 410 : index
    %get3A_1153 = arith.constant 0 : index
    %get3A_1154 = vector.load %arg7[%get3A_1152, %get3A_1153] : memref<500x512xf32, #tpu.memory_space<vmem>>, vector<1x512xf32>
    %sub3A_1155 = arith.subf %broadcast_in_dim3A_1139, %get3A_1154 : vector<1x512xf32>
    %get3A_1156 = arith.constant 310 : index
    %get3A_1157 = arith.constant 0 : index
    %get3A_1158 = vector.load %arg7[%get3A_1156, %get3A_1157] : memref<500x512xf32, #tpu.memory_space<vmem>>, vector<1x512xf32>
    %select_n3A_1159 = arith.select %ge3A_1151, %sub3A_1155, %get3A_1158 : vector<1x512xi1>, vector<1x512xf32>
    %get3A_1160 = arith.constant 460 : index
    %get3A_1161 = arith.constant 0 : index
    %get3A_1162 = vector.load %arg7[%get3A_1160, %get3A_1161] : memref<500x512xf32, #tpu.memory_space<vmem>>, vector<1x512xf32>
    %sub3A_1163 = arith.subf %broadcast_in_dim3A_1148, %get3A_1162 : vector<1x512xf32>
    %get3A_1164 = arith.constant 360 : index
    %get3A_1165 = arith.constant 0 : index
    %get3A_1166 = vector.load %arg7[%get3A_1164, %get3A_1165] : memref<500x512xf32, #tpu.memory_space<vmem>>, vector<1x512xf32>
    %select_n3A_1167 = arith.select %ge3A_1151, %sub3A_1163, %get3A_1166 : vector<1x512xi1>, vector<1x512xf32>
    %swap3A_1168 = arith.constant 10 : index
    %swap3A_1169 = arith.constant 0 : index
    %swap3A_1170 = vector.load %arg8[%swap3A_1168, %swap3A_1169] : memref<100x512xf32, #tpu.memory_space<vmem>>, vector<1x512xf32>
    tpu.vector_store %arg8[%swap3A_1168, %swap3A_1169], %select_n3A_1159 {strides = array<i32>} : memref<100x512xf32, #tpu.memory_space<vmem>>, vector<1x512xf32>,
    %swap3A_1171 = arith.constant 60 : index
    %swap3A_1172 = arith.constant 0 : index
    %swap3A_1173 = vector.load %arg8[%swap3A_1171, %swap3A_1172] : memref<100x512xf32, #tpu.memory_space<vmem>>, vector<1x512xf32>
    tpu.vector_store %arg8[%swap3A_1171, %swap3A_1172], %select_n3A_1167 {strides = array<i32>} : memref<100x512xf32, #tpu.memory_space<vmem>>, vector<1x512xf32>,
    %get3A_1174 = arith.constant 210 : index
    %get3A_1175 = arith.constant 0 : index
    %get3A_1176 = vector.load %arg7[%get3A_1174, %get3A_1175] : memref<500x512xf32, #tpu.memory_space<vmem>>, vector<1x512xf32>
    %add3A_1177 = arith.addf %get3A_1176, %select_n3A_1159 : vector<1x512xf32>
    %get3A_1178 = arith.constant 260 : index
    %get3A_1179 = arith.constant 0 : index
    %get3A_1180 = vector.load %arg7[%get3A_1178, %get3A_1179] : memref<500x512xf32, #tpu.memory_space<vmem>>, vector<1x512xf32>
    %add3A_1181 = arith.addf %get3A_1180, %select_n3A_1167 : vector<1x512xf32>
    %get3A_1182 = arith.constant 10 : index
    %get3A_1183 = arith.constant 0 : index
    %get3A_1184 = vector.load %arg7[%get3A_1182, %get3A_1183] : memref<500x512xf32, #tpu.memory_space<vmem>>, vector<1x512xf32>
    %add3A_1185 = arith.addf %add3A_1177, %get3A_1184 : vector<1x512xf32>
    %get3A_1186 = arith.constant 60 : index
    %get3A_1187 = arith.constant 0 : index
    %get3A_1188 = vector.load %arg7[%get3A_1186, %get3A_1187] : memref<500x512xf32, #tpu.memory_space<vmem>>, vector<1x512xf32>
    %add3A_1189 = arith.addf %add3A_1181, %get3A_1188 : vector<1x512xf32>
    %max3A_1190 = arith.maximumf %add3A_1185, %add3A_1189 : vector<1x512xf32>
    %min3A_1191 = arith.minimumf %add3A_1185, %add3A_1189 : vector<1x512xf32>
    %sub3A_1192 = arith.subf %min3A_1191, %max3A_1190 : vector<1x512xf32>
    %exp3A_1193 = math.exp %sub3A_1192 : vector<1x512xf32>
    %log1p3A_1194 = math.log1p %exp3A_1193 : vector<1x512xf32>
    %add3A_1195 = arith.addf %max3A_1190, %log1p3A_1194 : vector<1x512xf32>
    %swap3A_1196 = arith.constant 10 : index
    %swap3A_1197 = arith.constant 0 : index
    %swap3A_1198 = vector.load %arg6[%swap3A_1196, %swap3A_1197] : memref<100x512xf32, #tpu.memory_space<vmem>>, vector<1x512xf32>
    tpu.vector_store %arg6[%swap3A_1196, %swap3A_1197], %add3A_1195 {strides = array<i32>} : memref<100x512xf32, #tpu.memory_space<vmem>>, vector<1x512xf32>,
    %get3A_1199 = arith.constant 110 : index
    %get3A_1200 = arith.constant 0 : index
    %get3A_1201 = vector.load %arg7[%get3A_1199, %get3A_1200] : memref<500x512xf32, #tpu.memory_space<vmem>>, vector<1x512xf32>
    %add3A_1202 = arith.addf %add3A_1177, %get3A_1201 : vector<1x512xf32>
    %get3A_1203 = arith.constant 160 : index
    %get3A_1204 = arith.constant 0 : index
    %get3A_1205 = vector.load %arg7[%get3A_1203, %get3A_1204] : memref<500x512xf32, #tpu.memory_space<vmem>>, vector<1x512xf32>
    %add3A_1206 = arith.addf %add3A_1181, %get3A_1205 : vector<1x512xf32>
    %max3A_1207 = arith.maximumf %add3A_1202, %add3A_1206 : vector<1x512xf32>
    %min3A_1208 = arith.minimumf %add3A_1202, %add3A_1206 : vector<1x512xf32>
    %sub3A_1209 = arith.subf %min3A_1208, %max3A_1207 : vector<1x512xf32>
    %exp3A_1210 = math.exp %sub3A_1209 : vector<1x512xf32>
    %log1p3A_1211 = math.log1p %exp3A_1210 : vector<1x512xf32>
    %add3A_1212 = arith.addf %max3A_1207, %log1p3A_1211 : vector<1x512xf32>
    %swap3A_1213 = arith.constant 60 : index
    %swap3A_1214 = arith.constant 0 : index
    %swap3A_1215 = vector.load %arg6[%swap3A_1213, %swap3A_1214] : memref<100x512xf32, #tpu.memory_space<vmem>>, vector<1x512xf32>
    tpu.vector_store %arg6[%swap3A_1213, %swap3A_1214], %add3A_1212 {strides = array<i32>} : memref<100x512xf32, #tpu.memory_space<vmem>>, vector<1x512xf32>,
    %get3A_1216 = arith.constant 11 : index
    %get3A_1217 = arith.constant 0 : index
    %get3A_1218 = vector.load %arg3[%get3A_1216, %get3A_1217] : memref<50x512xi32, #tpu.memory_space<vmem>>, vector<1x512xi32>
    %slice3A_1219 = vector.extract_strided_slice %get3A_109 {offsets = [0, 0], sizes = [16, 512], strides = [1, 1]} : vector<50x512xi32> to vector<16x512xi32>
    %eq3A_1220 = vector.broadcast %get3A_1218 : vector<1x512xi32> to vector<16x512xi32>
    %eq3A_1221 = arith.cmpi eq, %slice3A_1219, %eq3A_1220 : vector<16x512xi32>
    %slice3A_1222 = vector.extract_strided_slice %iota3A {offsets = [0, 0], sizes = [16, 512], strides = [1, 1]} : vector<50x512xi32> to vector<16x512xi32>
    %lt3A_1223 = arith.constant 11 : i32
    %lt3A_1224 = vector.broadcast %lt3A_1223 : i32 to vector<16x512xi32>
    %lt3A_1225 = arith.cmpi slt, %slice3A_1222, %lt3A_1224 : vector<16x512xi32>
    %and3A_1226 = arith.andi %eq3A_1221, %lt3A_1225 : vector<16x512xi1>
    %slice3A_1227 = vector.extract_strided_slice %iota3A {offsets = [0, 0], sizes = [16, 512], strides = [1, 1]} : vector<50x512xi32> to vector<16x512xi32>
    %jit3A_1228 = arith.constant -1 : i32
    %broadcast_in_dim3A_1229 = vector.broadcast %jit3A_1228 : i32 to vector<16x512xi32>
    %select_n3A_1230 = arith.select %and3A_1226, %slice3A_1227, %broadcast_in_dim3A_1229 : vector<16x512xi1>, vector<16x512xi32>
    %reduce_max3A_1231 = arith.constant dense<-2147483648> : vector<512xi32>
    %reduce_max3A_1232 = vector.multi_reduction <maxsi>, %select_n3A_1230, %reduce_max3A_1231 [0] : vector<16x512xi32> to vector<512xi32>
    %broadcast_in_dim3A_1233 = vector.shape_cast %reduce_max3A_1232 : vector<512xi32> to vector<1x512xi32>
    %slice3A_1234 = vector.extract_strided_slice %iota3A {offsets = [0, 0], sizes = [16, 512], strides = [1, 1]} : vector<50x512xi32> to vector<16x512xi32>
    %eq3A_1235 = vector.broadcast %broadcast_in_dim3A_1233 : vector<1x512xi32> to vector<16x512xi32>
    %eq3A_1236 = arith.cmpi eq, %slice3A_1234, %eq3A_1235 : vector<16x512xi32>
    %get3A_1237 = arith.constant 0 : index
    %get3A_1238 = arith.constant 0 : index
    %get3A_1239 = vector.load %arg6[%get3A_1237, %get3A_1238] : memref<100x512xf32, #tpu.memory_space<vmem>>, vector<16x512xf32>
    %jit3A_1240 = arith.constant 0.000000e+00 : f32
    %broadcast_in_dim3A_1241 = vector.broadcast %jit3A_1240 : f32 to vector<16x512xf32>
    %select_n3A_1242 = arith.select %eq3A_1236, %get3A_1239, %broadcast_in_dim3A_1241 : vector<16x512xi1>, vector<16x512xf32>
    %reduce_sum3A_1243 = arith.constant dense<0.000000e+00> : vector<512xf32>
    %reduce_sum3A_1244 = vector.multi_reduction <add>, %select_n3A_1242, %reduce_sum3A_1243 [0] : vector<16x512xf32> to vector<512xf32>
    %broadcast_in_dim3A_1245 = vector.shape_cast %reduce_sum3A_1244 : vector<512xf32> to vector<1x512xf32>
    %get3A_1246 = arith.constant 50 : index
    %get3A_1247 = arith.constant 0 : index
    %get3A_1248 = vector.load %arg6[%get3A_1246, %get3A_1247] : memref<100x512xf32, #tpu.memory_space<vmem>>, vector<16x512xf32>
    %jit3A_1249 = arith.constant 0.000000e+00 : f32
    %broadcast_in_dim3A_1250 = vector.broadcast %jit3A_1249 : f32 to vector<16x512xf32>
    %select_n3A_1251 = arith.select %eq3A_1236, %get3A_1248, %broadcast_in_dim3A_1250 : vector<16x512xi1>, vector<16x512xf32>
    %reduce_sum3A_1252 = arith.constant dense<0.000000e+00> : vector<512xf32>
    %reduce_sum3A_1253 = vector.multi_reduction <add>, %select_n3A_1251, %reduce_sum3A_1252 [0] : vector<16x512xf32> to vector<512xf32>
    %broadcast_in_dim3A_1254 = vector.shape_cast %reduce_sum3A_1253 : vector<512xf32> to vector<1x512xf32>
    %ge3A_1255 = arith.constant 0 : i32
    %ge3A_1256 = vector.broadcast %ge3A_1255 : i32 to vector<1x512xi32>
    %ge3A_1257 = arith.cmpi sge, %broadcast_in_dim3A_1233, %ge3A_1256 : vector<1x512xi32>
    %get3A_1258 = arith.constant 411 : index
    %get3A_1259 = arith.constant 0 : index
    %get3A_1260 = vector.load %arg7[%get3A_1258, %get3A_1259] : memref<500x512xf32, #tpu.memory_space<vmem>>, vector<1x512xf32>
    %sub3A_1261 = arith.subf %broadcast_in_dim3A_1245, %get3A_1260 : vector<1x512xf32>
    %get3A_1262 = arith.constant 311 : index
    %get3A_1263 = arith.constant 0 : index
    %get3A_1264 = vector.load %arg7[%get3A_1262, %get3A_1263] : memref<500x512xf32, #tpu.memory_space<vmem>>, vector<1x512xf32>
    %select_n3A_1265 = arith.select %ge3A_1257, %sub3A_1261, %get3A_1264 : vector<1x512xi1>, vector<1x512xf32>
    %get3A_1266 = arith.constant 461 : index
    %get3A_1267 = arith.constant 0 : index
    %get3A_1268 = vector.load %arg7[%get3A_1266, %get3A_1267] : memref<500x512xf32, #tpu.memory_space<vmem>>, vector<1x512xf32>
    %sub3A_1269 = arith.subf %broadcast_in_dim3A_1254, %get3A_1268 : vector<1x512xf32>
    %get3A_1270 = arith.constant 361 : index
    %get3A_1271 = arith.constant 0 : index
    %get3A_1272 = vector.load %arg7[%get3A_1270, %get3A_1271] : memref<500x512xf32, #tpu.memory_space<vmem>>, vector<1x512xf32>
    %select_n3A_1273 = arith.select %ge3A_1257, %sub3A_1269, %get3A_1272 : vector<1x512xi1>, vector<1x512xf32>
    %swap3A_1274 = arith.constant 11 : index
    %swap3A_1275 = arith.constant 0 : index
    %swap3A_1276 = vector.load %arg8[%swap3A_1274, %swap3A_1275] : memref<100x512xf32, #tpu.memory_space<vmem>>, vector<1x512xf32>
    tpu.vector_store %arg8[%swap3A_1274, %swap3A_1275], %select_n3A_1265 {strides = array<i32>} : memref<100x512xf32, #tpu.memory_space<vmem>>, vector<1x512xf32>,
    %swap3A_1277 = arith.constant 61 : index
    %swap3A_1278 = arith.constant 0 : index
    %swap3A_1279 = vector.load %arg8[%swap3A_1277, %swap3A_1278] : memref<100x512xf32, #tpu.memory_space<vmem>>, vector<1x512xf32>
    tpu.vector_store %arg8[%swap3A_1277, %swap3A_1278], %select_n3A_1273 {strides = array<i32>} : memref<100x512xf32, #tpu.memory_space<vmem>>, vector<1x512xf32>,
    %get3A_1280 = arith.constant 211 : index
    %get3A_1281 = arith.constant 0 : index
    %get3A_1282 = vector.load %arg7[%get3A_1280, %get3A_1281] : memref<500x512xf32, #tpu.memory_space<vmem>>, vector<1x512xf32>
    %add3A_1283 = arith.addf %get3A_1282, %select_n3A_1265 : vector<1x512xf32>
    %get3A_1284 = arith.constant 261 : index
    %get3A_1285 = arith.constant 0 : index
    %get3A_1286 = vector.load %arg7[%get3A_1284, %get3A_1285] : memref<500x512xf32, #tpu.memory_space<vmem>>, vector<1x512xf32>
    %add3A_1287 = arith.addf %get3A_1286, %select_n3A_1273 : vector<1x512xf32>
    %get3A_1288 = arith.constant 11 : index
    %get3A_1289 = arith.constant 0 : index
    %get3A_1290 = vector.load %arg7[%get3A_1288, %get3A_1289] : memref<500x512xf32, #tpu.memory_space<vmem>>, vector<1x512xf32>
    %add3A_1291 = arith.addf %add3A_1283, %get3A_1290 : vector<1x512xf32>
    %get3A_1292 = arith.constant 61 : index
    %get3A_1293 = arith.constant 0 : index
    %get3A_1294 = vector.load %arg7[%get3A_1292, %get3A_1293] : memref<500x512xf32, #tpu.memory_space<vmem>>, vector<1x512xf32>
    %add3A_1295 = arith.addf %add3A_1287, %get3A_1294 : vector<1x512xf32>
    %max3A_1296 = arith.maximumf %add3A_1291, %add3A_1295 : vector<1x512xf32>
    %min3A_1297 = arith.minimumf %add3A_1291, %add3A_1295 : vector<1x512xf32>
    %sub3A_1298 = arith.subf %min3A_1297, %max3A_1296 : vector<1x512xf32>
    %exp3A_1299 = math.exp %sub3A_1298 : vector<1x512xf32>
    %log1p3A_1300 = math.log1p %exp3A_1299 : vector<1x512xf32>
    %add3A_1301 = arith.addf %max3A_1296, %log1p3A_1300 : vector<1x512xf32>
    %swap3A_1302 = arith.constant 11 : index
    %swap3A_1303 = arith.constant 0 : index
    %swap3A_1304 = vector.load %arg6[%swap3A_1302, %swap3A_1303] : memref<100x512xf32, #tpu.memory_space<vmem>>, vector<1x512xf32>
    tpu.vector_store %arg6[%swap3A_1302, %swap3A_1303], %add3A_1301 {strides = array<i32>} : memref<100x512xf32, #tpu.memory_space<vmem>>, vector<1x512xf32>,
    %get3A_1305 = arith.constant 111 : index
    %get3A_1306 = arith.constant 0 : index
    %get3A_1307 = vector.load %arg7[%get3A_1305, %get3A_1306] : memref<500x512xf32, #tpu.memory_space<vmem>>, vector<1x512xf32>
    %add3A_1308 = arith.addf %add3A_1283, %get3A_1307 : vector<1x512xf32>
    %get3A_1309 = arith.constant 161 : index
    %get3A_1310 = arith.constant 0 : index
    %get3A_1311 = vector.load %arg7[%get3A_1309, %get3A_1310] : memref<500x512xf32, #tpu.memory_space<vmem>>, vector<1x512xf32>
    %add3A_1312 = arith.addf %add3A_1287, %get3A_1311 : vector<1x512xf32>
    %max3A_1313 = arith.maximumf %add3A_1308, %add3A_1312 : vector<1x512xf32>
    %min3A_1314 = arith.minimumf %add3A_1308, %add3A_1312 : vector<1x512xf32>
    %sub3A_1315 = arith.subf %min3A_1314, %max3A_1313 : vector<1x512xf32>
    %exp3A_1316 = math.exp %sub3A_1315 : vector<1x512xf32>
    %log1p3A_1317 = math.log1p %exp3A_1316 : vector<1x512xf32>
    %add3A_1318 = arith.addf %max3A_1313, %log1p3A_1317 : vector<1x512xf32>
    %swap3A_1319 = arith.constant 61 : index
    %swap3A_1320 = arith.constant 0 : index
    %swap3A_1321 = vector.load %arg6[%swap3A_1319, %swap3A_1320] : memref<100x512xf32, #tpu.memory_space<vmem>>, vector<1x512xf32>
    tpu.vector_store %arg6[%swap3A_1319, %swap3A_1320], %add3A_1318 {strides = array<i32>} : memref<100x512xf32, #tpu.memory_space<vmem>>, vector<1x512xf32>,
    %get3A_1322 = arith.constant 12 : index
    %get3A_1323 = arith.constant 0 : index
    %get3A_1324 = vector.load %arg3[%get3A_1322, %get3A_1323] : memref<50x512xi32, #tpu.memory_space<vmem>>, vector<1x512xi32>
    %slice3A_1325 = vector.extract_strided_slice %get3A_109 {offsets = [0, 0], sizes = [16, 512], strides = [1, 1]} : vector<50x512xi32> to vector<16x512xi32>
    %eq3A_1326 = vector.broadcast %get3A_1324 : vector<1x512xi32> to vector<16x512xi32>
    %eq3A_1327 = arith.cmpi eq, %slice3A_1325, %eq3A_1326 : vector<16x512xi32>
    %slice3A_1328 = vector.extract_strided_slice %iota3A {offsets = [0, 0], sizes = [16, 512], strides = [1, 1]} : vector<50x512xi32> to vector<16x512xi32>
    %lt3A_1329 = arith.constant 12 : i32
    %lt3A_1330 = vector.broadcast %lt3A_1329 : i32 to vector<16x512xi32>
    %lt3A_1331 = arith.cmpi slt, %slice3A_1328, %lt3A_1330 : vector<16x512xi32>
    %and3A_1332 = arith.andi %eq3A_1327, %lt3A_1331 : vector<16x512xi1>
    %slice3A_1333 = vector.extract_strided_slice %iota3A {offsets = [0, 0], sizes = [16, 512], strides = [1, 1]} : vector<50x512xi32> to vector<16x512xi32>
    %jit3A_1334 = arith.constant -1 : i32
    %broadcast_in_dim3A_1335 = vector.broadcast %jit3A_1334 : i32 to vector<16x512xi32>
    %select_n3A_1336 = arith.select %and3A_1332, %slice3A_1333, %broadcast_in_dim3A_1335 : vector<16x512xi1>, vector<16x512xi32>
    %reduce_max3A_1337 = arith.constant dense<-2147483648> : vector<512xi32>
    %reduce_max3A_1338 = vector.multi_reduction <maxsi>, %select_n3A_1336, %reduce_max3A_1337 [0] : vector<16x512xi32> to vector<512xi32>
    %broadcast_in_dim3A_1339 = vector.shape_cast %reduce_max3A_1338 : vector<512xi32> to vector<1x512xi32>
    %slice3A_1340 = vector.extract_strided_slice %iota3A {offsets = [0, 0], sizes = [16, 512], strides = [1, 1]} : vector<50x512xi32> to vector<16x512xi32>
    %eq3A_1341 = vector.broadcast %broadcast_in_dim3A_1339 : vector<1x512xi32> to vector<16x512xi32>
    %eq3A_1342 = arith.cmpi eq, %slice3A_1340, %eq3A_1341 : vector<16x512xi32>
    %get3A_1343 = arith.constant 0 : index
    %get3A_1344 = arith.constant 0 : index
    %get3A_1345 = vector.load %arg6[%get3A_1343, %get3A_1344] : memref<100x512xf32, #tpu.memory_space<vmem>>, vector<16x512xf32>
    %jit3A_1346 = arith.constant 0.000000e+00 : f32
    %broadcast_in_dim3A_1347 = vector.broadcast %jit3A_1346 : f32 to vector<16x512xf32>
    %select_n3A_1348 = arith.select %eq3A_1342, %get3A_1345, %broadcast_in_dim3A_1347 : vector<16x512xi1>, vector<16x512xf32>
    %reduce_sum3A_1349 = arith.constant dense<0.000000e+00> : vector<512xf32>
    %reduce_sum3A_1350 = vector.multi_reduction <add>, %select_n3A_1348, %reduce_sum3A_1349 [0] : vector<16x512xf32> to vector<512xf32>
    %broadcast_in_dim3A_1351 = vector.shape_cast %reduce_sum3A_1350 : vector<512xf32> to vector<1x512xf32>
    %get3A_1352 = arith.constant 50 : index
    %get3A_1353 = arith.constant 0 : index
    %get3A_1354 = vector.load %arg6[%get3A_1352, %get3A_1353] : memref<100x512xf32, #tpu.memory_space<vmem>>, vector<16x512xf32>
    %jit3A_1355 = arith.constant 0.000000e+00 : f32
    %broadcast_in_dim3A_1356 = vector.broadcast %jit3A_1355 : f32 to vector<16x512xf32>
    %select_n3A_1357 = arith.select %eq3A_1342, %get3A_1354, %broadcast_in_dim3A_1356 : vector<16x512xi1>, vector<16x512xf32>
    %reduce_sum3A_1358 = arith.constant dense<0.000000e+00> : vector<512xf32>
    %reduce_sum3A_1359 = vector.multi_reduction <add>, %select_n3A_1357, %reduce_sum3A_1358 [0] : vector<16x512xf32> to vector<512xf32>
    %broadcast_in_dim3A_1360 = vector.shape_cast %reduce_sum3A_1359 : vector<512xf32> to vector<1x512xf32>
    %ge3A_1361 = arith.constant 0 : i32
    %ge3A_1362 = vector.broadcast %ge3A_1361 : i32 to vector<1x512xi32>
    %ge3A_1363 = arith.cmpi sge, %broadcast_in_dim3A_1339, %ge3A_1362 : vector<1x512xi32>
    %get3A_1364 = arith.constant 412 : index
    %get3A_1365 = arith.constant 0 : index
    %get3A_1366 = vector.load %arg7[%get3A_1364, %get3A_1365] : memref<500x512xf32, #tpu.memory_space<vmem>>, vector<1x512xf32>
    %sub3A_1367 = arith.subf %broadcast_in_dim3A_1351, %get3A_1366 : vector<1x512xf32>
    %get3A_1368 = arith.constant 312 : index
    %get3A_1369 = arith.constant 0 : index
    %get3A_1370 = vector.load %arg7[%get3A_1368, %get3A_1369] : memref<500x512xf32, #tpu.memory_space<vmem>>, vector<1x512xf32>
    %select_n3A_1371 = arith.select %ge3A_1363, %sub3A_1367, %get3A_1370 : vector<1x512xi1>, vector<1x512xf32>
    %get3A_1372 = arith.constant 462 : index
    %get3A_1373 = arith.constant 0 : index
    %get3A_1374 = vector.load %arg7[%get3A_1372, %get3A_1373] : memref<500x512xf32, #tpu.memory_space<vmem>>, vector<1x512xf32>
    %sub3A_1375 = arith.subf %broadcast_in_dim3A_1360, %get3A_1374 : vector<1x512xf32>
    %get3A_1376 = arith.constant 362 : index
    %get3A_1377 = arith.constant 0 : index
    %get3A_1378 = vector.load %arg7[%get3A_1376, %get3A_1377] : memref<500x512xf32, #tpu.memory_space<vmem>>, vector<1x512xf32>
    %select_n3A_1379 = arith.select %ge3A_1363, %sub3A_1375, %get3A_1378 : vector<1x512xi1>, vector<1x512xf32>
    %swap3A_1380 = arith.constant 12 : index
    %swap3A_1381 = arith.constant 0 : index
    %swap3A_1382 = vector.load %arg8[%swap3A_1380, %swap3A_1381] : memref<100x512xf32, #tpu.memory_space<vmem>>, vector<1x512xf32>
    tpu.vector_store %arg8[%swap3A_1380, %swap3A_1381], %select_n3A_1371 {strides = array<i32>} : memref<100x512xf32, #tpu.memory_space<vmem>>, vector<1x512xf32>,
    %swap3A_1383 = arith.constant 62 : index
    %swap3A_1384 = arith.constant 0 : index
    %swap3A_1385 = vector.load %arg8[%swap3A_1383, %swap3A_1384] : memref<100x512xf32, #tpu.memory_space<vmem>>, vector<1x512xf32>
    tpu.vector_store %arg8[%swap3A_1383, %swap3A_1384], %select_n3A_1379 {strides = array<i32>} : memref<100x512xf32, #tpu.memory_space<vmem>>, vector<1x512xf32>,
    %get3A_1386 = arith.constant 212 : index
    %get3A_1387 = arith.constant 0 : index
    %get3A_1388 = vector.load %arg7[%get3A_1386, %get3A_1387] : memref<500x512xf32, #tpu.memory_space<vmem>>, vector<1x512xf32>
    %add3A_1389 = arith.addf %get3A_1388, %select_n3A_1371 : vector<1x512xf32>
    %get3A_1390 = arith.constant 262 : index
    %get3A_1391 = arith.constant 0 : index
    %get3A_1392 = vector.load %arg7[%get3A_1390, %get3A_1391] : memref<500x512xf32, #tpu.memory_space<vmem>>, vector<1x512xf32>
    %add3A_1393 = arith.addf %get3A_1392, %select_n3A_1379 : vector<1x512xf32>
    %get3A_1394 = arith.constant 12 : index
    %get3A_1395 = arith.constant 0 : index
    %get3A_1396 = vector.load %arg7[%get3A_1394, %get3A_1395] : memref<500x512xf32, #tpu.memory_space<vmem>>, vector<1x512xf32>
    %add3A_1397 = arith.addf %add3A_1389, %get3A_1396 : vector<1x512xf32>
    %get3A_1398 = arith.constant 62 : index
    %get3A_1399 = arith.constant 0 : index
    %get3A_1400 = vector.load %arg7[%get3A_1398, %get3A_1399] : memref<500x512xf32, #tpu.memory_space<vmem>>, vector<1x512xf32>
    %add3A_1401 = arith.addf %add3A_1393, %get3A_1400 : vector<1x512xf32>
    %max3A_1402 = arith.maximumf %add3A_1397, %add3A_1401 : vector<1x512xf32>
    %min3A_1403 = arith.minimumf %add3A_1397, %add3A_1401 : vector<1x512xf32>
    %sub3A_1404 = arith.subf %min3A_1403, %max3A_1402 : vector<1x512xf32>
    %exp3A_1405 = math.exp %sub3A_1404 : vector<1x512xf32>
    %log1p3A_1406 = math.log1p %exp3A_1405 : vector<1x512xf32>
    %add3A_1407 = arith.addf %max3A_1402, %log1p3A_1406 : vector<1x512xf32>
    %swap3A_1408 = arith.constant 12 : index
    %swap3A_1409 = arith.constant 0 : index
    %swap3A_1410 = vector.load %arg6[%swap3A_1408, %swap3A_1409] : memref<100x512xf32, #tpu.memory_space<vmem>>, vector<1x512xf32>
    tpu.vector_store %arg6[%swap3A_1408, %swap3A_1409], %add3A_1407 {strides = array<i32>} : memref<100x512xf32, #tpu.memory_space<vmem>>, vector<1x512xf32>,
    %get3A_1411 = arith.constant 112 : index
    %get3A_1412 = arith.constant 0 : index
    %get3A_1413 = vector.load %arg7[%get3A_1411, %get3A_1412] : memref<500x512xf32, #tpu.memory_space<vmem>>, vector<1x512xf32>
    %add3A_1414 = arith.addf %add3A_1389, %get3A_1413 : vector<1x512xf32>
    %get3A_1415 = arith.constant 162 : index
    %get3A_1416 = arith.constant 0 : index
    %get3A_1417 = vector.load %arg7[%get3A_1415, %get3A_1416] : memref<500x512xf32, #tpu.memory_space<vmem>>, vector<1x512xf32>
    %add3A_1418 = arith.addf %add3A_1393, %get3A_1417 : vector<1x512xf32>
    %max3A_1419 = arith.maximumf %add3A_1414, %add3A_1418 : vector<1x512xf32>
    %min3A_1420 = arith.minimumf %add3A_1414, %add3A_1418 : vector<1x512xf32>
    %sub3A_1421 = arith.subf %min3A_1420, %max3A_1419 : vector<1x512xf32>
    %exp3A_1422 = math.exp %sub3A_1421 : vector<1x512xf32>
    %log1p3A_1423 = math.log1p %exp3A_1422 : vector<1x512xf32>
    %add3A_1424 = arith.addf %max3A_1419, %log1p3A_1423 : vector<1x512xf32>
    %swap3A_1425 = arith.constant 62 : index
    %swap3A_1426 = arith.constant 0 : index
    %swap3A_1427 = vector.load %arg6[%swap3A_1425, %swap3A_1426] : memref<100x512xf32, #tpu.memory_space<vmem>>, vector<1x512xf32>
    tpu.vector_store %arg6[%swap3A_1425, %swap3A_1426], %add3A_1424 {strides = array<i32>} : memref<100x512xf32, #tpu.memory_space<vmem>>, vector<1x512xf32>,
    %get3A_1428 = arith.constant 13 : index
    %get3A_1429 = arith.constant 0 : index
    %get3A_1430 = vector.load %arg3[%get3A_1428, %get3A_1429] : memref<50x512xi32, #tpu.memory_space<vmem>>, vector<1x512xi32>
    %slice3A_1431 = vector.extract_strided_slice %get3A_109 {offsets = [0, 0], sizes = [16, 512], strides = [1, 1]} : vector<50x512xi32> to vector<16x512xi32>
    %eq3A_1432 = vector.broadcast %get3A_1430 : vector<1x512xi32> to vector<16x512xi32>
    %eq3A_1433 = arith.cmpi eq, %slice3A_1431, %eq3A_1432 : vector<16x512xi32>
    %slice3A_1434 = vector.extract_strided_slice %iota3A {offsets = [0, 0], sizes = [16, 512], strides = [1, 1]} : vector<50x512xi32> to vector<16x512xi32>
    %lt3A_1435 = arith.constant 13 : i32
    %lt3A_1436 = vector.broadcast %lt3A_1435 : i32 to vector<16x512xi32>
    %lt3A_1437 = arith.cmpi slt, %slice3A_1434, %lt3A_1436 : vector<16x512xi32>
    %and3A_1438 = arith.andi %eq3A_1433, %lt3A_1437 : vector<16x512xi1>
    %slice3A_1439 = vector.extract_strided_slice %iota3A {offsets = [0, 0], sizes = [16, 512], strides = [1, 1]} : vector<50x512xi32> to vector<16x512xi32>
    %jit3A_1440 = arith.constant -1 : i32
    %broadcast_in_dim3A_1441 = vector.broadcast %jit3A_1440 : i32 to vector<16x512xi32>
    %select_n3A_1442 = arith.select %and3A_1438, %slice3A_1439, %broadcast_in_dim3A_1441 : vector<16x512xi1>, vector<16x512xi32>
    %reduce_max3A_1443 = arith.constant dense<-2147483648> : vector<512xi32>
    %reduce_max3A_1444 = vector.multi_reduction <maxsi>, %select_n3A_1442, %reduce_max3A_1443 [0] : vector<16x512xi32> to vector<512xi32>
    %broadcast_in_dim3A_1445 = vector.shape_cast %reduce_max3A_1444 : vector<512xi32> to vector<1x512xi32>
    %slice3A_1446 = vector.extract_strided_slice %iota3A {offsets = [0, 0], sizes = [16, 512], strides = [1, 1]} : vector<50x512xi32> to vector<16x512xi32>
    %eq3A_1447 = vector.broadcast %broadcast_in_dim3A_1445 : vector<1x512xi32> to vector<16x512xi32>
    %eq3A_1448 = arith.cmpi eq, %slice3A_1446, %eq3A_1447 : vector<16x512xi32>
    %get3A_1449 = arith.constant 0 : index
    %get3A_1450 = arith.constant 0 : index
    %get3A_1451 = vector.load %arg6[%get3A_1449, %get3A_1450] : memref<100x512xf32, #tpu.memory_space<vmem>>, vector<16x512xf32>
    %jit3A_1452 = arith.constant 0.000000e+00 : f32
    %broadcast_in_dim3A_1453 = vector.broadcast %jit3A_1452 : f32 to vector<16x512xf32>
    %select_n3A_1454 = arith.select %eq3A_1448, %get3A_1451, %broadcast_in_dim3A_1453 : vector<16x512xi1>, vector<16x512xf32>
    %reduce_sum3A_1455 = arith.constant dense<0.000000e+00> : vector<512xf32>
    %reduce_sum3A_1456 = vector.multi_reduction <add>, %select_n3A_1454, %reduce_sum3A_1455 [0] : vector<16x512xf32> to vector<512xf32>
    %broadcast_in_dim3A_1457 = vector.shape_cast %reduce_sum3A_1456 : vector<512xf32> to vector<1x512xf32>
    %get3A_1458 = arith.constant 50 : index
    %get3A_1459 = arith.constant 0 : index
    %get3A_1460 = vector.load %arg6[%get3A_1458, %get3A_1459] : memref<100x512xf32, #tpu.memory_space<vmem>>, vector<16x512xf32>
    %jit3A_1461 = arith.constant 0.000000e+00 : f32
    %broadcast_in_dim3A_1462 = vector.broadcast %jit3A_1461 : f32 to vector<16x512xf32>
    %select_n3A_1463 = arith.select %eq3A_1448, %get3A_1460, %broadcast_in_dim3A_1462 : vector<16x512xi1>, vector<16x512xf32>
    %reduce_sum3A_1464 = arith.constant dense<0.000000e+00> : vector<512xf32>
    %reduce_sum3A_1465 = vector.multi_reduction <add>, %select_n3A_1463, %reduce_sum3A_1464 [0] : vector<16x512xf32> to vector<512xf32>
    %broadcast_in_dim3A_1466 = vector.shape_cast %reduce_sum3A_1465 : vector<512xf32> to vector<1x512xf32>
    %ge3A_1467 = arith.constant 0 : i32
    %ge3A_1468 = vector.broadcast %ge3A_1467 : i32 to vector<1x512xi32>
    %ge3A_1469 = arith.cmpi sge, %broadcast_in_dim3A_1445, %ge3A_1468 : vector<1x512xi32>
    %get3A_1470 = arith.constant 413 : index
    %get3A_1471 = arith.constant 0 : index
    %get3A_1472 = vector.load %arg7[%get3A_1470, %get3A_1471] : memref<500x512xf32, #tpu.memory_space<vmem>>, vector<1x512xf32>
    %sub3A_1473 = arith.subf %broadcast_in_dim3A_1457, %get3A_1472 : vector<1x512xf32>
    %get3A_1474 = arith.constant 313 : index
    %get3A_1475 = arith.constant 0 : index
    %get3A_1476 = vector.load %arg7[%get3A_1474, %get3A_1475] : memref<500x512xf32, #tpu.memory_space<vmem>>, vector<1x512xf32>
    %select_n3A_1477 = arith.select %ge3A_1469, %sub3A_1473, %get3A_1476 : vector<1x512xi1>, vector<1x512xf32>
    %get3A_1478 = arith.constant 463 : index
    %get3A_1479 = arith.constant 0 : index
    %get3A_1480 = vector.load %arg7[%get3A_1478, %get3A_1479] : memref<500x512xf32, #tpu.memory_space<vmem>>, vector<1x512xf32>
    %sub3A_1481 = arith.subf %broadcast_in_dim3A_1466, %get3A_1480 : vector<1x512xf32>
    %get3A_1482 = arith.constant 363 : index
    %get3A_1483 = arith.constant 0 : index
    %get3A_1484 = vector.load %arg7[%get3A_1482, %get3A_1483] : memref<500x512xf32, #tpu.memory_space<vmem>>, vector<1x512xf32>
    %select_n3A_1485 = arith.select %ge3A_1469, %sub3A_1481, %get3A_1484 : vector<1x512xi1>, vector<1x512xf32>
    %swap3A_1486 = arith.constant 13 : index
    %swap3A_1487 = arith.constant 0 : index
    %swap3A_1488 = vector.load %arg8[%swap3A_1486, %swap3A_1487] : memref<100x512xf32, #tpu.memory_space<vmem>>, vector<1x512xf32>
    tpu.vector_store %arg8[%swap3A_1486, %swap3A_1487], %select_n3A_1477 {strides = array<i32>} : memref<100x512xf32, #tpu.memory_space<vmem>>, vector<1x512xf32>,
    %swap3A_1489 = arith.constant 63 : index
    %swap3A_1490 = arith.constant 0 : index
    %swap3A_1491 = vector.load %arg8[%swap3A_1489, %swap3A_1490] : memref<100x512xf32, #tpu.memory_space<vmem>>, vector<1x512xf32>
    tpu.vector_store %arg8[%swap3A_1489, %swap3A_1490], %select_n3A_1485 {strides = array<i32>} : memref<100x512xf32, #tpu.memory_space<vmem>>, vector<1x512xf32>,
    %get3A_1492 = arith.constant 213 : index
    %get3A_1493 = arith.constant 0 : index
    %get3A_1494 = vector.load %arg7[%get3A_1492, %get3A_1493] : memref<500x512xf32, #tpu.memory_space<vmem>>, vector<1x512xf32>
    %add3A_1495 = arith.addf %get3A_1494, %select_n3A_1477 : vector<1x512xf32>
    %get3A_1496 = arith.constant 263 : index
    %get3A_1497 = arith.constant 0 : index
    %get3A_1498 = vector.load %arg7[%get3A_1496, %get3A_1497] : memref<500x512xf32, #tpu.memory_space<vmem>>, vector<1x512xf32>
    %add3A_1499 = arith.addf %get3A_1498, %select_n3A_1485 : vector<1x512xf32>
    %get3A_1500 = arith.constant 13 : index
    %get3A_1501 = arith.constant 0 : index
    %get3A_1502 = vector.load %arg7[%get3A_1500, %get3A_1501] : memref<500x512xf32, #tpu.memory_space<vmem>>, vector<1x512xf32>
    %add3A_1503 = arith.addf %add3A_1495, %get3A_1502 : vector<1x512xf32>
    %get3A_1504 = arith.constant 63 : index
    %get3A_1505 = arith.constant 0 : index
    %get3A_1506 = vector.load %arg7[%get3A_1504, %get3A_1505] : memref<500x512xf32, #tpu.memory_space<vmem>>, vector<1x512xf32>
    %add3A_1507 = arith.addf %add3A_1499, %get3A_1506 : vector<1x512xf32>
    %max3A_1508 = arith.maximumf %add3A_1503, %add3A_1507 : vector<1x512xf32>
    %min3A_1509 = arith.minimumf %add3A_1503, %add3A_1507 : vector<1x512xf32>
    %sub3A_1510 = arith.subf %min3A_1509, %max3A_1508 : vector<1x512xf32>
    %exp3A_1511 = math.exp %sub3A_1510 : vector<1x512xf32>
    %log1p3A_1512 = math.log1p %exp3A_1511 : vector<1x512xf32>
    %add3A_1513 = arith.addf %max3A_1508, %log1p3A_1512 : vector<1x512xf32>
    %swap3A_1514 = arith.constant 13 : index
    %swap3A_1515 = arith.constant 0 : index
    %swap3A_1516 = vector.load %arg6[%swap3A_1514, %swap3A_1515] : memref<100x512xf32, #tpu.memory_space<vmem>>, vector<1x512xf32>
    tpu.vector_store %arg6[%swap3A_1514, %swap3A_1515], %add3A_1513 {strides = array<i32>} : memref<100x512xf32, #tpu.memory_space<vmem>>, vector<1x512xf32>,
    %get3A_1517 = arith.constant 113 : index
    %get3A_1518 = arith.constant 0 : index
    %get3A_1519 = vector.load %arg7[%get3A_1517, %get3A_1518] : memref<500x512xf32, #tpu.memory_space<vmem>>, vector<1x512xf32>
    %add3A_1520 = arith.addf %add3A_1495, %get3A_1519 : vector<1x512xf32>
    %get3A_1521 = arith.constant 163 : index
    %get3A_1522 = arith.constant 0 : index
    %get3A_1523 = vector.load %arg7[%get3A_1521, %get3A_1522] : memref<500x512xf32, #tpu.memory_space<vmem>>, vector<1x512xf32>
    %add3A_1524 = arith.addf %add3A_1499, %get3A_1523 : vector<1x512xf32>
    %max3A_1525 = arith.maximumf %add3A_1520, %add3A_1524 : vector<1x512xf32>
    %min3A_1526 = arith.minimumf %add3A_1520, %add3A_1524 : vector<1x512xf32>
    %sub3A_1527 = arith.subf %min3A_1526, %max3A_1525 : vector<1x512xf32>
    %exp3A_1528 = math.exp %sub3A_1527 : vector<1x512xf32>
    %log1p3A_1529 = math.log1p %exp3A_1528 : vector<1x512xf32>
    %add3A_1530 = arith.addf %max3A_1525, %log1p3A_1529 : vector<1x512xf32>
    %swap3A_1531 = arith.constant 63 : index
    %swap3A_1532 = arith.constant 0 : index
    %swap3A_1533 = vector.load %arg6[%swap3A_1531, %swap3A_1532] : memref<100x512xf32, #tpu.memory_space<vmem>>, vector<1x512xf32>
    tpu.vector_store %arg6[%swap3A_1531, %swap3A_1532], %add3A_1530 {strides = array<i32>} : memref<100x512xf32, #tpu.memory_space<vmem>>, vector<1x512xf32>,
    %get3A_1534 = arith.constant 14 : index
    %get3A_1535 = arith.constant 0 : index
    %get3A_1536 = vector.load %arg3[%get3A_1534, %get3A_1535] : memref<50x512xi32, #tpu.memory_space<vmem>>, vector<1x512xi32>
    %slice3A_1537 = vector.extract_strided_slice %get3A_109 {offsets = [0, 0], sizes = [16, 512], strides = [1, 1]} : vector<50x512xi32> to vector<16x512xi32>
    %eq3A_1538 = vector.broadcast %get3A_1536 : vector<1x512xi32> to vector<16x512xi32>
    %eq3A_1539 = arith.cmpi eq, %slice3A_1537, %eq3A_1538 : vector<16x512xi32>
    %slice3A_1540 = vector.extract_strided_slice %iota3A {offsets = [0, 0], sizes = [16, 512], strides = [1, 1]} : vector<50x512xi32> to vector<16x512xi32>
    %lt3A_1541 = arith.constant 14 : i32
    %lt3A_1542 = vector.broadcast %lt3A_1541 : i32 to vector<16x512xi32>
    %lt3A_1543 = arith.cmpi slt, %slice3A_1540, %lt3A_1542 : vector<16x512xi32>
    %and3A_1544 = arith.andi %eq3A_1539, %lt3A_1543 : vector<16x512xi1>
    %slice3A_1545 = vector.extract_strided_slice %iota3A {offsets = [0, 0], sizes = [16, 512], strides = [1, 1]} : vector<50x512xi32> to vector<16x512xi32>
    %jit3A_1546 = arith.constant -1 : i32
    %broadcast_in_dim3A_1547 = vector.broadcast %jit3A_1546 : i32 to vector<16x512xi32>
    %select_n3A_1548 = arith.select %and3A_1544, %slice3A_1545, %broadcast_in_dim3A_1547 : vector<16x512xi1>, vector<16x512xi32>
    %reduce_max3A_1549 = arith.constant dense<-2147483648> : vector<512xi32>
    %reduce_max3A_1550 = vector.multi_reduction <maxsi>, %select_n3A_1548, %reduce_max3A_1549 [0] : vector<16x512xi32> to vector<512xi32>
    %broadcast_in_dim3A_1551 = vector.shape_cast %reduce_max3A_1550 : vector<512xi32> to vector<1x512xi32>
    %slice3A_1552 = vector.extract_strided_slice %iota3A {offsets = [0, 0], sizes = [16, 512], strides = [1, 1]} : vector<50x512xi32> to vector<16x512xi32>
    %eq3A_1553 = vector.broadcast %broadcast_in_dim3A_1551 : vector<1x512xi32> to vector<16x512xi32>
    %eq3A_1554 = arith.cmpi eq, %slice3A_1552, %eq3A_1553 : vector<16x512xi32>
    %get3A_1555 = arith.constant 0 : index
    %get3A_1556 = arith.constant 0 : index
    %get3A_1557 = vector.load %arg6[%get3A_1555, %get3A_1556] : memref<100x512xf32, #tpu.memory_space<vmem>>, vector<16x512xf32>
    %jit3A_1558 = arith.constant 0.000000e+00 : f32
    %broadcast_in_dim3A_1559 = vector.broadcast %jit3A_1558 : f32 to vector<16x512xf32>
    %select_n3A_1560 = arith.select %eq3A_1554, %get3A_1557, %broadcast_in_dim3A_1559 : vector<16x512xi1>, vector<16x512xf32>
    %reduce_sum3A_1561 = arith.constant dense<0.000000e+00> : vector<512xf32>
    %reduce_sum3A_1562 = vector.multi_reduction <add>, %select_n3A_1560, %reduce_sum3A_1561 [0] : vector<16x512xf32> to vector<512xf32>
    %broadcast_in_dim3A_1563 = vector.shape_cast %reduce_sum3A_1562 : vector<512xf32> to vector<1x512xf32>
    %get3A_1564 = arith.constant 50 : index
    %get3A_1565 = arith.constant 0 : index
    %get3A_1566 = vector.load %arg6[%get3A_1564, %get3A_1565] : memref<100x512xf32, #tpu.memory_space<vmem>>, vector<16x512xf32>
    %jit3A_1567 = arith.constant 0.000000e+00 : f32
    %broadcast_in_dim3A_1568 = vector.broadcast %jit3A_1567 : f32 to vector<16x512xf32>
    %select_n3A_1569 = arith.select %eq3A_1554, %get3A_1566, %broadcast_in_dim3A_1568 : vector<16x512xi1>, vector<16x512xf32>
    %reduce_sum3A_1570 = arith.constant dense<0.000000e+00> : vector<512xf32>
    %reduce_sum3A_1571 = vector.multi_reduction <add>, %select_n3A_1569, %reduce_sum3A_1570 [0] : vector<16x512xf32> to vector<512xf32>
    %broadcast_in_dim3A_1572 = vector.shape_cast %reduce_sum3A_1571 : vector<512xf32> to vector<1x512xf32>
    %ge3A_1573 = arith.constant 0 : i32
    %ge3A_1574 = vector.broadcast %ge3A_1573 : i32 to vector<1x512xi32>
    %ge3A_1575 = arith.cmpi sge, %broadcast_in_dim3A_1551, %ge3A_1574 : vector<1x512xi32>
    %get3A_1576 = arith.constant 414 : index
    %get3A_1577 = arith.constant 0 : index
    %get3A_1578 = vector.load %arg7[%get3A_1576, %get3A_1577] : memref<500x512xf32, #tpu.memory_space<vmem>>, vector<1x512xf32>
    %sub3A_1579 = arith.subf %broadcast_in_dim3A_1563, %get3A_1578 : vector<1x512xf32>
    %get3A_1580 = arith.constant 314 : index
    %get3A_1581 = arith.constant 0 : index
    %get3A_1582 = vector.load %arg7[%get3A_1580, %get3A_1581] : memref<500x512xf32, #tpu.memory_space<vmem>>, vector<1x512xf32>
    %select_n3A_1583 = arith.select %ge3A_1575, %sub3A_1579, %get3A_1582 : vector<1x512xi1>, vector<1x512xf32>
    %get3A_1584 = arith.constant 464 : index
    %get3A_1585 = arith.constant 0 : index
    %get3A_1586 = vector.load %arg7[%get3A_1584, %get3A_1585] : memref<500x512xf32, #tpu.memory_space<vmem>>, vector<1x512xf32>
    %sub3A_1587 = arith.subf %broadcast_in_dim3A_1572, %get3A_1586 : vector<1x512xf32>
    %get3A_1588 = arith.constant 364 : index
    %get3A_1589 = arith.constant 0 : index
    %get3A_1590 = vector.load %arg7[%get3A_1588, %get3A_1589] : memref<500x512xf32, #tpu.memory_space<vmem>>, vector<1x512xf32>
    %select_n3A_1591 = arith.select %ge3A_1575, %sub3A_1587, %get3A_1590 : vector<1x512xi1>, vector<1x512xf32>
    %swap3A_1592 = arith.constant 14 : index
    %swap3A_1593 = arith.constant 0 : index
    %swap3A_1594 = vector.load %arg8[%swap3A_1592, %swap3A_1593] : memref<100x512xf32, #tpu.memory_space<vmem>>, vector<1x512xf32>
    tpu.vector_store %arg8[%swap3A_1592, %swap3A_1593], %select_n3A_1583 {strides = array<i32>} : memref<100x512xf32, #tpu.memory_space<vmem>>, vector<1x512xf32>,
    %swap3A_1595 = arith.constant 64 : index
    %swap3A_1596 = arith.constant 0 : index
    %swap3A_1597 = vector.load %arg8[%swap3A_1595, %swap3A_1596] : memref<100x512xf32, #tpu.memory_space<vmem>>, vector<1x512xf32>
    tpu.vector_store %arg8[%swap3A_1595, %swap3A_1596], %select_n3A_1591 {strides = array<i32>} : memref<100x512xf32, #tpu.memory_space<vmem>>, vector<1x512xf32>,
    %get3A_1598 = arith.constant 214 : index
    %get3A_1599 = arith.constant 0 : index
    %get3A_1600 = vector.load %arg7[%get3A_1598, %get3A_1599] : memref<500x512xf32, #tpu.memory_space<vmem>>, vector<1x512xf32>
    %add3A_1601 = arith.addf %get3A_1600, %select_n3A_1583 : vector<1x512xf32>
    %get3A_1602 = arith.constant 264 : index
    %get3A_1603 = arith.constant 0 : index
    %get3A_1604 = vector.load %arg7[%get3A_1602, %get3A_1603] : memref<500x512xf32, #tpu.memory_space<vmem>>, vector<1x512xf32>
    %add3A_1605 = arith.addf %get3A_1604, %select_n3A_1591 : vector<1x512xf32>
    %get3A_1606 = arith.constant 14 : index
    %get3A_1607 = arith.constant 0 : index
    %get3A_1608 = vector.load %arg7[%get3A_1606, %get3A_1607] : memref<500x512xf32, #tpu.memory_space<vmem>>, vector<1x512xf32>
    %add3A_1609 = arith.addf %add3A_1601, %get3A_1608 : vector<1x512xf32>
    %get3A_1610 = arith.constant 64 : index
    %get3A_1611 = arith.constant 0 : index
    %get3A_1612 = vector.load %arg7[%get3A_1610, %get3A_1611] : memref<500x512xf32, #tpu.memory_space<vmem>>, vector<1x512xf32>
    %add3A_1613 = arith.addf %add3A_1605, %get3A_1612 : vector<1x512xf32>
    %max3A_1614 = arith.maximumf %add3A_1609, %add3A_1613 : vector<1x512xf32>
    %min3A_1615 = arith.minimumf %add3A_1609, %add3A_1613 : vector<1x512xf32>
    %sub3A_1616 = arith.subf %min3A_1615, %max3A_1614 : vector<1x512xf32>
    %exp3A_1617 = math.exp %sub3A_1616 : vector<1x512xf32>
    %log1p3A_1618 = math.log1p %exp3A_1617 : vector<1x512xf32>
    %add3A_1619 = arith.addf %max3A_1614, %log1p3A_1618 : vector<1x512xf32>
    %swap3A_1620 = arith.constant 14 : index
    %swap3A_1621 = arith.constant 0 : index
    %swap3A_1622 = vector.load %arg6[%swap3A_1620, %swap3A_1621] : memref<100x512xf32, #tpu.memory_space<vmem>>, vector<1x512xf32>
    tpu.vector_store %arg6[%swap3A_1620, %swap3A_1621], %add3A_1619 {strides = array<i32>} : memref<100x512xf32, #tpu.memory_space<vmem>>, vector<1x512xf32>,
    %get3A_1623 = arith.constant 114 : index
    %get3A_1624 = arith.constant 0 : index
    %get3A_1625 = vector.load %arg7[%get3A_1623, %get3A_1624] : memref<500x512xf32, #tpu.memory_space<vmem>>, vector<1x512xf32>
    %add3A_1626 = arith.addf %add3A_1601, %get3A_1625 : vector<1x512xf32>
    %get3A_1627 = arith.constant 164 : index
    %get3A_1628 = arith.constant 0 : index
    %get3A_1629 = vector.load %arg7[%get3A_1627, %get3A_1628] : memref<500x512xf32, #tpu.memory_space<vmem>>, vector<1x512xf32>
    %add3A_1630 = arith.addf %add3A_1605, %get3A_1629 : vector<1x512xf32>
    %max3A_1631 = arith.maximumf %add3A_1626, %add3A_1630 : vector<1x512xf32>
    %min3A_1632 = arith.minimumf %add3A_1626, %add3A_1630 : vector<1x512xf32>
    %sub3A_1633 = arith.subf %min3A_1632, %max3A_1631 : vector<1x512xf32>
    %exp3A_1634 = math.exp %sub3A_1633 : vector<1x512xf32>
    %log1p3A_1635 = math.log1p %exp3A_1634 : vector<1x512xf32>
    %add3A_1636 = arith.addf %max3A_1631, %log1p3A_1635 : vector<1x512xf32>
    %swap3A_1637 = arith.constant 64 : index
    %swap3A_1638 = arith.constant 0 : index
    %swap3A_1639 = vector.load %arg6[%swap3A_1637, %swap3A_1638] : memref<100x512xf32, #tpu.memory_space<vmem>>, vector<1x512xf32>
    tpu.vector_store %arg6[%swap3A_1637, %swap3A_1638], %add3A_1636 {strides = array<i32>} : memref<100x512xf32, #tpu.memory_space<vmem>>, vector<1x512xf32>,
    %get3A_1640 = arith.constant 15 : index
    %get3A_1641 = arith.constant 0 : index
    %get3A_1642 = vector.load %arg3[%get3A_1640, %get3A_1641] : memref<50x512xi32, #tpu.memory_space<vmem>>, vector<1x512xi32>
    %slice3A_1643 = vector.extract_strided_slice %get3A_109 {offsets = [0, 0], sizes = [16, 512], strides = [1, 1]} : vector<50x512xi32> to vector<16x512xi32>
    %eq3A_1644 = vector.broadcast %get3A_1642 : vector<1x512xi32> to vector<16x512xi32>
    %eq3A_1645 = arith.cmpi eq, %slice3A_1643, %eq3A_1644 : vector<16x512xi32>
    %slice3A_1646 = vector.extract_strided_slice %iota3A {offsets = [0, 0], sizes = [16, 512], strides = [1, 1]} : vector<50x512xi32> to vector<16x512xi32>
    %lt3A_1647 = arith.constant 15 : i32
    %lt3A_1648 = vector.broadcast %lt3A_1647 : i32 to vector<16x512xi32>
    %lt3A_1649 = arith.cmpi slt, %slice3A_1646, %lt3A_1648 : vector<16x512xi32>
    %and3A_1650 = arith.andi %eq3A_1645, %lt3A_1649 : vector<16x512xi1>
    %slice3A_1651 = vector.extract_strided_slice %iota3A {offsets = [0, 0], sizes = [16, 512], strides = [1, 1]} : vector<50x512xi32> to vector<16x512xi32>
    %jit3A_1652 = arith.constant -1 : i32
    %broadcast_in_dim3A_1653 = vector.broadcast %jit3A_1652 : i32 to vector<16x512xi32>
    %select_n3A_1654 = arith.select %and3A_1650, %slice3A_1651, %broadcast_in_dim3A_1653 : vector<16x512xi1>, vector<16x512xi32>
    %reduce_max3A_1655 = arith.constant dense<-2147483648> : vector<512xi32>
    %reduce_max3A_1656 = vector.multi_reduction <maxsi>, %select_n3A_1654, %reduce_max3A_1655 [0] : vector<16x512xi32> to vector<512xi32>
    %broadcast_in_dim3A_1657 = vector.shape_cast %reduce_max3A_1656 : vector<512xi32> to vector<1x512xi32>
    %slice3A_1658 = vector.extract_strided_slice %iota3A {offsets = [0, 0], sizes = [16, 512], strides = [1, 1]} : vector<50x512xi32> to vector<16x512xi32>
    %eq3A_1659 = vector.broadcast %broadcast_in_dim3A_1657 : vector<1x512xi32> to vector<16x512xi32>
    %eq3A_1660 = arith.cmpi eq, %slice3A_1658, %eq3A_1659 : vector<16x512xi32>
    %get3A_1661 = arith.constant 0 : index
    %get3A_1662 = arith.constant 0 : index
    %get3A_1663 = vector.load %arg6[%get3A_1661, %get3A_1662] : memref<100x512xf32, #tpu.memory_space<vmem>>, vector<16x512xf32>
    %jit3A_1664 = arith.constant 0.000000e+00 : f32
    %broadcast_in_dim3A_1665 = vector.broadcast %jit3A_1664 : f32 to vector<16x512xf32>
    %select_n3A_1666 = arith.select %eq3A_1660, %get3A_1663, %broadcast_in_dim3A_1665 : vector<16x512xi1>, vector<16x512xf32>
    %reduce_sum3A_1667 = arith.constant dense<0.000000e+00> : vector<512xf32>
    %reduce_sum3A_1668 = vector.multi_reduction <add>, %select_n3A_1666, %reduce_sum3A_1667 [0] : vector<16x512xf32> to vector<512xf32>
    %broadcast_in_dim3A_1669 = vector.shape_cast %reduce_sum3A_1668 : vector<512xf32> to vector<1x512xf32>
    %get3A_1670 = arith.constant 50 : index
    %get3A_1671 = arith.constant 0 : index
    %get3A_1672 = vector.load %arg6[%get3A_1670, %get3A_1671] : memref<100x512xf32, #tpu.memory_space<vmem>>, vector<16x512xf32>
    %jit3A_1673 = arith.constant 0.000000e+00 : f32
    %broadcast_in_dim3A_1674 = vector.broadcast %jit3A_1673 : f32 to vector<16x512xf32>
    %select_n3A_1675 = arith.select %eq3A_1660, %get3A_1672, %broadcast_in_dim3A_1674 : vector<16x512xi1>, vector<16x512xf32>
    %reduce_sum3A_1676 = arith.constant dense<0.000000e+00> : vector<512xf32>
    %reduce_sum3A_1677 = vector.multi_reduction <add>, %select_n3A_1675, %reduce_sum3A_1676 [0] : vector<16x512xf32> to vector<512xf32>
    %broadcast_in_dim3A_1678 = vector.shape_cast %reduce_sum3A_1677 : vector<512xf32> to vector<1x512xf32>
    %ge3A_1679 = arith.constant 0 : i32
    %ge3A_1680 = vector.broadcast %ge3A_1679 : i32 to vector<1x512xi32>
    %ge3A_1681 = arith.cmpi sge, %broadcast_in_dim3A_1657, %ge3A_1680 : vector<1x512xi32>
    %get3A_1682 = arith.constant 415 : index
    %get3A_1683 = arith.constant 0 : index
    %get3A_1684 = vector.load %arg7[%get3A_1682, %get3A_1683] : memref<500x512xf32, #tpu.memory_space<vmem>>, vector<1x512xf32>
    %sub3A_1685 = arith.subf %broadcast_in_dim3A_1669, %get3A_1684 : vector<1x512xf32>
    %get3A_1686 = arith.constant 315 : index
    %get3A_1687 = arith.constant 0 : index
    %get3A_1688 = vector.load %arg7[%get3A_1686, %get3A_1687] : memref<500x512xf32, #tpu.memory_space<vmem>>, vector<1x512xf32>
    %select_n3A_1689 = arith.select %ge3A_1681, %sub3A_1685, %get3A_1688 : vector<1x512xi1>, vector<1x512xf32>
    %get3A_1690 = arith.constant 465 : index
    %get3A_1691 = arith.constant 0 : index
    %get3A_1692 = vector.load %arg7[%get3A_1690, %get3A_1691] : memref<500x512xf32, #tpu.memory_space<vmem>>, vector<1x512xf32>
    %sub3A_1693 = arith.subf %broadcast_in_dim3A_1678, %get3A_1692 : vector<1x512xf32>
    %get3A_1694 = arith.constant 365 : index
    %get3A_1695 = arith.constant 0 : index
    %get3A_1696 = vector.load %arg7[%get3A_1694, %get3A_1695] : memref<500x512xf32, #tpu.memory_space<vmem>>, vector<1x512xf32>
    %select_n3A_1697 = arith.select %ge3A_1681, %sub3A_1693, %get3A_1696 : vector<1x512xi1>, vector<1x512xf32>
    %swap3A_1698 = arith.constant 15 : index
    %swap3A_1699 = arith.constant 0 : index
    %swap3A_1700 = vector.load %arg8[%swap3A_1698, %swap3A_1699] : memref<100x512xf32, #tpu.memory_space<vmem>>, vector<1x512xf32>
    tpu.vector_store %arg8[%swap3A_1698, %swap3A_1699], %select_n3A_1689 {strides = array<i32>} : memref<100x512xf32, #tpu.memory_space<vmem>>, vector<1x512xf32>,
    %swap3A_1701 = arith.constant 65 : index
    %swap3A_1702 = arith.constant 0 : index
    %swap3A_1703 = vector.load %arg8[%swap3A_1701, %swap3A_1702] : memref<100x512xf32, #tpu.memory_space<vmem>>, vector<1x512xf32>
    tpu.vector_store %arg8[%swap3A_1701, %swap3A_1702], %select_n3A_1697 {strides = array<i32>} : memref<100x512xf32, #tpu.memory_space<vmem>>, vector<1x512xf32>,
    %get3A_1704 = arith.constant 215 : index
    %get3A_1705 = arith.constant 0 : index
    %get3A_1706 = vector.load %arg7[%get3A_1704, %get3A_1705] : memref<500x512xf32, #tpu.memory_space<vmem>>, vector<1x512xf32>
    %add3A_1707 = arith.addf %get3A_1706, %select_n3A_1689 : vector<1x512xf32>
    %get3A_1708 = arith.constant 265 : index
    %get3A_1709 = arith.constant 0 : index
    %get3A_1710 = vector.load %arg7[%get3A_1708, %get3A_1709] : memref<500x512xf32, #tpu.memory_space<vmem>>, vector<1x512xf32>
    %add3A_1711 = arith.addf %get3A_1710, %select_n3A_1697 : vector<1x512xf32>
    %get3A_1712 = arith.constant 15 : index
    %get3A_1713 = arith.constant 0 : index
    %get3A_1714 = vector.load %arg7[%get3A_1712, %get3A_1713] : memref<500x512xf32, #tpu.memory_space<vmem>>, vector<1x512xf32>
    %add3A_1715 = arith.addf %add3A_1707, %get3A_1714 : vector<1x512xf32>
    %get3A_1716 = arith.constant 65 : index
    %get3A_1717 = arith.constant 0 : index
    %get3A_1718 = vector.load %arg7[%get3A_1716, %get3A_1717] : memref<500x512xf32, #tpu.memory_space<vmem>>, vector<1x512xf32>
    %add3A_1719 = arith.addf %add3A_1711, %get3A_1718 : vector<1x512xf32>
    %max3A_1720 = arith.maximumf %add3A_1715, %add3A_1719 : vector<1x512xf32>
    %min3A_1721 = arith.minimumf %add3A_1715, %add3A_1719 : vector<1x512xf32>
    %sub3A_1722 = arith.subf %min3A_1721, %max3A_1720 : vector<1x512xf32>
    %exp3A_1723 = math.exp %sub3A_1722 : vector<1x512xf32>
    %log1p3A_1724 = math.log1p %exp3A_1723 : vector<1x512xf32>
    %add3A_1725 = arith.addf %max3A_1720, %log1p3A_1724 : vector<1x512xf32>
    %swap3A_1726 = arith.constant 15 : index
    %swap3A_1727 = arith.constant 0 : index
    %swap3A_1728 = vector.load %arg6[%swap3A_1726, %swap3A_1727] : memref<100x512xf32, #tpu.memory_space<vmem>>, vector<1x512xf32>
    tpu.vector_store %arg6[%swap3A_1726, %swap3A_1727], %add3A_1725 {strides = array<i32>} : memref<100x512xf32, #tpu.memory_space<vmem>>, vector<1x512xf32>,
    %get3A_1729 = arith.constant 115 : index
    %get3A_1730 = arith.constant 0 : index
    %get3A_1731 = vector.load %arg7[%get3A_1729, %get3A_1730] : memref<500x512xf32, #tpu.memory_space<vmem>>, vector<1x512xf32>
    %add3A_1732 = arith.addf %add3A_1707, %get3A_1731 : vector<1x512xf32>
    %get3A_1733 = arith.constant 165 : index
    %get3A_1734 = arith.constant 0 : index
    %get3A_1735 = vector.load %arg7[%get3A_1733, %get3A_1734] : memref<500x512xf32, #tpu.memory_space<vmem>>, vector<1x512xf32>
    %add3A_1736 = arith.addf %add3A_1711, %get3A_1735 : vector<1x512xf32>
    %max3A_1737 = arith.maximumf %add3A_1732, %add3A_1736 : vector<1x512xf32>
    %min3A_1738 = arith.minimumf %add3A_1732, %add3A_1736 : vector<1x512xf32>
    %sub3A_1739 = arith.subf %min3A_1738, %max3A_1737 : vector<1x512xf32>
    %exp3A_1740 = math.exp %sub3A_1739 : vector<1x512xf32>
    %log1p3A_1741 = math.log1p %exp3A_1740 : vector<1x512xf32>
    %add3A_1742 = arith.addf %max3A_1737, %log1p3A_1741 : vector<1x512xf32>
    %swap3A_1743 = arith.constant 65 : index
    %swap3A_1744 = arith.constant 0 : index
    %swap3A_1745 = vector.load %arg6[%swap3A_1743, %swap3A_1744] : memref<100x512xf32, #tpu.memory_space<vmem>>, vector<1x512xf32>
    tpu.vector_store %arg6[%swap3A_1743, %swap3A_1744], %add3A_1742 {strides = array<i32>} : memref<100x512xf32, #tpu.memory_space<vmem>>, vector<1x512xf32>,
    %get3A_1746 = arith.constant 16 : index
    %get3A_1747 = arith.constant 0 : index
    %get3A_1748 = vector.load %arg3[%get3A_1746, %get3A_1747] : memref<50x512xi32, #tpu.memory_space<vmem>>, vector<1x512xi32>
    %slice3A_1749 = vector.extract_strided_slice %get3A_109 {offsets = [0, 0], sizes = [16, 512], strides = [1, 1]} : vector<50x512xi32> to vector<16x512xi32>
    %eq3A_1750 = vector.broadcast %get3A_1748 : vector<1x512xi32> to vector<16x512xi32>
    %eq3A_1751 = arith.cmpi eq, %slice3A_1749, %eq3A_1750 : vector<16x512xi32>
    %slice3A_1752 = vector.extract_strided_slice %iota3A {offsets = [0, 0], sizes = [16, 512], strides = [1, 1]} : vector<50x512xi32> to vector<16x512xi32>
    %lt3A_1753 = arith.constant 16 : i32
    %lt3A_1754 = vector.broadcast %lt3A_1753 : i32 to vector<16x512xi32>
    %lt3A_1755 = arith.cmpi slt, %slice3A_1752, %lt3A_1754 : vector<16x512xi32>
    %and3A_1756 = arith.andi %eq3A_1751, %lt3A_1755 : vector<16x512xi1>
    %slice3A_1757 = vector.extract_strided_slice %iota3A {offsets = [0, 0], sizes = [16, 512], strides = [1, 1]} : vector<50x512xi32> to vector<16x512xi32>
    %jit3A_1758 = arith.constant -1 : i32
    %broadcast_in_dim3A_1759 = vector.broadcast %jit3A_1758 : i32 to vector<16x512xi32>
    %select_n3A_1760 = arith.select %and3A_1756, %slice3A_1757, %broadcast_in_dim3A_1759 : vector<16x512xi1>, vector<16x512xi32>
    %reduce_max3A_1761 = arith.constant dense<-2147483648> : vector<512xi32>
    %reduce_max3A_1762 = vector.multi_reduction <maxsi>, %select_n3A_1760, %reduce_max3A_1761 [0] : vector<16x512xi32> to vector<512xi32>
    %broadcast_in_dim3A_1763 = vector.shape_cast %reduce_max3A_1762 : vector<512xi32> to vector<1x512xi32>
    %slice3A_1764 = vector.extract_strided_slice %iota3A {offsets = [0, 0], sizes = [16, 512], strides = [1, 1]} : vector<50x512xi32> to vector<16x512xi32>
    %eq3A_1765 = vector.broadcast %broadcast_in_dim3A_1763 : vector<1x512xi32> to vector<16x512xi32>
    %eq3A_1766 = arith.cmpi eq, %slice3A_1764, %eq3A_1765 : vector<16x512xi32>
    %get3A_1767 = arith.constant 0 : index
    %get3A_1768 = arith.constant 0 : index
    %get3A_1769 = vector.load %arg6[%get3A_1767, %get3A_1768] : memref<100x512xf32, #tpu.memory_space<vmem>>, vector<16x512xf32>
    %jit3A_1770 = arith.constant 0.000000e+00 : f32
    %broadcast_in_dim3A_1771 = vector.broadcast %jit3A_1770 : f32 to vector<16x512xf32>
    %select_n3A_1772 = arith.select %eq3A_1766, %get3A_1769, %broadcast_in_dim3A_1771 : vector<16x512xi1>, vector<16x512xf32>
    %reduce_sum3A_1773 = arith.constant dense<0.000000e+00> : vector<512xf32>
    %reduce_sum3A_1774 = vector.multi_reduction <add>, %select_n3A_1772, %reduce_sum3A_1773 [0] : vector<16x512xf32> to vector<512xf32>
    %broadcast_in_dim3A_1775 = vector.shape_cast %reduce_sum3A_1774 : vector<512xf32> to vector<1x512xf32>
    %get3A_1776 = arith.constant 50 : index
    %get3A_1777 = arith.constant 0 : index
    %get3A_1778 = vector.load %arg6[%get3A_1776, %get3A_1777] : memref<100x512xf32, #tpu.memory_space<vmem>>, vector<16x512xf32>
    %jit3A_1779 = arith.constant 0.000000e+00 : f32
    %broadcast_in_dim3A_1780 = vector.broadcast %jit3A_1779 : f32 to vector<16x512xf32>
    %select_n3A_1781 = arith.select %eq3A_1766, %get3A_1778, %broadcast_in_dim3A_1780 : vector<16x512xi1>, vector<16x512xf32>
    %reduce_sum3A_1782 = arith.constant dense<0.000000e+00> : vector<512xf32>
    %reduce_sum3A_1783 = vector.multi_reduction <add>, %select_n3A_1781, %reduce_sum3A_1782 [0] : vector<16x512xf32> to vector<512xf32>
    %broadcast_in_dim3A_1784 = vector.shape_cast %reduce_sum3A_1783 : vector<512xf32> to vector<1x512xf32>
    %ge3A_1785 = arith.constant 0 : i32
    %ge3A_1786 = vector.broadcast %ge3A_1785 : i32 to vector<1x512xi32>
    %ge3A_1787 = arith.cmpi sge, %broadcast_in_dim3A_1763, %ge3A_1786 : vector<1x512xi32>
    %get3A_1788 = arith.constant 416 : index
    %get3A_1789 = arith.constant 0 : index
    %get3A_1790 = vector.load %arg7[%get3A_1788, %get3A_1789] : memref<500x512xf32, #tpu.memory_space<vmem>>, vector<1x512xf32>
    %sub3A_1791 = arith.subf %broadcast_in_dim3A_1775, %get3A_1790 : vector<1x512xf32>
    %get3A_1792 = arith.constant 316 : index
    %get3A_1793 = arith.constant 0 : index
    %get3A_1794 = vector.load %arg7[%get3A_1792, %get3A_1793] : memref<500x512xf32, #tpu.memory_space<vmem>>, vector<1x512xf32>
    %select_n3A_1795 = arith.select %ge3A_1787, %sub3A_1791, %get3A_1794 : vector<1x512xi1>, vector<1x512xf32>
    %get3A_1796 = arith.constant 466 : index
    %get3A_1797 = arith.constant 0 : index
    %get3A_1798 = vector.load %arg7[%get3A_1796, %get3A_1797] : memref<500x512xf32, #tpu.memory_space<vmem>>, vector<1x512xf32>
    %sub3A_1799 = arith.subf %broadcast_in_dim3A_1784, %get3A_1798 : vector<1x512xf32>
    %get3A_1800 = arith.constant 366 : index
    %get3A_1801 = arith.constant 0 : index
    %get3A_1802 = vector.load %arg7[%get3A_1800, %get3A_1801] : memref<500x512xf32, #tpu.memory_space<vmem>>, vector<1x512xf32>
    %select_n3A_1803 = arith.select %ge3A_1787, %sub3A_1799, %get3A_1802 : vector<1x512xi1>, vector<1x512xf32>
    %swap3A_1804 = arith.constant 16 : index
    %swap3A_1805 = arith.constant 0 : index
    %swap3A_1806 = vector.load %arg8[%swap3A_1804, %swap3A_1805] : memref<100x512xf32, #tpu.memory_space<vmem>>, vector<1x512xf32>
    tpu.vector_store %arg8[%swap3A_1804, %swap3A_1805], %select_n3A_1795 {strides = array<i32>} : memref<100x512xf32, #tpu.memory_space<vmem>>, vector<1x512xf32>,
    %swap3A_1807 = arith.constant 66 : index
    %swap3A_1808 = arith.constant 0 : index
    %swap3A_1809 = vector.load %arg8[%swap3A_1807, %swap3A_1808] : memref<100x512xf32, #tpu.memory_space<vmem>>, vector<1x512xf32>
    tpu.vector_store %arg8[%swap3A_1807, %swap3A_1808], %select_n3A_1803 {strides = array<i32>} : memref<100x512xf32, #tpu.memory_space<vmem>>, vector<1x512xf32>,
    %get3A_1810 = arith.constant 216 : index
    %get3A_1811 = arith.constant 0 : index
    %get3A_1812 = vector.load %arg7[%get3A_1810, %get3A_1811] : memref<500x512xf32, #tpu.memory_space<vmem>>, vector<1x512xf32>
    %add3A_1813 = arith.addf %get3A_1812, %select_n3A_1795 : vector<1x512xf32>
    %get3A_1814 = arith.constant 266 : index
    %get3A_1815 = arith.constant 0 : index
    %get3A_1816 = vector.load %arg7[%get3A_1814, %get3A_1815] : memref<500x512xf32, #tpu.memory_space<vmem>>, vector<1x512xf32>
    %add3A_1817 = arith.addf %get3A_1816, %select_n3A_1803 : vector<1x512xf32>
    %get3A_1818 = arith.constant 16 : index
    %get3A_1819 = arith.constant 0 : index
    %get3A_1820 = vector.load %arg7[%get3A_1818, %get3A_1819] : memref<500x512xf32, #tpu.memory_space<vmem>>, vector<1x512xf32>
    %add3A_1821 = arith.addf %add3A_1813, %get3A_1820 : vector<1x512xf32>
    %get3A_1822 = arith.constant 66 : index
    %get3A_1823 = arith.constant 0 : index
    %get3A_1824 = vector.load %arg7[%get3A_1822, %get3A_1823] : memref<500x512xf32, #tpu.memory_space<vmem>>, vector<1x512xf32>
    %add3A_1825 = arith.addf %add3A_1817, %get3A_1824 : vector<1x512xf32>
    %max3A_1826 = arith.maximumf %add3A_1821, %add3A_1825 : vector<1x512xf32>
    %min3A_1827 = arith.minimumf %add3A_1821, %add3A_1825 : vector<1x512xf32>
    %sub3A_1828 = arith.subf %min3A_1827, %max3A_1826 : vector<1x512xf32>
    %exp3A_1829 = math.exp %sub3A_1828 : vector<1x512xf32>
    %log1p3A_1830 = math.log1p %exp3A_1829 : vector<1x512xf32>
    %add3A_1831 = arith.addf %max3A_1826, %log1p3A_1830 : vector<1x512xf32>
    %swap3A_1832 = arith.constant 16 : index
    %swap3A_1833 = arith.constant 0 : index
    %swap3A_1834 = vector.load %arg6[%swap3A_1832, %swap3A_1833] : memref<100x512xf32, #tpu.memory_space<vmem>>, vector<1x512xf32>
    tpu.vector_store %arg6[%swap3A_1832, %swap3A_1833], %add3A_1831 {strides = array<i32>} : memref<100x512xf32, #tpu.memory_space<vmem>>, vector<1x512xf32>,
    %get3A_1835 = arith.constant 116 : index
    %get3A_1836 = arith.constant 0 : index
    %get3A_1837 = vector.load %arg7[%get3A_1835, %get3A_1836] : memref<500x512xf32, #tpu.memory_space<vmem>>, vector<1x512xf32>
    %add3A_1838 = arith.addf %add3A_1813, %get3A_1837 : vector<1x512xf32>
    %get3A_1839 = arith.constant 166 : index
    %get3A_1840 = arith.constant 0 : index
    %get3A_1841 = vector.load %arg7[%get3A_1839, %get3A_1840] : memref<500x512xf32, #tpu.memory_space<vmem>>, vector<1x512xf32>
    %add3A_1842 = arith.addf %add3A_1817, %get3A_1841 : vector<1x512xf32>
    %max3A_1843 = arith.maximumf %add3A_1838, %add3A_1842 : vector<1x512xf32>
    %min3A_1844 = arith.minimumf %add3A_1838, %add3A_1842 : vector<1x512xf32>
    %sub3A_1845 = arith.subf %min3A_1844, %max3A_1843 : vector<1x512xf32>
    %exp3A_1846 = math.exp %sub3A_1845 : vector<1x512xf32>
    %log1p3A_1847 = math.log1p %exp3A_1846 : vector<1x512xf32>
    %add3A_1848 = arith.addf %max3A_1843, %log1p3A_1847 : vector<1x512xf32>
    %swap3A_1849 = arith.constant 66 : index
    %swap3A_1850 = arith.constant 0 : index
    %swap3A_1851 = vector.load %arg6[%swap3A_1849, %swap3A_1850] : memref<100x512xf32, #tpu.memory_space<vmem>>, vector<1x512xf32>
    tpu.vector_store %arg6[%swap3A_1849, %swap3A_1850], %add3A_1848 {strides = array<i32>} : memref<100x512xf32, #tpu.memory_space<vmem>>, vector<1x512xf32>,
    %get3A_1852 = arith.constant 17 : index
    %get3A_1853 = arith.constant 0 : index
    %get3A_1854 = vector.load %arg3[%get3A_1852, %get3A_1853] : memref<50x512xi32, #tpu.memory_space<vmem>>, vector<1x512xi32>
    %slice3A_1855 = vector.extract_strided_slice %get3A_109 {offsets = [0, 0], sizes = [24, 512], strides = [1, 1]} : vector<50x512xi32> to vector<24x512xi32>
    %eq3A_1856 = vector.broadcast %get3A_1854 : vector<1x512xi32> to vector<24x512xi32>
    %eq3A_1857 = arith.cmpi eq, %slice3A_1855, %eq3A_1856 : vector<24x512xi32>
    %slice3A_1858 = vector.extract_strided_slice %iota3A {offsets = [0, 0], sizes = [24, 512], strides = [1, 1]} : vector<50x512xi32> to vector<24x512xi32>
    %lt3A_1859 = arith.constant 17 : i32
    %lt3A_1860 = vector.broadcast %lt3A_1859 : i32 to vector<24x512xi32>
    %lt3A_1861 = arith.cmpi slt, %slice3A_1858, %lt3A_1860 : vector<24x512xi32>
    %and3A_1862 = arith.andi %eq3A_1857, %lt3A_1861 : vector<24x512xi1>
    %slice3A_1863 = vector.extract_strided_slice %iota3A {offsets = [0, 0], sizes = [24, 512], strides = [1, 1]} : vector<50x512xi32> to vector<24x512xi32>
    %jit3A_1864 = arith.constant -1 : i32
    %broadcast_in_dim3A_1865 = vector.broadcast %jit3A_1864 : i32 to vector<24x512xi32>
    %select_n3A_1866 = arith.select %and3A_1862, %slice3A_1863, %broadcast_in_dim3A_1865 : vector<24x512xi1>, vector<24x512xi32>
    %reduce_max3A_1867 = arith.constant dense<-2147483648> : vector<512xi32>
    %reduce_max3A_1868 = vector.multi_reduction <maxsi>, %select_n3A_1866, %reduce_max3A_1867 [0] : vector<24x512xi32> to vector<512xi32>
    %broadcast_in_dim3A_1869 = vector.shape_cast %reduce_max3A_1868 : vector<512xi32> to vector<1x512xi32>
    %slice3A_1870 = vector.extract_strided_slice %iota3A {offsets = [0, 0], sizes = [24, 512], strides = [1, 1]} : vector<50x512xi32> to vector<24x512xi32>
    %eq3A_1871 = vector.broadcast %broadcast_in_dim3A_1869 : vector<1x512xi32> to vector<24x512xi32>
    %eq3A_1872 = arith.cmpi eq, %slice3A_1870, %eq3A_1871 : vector<24x512xi32>
    %get3A_1873 = arith.constant 0 : index
    %get3A_1874 = arith.constant 0 : index
    %get3A_1875 = vector.load %arg6[%get3A_1873, %get3A_1874] : memref<100x512xf32, #tpu.memory_space<vmem>>, vector<24x512xf32>
    %jit3A_1876 = arith.constant 0.000000e+00 : f32
    %broadcast_in_dim3A_1877 = vector.broadcast %jit3A_1876 : f32 to vector<24x512xf32>
    %select_n3A_1878 = arith.select %eq3A_1872, %get3A_1875, %broadcast_in_dim3A_1877 : vector<24x512xi1>, vector<24x512xf32>
    %reduce_sum3A_1879 = arith.constant dense<0.000000e+00> : vector<512xf32>
    %reduce_sum3A_1880 = vector.multi_reduction <add>, %select_n3A_1878, %reduce_sum3A_1879 [0] : vector<24x512xf32> to vector<512xf32>
    %broadcast_in_dim3A_1881 = vector.shape_cast %reduce_sum3A_1880 : vector<512xf32> to vector<1x512xf32>
    %get3A_1882 = arith.constant 50 : index
    %get3A_1883 = arith.constant 0 : index
    %get3A_1884 = vector.load %arg6[%get3A_1882, %get3A_1883] : memref<100x512xf32, #tpu.memory_space<vmem>>, vector<24x512xf32>
    %jit3A_1885 = arith.constant 0.000000e+00 : f32
    %broadcast_in_dim3A_1886 = vector.broadcast %jit3A_1885 : f32 to vector<24x512xf32>
    %select_n3A_1887 = arith.select %eq3A_1872, %get3A_1884, %broadcast_in_dim3A_1886 : vector<24x512xi1>, vector<24x512xf32>
    %reduce_sum3A_1888 = arith.constant dense<0.000000e+00> : vector<512xf32>
    %reduce_sum3A_1889 = vector.multi_reduction <add>, %select_n3A_1887, %reduce_sum3A_1888 [0] : vector<24x512xf32> to vector<512xf32>
    %broadcast_in_dim3A_1890 = vector.shape_cast %reduce_sum3A_1889 : vector<512xf32> to vector<1x512xf32>
    %ge3A_1891 = arith.constant 0 : i32
    %ge3A_1892 = vector.broadcast %ge3A_1891 : i32 to vector<1x512xi32>
    %ge3A_1893 = arith.cmpi sge, %broadcast_in_dim3A_1869, %ge3A_1892 : vector<1x512xi32>
    %get3A_1894 = arith.constant 417 : index
    %get3A_1895 = arith.constant 0 : index
    %get3A_1896 = vector.load %arg7[%get3A_1894, %get3A_1895] : memref<500x512xf32, #tpu.memory_space<vmem>>, vector<1x512xf32>
    %sub3A_1897 = arith.subf %broadcast_in_dim3A_1881, %get3A_1896 : vector<1x512xf32>
    %get3A_1898 = arith.constant 317 : index
    %get3A_1899 = arith.constant 0 : index
    %get3A_1900 = vector.load %arg7[%get3A_1898, %get3A_1899] : memref<500x512xf32, #tpu.memory_space<vmem>>, vector<1x512xf32>
    %select_n3A_1901 = arith.select %ge3A_1893, %sub3A_1897, %get3A_1900 : vector<1x512xi1>, vector<1x512xf32>
    %get3A_1902 = arith.constant 467 : index
    %get3A_1903 = arith.constant 0 : index
    %get3A_1904 = vector.load %arg7[%get3A_1902, %get3A_1903] : memref<500x512xf32, #tpu.memory_space<vmem>>, vector<1x512xf32>
    %sub3A_1905 = arith.subf %broadcast_in_dim3A_1890, %get3A_1904 : vector<1x512xf32>
    %get3A_1906 = arith.constant 367 : index
    %get3A_1907 = arith.constant 0 : index
    %get3A_1908 = vector.load %arg7[%get3A_1906, %get3A_1907] : memref<500x512xf32, #tpu.memory_space<vmem>>, vector<1x512xf32>
    %select_n3A_1909 = arith.select %ge3A_1893, %sub3A_1905, %get3A_1908 : vector<1x512xi1>, vector<1x512xf32>
    %swap3A_1910 = arith.constant 17 : index
    %swap3A_1911 = arith.constant 0 : index
    %swap3A_1912 = vector.load %arg8[%swap3A_1910, %swap3A_1911] : memref<100x512xf32, #tpu.memory_space<vmem>>, vector<1x512xf32>
    tpu.vector_store %arg8[%swap3A_1910, %swap3A_1911], %select_n3A_1901 {strides = array<i32>} : memref<100x512xf32, #tpu.memory_space<vmem>>, vector<1x512xf32>,
    %swap3A_1913 = arith.constant 67 : index
    %swap3A_1914 = arith.constant 0 : index
    %swap3A_1915 = vector.load %arg8[%swap3A_1913, %swap3A_1914] : memref<100x512xf32, #tpu.memory_space<vmem>>, vector<1x512xf32>
    tpu.vector_store %arg8[%swap3A_1913, %swap3A_1914], %select_n3A_1909 {strides = array<i32>} : memref<100x512xf32, #tpu.memory_space<vmem>>, vector<1x512xf32>,
    %get3A_1916 = arith.constant 217 : index
    %get3A_1917 = arith.constant 0 : index
    %get3A_1918 = vector.load %arg7[%get3A_1916, %get3A_1917] : memref<500x512xf32, #tpu.memory_space<vmem>>, vector<1x512xf32>
    %add3A_1919 = arith.addf %get3A_1918, %select_n3A_1901 : vector<1x512xf32>
    %get3A_1920 = arith.constant 267 : index
    %get3A_1921 = arith.constant 0 : index
    %get3A_1922 = vector.load %arg7[%get3A_1920, %get3A_1921] : memref<500x512xf32, #tpu.memory_space<vmem>>, vector<1x512xf32>
    %add3A_1923 = arith.addf %get3A_1922, %select_n3A_1909 : vector<1x512xf32>
    %get3A_1924 = arith.constant 17 : index
    %get3A_1925 = arith.constant 0 : index
    %get3A_1926 = vector.load %arg7[%get3A_1924, %get3A_1925] : memref<500x512xf32, #tpu.memory_space<vmem>>, vector<1x512xf32>
    %add3A_1927 = arith.addf %add3A_1919, %get3A_1926 : vector<1x512xf32>
    %get3A_1928 = arith.constant 67 : index
    %get3A_1929 = arith.constant 0 : index
    %get3A_1930 = vector.load %arg7[%get3A_1928, %get3A_1929] : memref<500x512xf32, #tpu.memory_space<vmem>>, vector<1x512xf32>
    %add3A_1931 = arith.addf %add3A_1923, %get3A_1930 : vector<1x512xf32>
    %max3A_1932 = arith.maximumf %add3A_1927, %add3A_1931 : vector<1x512xf32>
    %min3A_1933 = arith.minimumf %add3A_1927, %add3A_1931 : vector<1x512xf32>
    %sub3A_1934 = arith.subf %min3A_1933, %max3A_1932 : vector<1x512xf32>
    %exp3A_1935 = math.exp %sub3A_1934 : vector<1x512xf32>
    %log1p3A_1936 = math.log1p %exp3A_1935 : vector<1x512xf32>
    %add3A_1937 = arith.addf %max3A_1932, %log1p3A_1936 : vector<1x512xf32>
    %swap3A_1938 = arith.constant 17 : index
    %swap3A_1939 = arith.constant 0 : index
    %swap3A_1940 = vector.load %arg6[%swap3A_1938, %swap3A_1939] : memref<100x512xf32, #tpu.memory_space<vmem>>, vector<1x512xf32>
    tpu.vector_store %arg6[%swap3A_1938, %swap3A_1939], %add3A_1937 {strides = array<i32>} : memref<100x512xf32, #tpu.memory_space<vmem>>, vector<1x512xf32>,
    %get3A_1941 = arith.constant 117 : index
    %get3A_1942 = arith.constant 0 : index
    %get3A_1943 = vector.load %arg7[%get3A_1941, %get3A_1942] : memref<500x512xf32, #tpu.memory_space<vmem>>, vector<1x512xf32>
    %add3A_1944 = arith.addf %add3A_1919, %get3A_1943 : vector<1x512xf32>
    %get3A_1945 = arith.constant 167 : index
    %get3A_1946 = arith.constant 0 : index
    %get3A_1947 = vector.load %arg7[%get3A_1945, %get3A_1946] : memref<500x512xf32, #tpu.memory_space<vmem>>, vector<1x512xf32>
    %add3A_1948 = arith.addf %add3A_1923, %get3A_1947 : vector<1x512xf32>
    %max3A_1949 = arith.maximumf %add3A_1944, %add3A_1948 : vector<1x512xf32>
    %min3A_1950 = arith.minimumf %add3A_1944, %add3A_1948 : vector<1x512xf32>
    %sub3A_1951 = arith.subf %min3A_1950, %max3A_1949 : vector<1x512xf32>
    %exp3A_1952 = math.exp %sub3A_1951 : vector<1x512xf32>
    %log1p3A_1953 = math.log1p %exp3A_1952 : vector<1x512xf32>
    %add3A_1954 = arith.addf %max3A_1949, %log1p3A_1953 : vector<1x512xf32>
    %swap3A_1955 = arith.constant 67 : index
    %swap3A_1956 = arith.constant 0 : index
    %swap3A_1957 = vector.load %arg6[%swap3A_1955, %swap3A_1956] : memref<100x512xf32, #tpu.memory_space<vmem>>, vector<1x512xf32>
    tpu.vector_store %arg6[%swap3A_1955, %swap3A_1956], %add3A_1954 {strides = array<i32>} : memref<100x512xf32, #tpu.memory_space<vmem>>, vector<1x512xf32>,
    %get3A_1958 = arith.constant 18 : index
    %get3A_1959 = arith.constant 0 : index
    %get3A_1960 = vector.load %arg3[%get3A_1958, %get3A_1959] : memref<50x512xi32, #tpu.memory_space<vmem>>, vector<1x512xi32>
    %slice3A_1961 = vector.extract_strided_slice %get3A_109 {offsets = [0, 0], sizes = [24, 512], strides = [1, 1]} : vector<50x512xi32> to vector<24x512xi32>
    %eq3A_1962 = vector.broadcast %get3A_1960 : vector<1x512xi32> to vector<24x512xi32>
    %eq3A_1963 = arith.cmpi eq, %slice3A_1961, %eq3A_1962 : vector<24x512xi32>
    %slice3A_1964 = vector.extract_strided_slice %iota3A {offsets = [0, 0], sizes = [24, 512], strides = [1, 1]} : vector<50x512xi32> to vector<24x512xi32>
    %lt3A_1965 = arith.constant 18 : i32
    %lt3A_1966 = vector.broadcast %lt3A_1965 : i32 to vector<24x512xi32>
    %lt3A_1967 = arith.cmpi slt, %slice3A_1964, %lt3A_1966 : vector<24x512xi32>
    %and3A_1968 = arith.andi %eq3A_1963, %lt3A_1967 : vector<24x512xi1>
    %slice3A_1969 = vector.extract_strided_slice %iota3A {offsets = [0, 0], sizes = [24, 512], strides = [1, 1]} : vector<50x512xi32> to vector<24x512xi32>
    %jit3A_1970 = arith.constant -1 : i32
    %broadcast_in_dim3A_1971 = vector.broadcast %jit3A_1970 : i32 to vector<24x512xi32>
    %select_n3A_1972 = arith.select %and3A_1968, %slice3A_1969, %broadcast_in_dim3A_1971 : vector<24x512xi1>, vector<24x512xi32>
    %reduce_max3A_1973 = arith.constant dense<-2147483648> : vector<512xi32>
    %reduce_max3A_1974 = vector.multi_reduction <maxsi>, %select_n3A_1972, %reduce_max3A_1973 [0] : vector<24x512xi32> to vector<512xi32>
    %broadcast_in_dim3A_1975 = vector.shape_cast %reduce_max3A_1974 : vector<512xi32> to vector<1x512xi32>
    %slice3A_1976 = vector.extract_strided_slice %iota3A {offsets = [0, 0], sizes = [24, 512], strides = [1, 1]} : vector<50x512xi32> to vector<24x512xi32>
    %eq3A_1977 = vector.broadcast %broadcast_in_dim3A_1975 : vector<1x512xi32> to vector<24x512xi32>
    %eq3A_1978 = arith.cmpi eq, %slice3A_1976, %eq3A_1977 : vector<24x512xi32>
    %get3A_1979 = arith.constant 0 : index
    %get3A_1980 = arith.constant 0 : index
    %get3A_1981 = vector.load %arg6[%get3A_1979, %get3A_1980] : memref<100x512xf32, #tpu.memory_space<vmem>>, vector<24x512xf32>
    %jit3A_1982 = arith.constant 0.000000e+00 : f32
    %broadcast_in_dim3A_1983 = vector.broadcast %jit3A_1982 : f32 to vector<24x512xf32>
    %select_n3A_1984 = arith.select %eq3A_1978, %get3A_1981, %broadcast_in_dim3A_1983 : vector<24x512xi1>, vector<24x512xf32>
    %reduce_sum3A_1985 = arith.constant dense<0.000000e+00> : vector<512xf32>
    %reduce_sum3A_1986 = vector.multi_reduction <add>, %select_n3A_1984, %reduce_sum3A_1985 [0] : vector<24x512xf32> to vector<512xf32>
    %broadcast_in_dim3A_1987 = vector.shape_cast %reduce_sum3A_1986 : vector<512xf32> to vector<1x512xf32>
    %get3A_1988 = arith.constant 50 : index
    %get3A_1989 = arith.constant 0 : index
    %get3A_1990 = vector.load %arg6[%get3A_1988, %get3A_1989] : memref<100x512xf32, #tpu.memory_space<vmem>>, vector<24x512xf32>
    %jit3A_1991 = arith.constant 0.000000e+00 : f32
    %broadcast_in_dim3A_1992 = vector.broadcast %jit3A_1991 : f32 to vector<24x512xf32>
    %select_n3A_1993 = arith.select %eq3A_1978, %get3A_1990, %broadcast_in_dim3A_1992 : vector<24x512xi1>, vector<24x512xf32>
    %reduce_sum3A_1994 = arith.constant dense<0.000000e+00> : vector<512xf32>
    %reduce_sum3A_1995 = vector.multi_reduction <add>, %select_n3A_1993, %reduce_sum3A_1994 [0] : vector<24x512xf32> to vector<512xf32>
    %broadcast_in_dim3A_1996 = vector.shape_cast %reduce_sum3A_1995 : vector<512xf32> to vector<1x512xf32>
    %ge3A_1997 = arith.constant 0 : i32
    %ge3A_1998 = vector.broadcast %ge3A_1997 : i32 to vector<1x512xi32>
    %ge3A_1999 = arith.cmpi sge, %broadcast_in_dim3A_1975, %ge3A_1998 : vector<1x512xi32>
    %get3A_2000 = arith.constant 418 : index
    %get3A_2001 = arith.constant 0 : index
    %get3A_2002 = vector.load %arg7[%get3A_2000, %get3A_2001] : memref<500x512xf32, #tpu.memory_space<vmem>>, vector<1x512xf32>
    %sub3A_2003 = arith.subf %broadcast_in_dim3A_1987, %get3A_2002 : vector<1x512xf32>
    %get3A_2004 = arith.constant 318 : index
    %get3A_2005 = arith.constant 0 : index
    %get3A_2006 = vector.load %arg7[%get3A_2004, %get3A_2005] : memref<500x512xf32, #tpu.memory_space<vmem>>, vector<1x512xf32>
    %select_n3A_2007 = arith.select %ge3A_1999, %sub3A_2003, %get3A_2006 : vector<1x512xi1>, vector<1x512xf32>
    %get3A_2008 = arith.constant 468 : index
    %get3A_2009 = arith.constant 0 : index
    %get3A_2010 = vector.load %arg7[%get3A_2008, %get3A_2009] : memref<500x512xf32, #tpu.memory_space<vmem>>, vector<1x512xf32>
    %sub3A_2011 = arith.subf %broadcast_in_dim3A_1996, %get3A_2010 : vector<1x512xf32>
    %get3A_2012 = arith.constant 368 : index
    %get3A_2013 = arith.constant 0 : index
    %get3A_2014 = vector.load %arg7[%get3A_2012, %get3A_2013] : memref<500x512xf32, #tpu.memory_space<vmem>>, vector<1x512xf32>
    %select_n3A_2015 = arith.select %ge3A_1999, %sub3A_2011, %get3A_2014 : vector<1x512xi1>, vector<1x512xf32>
    %swap3A_2016 = arith.constant 18 : index
    %swap3A_2017 = arith.constant 0 : index
    %swap3A_2018 = vector.load %arg8[%swap3A_2016, %swap3A_2017] : memref<100x512xf32, #tpu.memory_space<vmem>>, vector<1x512xf32>
    tpu.vector_store %arg8[%swap3A_2016, %swap3A_2017], %select_n3A_2007 {strides = array<i32>} : memref<100x512xf32, #tpu.memory_space<vmem>>, vector<1x512xf32>,
    %swap3A_2019 = arith.constant 68 : index
    %swap3A_2020 = arith.constant 0 : index
    %swap3A_2021 = vector.load %arg8[%swap3A_2019, %swap3A_2020] : memref<100x512xf32, #tpu.memory_space<vmem>>, vector<1x512xf32>
    tpu.vector_store %arg8[%swap3A_2019, %swap3A_2020], %select_n3A_2015 {strides = array<i32>} : memref<100x512xf32, #tpu.memory_space<vmem>>, vector<1x512xf32>,
    %get3A_2022 = arith.constant 218 : index
    %get3A_2023 = arith.constant 0 : index
    %get3A_2024 = vector.load %arg7[%get3A_2022, %get3A_2023] : memref<500x512xf32, #tpu.memory_space<vmem>>, vector<1x512xf32>
    %add3A_2025 = arith.addf %get3A_2024, %select_n3A_2007 : vector<1x512xf32>
    %get3A_2026 = arith.constant 268 : index
    %get3A_2027 = arith.constant 0 : index
    %get3A_2028 = vector.load %arg7[%get3A_2026, %get3A_2027] : memref<500x512xf32, #tpu.memory_space<vmem>>, vector<1x512xf32>
    %add3A_2029 = arith.addf %get3A_2028, %select_n3A_2015 : vector<1x512xf32>
    %get3A_2030 = arith.constant 18 : index
    %get3A_2031 = arith.constant 0 : index
    %get3A_2032 = vector.load %arg7[%get3A_2030, %get3A_2031] : memref<500x512xf32, #tpu.memory_space<vmem>>, vector<1x512xf32>
    %add3A_2033 = arith.addf %add3A_2025, %get3A_2032 : vector<1x512xf32>
    %get3A_2034 = arith.constant 68 : index
    %get3A_2035 = arith.constant 0 : index
    %get3A_2036 = vector.load %arg7[%get3A_2034, %get3A_2035] : memref<500x512xf32, #tpu.memory_space<vmem>>, vector<1x512xf32>
    %add3A_2037 = arith.addf %add3A_2029, %get3A_2036 : vector<1x512xf32>
    %max3A_2038 = arith.maximumf %add3A_2033, %add3A_2037 : vector<1x512xf32>
    %min3A_2039 = arith.minimumf %add3A_2033, %add3A_2037 : vector<1x512xf32>
    %sub3A_2040 = arith.subf %min3A_2039, %max3A_2038 : vector<1x512xf32>
    %exp3A_2041 = math.exp %sub3A_2040 : vector<1x512xf32>
    %log1p3A_2042 = math.log1p %exp3A_2041 : vector<1x512xf32>
    %add3A_2043 = arith.addf %max3A_2038, %log1p3A_2042 : vector<1x512xf32>
    %swap3A_2044 = arith.constant 18 : index
    %swap3A_2045 = arith.constant 0 : index
    %swap3A_2046 = vector.load %arg6[%swap3A_2044, %swap3A_2045] : memref<100x512xf32, #tpu.memory_space<vmem>>, vector<1x512xf32>
    tpu.vector_store %arg6[%swap3A_2044, %swap3A_2045], %add3A_2043 {strides = array<i32>} : memref<100x512xf32, #tpu.memory_space<vmem>>, vector<1x512xf32>,
    %get3A_2047 = arith.constant 118 : index
    %get3A_2048 = arith.constant 0 : index
    %get3A_2049 = vector.load %arg7[%get3A_2047, %get3A_2048] : memref<500x512xf32, #tpu.memory_space<vmem>>, vector<1x512xf32>
    %add3A_2050 = arith.addf %add3A_2025, %get3A_2049 : vector<1x512xf32>
    %get3A_2051 = arith.constant 168 : index
    %get3A_2052 = arith.constant 0 : index
    %get3A_2053 = vector.load %arg7[%get3A_2051, %get3A_2052] : memref<500x512xf32, #tpu.memory_space<vmem>>, vector<1x512xf32>
    %add3A_2054 = arith.addf %add3A_2029, %get3A_2053 : vector<1x512xf32>
    %max3A_2055 = arith.maximumf %add3A_2050, %add3A_2054 : vector<1x512xf32>
    %min3A_2056 = arith.minimumf %add3A_2050, %add3A_2054 : vector<1x512xf32>
    %sub3A_2057 = arith.subf %min3A_2056, %max3A_2055 : vector<1x512xf32>
    %exp3A_2058 = math.exp %sub3A_2057 : vector<1x512xf32>
    %log1p3A_2059 = math.log1p %exp3A_2058 : vector<1x512xf32>
    %add3A_2060 = arith.addf %max3A_2055, %log1p3A_2059 : vector<1x512xf32>
    %swap3A_2061 = arith.constant 68 : index
    %swap3A_2062 = arith.constant 0 : index
    %swap3A_2063 = vector.load %arg6[%swap3A_2061, %swap3A_2062] : memref<100x512xf32, #tpu.memory_space<vmem>>, vector<1x512xf32>
    tpu.vector_store %arg6[%swap3A_2061, %swap3A_2062], %add3A_2060 {strides = array<i32>} : memref<100x512xf32, #tpu.memory_space<vmem>>, vector<1x512xf32>,
    %get3A_2064 = arith.constant 19 : index
    %get3A_2065 = arith.constant 0 : index
    %get3A_2066 = vector.load %arg3[%get3A_2064, %get3A_2065] : memref<50x512xi32, #tpu.memory_space<vmem>>, vector<1x512xi32>
    %slice3A_2067 = vector.extract_strided_slice %get3A_109 {offsets = [0, 0], sizes = [24, 512], strides = [1, 1]} : vector<50x512xi32> to vector<24x512xi32>
    %eq3A_2068 = vector.broadcast %get3A_2066 : vector<1x512xi32> to vector<24x512xi32>
    %eq3A_2069 = arith.cmpi eq, %slice3A_2067, %eq3A_2068 : vector<24x512xi32>
    %slice3A_2070 = vector.extract_strided_slice %iota3A {offsets = [0, 0], sizes = [24, 512], strides = [1, 1]} : vector<50x512xi32> to vector<24x512xi32>
    %lt3A_2071 = arith.constant 19 : i32
    %lt3A_2072 = vector.broadcast %lt3A_2071 : i32 to vector<24x512xi32>
    %lt3A_2073 = arith.cmpi slt, %slice3A_2070, %lt3A_2072 : vector<24x512xi32>
    %and3A_2074 = arith.andi %eq3A_2069, %lt3A_2073 : vector<24x512xi1>
    %slice3A_2075 = vector.extract_strided_slice %iota3A {offsets = [0, 0], sizes = [24, 512], strides = [1, 1]} : vector<50x512xi32> to vector<24x512xi32>
    %jit3A_2076 = arith.constant -1 : i32
    %broadcast_in_dim3A_2077 = vector.broadcast %jit3A_2076 : i32 to vector<24x512xi32>
    %select_n3A_2078 = arith.select %and3A_2074, %slice3A_2075, %broadcast_in_dim3A_2077 : vector<24x512xi1>, vector<24x512xi32>
    %reduce_max3A_2079 = arith.constant dense<-2147483648> : vector<512xi32>
    %reduce_max3A_2080 = vector.multi_reduction <maxsi>, %select_n3A_2078, %reduce_max3A_2079 [0] : vector<24x512xi32> to vector<512xi32>
    %broadcast_in_dim3A_2081 = vector.shape_cast %reduce_max3A_2080 : vector<512xi32> to vector<1x512xi32>
    %slice3A_2082 = vector.extract_strided_slice %iota3A {offsets = [0, 0], sizes = [24, 512], strides = [1, 1]} : vector<50x512xi32> to vector<24x512xi32>
    %eq3A_2083 = vector.broadcast %broadcast_in_dim3A_2081 : vector<1x512xi32> to vector<24x512xi32>
    %eq3A_2084 = arith.cmpi eq, %slice3A_2082, %eq3A_2083 : vector<24x512xi32>
    %get3A_2085 = arith.constant 0 : index
    %get3A_2086 = arith.constant 0 : index
    %get3A_2087 = vector.load %arg6[%get3A_2085, %get3A_2086] : memref<100x512xf32, #tpu.memory_space<vmem>>, vector<24x512xf32>
    %jit3A_2088 = arith.constant 0.000000e+00 : f32
    %broadcast_in_dim3A_2089 = vector.broadcast %jit3A_2088 : f32 to vector<24x512xf32>
    %select_n3A_2090 = arith.select %eq3A_2084, %get3A_2087, %broadcast_in_dim3A_2089 : vector<24x512xi1>, vector<24x512xf32>
    %reduce_sum3A_2091 = arith.constant dense<0.000000e+00> : vector<512xf32>
    %reduce_sum3A_2092 = vector.multi_reduction <add>, %select_n3A_2090, %reduce_sum3A_2091 [0] : vector<24x512xf32> to vector<512xf32>
    %broadcast_in_dim3A_2093 = vector.shape_cast %reduce_sum3A_2092 : vector<512xf32> to vector<1x512xf32>
    %get3A_2094 = arith.constant 50 : index
    %get3A_2095 = arith.constant 0 : index
    %get3A_2096 = vector.load %arg6[%get3A_2094, %get3A_2095] : memref<100x512xf32, #tpu.memory_space<vmem>>, vector<24x512xf32>
    %jit3A_2097 = arith.constant 0.000000e+00 : f32
    %broadcast_in_dim3A_2098 = vector.broadcast %jit3A_2097 : f32 to vector<24x512xf32>
    %select_n3A_2099 = arith.select %eq3A_2084, %get3A_2096, %broadcast_in_dim3A_2098 : vector<24x512xi1>, vector<24x512xf32>
    %reduce_sum3A_2100 = arith.constant dense<0.000000e+00> : vector<512xf32>
    %reduce_sum3A_2101 = vector.multi_reduction <add>, %select_n3A_2099, %reduce_sum3A_2100 [0] : vector<24x512xf32> to vector<512xf32>
    %broadcast_in_dim3A_2102 = vector.shape_cast %reduce_sum3A_2101 : vector<512xf32> to vector<1x512xf32>
    %ge3A_2103 = arith.constant 0 : i32
    %ge3A_2104 = vector.broadcast %ge3A_2103 : i32 to vector<1x512xi32>
    %ge3A_2105 = arith.cmpi sge, %broadcast_in_dim3A_2081, %ge3A_2104 : vector<1x512xi32>
    %get3A_2106 = arith.constant 419 : index
    %get3A_2107 = arith.constant 0 : index
    %get3A_2108 = vector.load %arg7[%get3A_2106, %get3A_2107] : memref<500x512xf32, #tpu.memory_space<vmem>>, vector<1x512xf32>
    %sub3A_2109 = arith.subf %broadcast_in_dim3A_2093, %get3A_2108 : vector<1x512xf32>
    %get3A_2110 = arith.constant 319 : index
    %get3A_2111 = arith.constant 0 : index
    %get3A_2112 = vector.load %arg7[%get3A_2110, %get3A_2111] : memref<500x512xf32, #tpu.memory_space<vmem>>, vector<1x512xf32>
    %select_n3A_2113 = arith.select %ge3A_2105, %sub3A_2109, %get3A_2112 : vector<1x512xi1>, vector<1x512xf32>
    %get3A_2114 = arith.constant 469 : index
    %get3A_2115 = arith.constant 0 : index
    %get3A_2116 = vector.load %arg7[%get3A_2114, %get3A_2115] : memref<500x512xf32, #tpu.memory_space<vmem>>, vector<1x512xf32>
    %sub3A_2117 = arith.subf %broadcast_in_dim3A_2102, %get3A_2116 : vector<1x512xf32>
    %get3A_2118 = arith.constant 369 : index
    %get3A_2119 = arith.constant 0 : index
    %get3A_2120 = vector.load %arg7[%get3A_2118, %get3A_2119] : memref<500x512xf32, #tpu.memory_space<vmem>>, vector<1x512xf32>
    %select_n3A_2121 = arith.select %ge3A_2105, %sub3A_2117, %get3A_2120 : vector<1x512xi1>, vector<1x512xf32>
    %swap3A_2122 = arith.constant 19 : index
    %swap3A_2123 = arith.constant 0 : index
    %swap3A_2124 = vector.load %arg8[%swap3A_2122, %swap3A_2123] : memref<100x512xf32, #tpu.memory_space<vmem>>, vector<1x512xf32>
    tpu.vector_store %arg8[%swap3A_2122, %swap3A_2123], %select_n3A_2113 {strides = array<i32>} : memref<100x512xf32, #tpu.memory_space<vmem>>, vector<1x512xf32>,
    %swap3A_2125 = arith.constant 69 : index
    %swap3A_2126 = arith.constant 0 : index
    %swap3A_2127 = vector.load %arg8[%swap3A_2125, %swap3A_2126] : memref<100x512xf32, #tpu.memory_space<vmem>>, vector<1x512xf32>
    tpu.vector_store %arg8[%swap3A_2125, %swap3A_2126], %select_n3A_2121 {strides = array<i32>} : memref<100x512xf32, #tpu.memory_space<vmem>>, vector<1x512xf32>,
    %get3A_2128 = arith.constant 219 : index
    %get3A_2129 = arith.constant 0 : index
    %get3A_2130 = vector.load %arg7[%get3A_2128, %get3A_2129] : memref<500x512xf32, #tpu.memory_space<vmem>>, vector<1x512xf32>
    %add3A_2131 = arith.addf %get3A_2130, %select_n3A_2113 : vector<1x512xf32>
    %get3A_2132 = arith.constant 269 : index
    %get3A_2133 = arith.constant 0 : index
    %get3A_2134 = vector.load %arg7[%get3A_2132, %get3A_2133] : memref<500x512xf32, #tpu.memory_space<vmem>>, vector<1x512xf32>
    %add3A_2135 = arith.addf %get3A_2134, %select_n3A_2121 : vector<1x512xf32>
    %get3A_2136 = arith.constant 19 : index
    %get3A_2137 = arith.constant 0 : index
    %get3A_2138 = vector.load %arg7[%get3A_2136, %get3A_2137] : memref<500x512xf32, #tpu.memory_space<vmem>>, vector<1x512xf32>
    %add3A_2139 = arith.addf %add3A_2131, %get3A_2138 : vector<1x512xf32>
    %get3A_2140 = arith.constant 69 : index
    %get3A_2141 = arith.constant 0 : index
    %get3A_2142 = vector.load %arg7[%get3A_2140, %get3A_2141] : memref<500x512xf32, #tpu.memory_space<vmem>>, vector<1x512xf32>
    %add3A_2143 = arith.addf %add3A_2135, %get3A_2142 : vector<1x512xf32>
    %max3A_2144 = arith.maximumf %add3A_2139, %add3A_2143 : vector<1x512xf32>
    %min3A_2145 = arith.minimumf %add3A_2139, %add3A_2143 : vector<1x512xf32>
    %sub3A_2146 = arith.subf %min3A_2145, %max3A_2144 : vector<1x512xf32>
    %exp3A_2147 = math.exp %sub3A_2146 : vector<1x512xf32>
    %log1p3A_2148 = math.log1p %exp3A_2147 : vector<1x512xf32>
    %add3A_2149 = arith.addf %max3A_2144, %log1p3A_2148 : vector<1x512xf32>
    %swap3A_2150 = arith.constant 19 : index
    %swap3A_2151 = arith.constant 0 : index
    %swap3A_2152 = vector.load %arg6[%swap3A_2150, %swap3A_2151] : memref<100x512xf32, #tpu.memory_space<vmem>>, vector<1x512xf32>
    tpu.vector_store %arg6[%swap3A_2150, %swap3A_2151], %add3A_2149 {strides = array<i32>} : memref<100x512xf32, #tpu.memory_space<vmem>>, vector<1x512xf32>,
    %get3A_2153 = arith.constant 119 : index
    %get3A_2154 = arith.constant 0 : index
    %get3A_2155 = vector.load %arg7[%get3A_2153, %get3A_2154] : memref<500x512xf32, #tpu.memory_space<vmem>>, vector<1x512xf32>
    %add3A_2156 = arith.addf %add3A_2131, %get3A_2155 : vector<1x512xf32>
    %get3A_2157 = arith.constant 169 : index
    %get3A_2158 = arith.constant 0 : index
    %get3A_2159 = vector.load %arg7[%get3A_2157, %get3A_2158] : memref<500x512xf32, #tpu.memory_space<vmem>>, vector<1x512xf32>
    %add3A_2160 = arith.addf %add3A_2135, %get3A_2159 : vector<1x512xf32>
    %max3A_2161 = arith.maximumf %add3A_2156, %add3A_2160 : vector<1x512xf32>
    %min3A_2162 = arith.minimumf %add3A_2156, %add3A_2160 : vector<1x512xf32>
    %sub3A_2163 = arith.subf %min3A_2162, %max3A_2161 : vector<1x512xf32>
    %exp3A_2164 = math.exp %sub3A_2163 : vector<1x512xf32>
    %log1p3A_2165 = math.log1p %exp3A_2164 : vector<1x512xf32>
    %add3A_2166 = arith.addf %max3A_2161, %log1p3A_2165 : vector<1x512xf32>
    %swap3A_2167 = arith.constant 69 : index
    %swap3A_2168 = arith.constant 0 : index
    %swap3A_2169 = vector.load %arg6[%swap3A_2167, %swap3A_2168] : memref<100x512xf32, #tpu.memory_space<vmem>>, vector<1x512xf32>
    tpu.vector_store %arg6[%swap3A_2167, %swap3A_2168], %add3A_2166 {strides = array<i32>} : memref<100x512xf32, #tpu.memory_space<vmem>>, vector<1x512xf32>,
    %get3A_2170 = arith.constant 20 : index
    %get3A_2171 = arith.constant 0 : index
    %get3A_2172 = vector.load %arg3[%get3A_2170, %get3A_2171] : memref<50x512xi32, #tpu.memory_space<vmem>>, vector<1x512xi32>
    %slice3A_2173 = vector.extract_strided_slice %get3A_109 {offsets = [0, 0], sizes = [24, 512], strides = [1, 1]} : vector<50x512xi32> to vector<24x512xi32>
    %eq3A_2174 = vector.broadcast %get3A_2172 : vector<1x512xi32> to vector<24x512xi32>
    %eq3A_2175 = arith.cmpi eq, %slice3A_2173, %eq3A_2174 : vector<24x512xi32>
    %slice3A_2176 = vector.extract_strided_slice %iota3A {offsets = [0, 0], sizes = [24, 512], strides = [1, 1]} : vector<50x512xi32> to vector<24x512xi32>
    %lt3A_2177 = arith.constant 20 : i32
    %lt3A_2178 = vector.broadcast %lt3A_2177 : i32 to vector<24x512xi32>
    %lt3A_2179 = arith.cmpi slt, %slice3A_2176, %lt3A_2178 : vector<24x512xi32>
    %and3A_2180 = arith.andi %eq3A_2175, %lt3A_2179 : vector<24x512xi1>
    %slice3A_2181 = vector.extract_strided_slice %iota3A {offsets = [0, 0], sizes = [24, 512], strides = [1, 1]} : vector<50x512xi32> to vector<24x512xi32>
    %jit3A_2182 = arith.constant -1 : i32
    %broadcast_in_dim3A_2183 = vector.broadcast %jit3A_2182 : i32 to vector<24x512xi32>
    %select_n3A_2184 = arith.select %and3A_2180, %slice3A_2181, %broadcast_in_dim3A_2183 : vector<24x512xi1>, vector<24x512xi32>
    %reduce_max3A_2185 = arith.constant dense<-2147483648> : vector<512xi32>
    %reduce_max3A_2186 = vector.multi_reduction <maxsi>, %select_n3A_2184, %reduce_max3A_2185 [0] : vector<24x512xi32> to vector<512xi32>
    %broadcast_in_dim3A_2187 = vector.shape_cast %reduce_max3A_2186 : vector<512xi32> to vector<1x512xi32>
    %slice3A_2188 = vector.extract_strided_slice %iota3A {offsets = [0, 0], sizes = [24, 512], strides = [1, 1]} : vector<50x512xi32> to vector<24x512xi32>
    %eq3A_2189 = vector.broadcast %broadcast_in_dim3A_2187 : vector<1x512xi32> to vector<24x512xi32>
    %eq3A_2190 = arith.cmpi eq, %slice3A_2188, %eq3A_2189 : vector<24x512xi32>
    %get3A_2191 = arith.constant 0 : index
    %get3A_2192 = arith.constant 0 : index
    %get3A_2193 = vector.load %arg6[%get3A_2191, %get3A_2192] : memref<100x512xf32, #tpu.memory_space<vmem>>, vector<24x512xf32>
    %jit3A_2194 = arith.constant 0.000000e+00 : f32
    %broadcast_in_dim3A_2195 = vector.broadcast %jit3A_2194 : f32 to vector<24x512xf32>
    %select_n3A_2196 = arith.select %eq3A_2190, %get3A_2193, %broadcast_in_dim3A_2195 : vector<24x512xi1>, vector<24x512xf32>
    %reduce_sum3A_2197 = arith.constant dense<0.000000e+00> : vector<512xf32>
    %reduce_sum3A_2198 = vector.multi_reduction <add>, %select_n3A_2196, %reduce_sum3A_2197 [0] : vector<24x512xf32> to vector<512xf32>
    %broadcast_in_dim3A_2199 = vector.shape_cast %reduce_sum3A_2198 : vector<512xf32> to vector<1x512xf32>
    %get3A_2200 = arith.constant 50 : index
    %get3A_2201 = arith.constant 0 : index
    %get3A_2202 = vector.load %arg6[%get3A_2200, %get3A_2201] : memref<100x512xf32, #tpu.memory_space<vmem>>, vector<24x512xf32>
    %jit3A_2203 = arith.constant 0.000000e+00 : f32
    %broadcast_in_dim3A_2204 = vector.broadcast %jit3A_2203 : f32 to vector<24x512xf32>
    %select_n3A_2205 = arith.select %eq3A_2190, %get3A_2202, %broadcast_in_dim3A_2204 : vector<24x512xi1>, vector<24x512xf32>
    %reduce_sum3A_2206 = arith.constant dense<0.000000e+00> : vector<512xf32>
    %reduce_sum3A_2207 = vector.multi_reduction <add>, %select_n3A_2205, %reduce_sum3A_2206 [0] : vector<24x512xf32> to vector<512xf32>
    %broadcast_in_dim3A_2208 = vector.shape_cast %reduce_sum3A_2207 : vector<512xf32> to vector<1x512xf32>
    %ge3A_2209 = arith.constant 0 : i32
    %ge3A_2210 = vector.broadcast %ge3A_2209 : i32 to vector<1x512xi32>
    %ge3A_2211 = arith.cmpi sge, %broadcast_in_dim3A_2187, %ge3A_2210 : vector<1x512xi32>
    %get3A_2212 = arith.constant 420 : index
    %get3A_2213 = arith.constant 0 : index
    %get3A_2214 = vector.load %arg7[%get3A_2212, %get3A_2213] : memref<500x512xf32, #tpu.memory_space<vmem>>, vector<1x512xf32>
    %sub3A_2215 = arith.subf %broadcast_in_dim3A_2199, %get3A_2214 : vector<1x512xf32>
    %get3A_2216 = arith.constant 320 : index
    %get3A_2217 = arith.constant 0 : index
    %get3A_2218 = vector.load %arg7[%get3A_2216, %get3A_2217] : memref<500x512xf32, #tpu.memory_space<vmem>>, vector<1x512xf32>
    %select_n3A_2219 = arith.select %ge3A_2211, %sub3A_2215, %get3A_2218 : vector<1x512xi1>, vector<1x512xf32>
    %get3A_2220 = arith.constant 470 : index
    %get3A_2221 = arith.constant 0 : index
    %get3A_2222 = vector.load %arg7[%get3A_2220, %get3A_2221] : memref<500x512xf32, #tpu.memory_space<vmem>>, vector<1x512xf32>
    %sub3A_2223 = arith.subf %broadcast_in_dim3A_2208, %get3A_2222 : vector<1x512xf32>
    %get3A_2224 = arith.constant 370 : index
    %get3A_2225 = arith.constant 0 : index
    %get3A_2226 = vector.load %arg7[%get3A_2224, %get3A_2225] : memref<500x512xf32, #tpu.memory_space<vmem>>, vector<1x512xf32>
    %select_n3A_2227 = arith.select %ge3A_2211, %sub3A_2223, %get3A_2226 : vector<1x512xi1>, vector<1x512xf32>
    %swap3A_2228 = arith.constant 20 : index
    %swap3A_2229 = arith.constant 0 : index
    %swap3A_2230 = vector.load %arg8[%swap3A_2228, %swap3A_2229] : memref<100x512xf32, #tpu.memory_space<vmem>>, vector<1x512xf32>
    tpu.vector_store %arg8[%swap3A_2228, %swap3A_2229], %select_n3A_2219 {strides = array<i32>} : memref<100x512xf32, #tpu.memory_space<vmem>>, vector<1x512xf32>,
    %swap3A_2231 = arith.constant 70 : index
    %swap3A_2232 = arith.constant 0 : index
    %swap3A_2233 = vector.load %arg8[%swap3A_2231, %swap3A_2232] : memref<100x512xf32, #tpu.memory_space<vmem>>, vector<1x512xf32>
    tpu.vector_store %arg8[%swap3A_2231, %swap3A_2232], %select_n3A_2227 {strides = array<i32>} : memref<100x512xf32, #tpu.memory_space<vmem>>, vector<1x512xf32>,
    %get3A_2234 = arith.constant 220 : index
    %get3A_2235 = arith.constant 0 : index
    %get3A_2236 = vector.load %arg7[%get3A_2234, %get3A_2235] : memref<500x512xf32, #tpu.memory_space<vmem>>, vector<1x512xf32>
    %add3A_2237 = arith.addf %get3A_2236, %select_n3A_2219 : vector<1x512xf32>
    %get3A_2238 = arith.constant 270 : index
    %get3A_2239 = arith.constant 0 : index
    %get3A_2240 = vector.load %arg7[%get3A_2238, %get3A_2239] : memref<500x512xf32, #tpu.memory_space<vmem>>, vector<1x512xf32>
    %add3A_2241 = arith.addf %get3A_2240, %select_n3A_2227 : vector<1x512xf32>
    %get3A_2242 = arith.constant 20 : index
    %get3A_2243 = arith.constant 0 : index
    %get3A_2244 = vector.load %arg7[%get3A_2242, %get3A_2243] : memref<500x512xf32, #tpu.memory_space<vmem>>, vector<1x512xf32>
    %add3A_2245 = arith.addf %add3A_2237, %get3A_2244 : vector<1x512xf32>
    %get3A_2246 = arith.constant 70 : index
    %get3A_2247 = arith.constant 0 : index
    %get3A_2248 = vector.load %arg7[%get3A_2246, %get3A_2247] : memref<500x512xf32, #tpu.memory_space<vmem>>, vector<1x512xf32>
    %add3A_2249 = arith.addf %add3A_2241, %get3A_2248 : vector<1x512xf32>
    %max3A_2250 = arith.maximumf %add3A_2245, %add3A_2249 : vector<1x512xf32>
    %min3A_2251 = arith.minimumf %add3A_2245, %add3A_2249 : vector<1x512xf32>
    %sub3A_2252 = arith.subf %min3A_2251, %max3A_2250 : vector<1x512xf32>
    %exp3A_2253 = math.exp %sub3A_2252 : vector<1x512xf32>
    %log1p3A_2254 = math.log1p %exp3A_2253 : vector<1x512xf32>
    %add3A_2255 = arith.addf %max3A_2250, %log1p3A_2254 : vector<1x512xf32>
    %swap3A_2256 = arith.constant 20 : index
    %swap3A_2257 = arith.constant 0 : index
    %swap3A_2258 = vector.load %arg6[%swap3A_2256, %swap3A_2257] : memref<100x512xf32, #tpu.memory_space<vmem>>, vector<1x512xf32>
    tpu.vector_store %arg6[%swap3A_2256, %swap3A_2257], %add3A_2255 {strides = array<i32>} : memref<100x512xf32, #tpu.memory_space<vmem>>, vector<1x512xf32>,
    %get3A_2259 = arith.constant 120 : index
    %get3A_2260 = arith.constant 0 : index
    %get3A_2261 = vector.load %arg7[%get3A_2259, %get3A_2260] : memref<500x512xf32, #tpu.memory_space<vmem>>, vector<1x512xf32>
    %add3A_2262 = arith.addf %add3A_2237, %get3A_2261 : vector<1x512xf32>
    %get3A_2263 = arith.constant 170 : index
    %get3A_2264 = arith.constant 0 : index
    %get3A_2265 = vector.load %arg7[%get3A_2263, %get3A_2264] : memref<500x512xf32, #tpu.memory_space<vmem>>, vector<1x512xf32>
    %add3A_2266 = arith.addf %add3A_2241, %get3A_2265 : vector<1x512xf32>
    %max3A_2267 = arith.maximumf %add3A_2262, %add3A_2266 : vector<1x512xf32>
    %min3A_2268 = arith.minimumf %add3A_2262, %add3A_2266 : vector<1x512xf32>
    %sub3A_2269 = arith.subf %min3A_2268, %max3A_2267 : vector<1x512xf32>
    %exp3A_2270 = math.exp %sub3A_2269 : vector<1x512xf32>
    %log1p3A_2271 = math.log1p %exp3A_2270 : vector<1x512xf32>
    %add3A_2272 = arith.addf %max3A_2267, %log1p3A_2271 : vector<1x512xf32>
    %swap3A_2273 = arith.constant 70 : index
    %swap3A_2274 = arith.constant 0 : index
    %swap3A_2275 = vector.load %arg6[%swap3A_2273, %swap3A_2274] : memref<100x512xf32, #tpu.memory_space<vmem>>, vector<1x512xf32>
    tpu.vector_store %arg6[%swap3A_2273, %swap3A_2274], %add3A_2272 {strides = array<i32>} : memref<100x512xf32, #tpu.memory_space<vmem>>, vector<1x512xf32>,
    %get3A_2276 = arith.constant 21 : index
    %get3A_2277 = arith.constant 0 : index
    %get3A_2278 = vector.load %arg3[%get3A_2276, %get3A_2277] : memref<50x512xi32, #tpu.memory_space<vmem>>, vector<1x512xi32>
    %slice3A_2279 = vector.extract_strided_slice %get3A_109 {offsets = [0, 0], sizes = [24, 512], strides = [1, 1]} : vector<50x512xi32> to vector<24x512xi32>
    %eq3A_2280 = vector.broadcast %get3A_2278 : vector<1x512xi32> to vector<24x512xi32>
    %eq3A_2281 = arith.cmpi eq, %slice3A_2279, %eq3A_2280 : vector<24x512xi32>
    %slice3A_2282 = vector.extract_strided_slice %iota3A {offsets = [0, 0], sizes = [24, 512], strides = [1, 1]} : vector<50x512xi32> to vector<24x512xi32>
    %lt3A_2283 = arith.constant 21 : i32
    %lt3A_2284 = vector.broadcast %lt3A_2283 : i32 to vector<24x512xi32>
    %lt3A_2285 = arith.cmpi slt, %slice3A_2282, %lt3A_2284 : vector<24x512xi32>
    %and3A_2286 = arith.andi %eq3A_2281, %lt3A_2285 : vector<24x512xi1>
    %slice3A_2287 = vector.extract_strided_slice %iota3A {offsets = [0, 0], sizes = [24, 512], strides = [1, 1]} : vector<50x512xi32> to vector<24x512xi32>
    %jit3A_2288 = arith.constant -1 : i32
    %broadcast_in_dim3A_2289 = vector.broadcast %jit3A_2288 : i32 to vector<24x512xi32>
    %select_n3A_2290 = arith.select %and3A_2286, %slice3A_2287, %broadcast_in_dim3A_2289 : vector<24x512xi1>, vector<24x512xi32>
    %reduce_max3A_2291 = arith.constant dense<-2147483648> : vector<512xi32>
    %reduce_max3A_2292 = vector.multi_reduction <maxsi>, %select_n3A_2290, %reduce_max3A_2291 [0] : vector<24x512xi32> to vector<512xi32>
    %broadcast_in_dim3A_2293 = vector.shape_cast %reduce_max3A_2292 : vector<512xi32> to vector<1x512xi32>
    %slice3A_2294 = vector.extract_strided_slice %iota3A {offsets = [0, 0], sizes = [24, 512], strides = [1, 1]} : vector<50x512xi32> to vector<24x512xi32>
    %eq3A_2295 = vector.broadcast %broadcast_in_dim3A_2293 : vector<1x512xi32> to vector<24x512xi32>
    %eq3A_2296 = arith.cmpi eq, %slice3A_2294, %eq3A_2295 : vector<24x512xi32>
    %get3A_2297 = arith.constant 0 : index
    %get3A_2298 = arith.constant 0 : index
    %get3A_2299 = vector.load %arg6[%get3A_2297, %get3A_2298] : memref<100x512xf32, #tpu.memory_space<vmem>>, vector<24x512xf32>
    %jit3A_2300 = arith.constant 0.000000e+00 : f32
    %broadcast_in_dim3A_2301 = vector.broadcast %jit3A_2300 : f32 to vector<24x512xf32>
    %select_n3A_2302 = arith.select %eq3A_2296, %get3A_2299, %broadcast_in_dim3A_2301 : vector<24x512xi1>, vector<24x512xf32>
    %reduce_sum3A_2303 = arith.constant dense<0.000000e+00> : vector<512xf32>
    %reduce_sum3A_2304 = vector.multi_reduction <add>, %select_n3A_2302, %reduce_sum3A_2303 [0] : vector<24x512xf32> to vector<512xf32>
    %broadcast_in_dim3A_2305 = vector.shape_cast %reduce_sum3A_2304 : vector<512xf32> to vector<1x512xf32>
    %get3A_2306 = arith.constant 50 : index
    %get3A_2307 = arith.constant 0 : index
    %get3A_2308 = vector.load %arg6[%get3A_2306, %get3A_2307] : memref<100x512xf32, #tpu.memory_space<vmem>>, vector<24x512xf32>
    %jit3A_2309 = arith.constant 0.000000e+00 : f32
    %broadcast_in_dim3A_2310 = vector.broadcast %jit3A_2309 : f32 to vector<24x512xf32>
    %select_n3A_2311 = arith.select %eq3A_2296, %get3A_2308, %broadcast_in_dim3A_2310 : vector<24x512xi1>, vector<24x512xf32>
    %reduce_sum3A_2312 = arith.constant dense<0.000000e+00> : vector<512xf32>
    %reduce_sum3A_2313 = vector.multi_reduction <add>, %select_n3A_2311, %reduce_sum3A_2312 [0] : vector<24x512xf32> to vector<512xf32>
    %broadcast_in_dim3A_2314 = vector.shape_cast %reduce_sum3A_2313 : vector<512xf32> to vector<1x512xf32>
    %ge3A_2315 = arith.constant 0 : i32
    %ge3A_2316 = vector.broadcast %ge3A_2315 : i32 to vector<1x512xi32>
    %ge3A_2317 = arith.cmpi sge, %broadcast_in_dim3A_2293, %ge3A_2316 : vector<1x512xi32>
    %get3A_2318 = arith.constant 421 : index
    %get3A_2319 = arith.constant 0 : index
    %get3A_2320 = vector.load %arg7[%get3A_2318, %get3A_2319] : memref<500x512xf32, #tpu.memory_space<vmem>>, vector<1x512xf32>
    %sub3A_2321 = arith.subf %broadcast_in_dim3A_2305, %get3A_2320 : vector<1x512xf32>
    %get3A_2322 = arith.constant 321 : index
    %get3A_2323 = arith.constant 0 : index
    %get3A_2324 = vector.load %arg7[%get3A_2322, %get3A_2323] : memref<500x512xf32, #tpu.memory_space<vmem>>, vector<1x512xf32>
    %select_n3A_2325 = arith.select %ge3A_2317, %sub3A_2321, %get3A_2324 : vector<1x512xi1>, vector<1x512xf32>
    %get3A_2326 = arith.constant 471 : index
    %get3A_2327 = arith.constant 0 : index
    %get3A_2328 = vector.load %arg7[%get3A_2326, %get3A_2327] : memref<500x512xf32, #tpu.memory_space<vmem>>, vector<1x512xf32>
    %sub3A_2329 = arith.subf %broadcast_in_dim3A_2314, %get3A_2328 : vector<1x512xf32>
    %get3A_2330 = arith.constant 371 : index
    %get3A_2331 = arith.constant 0 : index
    %get3A_2332 = vector.load %arg7[%get3A_2330, %get3A_2331] : memref<500x512xf32, #tpu.memory_space<vmem>>, vector<1x512xf32>
    %select_n3A_2333 = arith.select %ge3A_2317, %sub3A_2329, %get3A_2332 : vector<1x512xi1>, vector<1x512xf32>
    %swap3A_2334 = arith.constant 21 : index
    %swap3A_2335 = arith.constant 0 : index
    %swap3A_2336 = vector.load %arg8[%swap3A_2334, %swap3A_2335] : memref<100x512xf32, #tpu.memory_space<vmem>>, vector<1x512xf32>
    tpu.vector_store %arg8[%swap3A_2334, %swap3A_2335], %select_n3A_2325 {strides = array<i32>} : memref<100x512xf32, #tpu.memory_space<vmem>>, vector<1x512xf32>,
    %swap3A_2337 = arith.constant 71 : index
    %swap3A_2338 = arith.constant 0 : index
    %swap3A_2339 = vector.load %arg8[%swap3A_2337, %swap3A_2338] : memref<100x512xf32, #tpu.memory_space<vmem>>, vector<1x512xf32>
    tpu.vector_store %arg8[%swap3A_2337, %swap3A_2338], %select_n3A_2333 {strides = array<i32>} : memref<100x512xf32, #tpu.memory_space<vmem>>, vector<1x512xf32>,
    %get3A_2340 = arith.constant 221 : index
    %get3A_2341 = arith.constant 0 : index
    %get3A_2342 = vector.load %arg7[%get3A_2340, %get3A_2341] : memref<500x512xf32, #tpu.memory_space<vmem>>, vector<1x512xf32>
    %add3A_2343 = arith.addf %get3A_2342, %select_n3A_2325 : vector<1x512xf32>
    %get3A_2344 = arith.constant 271 : index
    %get3A_2345 = arith.constant 0 : index
    %get3A_2346 = vector.load %arg7[%get3A_2344, %get3A_2345] : memref<500x512xf32, #tpu.memory_space<vmem>>, vector<1x512xf32>
    %add3A_2347 = arith.addf %get3A_2346, %select_n3A_2333 : vector<1x512xf32>
    %get3A_2348 = arith.constant 21 : index
    %get3A_2349 = arith.constant 0 : index
    %get3A_2350 = vector.load %arg7[%get3A_2348, %get3A_2349] : memref<500x512xf32, #tpu.memory_space<vmem>>, vector<1x512xf32>
    %add3A_2351 = arith.addf %add3A_2343, %get3A_2350 : vector<1x512xf32>
    %get3A_2352 = arith.constant 71 : index
    %get3A_2353 = arith.constant 0 : index
    %get3A_2354 = vector.load %arg7[%get3A_2352, %get3A_2353] : memref<500x512xf32, #tpu.memory_space<vmem>>, vector<1x512xf32>
    %add3A_2355 = arith.addf %add3A_2347, %get3A_2354 : vector<1x512xf32>
    %max3A_2356 = arith.maximumf %add3A_2351, %add3A_2355 : vector<1x512xf32>
    %min3A_2357 = arith.minimumf %add3A_2351, %add3A_2355 : vector<1x512xf32>
    %sub3A_2358 = arith.subf %min3A_2357, %max3A_2356 : vector<1x512xf32>
    %exp3A_2359 = math.exp %sub3A_2358 : vector<1x512xf32>
    %log1p3A_2360 = math.log1p %exp3A_2359 : vector<1x512xf32>
    %add3A_2361 = arith.addf %max3A_2356, %log1p3A_2360 : vector<1x512xf32>
    %swap3A_2362 = arith.constant 21 : index
    %swap3A_2363 = arith.constant 0 : index
    %swap3A_2364 = vector.load %arg6[%swap3A_2362, %swap3A_2363] : memref<100x512xf32, #tpu.memory_space<vmem>>, vector<1x512xf32>
    tpu.vector_store %arg6[%swap3A_2362, %swap3A_2363], %add3A_2361 {strides = array<i32>} : memref<100x512xf32, #tpu.memory_space<vmem>>, vector<1x512xf32>,
    %get3A_2365 = arith.constant 121 : index
    %get3A_2366 = arith.constant 0 : index
    %get3A_2367 = vector.load %arg7[%get3A_2365, %get3A_2366] : memref<500x512xf32, #tpu.memory_space<vmem>>, vector<1x512xf32>
    %add3A_2368 = arith.addf %add3A_2343, %get3A_2367 : vector<1x512xf32>
    %get3A_2369 = arith.constant 171 : index
    %get3A_2370 = arith.constant 0 : index
    %get3A_2371 = vector.load %arg7[%get3A_2369, %get3A_2370] : memref<500x512xf32, #tpu.memory_space<vmem>>, vector<1x512xf32>
    %add3A_2372 = arith.addf %add3A_2347, %get3A_2371 : vector<1x512xf32>
    %max3A_2373 = arith.maximumf %add3A_2368, %add3A_2372 : vector<1x512xf32>
    %min3A_2374 = arith.minimumf %add3A_2368, %add3A_2372 : vector<1x512xf32>
    %sub3A_2375 = arith.subf %min3A_2374, %max3A_2373 : vector<1x512xf32>
    %exp3A_2376 = math.exp %sub3A_2375 : vector<1x512xf32>
    %log1p3A_2377 = math.log1p %exp3A_2376 : vector<1x512xf32>
    %add3A_2378 = arith.addf %max3A_2373, %log1p3A_2377 : vector<1x512xf32>
    %swap3A_2379 = arith.constant 71 : index
    %swap3A_2380 = arith.constant 0 : index
    %swap3A_2381 = vector.load %arg6[%swap3A_2379, %swap3A_2380] : memref<100x512xf32, #tpu.memory_space<vmem>>, vector<1x512xf32>
    tpu.vector_store %arg6[%swap3A_2379, %swap3A_2380], %add3A_2378 {strides = array<i32>} : memref<100x512xf32, #tpu.memory_space<vmem>>, vector<1x512xf32>,
    %get3A_2382 = arith.constant 22 : index
    %get3A_2383 = arith.constant 0 : index
    %get3A_2384 = vector.load %arg3[%get3A_2382, %get3A_2383] : memref<50x512xi32, #tpu.memory_space<vmem>>, vector<1x512xi32>
    %slice3A_2385 = vector.extract_strided_slice %get3A_109 {offsets = [0, 0], sizes = [24, 512], strides = [1, 1]} : vector<50x512xi32> to vector<24x512xi32>
    %eq3A_2386 = vector.broadcast %get3A_2384 : vector<1x512xi32> to vector<24x512xi32>
    %eq3A_2387 = arith.cmpi eq, %slice3A_2385, %eq3A_2386 : vector<24x512xi32>
    %slice3A_2388 = vector.extract_strided_slice %iota3A {offsets = [0, 0], sizes = [24, 512], strides = [1, 1]} : vector<50x512xi32> to vector<24x512xi32>
    %lt3A_2389 = arith.constant 22 : i32
    %lt3A_2390 = vector.broadcast %lt3A_2389 : i32 to vector<24x512xi32>
    %lt3A_2391 = arith.cmpi slt, %slice3A_2388, %lt3A_2390 : vector<24x512xi32>
    %and3A_2392 = arith.andi %eq3A_2387, %lt3A_2391 : vector<24x512xi1>
    %slice3A_2393 = vector.extract_strided_slice %iota3A {offsets = [0, 0], sizes = [24, 512], strides = [1, 1]} : vector<50x512xi32> to vector<24x512xi32>
    %jit3A_2394 = arith.constant -1 : i32
    %broadcast_in_dim3A_2395 = vector.broadcast %jit3A_2394 : i32 to vector<24x512xi32>
    %select_n3A_2396 = arith.select %and3A_2392, %slice3A_2393, %broadcast_in_dim3A_2395 : vector<24x512xi1>, vector<24x512xi32>
    %reduce_max3A_2397 = arith.constant dense<-2147483648> : vector<512xi32>
    %reduce_max3A_2398 = vector.multi_reduction <maxsi>, %select_n3A_2396, %reduce_max3A_2397 [0] : vector<24x512xi32> to vector<512xi32>
    %broadcast_in_dim3A_2399 = vector.shape_cast %reduce_max3A_2398 : vector<512xi32> to vector<1x512xi32>
    %slice3A_2400 = vector.extract_strided_slice %iota3A {offsets = [0, 0], sizes = [24, 512], strides = [1, 1]} : vector<50x512xi32> to vector<24x512xi32>
    %eq3A_2401 = vector.broadcast %broadcast_in_dim3A_2399 : vector<1x512xi32> to vector<24x512xi32>
    %eq3A_2402 = arith.cmpi eq, %slice3A_2400, %eq3A_2401 : vector<24x512xi32>
    %get3A_2403 = arith.constant 0 : index
    %get3A_2404 = arith.constant 0 : index
    %get3A_2405 = vector.load %arg6[%get3A_2403, %get3A_2404] : memref<100x512xf32, #tpu.memory_space<vmem>>, vector<24x512xf32>
    %jit3A_2406 = arith.constant 0.000000e+00 : f32
    %broadcast_in_dim3A_2407 = vector.broadcast %jit3A_2406 : f32 to vector<24x512xf32>
    %select_n3A_2408 = arith.select %eq3A_2402, %get3A_2405, %broadcast_in_dim3A_2407 : vector<24x512xi1>, vector<24x512xf32>
    %reduce_sum3A_2409 = arith.constant dense<0.000000e+00> : vector<512xf32>
    %reduce_sum3A_2410 = vector.multi_reduction <add>, %select_n3A_2408, %reduce_sum3A_2409 [0] : vector<24x512xf32> to vector<512xf32>
    %broadcast_in_dim3A_2411 = vector.shape_cast %reduce_sum3A_2410 : vector<512xf32> to vector<1x512xf32>
    %get3A_2412 = arith.constant 50 : index
    %get3A_2413 = arith.constant 0 : index
    %get3A_2414 = vector.load %arg6[%get3A_2412, %get3A_2413] : memref<100x512xf32, #tpu.memory_space<vmem>>, vector<24x512xf32>
    %jit3A_2415 = arith.constant 0.000000e+00 : f32
    %broadcast_in_dim3A_2416 = vector.broadcast %jit3A_2415 : f32 to vector<24x512xf32>
    %select_n3A_2417 = arith.select %eq3A_2402, %get3A_2414, %broadcast_in_dim3A_2416 : vector<24x512xi1>, vector<24x512xf32>
    %reduce_sum3A_2418 = arith.constant dense<0.000000e+00> : vector<512xf32>
    %reduce_sum3A_2419 = vector.multi_reduction <add>, %select_n3A_2417, %reduce_sum3A_2418 [0] : vector<24x512xf32> to vector<512xf32>
    %broadcast_in_dim3A_2420 = vector.shape_cast %reduce_sum3A_2419 : vector<512xf32> to vector<1x512xf32>
    %ge3A_2421 = arith.constant 0 : i32
    %ge3A_2422 = vector.broadcast %ge3A_2421 : i32 to vector<1x512xi32>
    %ge3A_2423 = arith.cmpi sge, %broadcast_in_dim3A_2399, %ge3A_2422 : vector<1x512xi32>
    %get3A_2424 = arith.constant 422 : index
    %get3A_2425 = arith.constant 0 : index
    %get3A_2426 = vector.load %arg7[%get3A_2424, %get3A_2425] : memref<500x512xf32, #tpu.memory_space<vmem>>, vector<1x512xf32>
    %sub3A_2427 = arith.subf %broadcast_in_dim3A_2411, %get3A_2426 : vector<1x512xf32>
    %get3A_2428 = arith.constant 322 : index
    %get3A_2429 = arith.constant 0 : index
    %get3A_2430 = vector.load %arg7[%get3A_2428, %get3A_2429] : memref<500x512xf32, #tpu.memory_space<vmem>>, vector<1x512xf32>
    %select_n3A_2431 = arith.select %ge3A_2423, %sub3A_2427, %get3A_2430 : vector<1x512xi1>, vector<1x512xf32>
    %get3A_2432 = arith.constant 472 : index
    %get3A_2433 = arith.constant 0 : index
    %get3A_2434 = vector.load %arg7[%get3A_2432, %get3A_2433] : memref<500x512xf32, #tpu.memory_space<vmem>>, vector<1x512xf32>
    %sub3A_2435 = arith.subf %broadcast_in_dim3A_2420, %get3A_2434 : vector<1x512xf32>
    %get3A_2436 = arith.constant 372 : index
    %get3A_2437 = arith.constant 0 : index
    %get3A_2438 = vector.load %arg7[%get3A_2436, %get3A_2437] : memref<500x512xf32, #tpu.memory_space<vmem>>, vector<1x512xf32>
    %select_n3A_2439 = arith.select %ge3A_2423, %sub3A_2435, %get3A_2438 : vector<1x512xi1>, vector<1x512xf32>
    %swap3A_2440 = arith.constant 22 : index
    %swap3A_2441 = arith.constant 0 : index
    %swap3A_2442 = vector.load %arg8[%swap3A_2440, %swap3A_2441] : memref<100x512xf32, #tpu.memory_space<vmem>>, vector<1x512xf32>
    tpu.vector_store %arg8[%swap3A_2440, %swap3A_2441], %select_n3A_2431 {strides = array<i32>} : memref<100x512xf32, #tpu.memory_space<vmem>>, vector<1x512xf32>,
    %swap3A_2443 = arith.constant 72 : index
    %swap3A_2444 = arith.constant 0 : index
    %swap3A_2445 = vector.load %arg8[%swap3A_2443, %swap3A_2444] : memref<100x512xf32, #tpu.memory_space<vmem>>, vector<1x512xf32>
    tpu.vector_store %arg8[%swap3A_2443, %swap3A_2444], %select_n3A_2439 {strides = array<i32>} : memref<100x512xf32, #tpu.memory_space<vmem>>, vector<1x512xf32>,
    %get3A_2446 = arith.constant 222 : index
    %get3A_2447 = arith.constant 0 : index
    %get3A_2448 = vector.load %arg7[%get3A_2446, %get3A_2447] : memref<500x512xf32, #tpu.memory_space<vmem>>, vector<1x512xf32>
    %add3A_2449 = arith.addf %get3A_2448, %select_n3A_2431 : vector<1x512xf32>
    %get3A_2450 = arith.constant 272 : index
    %get3A_2451 = arith.constant 0 : index
    %get3A_2452 = vector.load %arg7[%get3A_2450, %get3A_2451] : memref<500x512xf32, #tpu.memory_space<vmem>>, vector<1x512xf32>
    %add3A_2453 = arith.addf %get3A_2452, %select_n3A_2439 : vector<1x512xf32>
    %get3A_2454 = arith.constant 22 : index
    %get3A_2455 = arith.constant 0 : index
    %get3A_2456 = vector.load %arg7[%get3A_2454, %get3A_2455] : memref<500x512xf32, #tpu.memory_space<vmem>>, vector<1x512xf32>
    %add3A_2457 = arith.addf %add3A_2449, %get3A_2456 : vector<1x512xf32>
    %get3A_2458 = arith.constant 72 : index
    %get3A_2459 = arith.constant 0 : index
    %get3A_2460 = vector.load %arg7[%get3A_2458, %get3A_2459] : memref<500x512xf32, #tpu.memory_space<vmem>>, vector<1x512xf32>
    %add3A_2461 = arith.addf %add3A_2453, %get3A_2460 : vector<1x512xf32>
    %max3A_2462 = arith.maximumf %add3A_2457, %add3A_2461 : vector<1x512xf32>
    %min3A_2463 = arith.minimumf %add3A_2457, %add3A_2461 : vector<1x512xf32>
    %sub3A_2464 = arith.subf %min3A_2463, %max3A_2462 : vector<1x512xf32>
    %exp3A_2465 = math.exp %sub3A_2464 : vector<1x512xf32>
    %log1p3A_2466 = math.log1p %exp3A_2465 : vector<1x512xf32>
    %add3A_2467 = arith.addf %max3A_2462, %log1p3A_2466 : vector<1x512xf32>
    %swap3A_2468 = arith.constant 22 : index
    %swap3A_2469 = arith.constant 0 : index
    %swap3A_2470 = vector.load %arg6[%swap3A_2468, %swap3A_2469] : memref<100x512xf32, #tpu.memory_space<vmem>>, vector<1x512xf32>
    tpu.vector_store %arg6[%swap3A_2468, %swap3A_2469], %add3A_2467 {strides = array<i32>} : memref<100x512xf32, #tpu.memory_space<vmem>>, vector<1x512xf32>,
    %get3A_2471 = arith.constant 122 : index
    %get3A_2472 = arith.constant 0 : index
    %get3A_2473 = vector.load %arg7[%get3A_2471, %get3A_2472] : memref<500x512xf32, #tpu.memory_space<vmem>>, vector<1x512xf32>
    %add3A_2474 = arith.addf %add3A_2449, %get3A_2473 : vector<1x512xf32>
    %get3A_2475 = arith.constant 172 : index
    %get3A_2476 = arith.constant 0 : index
    %get3A_2477 = vector.load %arg7[%get3A_2475, %get3A_2476] : memref<500x512xf32, #tpu.memory_space<vmem>>, vector<1x512xf32>
    %add3A_2478 = arith.addf %add3A_2453, %get3A_2477 : vector<1x512xf32>
    %max3A_2479 = arith.maximumf %add3A_2474, %add3A_2478 : vector<1x512xf32>
    %min3A_2480 = arith.minimumf %add3A_2474, %add3A_2478 : vector<1x512xf32>
    %sub3A_2481 = arith.subf %min3A_2480, %max3A_2479 : vector<1x512xf32>
    %exp3A_2482 = math.exp %sub3A_2481 : vector<1x512xf32>
    %log1p3A_2483 = math.log1p %exp3A_2482 : vector<1x512xf32>
    %add3A_2484 = arith.addf %max3A_2479, %log1p3A_2483 : vector<1x512xf32>
    %swap3A_2485 = arith.constant 72 : index
    %swap3A_2486 = arith.constant 0 : index
    %swap3A_2487 = vector.load %arg6[%swap3A_2485, %swap3A_2486] : memref<100x512xf32, #tpu.memory_space<vmem>>, vector<1x512xf32>
    tpu.vector_store %arg6[%swap3A_2485, %swap3A_2486], %add3A_2484 {strides = array<i32>} : memref<100x512xf32, #tpu.memory_space<vmem>>, vector<1x512xf32>,
    %get3A_2488 = arith.constant 23 : index
    %get3A_2489 = arith.constant 0 : index
    %get3A_2490 = vector.load %arg3[%get3A_2488, %get3A_2489] : memref<50x512xi32, #tpu.memory_space<vmem>>, vector<1x512xi32>
    %slice3A_2491 = vector.extract_strided_slice %get3A_109 {offsets = [0, 0], sizes = [24, 512], strides = [1, 1]} : vector<50x512xi32> to vector<24x512xi32>
    %eq3A_2492 = vector.broadcast %get3A_2490 : vector<1x512xi32> to vector<24x512xi32>
    %eq3A_2493 = arith.cmpi eq, %slice3A_2491, %eq3A_2492 : vector<24x512xi32>
    %slice3A_2494 = vector.extract_strided_slice %iota3A {offsets = [0, 0], sizes = [24, 512], strides = [1, 1]} : vector<50x512xi32> to vector<24x512xi32>
    %lt3A_2495 = arith.constant 23 : i32
    %lt3A_2496 = vector.broadcast %lt3A_2495 : i32 to vector<24x512xi32>
    %lt3A_2497 = arith.cmpi slt, %slice3A_2494, %lt3A_2496 : vector<24x512xi32>
    %and3A_2498 = arith.andi %eq3A_2493, %lt3A_2497 : vector<24x512xi1>
    %slice3A_2499 = vector.extract_strided_slice %iota3A {offsets = [0, 0], sizes = [24, 512], strides = [1, 1]} : vector<50x512xi32> to vector<24x512xi32>
    %jit3A_2500 = arith.constant -1 : i32
    %broadcast_in_dim3A_2501 = vector.broadcast %jit3A_2500 : i32 to vector<24x512xi32>
    %select_n3A_2502 = arith.select %and3A_2498, %slice3A_2499, %broadcast_in_dim3A_2501 : vector<24x512xi1>, vector<24x512xi32>
    %reduce_max3A_2503 = arith.constant dense<-2147483648> : vector<512xi32>
    %reduce_max3A_2504 = vector.multi_reduction <maxsi>, %select_n3A_2502, %reduce_max3A_2503 [0] : vector<24x512xi32> to vector<512xi32>
    %broadcast_in_dim3A_2505 = vector.shape_cast %reduce_max3A_2504 : vector<512xi32> to vector<1x512xi32>
    %slice3A_2506 = vector.extract_strided_slice %iota3A {offsets = [0, 0], sizes = [24, 512], strides = [1, 1]} : vector<50x512xi32> to vector<24x512xi32>
    %eq3A_2507 = vector.broadcast %broadcast_in_dim3A_2505 : vector<1x512xi32> to vector<24x512xi32>
    %eq3A_2508 = arith.cmpi eq, %slice3A_2506, %eq3A_2507 : vector<24x512xi32>
    %get3A_2509 = arith.constant 0 : index
    %get3A_2510 = arith.constant 0 : index
    %get3A_2511 = vector.load %arg6[%get3A_2509, %get3A_2510] : memref<100x512xf32, #tpu.memory_space<vmem>>, vector<24x512xf32>
    %jit3A_2512 = arith.constant 0.000000e+00 : f32
    %broadcast_in_dim3A_2513 = vector.broadcast %jit3A_2512 : f32 to vector<24x512xf32>
    %select_n3A_2514 = arith.select %eq3A_2508, %get3A_2511, %broadcast_in_dim3A_2513 : vector<24x512xi1>, vector<24x512xf32>
    %reduce_sum3A_2515 = arith.constant dense<0.000000e+00> : vector<512xf32>
    %reduce_sum3A_2516 = vector.multi_reduction <add>, %select_n3A_2514, %reduce_sum3A_2515 [0] : vector<24x512xf32> to vector<512xf32>
    %broadcast_in_dim3A_2517 = vector.shape_cast %reduce_sum3A_2516 : vector<512xf32> to vector<1x512xf32>
    %get3A_2518 = arith.constant 50 : index
    %get3A_2519 = arith.constant 0 : index
    %get3A_2520 = vector.load %arg6[%get3A_2518, %get3A_2519] : memref<100x512xf32, #tpu.memory_space<vmem>>, vector<24x512xf32>
    %jit3A_2521 = arith.constant 0.000000e+00 : f32
    %broadcast_in_dim3A_2522 = vector.broadcast %jit3A_2521 : f32 to vector<24x512xf32>
    %select_n3A_2523 = arith.select %eq3A_2508, %get3A_2520, %broadcast_in_dim3A_2522 : vector<24x512xi1>, vector<24x512xf32>
    %reduce_sum3A_2524 = arith.constant dense<0.000000e+00> : vector<512xf32>
    %reduce_sum3A_2525 = vector.multi_reduction <add>, %select_n3A_2523, %reduce_sum3A_2524 [0] : vector<24x512xf32> to vector<512xf32>
    %broadcast_in_dim3A_2526 = vector.shape_cast %reduce_sum3A_2525 : vector<512xf32> to vector<1x512xf32>
    %ge3A_2527 = arith.constant 0 : i32
    %ge3A_2528 = vector.broadcast %ge3A_2527 : i32 to vector<1x512xi32>
    %ge3A_2529 = arith.cmpi sge, %broadcast_in_dim3A_2505, %ge3A_2528 : vector<1x512xi32>
    %get3A_2530 = arith.constant 423 : index
    %get3A_2531 = arith.constant 0 : index
    %get3A_2532 = vector.load %arg7[%get3A_2530, %get3A_2531] : memref<500x512xf32, #tpu.memory_space<vmem>>, vector<1x512xf32>
    %sub3A_2533 = arith.subf %broadcast_in_dim3A_2517, %get3A_2532 : vector<1x512xf32>
    %get3A_2534 = arith.constant 323 : index
    %get3A_2535 = arith.constant 0 : index
    %get3A_2536 = vector.load %arg7[%get3A_2534, %get3A_2535] : memref<500x512xf32, #tpu.memory_space<vmem>>, vector<1x512xf32>
    %select_n3A_2537 = arith.select %ge3A_2529, %sub3A_2533, %get3A_2536 : vector<1x512xi1>, vector<1x512xf32>
    %get3A_2538 = arith.constant 473 : index
    %get3A_2539 = arith.constant 0 : index
    %get3A_2540 = vector.load %arg7[%get3A_2538, %get3A_2539] : memref<500x512xf32, #tpu.memory_space<vmem>>, vector<1x512xf32>
    %sub3A_2541 = arith.subf %broadcast_in_dim3A_2526, %get3A_2540 : vector<1x512xf32>
    %get3A_2542 = arith.constant 373 : index
    %get3A_2543 = arith.constant 0 : index
    %get3A_2544 = vector.load %arg7[%get3A_2542, %get3A_2543] : memref<500x512xf32, #tpu.memory_space<vmem>>, vector<1x512xf32>
    %select_n3A_2545 = arith.select %ge3A_2529, %sub3A_2541, %get3A_2544 : vector<1x512xi1>, vector<1x512xf32>
    %swap3A_2546 = arith.constant 23 : index
    %swap3A_2547 = arith.constant 0 : index
    %swap3A_2548 = vector.load %arg8[%swap3A_2546, %swap3A_2547] : memref<100x512xf32, #tpu.memory_space<vmem>>, vector<1x512xf32>
    tpu.vector_store %arg8[%swap3A_2546, %swap3A_2547], %select_n3A_2537 {strides = array<i32>} : memref<100x512xf32, #tpu.memory_space<vmem>>, vector<1x512xf32>,
    %swap3A_2549 = arith.constant 73 : index
    %swap3A_2550 = arith.constant 0 : index
    %swap3A_2551 = vector.load %arg8[%swap3A_2549, %swap3A_2550] : memref<100x512xf32, #tpu.memory_space<vmem>>, vector<1x512xf32>
    tpu.vector_store %arg8[%swap3A_2549, %swap3A_2550], %select_n3A_2545 {strides = array<i32>} : memref<100x512xf32, #tpu.memory_space<vmem>>, vector<1x512xf32>,
    %get3A_2552 = arith.constant 223 : index
    %get3A_2553 = arith.constant 0 : index
    %get3A_2554 = vector.load %arg7[%get3A_2552, %get3A_2553] : memref<500x512xf32, #tpu.memory_space<vmem>>, vector<1x512xf32>
    %add3A_2555 = arith.addf %get3A_2554, %select_n3A_2537 : vector<1x512xf32>
    %get3A_2556 = arith.constant 273 : index
    %get3A_2557 = arith.constant 0 : index
    %get3A_2558 = vector.load %arg7[%get3A_2556, %get3A_2557] : memref<500x512xf32, #tpu.memory_space<vmem>>, vector<1x512xf32>
    %add3A_2559 = arith.addf %get3A_2558, %select_n3A_2545 : vector<1x512xf32>
    %get3A_2560 = arith.constant 23 : index
    %get3A_2561 = arith.constant 0 : index
    %get3A_2562 = vector.load %arg7[%get3A_2560, %get3A_2561] : memref<500x512xf32, #tpu.memory_space<vmem>>, vector<1x512xf32>
    %add3A_2563 = arith.addf %add3A_2555, %get3A_2562 : vector<1x512xf32>
    %get3A_2564 = arith.constant 73 : index
    %get3A_2565 = arith.constant 0 : index
    %get3A_2566 = vector.load %arg7[%get3A_2564, %get3A_2565] : memref<500x512xf32, #tpu.memory_space<vmem>>, vector<1x512xf32>
    %add3A_2567 = arith.addf %add3A_2559, %get3A_2566 : vector<1x512xf32>
    %max3A_2568 = arith.maximumf %add3A_2563, %add3A_2567 : vector<1x512xf32>
    %min3A_2569 = arith.minimumf %add3A_2563, %add3A_2567 : vector<1x512xf32>
    %sub3A_2570 = arith.subf %min3A_2569, %max3A_2568 : vector<1x512xf32>
    %exp3A_2571 = math.exp %sub3A_2570 : vector<1x512xf32>
    %log1p3A_2572 = math.log1p %exp3A_2571 : vector<1x512xf32>
    %add3A_2573 = arith.addf %max3A_2568, %log1p3A_2572 : vector<1x512xf32>
    %swap3A_2574 = arith.constant 23 : index
    %swap3A_2575 = arith.constant 0 : index
    %swap3A_2576 = vector.load %arg6[%swap3A_2574, %swap3A_2575] : memref<100x512xf32, #tpu.memory_space<vmem>>, vector<1x512xf32>
    tpu.vector_store %arg6[%swap3A_2574, %swap3A_2575], %add3A_2573 {strides = array<i32>} : memref<100x512xf32, #tpu.memory_space<vmem>>, vector<1x512xf32>,
    %get3A_2577 = arith.constant 123 : index
    %get3A_2578 = arith.constant 0 : index
    %get3A_2579 = vector.load %arg7[%get3A_2577, %get3A_2578] : memref<500x512xf32, #tpu.memory_space<vmem>>, vector<1x512xf32>
    %add3A_2580 = arith.addf %add3A_2555, %get3A_2579 : vector<1x512xf32>
    %get3A_2581 = arith.constant 173 : index
    %get3A_2582 = arith.constant 0 : index
    %get3A_2583 = vector.load %arg7[%get3A_2581, %get3A_2582] : memref<500x512xf32, #tpu.memory_space<vmem>>, vector<1x512xf32>
    %add3A_2584 = arith.addf %add3A_2559, %get3A_2583 : vector<1x512xf32>
    %max3A_2585 = arith.maximumf %add3A_2580, %add3A_2584 : vector<1x512xf32>
    %min3A_2586 = arith.minimumf %add3A_2580, %add3A_2584 : vector<1x512xf32>
    %sub3A_2587 = arith.subf %min3A_2586, %max3A_2585 : vector<1x512xf32>
    %exp3A_2588 = math.exp %sub3A_2587 : vector<1x512xf32>
    %log1p3A_2589 = math.log1p %exp3A_2588 : vector<1x512xf32>
    %add3A_2590 = arith.addf %max3A_2585, %log1p3A_2589 : vector<1x512xf32>
    %swap3A_2591 = arith.constant 73 : index
    %swap3A_2592 = arith.constant 0 : index
    %swap3A_2593 = vector.load %arg6[%swap3A_2591, %swap3A_2592] : memref<100x512xf32, #tpu.memory_space<vmem>>, vector<1x512xf32>
    tpu.vector_store %arg6[%swap3A_2591, %swap3A_2592], %add3A_2590 {strides = array<i32>} : memref<100x512xf32, #tpu.memory_space<vmem>>, vector<1x512xf32>,
    %get3A_2594 = arith.constant 24 : index
    %get3A_2595 = arith.constant 0 : index
    %get3A_2596 = vector.load %arg3[%get3A_2594, %get3A_2595] : memref<50x512xi32, #tpu.memory_space<vmem>>, vector<1x512xi32>
    %slice3A_2597 = vector.extract_strided_slice %get3A_109 {offsets = [0, 0], sizes = [24, 512], strides = [1, 1]} : vector<50x512xi32> to vector<24x512xi32>
    %eq3A_2598 = vector.broadcast %get3A_2596 : vector<1x512xi32> to vector<24x512xi32>
    %eq3A_2599 = arith.cmpi eq, %slice3A_2597, %eq3A_2598 : vector<24x512xi32>
    %slice3A_2600 = vector.extract_strided_slice %iota3A {offsets = [0, 0], sizes = [24, 512], strides = [1, 1]} : vector<50x512xi32> to vector<24x512xi32>
    %lt3A_2601 = arith.constant 24 : i32
    %lt3A_2602 = vector.broadcast %lt3A_2601 : i32 to vector<24x512xi32>
    %lt3A_2603 = arith.cmpi slt, %slice3A_2600, %lt3A_2602 : vector<24x512xi32>
    %and3A_2604 = arith.andi %eq3A_2599, %lt3A_2603 : vector<24x512xi1>
    %slice3A_2605 = vector.extract_strided_slice %iota3A {offsets = [0, 0], sizes = [24, 512], strides = [1, 1]} : vector<50x512xi32> to vector<24x512xi32>
    %jit3A_2606 = arith.constant -1 : i32
    %broadcast_in_dim3A_2607 = vector.broadcast %jit3A_2606 : i32 to vector<24x512xi32>
    %select_n3A_2608 = arith.select %and3A_2604, %slice3A_2605, %broadcast_in_dim3A_2607 : vector<24x512xi1>, vector<24x512xi32>
    %reduce_max3A_2609 = arith.constant dense<-2147483648> : vector<512xi32>
    %reduce_max3A_2610 = vector.multi_reduction <maxsi>, %select_n3A_2608, %reduce_max3A_2609 [0] : vector<24x512xi32> to vector<512xi32>
    %broadcast_in_dim3A_2611 = vector.shape_cast %reduce_max3A_2610 : vector<512xi32> to vector<1x512xi32>
    %slice3A_2612 = vector.extract_strided_slice %iota3A {offsets = [0, 0], sizes = [24, 512], strides = [1, 1]} : vector<50x512xi32> to vector<24x512xi32>
    %eq3A_2613 = vector.broadcast %broadcast_in_dim3A_2611 : vector<1x512xi32> to vector<24x512xi32>
    %eq3A_2614 = arith.cmpi eq, %slice3A_2612, %eq3A_2613 : vector<24x512xi32>
    %get3A_2615 = arith.constant 0 : index
    %get3A_2616 = arith.constant 0 : index
    %get3A_2617 = vector.load %arg6[%get3A_2615, %get3A_2616] : memref<100x512xf32, #tpu.memory_space<vmem>>, vector<24x512xf32>
    %jit3A_2618 = arith.constant 0.000000e+00 : f32
    %broadcast_in_dim3A_2619 = vector.broadcast %jit3A_2618 : f32 to vector<24x512xf32>
    %select_n3A_2620 = arith.select %eq3A_2614, %get3A_2617, %broadcast_in_dim3A_2619 : vector<24x512xi1>, vector<24x512xf32>
    %reduce_sum3A_2621 = arith.constant dense<0.000000e+00> : vector<512xf32>
    %reduce_sum3A_2622 = vector.multi_reduction <add>, %select_n3A_2620, %reduce_sum3A_2621 [0] : vector<24x512xf32> to vector<512xf32>
    %broadcast_in_dim3A_2623 = vector.shape_cast %reduce_sum3A_2622 : vector<512xf32> to vector<1x512xf32>
    %get3A_2624 = arith.constant 50 : index
    %get3A_2625 = arith.constant 0 : index
    %get3A_2626 = vector.load %arg6[%get3A_2624, %get3A_2625] : memref<100x512xf32, #tpu.memory_space<vmem>>, vector<24x512xf32>
    %jit3A_2627 = arith.constant 0.000000e+00 : f32
    %broadcast_in_dim3A_2628 = vector.broadcast %jit3A_2627 : f32 to vector<24x512xf32>
    %select_n3A_2629 = arith.select %eq3A_2614, %get3A_2626, %broadcast_in_dim3A_2628 : vector<24x512xi1>, vector<24x512xf32>
    %reduce_sum3A_2630 = arith.constant dense<0.000000e+00> : vector<512xf32>
    %reduce_sum3A_2631 = vector.multi_reduction <add>, %select_n3A_2629, %reduce_sum3A_2630 [0] : vector<24x512xf32> to vector<512xf32>
    %broadcast_in_dim3A_2632 = vector.shape_cast %reduce_sum3A_2631 : vector<512xf32> to vector<1x512xf32>
    %ge3A_2633 = arith.constant 0 : i32
    %ge3A_2634 = vector.broadcast %ge3A_2633 : i32 to vector<1x512xi32>
    %ge3A_2635 = arith.cmpi sge, %broadcast_in_dim3A_2611, %ge3A_2634 : vector<1x512xi32>
    %get3A_2636 = arith.constant 424 : index
    %get3A_2637 = arith.constant 0 : index
    %get3A_2638 = vector.load %arg7[%get3A_2636, %get3A_2637] : memref<500x512xf32, #tpu.memory_space<vmem>>, vector<1x512xf32>
    %sub3A_2639 = arith.subf %broadcast_in_dim3A_2623, %get3A_2638 : vector<1x512xf32>
    %get3A_2640 = arith.constant 324 : index
    %get3A_2641 = arith.constant 0 : index
    %get3A_2642 = vector.load %arg7[%get3A_2640, %get3A_2641] : memref<500x512xf32, #tpu.memory_space<vmem>>, vector<1x512xf32>
    %select_n3A_2643 = arith.select %ge3A_2635, %sub3A_2639, %get3A_2642 : vector<1x512xi1>, vector<1x512xf32>
    %get3A_2644 = arith.constant 474 : index
    %get3A_2645 = arith.constant 0 : index
    %get3A_2646 = vector.load %arg7[%get3A_2644, %get3A_2645] : memref<500x512xf32, #tpu.memory_space<vmem>>, vector<1x512xf32>
    %sub3A_2647 = arith.subf %broadcast_in_dim3A_2632, %get3A_2646 : vector<1x512xf32>
    %get3A_2648 = arith.constant 374 : index
    %get3A_2649 = arith.constant 0 : index
    %get3A_2650 = vector.load %arg7[%get3A_2648, %get3A_2649] : memref<500x512xf32, #tpu.memory_space<vmem>>, vector<1x512xf32>
    %select_n3A_2651 = arith.select %ge3A_2635, %sub3A_2647, %get3A_2650 : vector<1x512xi1>, vector<1x512xf32>
    %swap3A_2652 = arith.constant 24 : index
    %swap3A_2653 = arith.constant 0 : index
    %swap3A_2654 = vector.load %arg8[%swap3A_2652, %swap3A_2653] : memref<100x512xf32, #tpu.memory_space<vmem>>, vector<1x512xf32>
    tpu.vector_store %arg8[%swap3A_2652, %swap3A_2653], %select_n3A_2643 {strides = array<i32>} : memref<100x512xf32, #tpu.memory_space<vmem>>, vector<1x512xf32>,
    %swap3A_2655 = arith.constant 74 : index
    %swap3A_2656 = arith.constant 0 : index
    %swap3A_2657 = vector.load %arg8[%swap3A_2655, %swap3A_2656] : memref<100x512xf32, #tpu.memory_space<vmem>>, vector<1x512xf32>
    tpu.vector_store %arg8[%swap3A_2655, %swap3A_2656], %select_n3A_2651 {strides = array<i32>} : memref<100x512xf32, #tpu.memory_space<vmem>>, vector<1x512xf32>,
    %get3A_2658 = arith.constant 224 : index
    %get3A_2659 = arith.constant 0 : index
    %get3A_2660 = vector.load %arg7[%get3A_2658, %get3A_2659] : memref<500x512xf32, #tpu.memory_space<vmem>>, vector<1x512xf32>
    %add3A_2661 = arith.addf %get3A_2660, %select_n3A_2643 : vector<1x512xf32>
    %get3A_2662 = arith.constant 274 : index
    %get3A_2663 = arith.constant 0 : index
    %get3A_2664 = vector.load %arg7[%get3A_2662, %get3A_2663] : memref<500x512xf32, #tpu.memory_space<vmem>>, vector<1x512xf32>
    %add3A_2665 = arith.addf %get3A_2664, %select_n3A_2651 : vector<1x512xf32>
    %get3A_2666 = arith.constant 24 : index
    %get3A_2667 = arith.constant 0 : index
    %get3A_2668 = vector.load %arg7[%get3A_2666, %get3A_2667] : memref<500x512xf32, #tpu.memory_space<vmem>>, vector<1x512xf32>
    %add3A_2669 = arith.addf %add3A_2661, %get3A_2668 : vector<1x512xf32>
    %get3A_2670 = arith.constant 74 : index
    %get3A_2671 = arith.constant 0 : index
    %get3A_2672 = vector.load %arg7[%get3A_2670, %get3A_2671] : memref<500x512xf32, #tpu.memory_space<vmem>>, vector<1x512xf32>
    %add3A_2673 = arith.addf %add3A_2665, %get3A_2672 : vector<1x512xf32>
    %max3A_2674 = arith.maximumf %add3A_2669, %add3A_2673 : vector<1x512xf32>
    %min3A_2675 = arith.minimumf %add3A_2669, %add3A_2673 : vector<1x512xf32>
    %sub3A_2676 = arith.subf %min3A_2675, %max3A_2674 : vector<1x512xf32>
    %exp3A_2677 = math.exp %sub3A_2676 : vector<1x512xf32>
    %log1p3A_2678 = math.log1p %exp3A_2677 : vector<1x512xf32>
    %add3A_2679 = arith.addf %max3A_2674, %log1p3A_2678 : vector<1x512xf32>
    %swap3A_2680 = arith.constant 24 : index
    %swap3A_2681 = arith.constant 0 : index
    %swap3A_2682 = vector.load %arg6[%swap3A_2680, %swap3A_2681] : memref<100x512xf32, #tpu.memory_space<vmem>>, vector<1x512xf32>
    tpu.vector_store %arg6[%swap3A_2680, %swap3A_2681], %add3A_2679 {strides = array<i32>} : memref<100x512xf32, #tpu.memory_space<vmem>>, vector<1x512xf32>,
    %get3A_2683 = arith.constant 124 : index
    %get3A_2684 = arith.constant 0 : index
    %get3A_2685 = vector.load %arg7[%get3A_2683, %get3A_2684] : memref<500x512xf32, #tpu.memory_space<vmem>>, vector<1x512xf32>
    %add3A_2686 = arith.addf %add3A_2661, %get3A_2685 : vector<1x512xf32>
    %get3A_2687 = arith.constant 174 : index
    %get3A_2688 = arith.constant 0 : index
    %get3A_2689 = vector.load %arg7[%get3A_2687, %get3A_2688] : memref<500x512xf32, #tpu.memory_space<vmem>>, vector<1x512xf32>
    %add3A_2690 = arith.addf %add3A_2665, %get3A_2689 : vector<1x512xf32>
    %max3A_2691 = arith.maximumf %add3A_2686, %add3A_2690 : vector<1x512xf32>
    %min3A_2692 = arith.minimumf %add3A_2686, %add3A_2690 : vector<1x512xf32>
    %sub3A_2693 = arith.subf %min3A_2692, %max3A_2691 : vector<1x512xf32>
    %exp3A_2694 = math.exp %sub3A_2693 : vector<1x512xf32>
    %log1p3A_2695 = math.log1p %exp3A_2694 : vector<1x512xf32>
    %add3A_2696 = arith.addf %max3A_2691, %log1p3A_2695 : vector<1x512xf32>
    %swap3A_2697 = arith.constant 74 : index
    %swap3A_2698 = arith.constant 0 : index
    %swap3A_2699 = vector.load %arg6[%swap3A_2697, %swap3A_2698] : memref<100x512xf32, #tpu.memory_space<vmem>>, vector<1x512xf32>
    tpu.vector_store %arg6[%swap3A_2697, %swap3A_2698], %add3A_2696 {strides = array<i32>} : memref<100x512xf32, #tpu.memory_space<vmem>>, vector<1x512xf32>,
    %get3A_2700 = arith.constant 25 : index
    %get3A_2701 = arith.constant 0 : index
    %get3A_2702 = vector.load %arg3[%get3A_2700, %get3A_2701] : memref<50x512xi32, #tpu.memory_space<vmem>>, vector<1x512xi32>
    %slice3A_2703 = vector.extract_strided_slice %get3A_109 {offsets = [0, 0], sizes = [32, 512], strides = [1, 1]} : vector<50x512xi32> to vector<32x512xi32>
    %eq3A_2704 = vector.broadcast %get3A_2702 : vector<1x512xi32> to vector<32x512xi32>
    %eq3A_2705 = arith.cmpi eq, %slice3A_2703, %eq3A_2704 : vector<32x512xi32>
    %slice3A_2706 = vector.extract_strided_slice %iota3A {offsets = [0, 0], sizes = [32, 512], strides = [1, 1]} : vector<50x512xi32> to vector<32x512xi32>
    %lt3A_2707 = arith.constant 25 : i32
    %lt3A_2708 = vector.broadcast %lt3A_2707 : i32 to vector<32x512xi32>
    %lt3A_2709 = arith.cmpi slt, %slice3A_2706, %lt3A_2708 : vector<32x512xi32>
    %and3A_2710 = arith.andi %eq3A_2705, %lt3A_2709 : vector<32x512xi1>
    %slice3A_2711 = vector.extract_strided_slice %iota3A {offsets = [0, 0], sizes = [32, 512], strides = [1, 1]} : vector<50x512xi32> to vector<32x512xi32>
    %jit3A_2712 = arith.constant -1 : i32
    %broadcast_in_dim3A_2713 = vector.broadcast %jit3A_2712 : i32 to vector<32x512xi32>
    %select_n3A_2714 = arith.select %and3A_2710, %slice3A_2711, %broadcast_in_dim3A_2713 : vector<32x512xi1>, vector<32x512xi32>
    %reduce_max3A_2715 = arith.constant dense<-2147483648> : vector<512xi32>
    %reduce_max3A_2716 = vector.multi_reduction <maxsi>, %select_n3A_2714, %reduce_max3A_2715 [0] : vector<32x512xi32> to vector<512xi32>
    %broadcast_in_dim3A_2717 = vector.shape_cast %reduce_max3A_2716 : vector<512xi32> to vector<1x512xi32>
    %slice3A_2718 = vector.extract_strided_slice %iota3A {offsets = [0, 0], sizes = [32, 512], strides = [1, 1]} : vector<50x512xi32> to vector<32x512xi32>
    %eq3A_2719 = vector.broadcast %broadcast_in_dim3A_2717 : vector<1x512xi32> to vector<32x512xi32>
    %eq3A_2720 = arith.cmpi eq, %slice3A_2718, %eq3A_2719 : vector<32x512xi32>
    %get3A_2721 = arith.constant 0 : index
    %get3A_2722 = arith.constant 0 : index
    %get3A_2723 = vector.load %arg6[%get3A_2721, %get3A_2722] : memref<100x512xf32, #tpu.memory_space<vmem>>, vector<32x512xf32>
    %jit3A_2724 = arith.constant 0.000000e+00 : f32
    %broadcast_in_dim3A_2725 = vector.broadcast %jit3A_2724 : f32 to vector<32x512xf32>
    %select_n3A_2726 = arith.select %eq3A_2720, %get3A_2723, %broadcast_in_dim3A_2725 : vector<32x512xi1>, vector<32x512xf32>
    %reduce_sum3A_2727 = arith.constant dense<0.000000e+00> : vector<512xf32>
    %reduce_sum3A_2728 = vector.multi_reduction <add>, %select_n3A_2726, %reduce_sum3A_2727 [0] : vector<32x512xf32> to vector<512xf32>
    %broadcast_in_dim3A_2729 = vector.shape_cast %reduce_sum3A_2728 : vector<512xf32> to vector<1x512xf32>
    %get3A_2730 = arith.constant 50 : index
    %get3A_2731 = arith.constant 0 : index
    %get3A_2732 = vector.load %arg6[%get3A_2730, %get3A_2731] : memref<100x512xf32, #tpu.memory_space<vmem>>, vector<32x512xf32>
    %jit3A_2733 = arith.constant 0.000000e+00 : f32
    %broadcast_in_dim3A_2734 = vector.broadcast %jit3A_2733 : f32 to vector<32x512xf32>
    %select_n3A_2735 = arith.select %eq3A_2720, %get3A_2732, %broadcast_in_dim3A_2734 : vector<32x512xi1>, vector<32x512xf32>
    %reduce_sum3A_2736 = arith.constant dense<0.000000e+00> : vector<512xf32>
    %reduce_sum3A_2737 = vector.multi_reduction <add>, %select_n3A_2735, %reduce_sum3A_2736 [0] : vector<32x512xf32> to vector<512xf32>
    %broadcast_in_dim3A_2738 = vector.shape_cast %reduce_sum3A_2737 : vector<512xf32> to vector<1x512xf32>
    %ge3A_2739 = arith.constant 0 : i32
    %ge3A_2740 = vector.broadcast %ge3A_2739 : i32 to vector<1x512xi32>
    %ge3A_2741 = arith.cmpi sge, %broadcast_in_dim3A_2717, %ge3A_2740 : vector<1x512xi32>
    %get3A_2742 = arith.constant 425 : index
    %get3A_2743 = arith.constant 0 : index
    %get3A_2744 = vector.load %arg7[%get3A_2742, %get3A_2743] : memref<500x512xf32, #tpu.memory_space<vmem>>, vector<1x512xf32>
    %sub3A_2745 = arith.subf %broadcast_in_dim3A_2729, %get3A_2744 : vector<1x512xf32>
    %get3A_2746 = arith.constant 325 : index
    %get3A_2747 = arith.constant 0 : index
    %get3A_2748 = vector.load %arg7[%get3A_2746, %get3A_2747] : memref<500x512xf32, #tpu.memory_space<vmem>>, vector<1x512xf32>
    %select_n3A_2749 = arith.select %ge3A_2741, %sub3A_2745, %get3A_2748 : vector<1x512xi1>, vector<1x512xf32>
    %get3A_2750 = arith.constant 475 : index
    %get3A_2751 = arith.constant 0 : index
    %get3A_2752 = vector.load %arg7[%get3A_2750, %get3A_2751] : memref<500x512xf32, #tpu.memory_space<vmem>>, vector<1x512xf32>
    %sub3A_2753 = arith.subf %broadcast_in_dim3A_2738, %get3A_2752 : vector<1x512xf32>
    %get3A_2754 = arith.constant 375 : index
    %get3A_2755 = arith.constant 0 : index
    %get3A_2756 = vector.load %arg7[%get3A_2754, %get3A_2755] : memref<500x512xf32, #tpu.memory_space<vmem>>, vector<1x512xf32>
    %select_n3A_2757 = arith.select %ge3A_2741, %sub3A_2753, %get3A_2756 : vector<1x512xi1>, vector<1x512xf32>
    %swap3A_2758 = arith.constant 25 : index
    %swap3A_2759 = arith.constant 0 : index
    %swap3A_2760 = vector.load %arg8[%swap3A_2758, %swap3A_2759] : memref<100x512xf32, #tpu.memory_space<vmem>>, vector<1x512xf32>
    tpu.vector_store %arg8[%swap3A_2758, %swap3A_2759], %select_n3A_2749 {strides = array<i32>} : memref<100x512xf32, #tpu.memory_space<vmem>>, vector<1x512xf32>,
    %swap3A_2761 = arith.constant 75 : index
    %swap3A_2762 = arith.constant 0 : index
    %swap3A_2763 = vector.load %arg8[%swap3A_2761, %swap3A_2762] : memref<100x512xf32, #tpu.memory_space<vmem>>, vector<1x512xf32>
    tpu.vector_store %arg8[%swap3A_2761, %swap3A_2762], %select_n3A_2757 {strides = array<i32>} : memref<100x512xf32, #tpu.memory_space<vmem>>, vector<1x512xf32>,
    %get3A_2764 = arith.constant 225 : index
    %get3A_2765 = arith.constant 0 : index
    %get3A_2766 = vector.load %arg7[%get3A_2764, %get3A_2765] : memref<500x512xf32, #tpu.memory_space<vmem>>, vector<1x512xf32>
    %add3A_2767 = arith.addf %get3A_2766, %select_n3A_2749 : vector<1x512xf32>
    %get3A_2768 = arith.constant 275 : index
    %get3A_2769 = arith.constant 0 : index
    %get3A_2770 = vector.load %arg7[%get3A_2768, %get3A_2769] : memref<500x512xf32, #tpu.memory_space<vmem>>, vector<1x512xf32>
    %add3A_2771 = arith.addf %get3A_2770, %select_n3A_2757 : vector<1x512xf32>
    %get3A_2772 = arith.constant 25 : index
    %get3A_2773 = arith.constant 0 : index
    %get3A_2774 = vector.load %arg7[%get3A_2772, %get3A_2773] : memref<500x512xf32, #tpu.memory_space<vmem>>, vector<1x512xf32>
    %add3A_2775 = arith.addf %add3A_2767, %get3A_2774 : vector<1x512xf32>
    %get3A_2776 = arith.constant 75 : index
    %get3A_2777 = arith.constant 0 : index
    %get3A_2778 = vector.load %arg7[%get3A_2776, %get3A_2777] : memref<500x512xf32, #tpu.memory_space<vmem>>, vector<1x512xf32>
    %add3A_2779 = arith.addf %add3A_2771, %get3A_2778 : vector<1x512xf32>
    %max3A_2780 = arith.maximumf %add3A_2775, %add3A_2779 : vector<1x512xf32>
    %min3A_2781 = arith.minimumf %add3A_2775, %add3A_2779 : vector<1x512xf32>
    %sub3A_2782 = arith.subf %min3A_2781, %max3A_2780 : vector<1x512xf32>
    %exp3A_2783 = math.exp %sub3A_2782 : vector<1x512xf32>
    %log1p3A_2784 = math.log1p %exp3A_2783 : vector<1x512xf32>
    %add3A_2785 = arith.addf %max3A_2780, %log1p3A_2784 : vector<1x512xf32>
    %swap3A_2786 = arith.constant 25 : index
    %swap3A_2787 = arith.constant 0 : index
    %swap3A_2788 = vector.load %arg6[%swap3A_2786, %swap3A_2787] : memref<100x512xf32, #tpu.memory_space<vmem>>, vector<1x512xf32>
    tpu.vector_store %arg6[%swap3A_2786, %swap3A_2787], %add3A_2785 {strides = array<i32>} : memref<100x512xf32, #tpu.memory_space<vmem>>, vector<1x512xf32>,
    %get3A_2789 = arith.constant 125 : index
    %get3A_2790 = arith.constant 0 : index
    %get3A_2791 = vector.load %arg7[%get3A_2789, %get3A_2790] : memref<500x512xf32, #tpu.memory_space<vmem>>, vector<1x512xf32>
    %add3A_2792 = arith.addf %add3A_2767, %get3A_2791 : vector<1x512xf32>
    %get3A_2793 = arith.constant 175 : index
    %get3A_2794 = arith.constant 0 : index
    %get3A_2795 = vector.load %arg7[%get3A_2793, %get3A_2794] : memref<500x512xf32, #tpu.memory_space<vmem>>, vector<1x512xf32>
    %add3A_2796 = arith.addf %add3A_2771, %get3A_2795 : vector<1x512xf32>
    %max3A_2797 = arith.maximumf %add3A_2792, %add3A_2796 : vector<1x512xf32>
    %min3A_2798 = arith.minimumf %add3A_2792, %add3A_2796 : vector<1x512xf32>
    %sub3A_2799 = arith.subf %min3A_2798, %max3A_2797 : vector<1x512xf32>
    %exp3A_2800 = math.exp %sub3A_2799 : vector<1x512xf32>
    %log1p3A_2801 = math.log1p %exp3A_2800 : vector<1x512xf32>
    %add3A_2802 = arith.addf %max3A_2797, %log1p3A_2801 : vector<1x512xf32>
    %swap3A_2803 = arith.constant 75 : index
    %swap3A_2804 = arith.constant 0 : index
    %swap3A_2805 = vector.load %arg6[%swap3A_2803, %swap3A_2804] : memref<100x512xf32, #tpu.memory_space<vmem>>, vector<1x512xf32>
    tpu.vector_store %arg6[%swap3A_2803, %swap3A_2804], %add3A_2802 {strides = array<i32>} : memref<100x512xf32, #tpu.memory_space<vmem>>, vector<1x512xf32>,
    %get3A_2806 = arith.constant 26 : index
    %get3A_2807 = arith.constant 0 : index
    %get3A_2808 = vector.load %arg3[%get3A_2806, %get3A_2807] : memref<50x512xi32, #tpu.memory_space<vmem>>, vector<1x512xi32>
    %slice3A_2809 = vector.extract_strided_slice %get3A_109 {offsets = [0, 0], sizes = [32, 512], strides = [1, 1]} : vector<50x512xi32> to vector<32x512xi32>
    %eq3A_2810 = vector.broadcast %get3A_2808 : vector<1x512xi32> to vector<32x512xi32>
    %eq3A_2811 = arith.cmpi eq, %slice3A_2809, %eq3A_2810 : vector<32x512xi32>
    %slice3A_2812 = vector.extract_strided_slice %iota3A {offsets = [0, 0], sizes = [32, 512], strides = [1, 1]} : vector<50x512xi32> to vector<32x512xi32>
    %lt3A_2813 = arith.constant 26 : i32
    %lt3A_2814 = vector.broadcast %lt3A_2813 : i32 to vector<32x512xi32>
    %lt3A_2815 = arith.cmpi slt, %slice3A_2812, %lt3A_2814 : vector<32x512xi32>
    %and3A_2816 = arith.andi %eq3A_2811, %lt3A_2815 : vector<32x512xi1>
    %slice3A_2817 = vector.extract_strided_slice %iota3A {offsets = [0, 0], sizes = [32, 512], strides = [1, 1]} : vector<50x512xi32> to vector<32x512xi32>
    %jit3A_2818 = arith.constant -1 : i32
    %broadcast_in_dim3A_2819 = vector.broadcast %jit3A_2818 : i32 to vector<32x512xi32>
    %select_n3A_2820 = arith.select %and3A_2816, %slice3A_2817, %broadcast_in_dim3A_2819 : vector<32x512xi1>, vector<32x512xi32>
    %reduce_max3A_2821 = arith.constant dense<-2147483648> : vector<512xi32>
    %reduce_max3A_2822 = vector.multi_reduction <maxsi>, %select_n3A_2820, %reduce_max3A_2821 [0] : vector<32x512xi32> to vector<512xi32>
    %broadcast_in_dim3A_2823 = vector.shape_cast %reduce_max3A_2822 : vector<512xi32> to vector<1x512xi32>
    %slice3A_2824 = vector.extract_strided_slice %iota3A {offsets = [0, 0], sizes = [32, 512], strides = [1, 1]} : vector<50x512xi32> to vector<32x512xi32>
    %eq3A_2825 = vector.broadcast %broadcast_in_dim3A_2823 : vector<1x512xi32> to vector<32x512xi32>
    %eq3A_2826 = arith.cmpi eq, %slice3A_2824, %eq3A_2825 : vector<32x512xi32>
    %get3A_2827 = arith.constant 0 : index
    %get3A_2828 = arith.constant 0 : index
    %get3A_2829 = vector.load %arg6[%get3A_2827, %get3A_2828] : memref<100x512xf32, #tpu.memory_space<vmem>>, vector<32x512xf32>
    %jit3A_2830 = arith.constant 0.000000e+00 : f32
    %broadcast_in_dim3A_2831 = vector.broadcast %jit3A_2830 : f32 to vector<32x512xf32>
    %select_n3A_2832 = arith.select %eq3A_2826, %get3A_2829, %broadcast_in_dim3A_2831 : vector<32x512xi1>, vector<32x512xf32>
    %reduce_sum3A_2833 = arith.constant dense<0.000000e+00> : vector<512xf32>
    %reduce_sum3A_2834 = vector.multi_reduction <add>, %select_n3A_2832, %reduce_sum3A_2833 [0] : vector<32x512xf32> to vector<512xf32>
    %broadcast_in_dim3A_2835 = vector.shape_cast %reduce_sum3A_2834 : vector<512xf32> to vector<1x512xf32>
    %get3A_2836 = arith.constant 50 : index
    %get3A_2837 = arith.constant 0 : index
    %get3A_2838 = vector.load %arg6[%get3A_2836, %get3A_2837] : memref<100x512xf32, #tpu.memory_space<vmem>>, vector<32x512xf32>
    %jit3A_2839 = arith.constant 0.000000e+00 : f32
    %broadcast_in_dim3A_2840 = vector.broadcast %jit3A_2839 : f32 to vector<32x512xf32>
    %select_n3A_2841 = arith.select %eq3A_2826, %get3A_2838, %broadcast_in_dim3A_2840 : vector<32x512xi1>, vector<32x512xf32>
    %reduce_sum3A_2842 = arith.constant dense<0.000000e+00> : vector<512xf32>
    %reduce_sum3A_2843 = vector.multi_reduction <add>, %select_n3A_2841, %reduce_sum3A_2842 [0] : vector<32x512xf32> to vector<512xf32>
    %broadcast_in_dim3A_2844 = vector.shape_cast %reduce_sum3A_2843 : vector<512xf32> to vector<1x512xf32>
    %ge3A_2845 = arith.constant 0 : i32
    %ge3A_2846 = vector.broadcast %ge3A_2845 : i32 to vector<1x512xi32>
    %ge3A_2847 = arith.cmpi sge, %broadcast_in_dim3A_2823, %ge3A_2846 : vector<1x512xi32>
    %get3A_2848 = arith.constant 426 : index
    %get3A_2849 = arith.constant 0 : index
    %get3A_2850 = vector.load %arg7[%get3A_2848, %get3A_2849] : memref<500x512xf32, #tpu.memory_space<vmem>>, vector<1x512xf32>
    %sub3A_2851 = arith.subf %broadcast_in_dim3A_2835, %get3A_2850 : vector<1x512xf32>
    %get3A_2852 = arith.constant 326 : index
    %get3A_2853 = arith.constant 0 : index
    %get3A_2854 = vector.load %arg7[%get3A_2852, %get3A_2853] : memref<500x512xf32, #tpu.memory_space<vmem>>, vector<1x512xf32>
    %select_n3A_2855 = arith.select %ge3A_2847, %sub3A_2851, %get3A_2854 : vector<1x512xi1>, vector<1x512xf32>
    %get3A_2856 = arith.constant 476 : index
    %get3A_2857 = arith.constant 0 : index
    %get3A_2858 = vector.load %arg7[%get3A_2856, %get3A_2857] : memref<500x512xf32, #tpu.memory_space<vmem>>, vector<1x512xf32>
    %sub3A_2859 = arith.subf %broadcast_in_dim3A_2844, %get3A_2858 : vector<1x512xf32>
    %get3A_2860 = arith.constant 376 : index
    %get3A_2861 = arith.constant 0 : index
    %get3A_2862 = vector.load %arg7[%get3A_2860, %get3A_2861] : memref<500x512xf32, #tpu.memory_space<vmem>>, vector<1x512xf32>
    %select_n3A_2863 = arith.select %ge3A_2847, %sub3A_2859, %get3A_2862 : vector<1x512xi1>, vector<1x512xf32>
    %swap3A_2864 = arith.constant 26 : index
    %swap3A_2865 = arith.constant 0 : index
    %swap3A_2866 = vector.load %arg8[%swap3A_2864, %swap3A_2865] : memref<100x512xf32, #tpu.memory_space<vmem>>, vector<1x512xf32>
    tpu.vector_store %arg8[%swap3A_2864, %swap3A_2865], %select_n3A_2855 {strides = array<i32>} : memref<100x512xf32, #tpu.memory_space<vmem>>, vector<1x512xf32>,
    %swap3A_2867 = arith.constant 76 : index
    %swap3A_2868 = arith.constant 0 : index
    %swap3A_2869 = vector.load %arg8[%swap3A_2867, %swap3A_2868] : memref<100x512xf32, #tpu.memory_space<vmem>>, vector<1x512xf32>
    tpu.vector_store %arg8[%swap3A_2867, %swap3A_2868], %select_n3A_2863 {strides = array<i32>} : memref<100x512xf32, #tpu.memory_space<vmem>>, vector<1x512xf32>,
    %get3A_2870 = arith.constant 226 : index
    %get3A_2871 = arith.constant 0 : index
    %get3A_2872 = vector.load %arg7[%get3A_2870, %get3A_2871] : memref<500x512xf32, #tpu.memory_space<vmem>>, vector<1x512xf32>
    %add3A_2873 = arith.addf %get3A_2872, %select_n3A_2855 : vector<1x512xf32>
    %get3A_2874 = arith.constant 276 : index
    %get3A_2875 = arith.constant 0 : index
    %get3A_2876 = vector.load %arg7[%get3A_2874, %get3A_2875] : memref<500x512xf32, #tpu.memory_space<vmem>>, vector<1x512xf32>
    %add3A_2877 = arith.addf %get3A_2876, %select_n3A_2863 : vector<1x512xf32>
    %get3A_2878 = arith.constant 26 : index
    %get3A_2879 = arith.constant 0 : index
    %get3A_2880 = vector.load %arg7[%get3A_2878, %get3A_2879] : memref<500x512xf32, #tpu.memory_space<vmem>>, vector<1x512xf32>
    %add3A_2881 = arith.addf %add3A_2873, %get3A_2880 : vector<1x512xf32>
    %get3A_2882 = arith.constant 76 : index
    %get3A_2883 = arith.constant 0 : index
    %get3A_2884 = vector.load %arg7[%get3A_2882, %get3A_2883] : memref<500x512xf32, #tpu.memory_space<vmem>>, vector<1x512xf32>
    %add3A_2885 = arith.addf %add3A_2877, %get3A_2884 : vector<1x512xf32>
    %max3A_2886 = arith.maximumf %add3A_2881, %add3A_2885 : vector<1x512xf32>
    %min3A_2887 = arith.minimumf %add3A_2881, %add3A_2885 : vector<1x512xf32>
    %sub3A_2888 = arith.subf %min3A_2887, %max3A_2886 : vector<1x512xf32>
    %exp3A_2889 = math.exp %sub3A_2888 : vector<1x512xf32>
    %log1p3A_2890 = math.log1p %exp3A_2889 : vector<1x512xf32>
    %add3A_2891 = arith.addf %max3A_2886, %log1p3A_2890 : vector<1x512xf32>
    %swap3A_2892 = arith.constant 26 : index
    %swap3A_2893 = arith.constant 0 : index
    %swap3A_2894 = vector.load %arg6[%swap3A_2892, %swap3A_2893] : memref<100x512xf32, #tpu.memory_space<vmem>>, vector<1x512xf32>
    tpu.vector_store %arg6[%swap3A_2892, %swap3A_2893], %add3A_2891 {strides = array<i32>} : memref<100x512xf32, #tpu.memory_space<vmem>>, vector<1x512xf32>,
    %get3A_2895 = arith.constant 126 : index
    %get3A_2896 = arith.constant 0 : index
    %get3A_2897 = vector.load %arg7[%get3A_2895, %get3A_2896] : memref<500x512xf32, #tpu.memory_space<vmem>>, vector<1x512xf32>
    %add3A_2898 = arith.addf %add3A_2873, %get3A_2897 : vector<1x512xf32>
    %get3A_2899 = arith.constant 176 : index
    %get3A_2900 = arith.constant 0 : index
    %get3A_2901 = vector.load %arg7[%get3A_2899, %get3A_2900] : memref<500x512xf32, #tpu.memory_space<vmem>>, vector<1x512xf32>
    %add3A_2902 = arith.addf %add3A_2877, %get3A_2901 : vector<1x512xf32>
    %max3A_2903 = arith.maximumf %add3A_2898, %add3A_2902 : vector<1x512xf32>
    %min3A_2904 = arith.minimumf %add3A_2898, %add3A_2902 : vector<1x512xf32>
    %sub3A_2905 = arith.subf %min3A_2904, %max3A_2903 : vector<1x512xf32>
    %exp3A_2906 = math.exp %sub3A_2905 : vector<1x512xf32>
    %log1p3A_2907 = math.log1p %exp3A_2906 : vector<1x512xf32>
    %add3A_2908 = arith.addf %max3A_2903, %log1p3A_2907 : vector<1x512xf32>
    %swap3A_2909 = arith.constant 76 : index
    %swap3A_2910 = arith.constant 0 : index
    %swap3A_2911 = vector.load %arg6[%swap3A_2909, %swap3A_2910] : memref<100x512xf32, #tpu.memory_space<vmem>>, vector<1x512xf32>
    tpu.vector_store %arg6[%swap3A_2909, %swap3A_2910], %add3A_2908 {strides = array<i32>} : memref<100x512xf32, #tpu.memory_space<vmem>>, vector<1x512xf32>,
    %get3A_2912 = arith.constant 27 : index
    %get3A_2913 = arith.constant 0 : index
    %get3A_2914 = vector.load %arg3[%get3A_2912, %get3A_2913] : memref<50x512xi32, #tpu.memory_space<vmem>>, vector<1x512xi32>
    %slice3A_2915 = vector.extract_strided_slice %get3A_109 {offsets = [0, 0], sizes = [32, 512], strides = [1, 1]} : vector<50x512xi32> to vector<32x512xi32>
    %eq3A_2916 = vector.broadcast %get3A_2914 : vector<1x512xi32> to vector<32x512xi32>
    %eq3A_2917 = arith.cmpi eq, %slice3A_2915, %eq3A_2916 : vector<32x512xi32>
    %slice3A_2918 = vector.extract_strided_slice %iota3A {offsets = [0, 0], sizes = [32, 512], strides = [1, 1]} : vector<50x512xi32> to vector<32x512xi32>
    %lt3A_2919 = arith.constant 27 : i32
    %lt3A_2920 = vector.broadcast %lt3A_2919 : i32 to vector<32x512xi32>
    %lt3A_2921 = arith.cmpi slt, %slice3A_2918, %lt3A_2920 : vector<32x512xi32>
    %and3A_2922 = arith.andi %eq3A_2917, %lt3A_2921 : vector<32x512xi1>
    %slice3A_2923 = vector.extract_strided_slice %iota3A {offsets = [0, 0], sizes = [32, 512], strides = [1, 1]} : vector<50x512xi32> to vector<32x512xi32>
    %jit3A_2924 = arith.constant -1 : i32
    %broadcast_in_dim3A_2925 = vector.broadcast %jit3A_2924 : i32 to vector<32x512xi32>
    %select_n3A_2926 = arith.select %and3A_2922, %slice3A_2923, %broadcast_in_dim3A_2925 : vector<32x512xi1>, vector<32x512xi32>
    %reduce_max3A_2927 = arith.constant dense<-2147483648> : vector<512xi32>
    %reduce_max3A_2928 = vector.multi_reduction <maxsi>, %select_n3A_2926, %reduce_max3A_2927 [0] : vector<32x512xi32> to vector<512xi32>
    %broadcast_in_dim3A_2929 = vector.shape_cast %reduce_max3A_2928 : vector<512xi32> to vector<1x512xi32>
    %slice3A_2930 = vector.extract_strided_slice %iota3A {offsets = [0, 0], sizes = [32, 512], strides = [1, 1]} : vector<50x512xi32> to vector<32x512xi32>
    %eq3A_2931 = vector.broadcast %broadcast_in_dim3A_2929 : vector<1x512xi32> to vector<32x512xi32>
    %eq3A_2932 = arith.cmpi eq, %slice3A_2930, %eq3A_2931 : vector<32x512xi32>
    %get3A_2933 = arith.constant 0 : index
    %get3A_2934 = arith.constant 0 : index
    %get3A_2935 = vector.load %arg6[%get3A_2933, %get3A_2934] : memref<100x512xf32, #tpu.memory_space<vmem>>, vector<32x512xf32>
    %jit3A_2936 = arith.constant 0.000000e+00 : f32
    %broadcast_in_dim3A_2937 = vector.broadcast %jit3A_2936 : f32 to vector<32x512xf32>
    %select_n3A_2938 = arith.select %eq3A_2932, %get3A_2935, %broadcast_in_dim3A_2937 : vector<32x512xi1>, vector<32x512xf32>
    %reduce_sum3A_2939 = arith.constant dense<0.000000e+00> : vector<512xf32>
    %reduce_sum3A_2940 = vector.multi_reduction <add>, %select_n3A_2938, %reduce_sum3A_2939 [0] : vector<32x512xf32> to vector<512xf32>
    %broadcast_in_dim3A_2941 = vector.shape_cast %reduce_sum3A_2940 : vector<512xf32> to vector<1x512xf32>
    %get3A_2942 = arith.constant 50 : index
    %get3A_2943 = arith.constant 0 : index
    %get3A_2944 = vector.load %arg6[%get3A_2942, %get3A_2943] : memref<100x512xf32, #tpu.memory_space<vmem>>, vector<32x512xf32>
    %jit3A_2945 = arith.constant 0.000000e+00 : f32
    %broadcast_in_dim3A_2946 = vector.broadcast %jit3A_2945 : f32 to vector<32x512xf32>
    %select_n3A_2947 = arith.select %eq3A_2932, %get3A_2944, %broadcast_in_dim3A_2946 : vector<32x512xi1>, vector<32x512xf32>
    %reduce_sum3A_2948 = arith.constant dense<0.000000e+00> : vector<512xf32>
    %reduce_sum3A_2949 = vector.multi_reduction <add>, %select_n3A_2947, %reduce_sum3A_2948 [0] : vector<32x512xf32> to vector<512xf32>
    %broadcast_in_dim3A_2950 = vector.shape_cast %reduce_sum3A_2949 : vector<512xf32> to vector<1x512xf32>
    %ge3A_2951 = arith.constant 0 : i32
    %ge3A_2952 = vector.broadcast %ge3A_2951 : i32 to vector<1x512xi32>
    %ge3A_2953 = arith.cmpi sge, %broadcast_in_dim3A_2929, %ge3A_2952 : vector<1x512xi32>
    %get3A_2954 = arith.constant 427 : index
    %get3A_2955 = arith.constant 0 : index
    %get3A_2956 = vector.load %arg7[%get3A_2954, %get3A_2955] : memref<500x512xf32, #tpu.memory_space<vmem>>, vector<1x512xf32>
    %sub3A_2957 = arith.subf %broadcast_in_dim3A_2941, %get3A_2956 : vector<1x512xf32>
    %get3A_2958 = arith.constant 327 : index
    %get3A_2959 = arith.constant 0 : index
    %get3A_2960 = vector.load %arg7[%get3A_2958, %get3A_2959] : memref<500x512xf32, #tpu.memory_space<vmem>>, vector<1x512xf32>
    %select_n3A_2961 = arith.select %ge3A_2953, %sub3A_2957, %get3A_2960 : vector<1x512xi1>, vector<1x512xf32>
    %get3A_2962 = arith.constant 477 : index
    %get3A_2963 = arith.constant 0 : index
    %get3A_2964 = vector.load %arg7[%get3A_2962, %get3A_2963] : memref<500x512xf32, #tpu.memory_space<vmem>>, vector<1x512xf32>
    %sub3A_2965 = arith.subf %broadcast_in_dim3A_2950, %get3A_2964 : vector<1x512xf32>
    %get3A_2966 = arith.constant 377 : index
    %get3A_2967 = arith.constant 0 : index
    %get3A_2968 = vector.load %arg7[%get3A_2966, %get3A_2967] : memref<500x512xf32, #tpu.memory_space<vmem>>, vector<1x512xf32>
    %select_n3A_2969 = arith.select %ge3A_2953, %sub3A_2965, %get3A_2968 : vector<1x512xi1>, vector<1x512xf32>
    %swap3A_2970 = arith.constant 27 : index
    %swap3A_2971 = arith.constant 0 : index
    %swap3A_2972 = vector.load %arg8[%swap3A_2970, %swap3A_2971] : memref<100x512xf32, #tpu.memory_space<vmem>>, vector<1x512xf32>
    tpu.vector_store %arg8[%swap3A_2970, %swap3A_2971], %select_n3A_2961 {strides = array<i32>} : memref<100x512xf32, #tpu.memory_space<vmem>>, vector<1x512xf32>,
    %swap3A_2973 = arith.constant 77 : index
    %swap3A_2974 = arith.constant 0 : index
    %swap3A_2975 = vector.load %arg8[%swap3A_2973, %swap3A_2974] : memref<100x512xf32, #tpu.memory_space<vmem>>, vector<1x512xf32>
    tpu.vector_store %arg8[%swap3A_2973, %swap3A_2974], %select_n3A_2969 {strides = array<i32>} : memref<100x512xf32, #tpu.memory_space<vmem>>, vector<1x512xf32>,
    %get3A_2976 = arith.constant 227 : index
    %get3A_2977 = arith.constant 0 : index
    %get3A_2978 = vector.load %arg7[%get3A_2976, %get3A_2977] : memref<500x512xf32, #tpu.memory_space<vmem>>, vector<1x512xf32>
    %add3A_2979 = arith.addf %get3A_2978, %select_n3A_2961 : vector<1x512xf32>
    %get3A_2980 = arith.constant 277 : index
    %get3A_2981 = arith.constant 0 : index
    %get3A_2982 = vector.load %arg7[%get3A_2980, %get3A_2981] : memref<500x512xf32, #tpu.memory_space<vmem>>, vector<1x512xf32>
    %add3A_2983 = arith.addf %get3A_2982, %select_n3A_2969 : vector<1x512xf32>
    %get3A_2984 = arith.constant 27 : index
    %get3A_2985 = arith.constant 0 : index
    %get3A_2986 = vector.load %arg7[%get3A_2984, %get3A_2985] : memref<500x512xf32, #tpu.memory_space<vmem>>, vector<1x512xf32>
    %add3A_2987 = arith.addf %add3A_2979, %get3A_2986 : vector<1x512xf32>
    %get3A_2988 = arith.constant 77 : index
    %get3A_2989 = arith.constant 0 : index
    %get3A_2990 = vector.load %arg7[%get3A_2988, %get3A_2989] : memref<500x512xf32, #tpu.memory_space<vmem>>, vector<1x512xf32>
    %add3A_2991 = arith.addf %add3A_2983, %get3A_2990 : vector<1x512xf32>
    %max3A_2992 = arith.maximumf %add3A_2987, %add3A_2991 : vector<1x512xf32>
    %min3A_2993 = arith.minimumf %add3A_2987, %add3A_2991 : vector<1x512xf32>
    %sub3A_2994 = arith.subf %min3A_2993, %max3A_2992 : vector<1x512xf32>
    %exp3A_2995 = math.exp %sub3A_2994 : vector<1x512xf32>
    %log1p3A_2996 = math.log1p %exp3A_2995 : vector<1x512xf32>
    %add3A_2997 = arith.addf %max3A_2992, %log1p3A_2996 : vector<1x512xf32>
    %swap3A_2998 = arith.constant 27 : index
    %swap3A_2999 = arith.constant 0 : index
    %swap3A_3000 = vector.load %arg6[%swap3A_2998, %swap3A_2999] : memref<100x512xf32, #tpu.memory_space<vmem>>, vector<1x512xf32>
    tpu.vector_store %arg6[%swap3A_2998, %swap3A_2999], %add3A_2997 {strides = array<i32>} : memref<100x512xf32, #tpu.memory_space<vmem>>, vector<1x512xf32>,
    %get3A_3001 = arith.constant 127 : index
    %get3A_3002 = arith.constant 0 : index
    %get3A_3003 = vector.load %arg7[%get3A_3001, %get3A_3002] : memref<500x512xf32, #tpu.memory_space<vmem>>, vector<1x512xf32>
    %add3A_3004 = arith.addf %add3A_2979, %get3A_3003 : vector<1x512xf32>
    %get3A_3005 = arith.constant 177 : index
    %get3A_3006 = arith.constant 0 : index
    %get3A_3007 = vector.load %arg7[%get3A_3005, %get3A_3006] : memref<500x512xf32, #tpu.memory_space<vmem>>, vector<1x512xf32>
    %add3A_3008 = arith.addf %add3A_2983, %get3A_3007 : vector<1x512xf32>
    %max3A_3009 = arith.maximumf %add3A_3004, %add3A_3008 : vector<1x512xf32>
    %min3A_3010 = arith.minimumf %add3A_3004, %add3A_3008 : vector<1x512xf32>
    %sub3A_3011 = arith.subf %min3A_3010, %max3A_3009 : vector<1x512xf32>
    %exp3A_3012 = math.exp %sub3A_3011 : vector<1x512xf32>
    %log1p3A_3013 = math.log1p %exp3A_3012 : vector<1x512xf32>
    %add3A_3014 = arith.addf %max3A_3009, %log1p3A_3013 : vector<1x512xf32>
    %swap3A_3015 = arith.constant 77 : index
    %swap3A_3016 = arith.constant 0 : index
    %swap3A_3017 = vector.load %arg6[%swap3A_3015, %swap3A_3016] : memref<100x512xf32, #tpu.memory_space<vmem>>, vector<1x512xf32>
    tpu.vector_store %arg6[%swap3A_3015, %swap3A_3016], %add3A_3014 {strides = array<i32>} : memref<100x512xf32, #tpu.memory_space<vmem>>, vector<1x512xf32>,
    %get3A_3018 = arith.constant 28 : index
    %get3A_3019 = arith.constant 0 : index
    %get3A_3020 = vector.load %arg3[%get3A_3018, %get3A_3019] : memref<50x512xi32, #tpu.memory_space<vmem>>, vector<1x512xi32>
    %slice3A_3021 = vector.extract_strided_slice %get3A_109 {offsets = [0, 0], sizes = [32, 512], strides = [1, 1]} : vector<50x512xi32> to vector<32x512xi32>
    %eq3A_3022 = vector.broadcast %get3A_3020 : vector<1x512xi32> to vector<32x512xi32>
    %eq3A_3023 = arith.cmpi eq, %slice3A_3021, %eq3A_3022 : vector<32x512xi32>
    %slice3A_3024 = vector.extract_strided_slice %iota3A {offsets = [0, 0], sizes = [32, 512], strides = [1, 1]} : vector<50x512xi32> to vector<32x512xi32>
    %lt3A_3025 = arith.constant 28 : i32
    %lt3A_3026 = vector.broadcast %lt3A_3025 : i32 to vector<32x512xi32>
    %lt3A_3027 = arith.cmpi slt, %slice3A_3024, %lt3A_3026 : vector<32x512xi32>
    %and3A_3028 = arith.andi %eq3A_3023, %lt3A_3027 : vector<32x512xi1>
    %slice3A_3029 = vector.extract_strided_slice %iota3A {offsets = [0, 0], sizes = [32, 512], strides = [1, 1]} : vector<50x512xi32> to vector<32x512xi32>
    %jit3A_3030 = arith.constant -1 : i32
    %broadcast_in_dim3A_3031 = vector.broadcast %jit3A_3030 : i32 to vector<32x512xi32>
    %select_n3A_3032 = arith.select %and3A_3028, %slice3A_3029, %broadcast_in_dim3A_3031 : vector<32x512xi1>, vector<32x512xi32>
    %reduce_max3A_3033 = arith.constant dense<-2147483648> : vector<512xi32>
    %reduce_max3A_3034 = vector.multi_reduction <maxsi>, %select_n3A_3032, %reduce_max3A_3033 [0] : vector<32x512xi32> to vector<512xi32>
    %broadcast_in_dim3A_3035 = vector.shape_cast %reduce_max3A_3034 : vector<512xi32> to vector<1x512xi32>
    %slice3A_3036 = vector.extract_strided_slice %iota3A {offsets = [0, 0], sizes = [32, 512], strides = [1, 1]} : vector<50x512xi32> to vector<32x512xi32>
    %eq3A_3037 = vector.broadcast %broadcast_in_dim3A_3035 : vector<1x512xi32> to vector<32x512xi32>
    %eq3A_3038 = arith.cmpi eq, %slice3A_3036, %eq3A_3037 : vector<32x512xi32>
    %get3A_3039 = arith.constant 0 : index
    %get3A_3040 = arith.constant 0 : index
    %get3A_3041 = vector.load %arg6[%get3A_3039, %get3A_3040] : memref<100x512xf32, #tpu.memory_space<vmem>>, vector<32x512xf32>
    %jit3A_3042 = arith.constant 0.000000e+00 : f32
    %broadcast_in_dim3A_3043 = vector.broadcast %jit3A_3042 : f32 to vector<32x512xf32>
    %select_n3A_3044 = arith.select %eq3A_3038, %get3A_3041, %broadcast_in_dim3A_3043 : vector<32x512xi1>, vector<32x512xf32>
    %reduce_sum3A_3045 = arith.constant dense<0.000000e+00> : vector<512xf32>
    %reduce_sum3A_3046 = vector.multi_reduction <add>, %select_n3A_3044, %reduce_sum3A_3045 [0] : vector<32x512xf32> to vector<512xf32>
    %broadcast_in_dim3A_3047 = vector.shape_cast %reduce_sum3A_3046 : vector<512xf32> to vector<1x512xf32>
    %get3A_3048 = arith.constant 50 : index
    %get3A_3049 = arith.constant 0 : index
    %get3A_3050 = vector.load %arg6[%get3A_3048, %get3A_3049] : memref<100x512xf32, #tpu.memory_space<vmem>>, vector<32x512xf32>
    %jit3A_3051 = arith.constant 0.000000e+00 : f32
    %broadcast_in_dim3A_3052 = vector.broadcast %jit3A_3051 : f32 to vector<32x512xf32>
    %select_n3A_3053 = arith.select %eq3A_3038, %get3A_3050, %broadcast_in_dim3A_3052 : vector<32x512xi1>, vector<32x512xf32>
    %reduce_sum3A_3054 = arith.constant dense<0.000000e+00> : vector<512xf32>
    %reduce_sum3A_3055 = vector.multi_reduction <add>, %select_n3A_3053, %reduce_sum3A_3054 [0] : vector<32x512xf32> to vector<512xf32>
    %broadcast_in_dim3A_3056 = vector.shape_cast %reduce_sum3A_3055 : vector<512xf32> to vector<1x512xf32>
    %ge3A_3057 = arith.constant 0 : i32
    %ge3A_3058 = vector.broadcast %ge3A_3057 : i32 to vector<1x512xi32>
    %ge3A_3059 = arith.cmpi sge, %broadcast_in_dim3A_3035, %ge3A_3058 : vector<1x512xi32>
    %get3A_3060 = arith.constant 428 : index
    %get3A_3061 = arith.constant 0 : index
    %get3A_3062 = vector.load %arg7[%get3A_3060, %get3A_3061] : memref<500x512xf32, #tpu.memory_space<vmem>>, vector<1x512xf32>
    %sub3A_3063 = arith.subf %broadcast_in_dim3A_3047, %get3A_3062 : vector<1x512xf32>
    %get3A_3064 = arith.constant 328 : index
    %get3A_3065 = arith.constant 0 : index
    %get3A_3066 = vector.load %arg7[%get3A_3064, %get3A_3065] : memref<500x512xf32, #tpu.memory_space<vmem>>, vector<1x512xf32>
    %select_n3A_3067 = arith.select %ge3A_3059, %sub3A_3063, %get3A_3066 : vector<1x512xi1>, vector<1x512xf32>
    %get3A_3068 = arith.constant 478 : index
    %get3A_3069 = arith.constant 0 : index
    %get3A_3070 = vector.load %arg7[%get3A_3068, %get3A_3069] : memref<500x512xf32, #tpu.memory_space<vmem>>, vector<1x512xf32>
    %sub3A_3071 = arith.subf %broadcast_in_dim3A_3056, %get3A_3070 : vector<1x512xf32>
    %get3A_3072 = arith.constant 378 : index
    %get3A_3073 = arith.constant 0 : index
    %get3A_3074 = vector.load %arg7[%get3A_3072, %get3A_3073] : memref<500x512xf32, #tpu.memory_space<vmem>>, vector<1x512xf32>
    %select_n3A_3075 = arith.select %ge3A_3059, %sub3A_3071, %get3A_3074 : vector<1x512xi1>, vector<1x512xf32>
    %swap3A_3076 = arith.constant 28 : index
    %swap3A_3077 = arith.constant 0 : index
    %swap3A_3078 = vector.load %arg8[%swap3A_3076, %swap3A_3077] : memref<100x512xf32, #tpu.memory_space<vmem>>, vector<1x512xf32>
    tpu.vector_store %arg8[%swap3A_3076, %swap3A_3077], %select_n3A_3067 {strides = array<i32>} : memref<100x512xf32, #tpu.memory_space<vmem>>, vector<1x512xf32>,
    %swap3A_3079 = arith.constant 78 : index
    %swap3A_3080 = arith.constant 0 : index
    %swap3A_3081 = vector.load %arg8[%swap3A_3079, %swap3A_3080] : memref<100x512xf32, #tpu.memory_space<vmem>>, vector<1x512xf32>
    tpu.vector_store %arg8[%swap3A_3079, %swap3A_3080], %select_n3A_3075 {strides = array<i32>} : memref<100x512xf32, #tpu.memory_space<vmem>>, vector<1x512xf32>,
    %get3A_3082 = arith.constant 228 : index
    %get3A_3083 = arith.constant 0 : index
    %get3A_3084 = vector.load %arg7[%get3A_3082, %get3A_3083] : memref<500x512xf32, #tpu.memory_space<vmem>>, vector<1x512xf32>
    %add3A_3085 = arith.addf %get3A_3084, %select_n3A_3067 : vector<1x512xf32>
    %get3A_3086 = arith.constant 278 : index
    %get3A_3087 = arith.constant 0 : index
    %get3A_3088 = vector.load %arg7[%get3A_3086, %get3A_3087] : memref<500x512xf32, #tpu.memory_space<vmem>>, vector<1x512xf32>
    %add3A_3089 = arith.addf %get3A_3088, %select_n3A_3075 : vector<1x512xf32>
    %get3A_3090 = arith.constant 28 : index
    %get3A_3091 = arith.constant 0 : index
    %get3A_3092 = vector.load %arg7[%get3A_3090, %get3A_3091] : memref<500x512xf32, #tpu.memory_space<vmem>>, vector<1x512xf32>
    %add3A_3093 = arith.addf %add3A_3085, %get3A_3092 : vector<1x512xf32>
    %get3A_3094 = arith.constant 78 : index
    %get3A_3095 = arith.constant 0 : index
    %get3A_3096 = vector.load %arg7[%get3A_3094, %get3A_3095] : memref<500x512xf32, #tpu.memory_space<vmem>>, vector<1x512xf32>
    %add3A_3097 = arith.addf %add3A_3089, %get3A_3096 : vector<1x512xf32>
    %max3A_3098 = arith.maximumf %add3A_3093, %add3A_3097 : vector<1x512xf32>
    %min3A_3099 = arith.minimumf %add3A_3093, %add3A_3097 : vector<1x512xf32>
    %sub3A_3100 = arith.subf %min3A_3099, %max3A_3098 : vector<1x512xf32>
    %exp3A_3101 = math.exp %sub3A_3100 : vector<1x512xf32>
    %log1p3A_3102 = math.log1p %exp3A_3101 : vector<1x512xf32>
    %add3A_3103 = arith.addf %max3A_3098, %log1p3A_3102 : vector<1x512xf32>
    %swap3A_3104 = arith.constant 28 : index
    %swap3A_3105 = arith.constant 0 : index
    %swap3A_3106 = vector.load %arg6[%swap3A_3104, %swap3A_3105] : memref<100x512xf32, #tpu.memory_space<vmem>>, vector<1x512xf32>
    tpu.vector_store %arg6[%swap3A_3104, %swap3A_3105], %add3A_3103 {strides = array<i32>} : memref<100x512xf32, #tpu.memory_space<vmem>>, vector<1x512xf32>,
    %get3A_3107 = arith.constant 128 : index
    %get3A_3108 = arith.constant 0 : index
    %get3A_3109 = vector.load %arg7[%get3A_3107, %get3A_3108] : memref<500x512xf32, #tpu.memory_space<vmem>>, vector<1x512xf32>
    %add3A_3110 = arith.addf %add3A_3085, %get3A_3109 : vector<1x512xf32>
    %get3A_3111 = arith.constant 178 : index
    %get3A_3112 = arith.constant 0 : index
    %get3A_3113 = vector.load %arg7[%get3A_3111, %get3A_3112] : memref<500x512xf32, #tpu.memory_space<vmem>>, vector<1x512xf32>
    %add3A_3114 = arith.addf %add3A_3089, %get3A_3113 : vector<1x512xf32>
    %max3A_3115 = arith.maximumf %add3A_3110, %add3A_3114 : vector<1x512xf32>
    %min3A_3116 = arith.minimumf %add3A_3110, %add3A_3114 : vector<1x512xf32>
    %sub3A_3117 = arith.subf %min3A_3116, %max3A_3115 : vector<1x512xf32>
    %exp3A_3118 = math.exp %sub3A_3117 : vector<1x512xf32>
    %log1p3A_3119 = math.log1p %exp3A_3118 : vector<1x512xf32>
    %add3A_3120 = arith.addf %max3A_3115, %log1p3A_3119 : vector<1x512xf32>
    %swap3A_3121 = arith.constant 78 : index
    %swap3A_3122 = arith.constant 0 : index
    %swap3A_3123 = vector.load %arg6[%swap3A_3121, %swap3A_3122] : memref<100x512xf32, #tpu.memory_space<vmem>>, vector<1x512xf32>
    tpu.vector_store %arg6[%swap3A_3121, %swap3A_3122], %add3A_3120 {strides = array<i32>} : memref<100x512xf32, #tpu.memory_space<vmem>>, vector<1x512xf32>,
    %get3A_3124 = arith.constant 29 : index
    %get3A_3125 = arith.constant 0 : index
    %get3A_3126 = vector.load %arg3[%get3A_3124, %get3A_3125] : memref<50x512xi32, #tpu.memory_space<vmem>>, vector<1x512xi32>
    %slice3A_3127 = vector.extract_strided_slice %get3A_109 {offsets = [0, 0], sizes = [32, 512], strides = [1, 1]} : vector<50x512xi32> to vector<32x512xi32>
    %eq3A_3128 = vector.broadcast %get3A_3126 : vector<1x512xi32> to vector<32x512xi32>
    %eq3A_3129 = arith.cmpi eq, %slice3A_3127, %eq3A_3128 : vector<32x512xi32>
    %slice3A_3130 = vector.extract_strided_slice %iota3A {offsets = [0, 0], sizes = [32, 512], strides = [1, 1]} : vector<50x512xi32> to vector<32x512xi32>
    %lt3A_3131 = arith.constant 29 : i32
    %lt3A_3132 = vector.broadcast %lt3A_3131 : i32 to vector<32x512xi32>
    %lt3A_3133 = arith.cmpi slt, %slice3A_3130, %lt3A_3132 : vector<32x512xi32>
    %and3A_3134 = arith.andi %eq3A_3129, %lt3A_3133 : vector<32x512xi1>
    %slice3A_3135 = vector.extract_strided_slice %iota3A {offsets = [0, 0], sizes = [32, 512], strides = [1, 1]} : vector<50x512xi32> to vector<32x512xi32>
    %jit3A_3136 = arith.constant -1 : i32
    %broadcast_in_dim3A_3137 = vector.broadcast %jit3A_3136 : i32 to vector<32x512xi32>
    %select_n3A_3138 = arith.select %and3A_3134, %slice3A_3135, %broadcast_in_dim3A_3137 : vector<32x512xi1>, vector<32x512xi32>
    %reduce_max3A_3139 = arith.constant dense<-2147483648> : vector<512xi32>
    %reduce_max3A_3140 = vector.multi_reduction <maxsi>, %select_n3A_3138, %reduce_max3A_3139 [0] : vector<32x512xi32> to vector<512xi32>
    %broadcast_in_dim3A_3141 = vector.shape_cast %reduce_max3A_3140 : vector<512xi32> to vector<1x512xi32>
    %slice3A_3142 = vector.extract_strided_slice %iota3A {offsets = [0, 0], sizes = [32, 512], strides = [1, 1]} : vector<50x512xi32> to vector<32x512xi32>
    %eq3A_3143 = vector.broadcast %broadcast_in_dim3A_3141 : vector<1x512xi32> to vector<32x512xi32>
    %eq3A_3144 = arith.cmpi eq, %slice3A_3142, %eq3A_3143 : vector<32x512xi32>
    %get3A_3145 = arith.constant 0 : index
    %get3A_3146 = arith.constant 0 : index
    %get3A_3147 = vector.load %arg6[%get3A_3145, %get3A_3146] : memref<100x512xf32, #tpu.memory_space<vmem>>, vector<32x512xf32>
    %jit3A_3148 = arith.constant 0.000000e+00 : f32
    %broadcast_in_dim3A_3149 = vector.broadcast %jit3A_3148 : f32 to vector<32x512xf32>
    %select_n3A_3150 = arith.select %eq3A_3144, %get3A_3147, %broadcast_in_dim3A_3149 : vector<32x512xi1>, vector<32x512xf32>
    %reduce_sum3A_3151 = arith.constant dense<0.000000e+00> : vector<512xf32>
    %reduce_sum3A_3152 = vector.multi_reduction <add>, %select_n3A_3150, %reduce_sum3A_3151 [0] : vector<32x512xf32> to vector<512xf32>
    %broadcast_in_dim3A_3153 = vector.shape_cast %reduce_sum3A_3152 : vector<512xf32> to vector<1x512xf32>
    %get3A_3154 = arith.constant 50 : index
    %get3A_3155 = arith.constant 0 : index
    %get3A_3156 = vector.load %arg6[%get3A_3154, %get3A_3155] : memref<100x512xf32, #tpu.memory_space<vmem>>, vector<32x512xf32>
    %jit3A_3157 = arith.constant 0.000000e+00 : f32
    %broadcast_in_dim3A_3158 = vector.broadcast %jit3A_3157 : f32 to vector<32x512xf32>
    %select_n3A_3159 = arith.select %eq3A_3144, %get3A_3156, %broadcast_in_dim3A_3158 : vector<32x512xi1>, vector<32x512xf32>
    %reduce_sum3A_3160 = arith.constant dense<0.000000e+00> : vector<512xf32>
    %reduce_sum3A_3161 = vector.multi_reduction <add>, %select_n3A_3159, %reduce_sum3A_3160 [0] : vector<32x512xf32> to vector<512xf32>
    %broadcast_in_dim3A_3162 = vector.shape_cast %reduce_sum3A_3161 : vector<512xf32> to vector<1x512xf32>
    %ge3A_3163 = arith.constant 0 : i32
    %ge3A_3164 = vector.broadcast %ge3A_3163 : i32 to vector<1x512xi32>
    %ge3A_3165 = arith.cmpi sge, %broadcast_in_dim3A_3141, %ge3A_3164 : vector<1x512xi32>
    %get3A_3166 = arith.constant 429 : index
    %get3A_3167 = arith.constant 0 : index
    %get3A_3168 = vector.load %arg7[%get3A_3166, %get3A_3167] : memref<500x512xf32, #tpu.memory_space<vmem>>, vector<1x512xf32>
    %sub3A_3169 = arith.subf %broadcast_in_dim3A_3153, %get3A_3168 : vector<1x512xf32>
    %get3A_3170 = arith.constant 329 : index
    %get3A_3171 = arith.constant 0 : index
    %get3A_3172 = vector.load %arg7[%get3A_3170, %get3A_3171] : memref<500x512xf32, #tpu.memory_space<vmem>>, vector<1x512xf32>
    %select_n3A_3173 = arith.select %ge3A_3165, %sub3A_3169, %get3A_3172 : vector<1x512xi1>, vector<1x512xf32>
    %get3A_3174 = arith.constant 479 : index
    %get3A_3175 = arith.constant 0 : index
    %get3A_3176 = vector.load %arg7[%get3A_3174, %get3A_3175] : memref<500x512xf32, #tpu.memory_space<vmem>>, vector<1x512xf32>
    %sub3A_3177 = arith.subf %broadcast_in_dim3A_3162, %get3A_3176 : vector<1x512xf32>
    %get3A_3178 = arith.constant 379 : index
    %get3A_3179 = arith.constant 0 : index
    %get3A_3180 = vector.load %arg7[%get3A_3178, %get3A_3179] : memref<500x512xf32, #tpu.memory_space<vmem>>, vector<1x512xf32>
    %select_n3A_3181 = arith.select %ge3A_3165, %sub3A_3177, %get3A_3180 : vector<1x512xi1>, vector<1x512xf32>
    %swap3A_3182 = arith.constant 29 : index
    %swap3A_3183 = arith.constant 0 : index
    %swap3A_3184 = vector.load %arg8[%swap3A_3182, %swap3A_3183] : memref<100x512xf32, #tpu.memory_space<vmem>>, vector<1x512xf32>
    tpu.vector_store %arg8[%swap3A_3182, %swap3A_3183], %select_n3A_3173 {strides = array<i32>} : memref<100x512xf32, #tpu.memory_space<vmem>>, vector<1x512xf32>,
    %swap3A_3185 = arith.constant 79 : index
    %swap3A_3186 = arith.constant 0 : index
    %swap3A_3187 = vector.load %arg8[%swap3A_3185, %swap3A_3186] : memref<100x512xf32, #tpu.memory_space<vmem>>, vector<1x512xf32>
    tpu.vector_store %arg8[%swap3A_3185, %swap3A_3186], %select_n3A_3181 {strides = array<i32>} : memref<100x512xf32, #tpu.memory_space<vmem>>, vector<1x512xf32>,
    %get3A_3188 = arith.constant 229 : index
    %get3A_3189 = arith.constant 0 : index
    %get3A_3190 = vector.load %arg7[%get3A_3188, %get3A_3189] : memref<500x512xf32, #tpu.memory_space<vmem>>, vector<1x512xf32>
    %add3A_3191 = arith.addf %get3A_3190, %select_n3A_3173 : vector<1x512xf32>
    %get3A_3192 = arith.constant 279 : index
    %get3A_3193 = arith.constant 0 : index
    %get3A_3194 = vector.load %arg7[%get3A_3192, %get3A_3193] : memref<500x512xf32, #tpu.memory_space<vmem>>, vector<1x512xf32>
    %add3A_3195 = arith.addf %get3A_3194, %select_n3A_3181 : vector<1x512xf32>
    %get3A_3196 = arith.constant 29 : index
    %get3A_3197 = arith.constant 0 : index
    %get3A_3198 = vector.load %arg7[%get3A_3196, %get3A_3197] : memref<500x512xf32, #tpu.memory_space<vmem>>, vector<1x512xf32>
    %add3A_3199 = arith.addf %add3A_3191, %get3A_3198 : vector<1x512xf32>
    %get3A_3200 = arith.constant 79 : index
    %get3A_3201 = arith.constant 0 : index
    %get3A_3202 = vector.load %arg7[%get3A_3200, %get3A_3201] : memref<500x512xf32, #tpu.memory_space<vmem>>, vector<1x512xf32>
    %add3A_3203 = arith.addf %add3A_3195, %get3A_3202 : vector<1x512xf32>
    %max3A_3204 = arith.maximumf %add3A_3199, %add3A_3203 : vector<1x512xf32>
    %min3A_3205 = arith.minimumf %add3A_3199, %add3A_3203 : vector<1x512xf32>
    %sub3A_3206 = arith.subf %min3A_3205, %max3A_3204 : vector<1x512xf32>
    %exp3A_3207 = math.exp %sub3A_3206 : vector<1x512xf32>
    %log1p3A_3208 = math.log1p %exp3A_3207 : vector<1x512xf32>
    %add3A_3209 = arith.addf %max3A_3204, %log1p3A_3208 : vector<1x512xf32>
    %swap3A_3210 = arith.constant 29 : index
    %swap3A_3211 = arith.constant 0 : index
    %swap3A_3212 = vector.load %arg6[%swap3A_3210, %swap3A_3211] : memref<100x512xf32, #tpu.memory_space<vmem>>, vector<1x512xf32>
    tpu.vector_store %arg6[%swap3A_3210, %swap3A_3211], %add3A_3209 {strides = array<i32>} : memref<100x512xf32, #tpu.memory_space<vmem>>, vector<1x512xf32>,
    %get3A_3213 = arith.constant 129 : index
    %get3A_3214 = arith.constant 0 : index
    %get3A_3215 = vector.load %arg7[%get3A_3213, %get3A_3214] : memref<500x512xf32, #tpu.memory_space<vmem>>, vector<1x512xf32>
    %add3A_3216 = arith.addf %add3A_3191, %get3A_3215 : vector<1x512xf32>
    %get3A_3217 = arith.constant 179 : index
    %get3A_3218 = arith.constant 0 : index
    %get3A_3219 = vector.load %arg7[%get3A_3217, %get3A_3218] : memref<500x512xf32, #tpu.memory_space<vmem>>, vector<1x512xf32>
    %add3A_3220 = arith.addf %add3A_3195, %get3A_3219 : vector<1x512xf32>
    %max3A_3221 = arith.maximumf %add3A_3216, %add3A_3220 : vector<1x512xf32>
    %min3A_3222 = arith.minimumf %add3A_3216, %add3A_3220 : vector<1x512xf32>
    %sub3A_3223 = arith.subf %min3A_3222, %max3A_3221 : vector<1x512xf32>
    %exp3A_3224 = math.exp %sub3A_3223 : vector<1x512xf32>
    %log1p3A_3225 = math.log1p %exp3A_3224 : vector<1x512xf32>
    %add3A_3226 = arith.addf %max3A_3221, %log1p3A_3225 : vector<1x512xf32>
    %swap3A_3227 = arith.constant 79 : index
    %swap3A_3228 = arith.constant 0 : index
    %swap3A_3229 = vector.load %arg6[%swap3A_3227, %swap3A_3228] : memref<100x512xf32, #tpu.memory_space<vmem>>, vector<1x512xf32>
    tpu.vector_store %arg6[%swap3A_3227, %swap3A_3228], %add3A_3226 {strides = array<i32>} : memref<100x512xf32, #tpu.memory_space<vmem>>, vector<1x512xf32>,
    %get3A_3230 = arith.constant 30 : index
    %get3A_3231 = arith.constant 0 : index
    %get3A_3232 = vector.load %arg3[%get3A_3230, %get3A_3231] : memref<50x512xi32, #tpu.memory_space<vmem>>, vector<1x512xi32>
    %slice3A_3233 = vector.extract_strided_slice %get3A_109 {offsets = [0, 0], sizes = [32, 512], strides = [1, 1]} : vector<50x512xi32> to vector<32x512xi32>
    %eq3A_3234 = vector.broadcast %get3A_3232 : vector<1x512xi32> to vector<32x512xi32>
    %eq3A_3235 = arith.cmpi eq, %slice3A_3233, %eq3A_3234 : vector<32x512xi32>
    %slice3A_3236 = vector.extract_strided_slice %iota3A {offsets = [0, 0], sizes = [32, 512], strides = [1, 1]} : vector<50x512xi32> to vector<32x512xi32>
    %lt3A_3237 = arith.constant 30 : i32
    %lt3A_3238 = vector.broadcast %lt3A_3237 : i32 to vector<32x512xi32>
    %lt3A_3239 = arith.cmpi slt, %slice3A_3236, %lt3A_3238 : vector<32x512xi32>
    %and3A_3240 = arith.andi %eq3A_3235, %lt3A_3239 : vector<32x512xi1>
    %slice3A_3241 = vector.extract_strided_slice %iota3A {offsets = [0, 0], sizes = [32, 512], strides = [1, 1]} : vector<50x512xi32> to vector<32x512xi32>
    %jit3A_3242 = arith.constant -1 : i32
    %broadcast_in_dim3A_3243 = vector.broadcast %jit3A_3242 : i32 to vector<32x512xi32>
    %select_n3A_3244 = arith.select %and3A_3240, %slice3A_3241, %broadcast_in_dim3A_3243 : vector<32x512xi1>, vector<32x512xi32>
    %reduce_max3A_3245 = arith.constant dense<-2147483648> : vector<512xi32>
    %reduce_max3A_3246 = vector.multi_reduction <maxsi>, %select_n3A_3244, %reduce_max3A_3245 [0] : vector<32x512xi32> to vector<512xi32>
    %broadcast_in_dim3A_3247 = vector.shape_cast %reduce_max3A_3246 : vector<512xi32> to vector<1x512xi32>
    %slice3A_3248 = vector.extract_strided_slice %iota3A {offsets = [0, 0], sizes = [32, 512], strides = [1, 1]} : vector<50x512xi32> to vector<32x512xi32>
    %eq3A_3249 = vector.broadcast %broadcast_in_dim3A_3247 : vector<1x512xi32> to vector<32x512xi32>
    %eq3A_3250 = arith.cmpi eq, %slice3A_3248, %eq3A_3249 : vector<32x512xi32>
    %get3A_3251 = arith.constant 0 : index
    %get3A_3252 = arith.constant 0 : index
    %get3A_3253 = vector.load %arg6[%get3A_3251, %get3A_3252] : memref<100x512xf32, #tpu.memory_space<vmem>>, vector<32x512xf32>
    %jit3A_3254 = arith.constant 0.000000e+00 : f32
    %broadcast_in_dim3A_3255 = vector.broadcast %jit3A_3254 : f32 to vector<32x512xf32>
    %select_n3A_3256 = arith.select %eq3A_3250, %get3A_3253, %broadcast_in_dim3A_3255 : vector<32x512xi1>, vector<32x512xf32>
    %reduce_sum3A_3257 = arith.constant dense<0.000000e+00> : vector<512xf32>
    %reduce_sum3A_3258 = vector.multi_reduction <add>, %select_n3A_3256, %reduce_sum3A_3257 [0] : vector<32x512xf32> to vector<512xf32>
    %broadcast_in_dim3A_3259 = vector.shape_cast %reduce_sum3A_3258 : vector<512xf32> to vector<1x512xf32>
    %get3A_3260 = arith.constant 50 : index
    %get3A_3261 = arith.constant 0 : index
    %get3A_3262 = vector.load %arg6[%get3A_3260, %get3A_3261] : memref<100x512xf32, #tpu.memory_space<vmem>>, vector<32x512xf32>
    %jit3A_3263 = arith.constant 0.000000e+00 : f32
    %broadcast_in_dim3A_3264 = vector.broadcast %jit3A_3263 : f32 to vector<32x512xf32>
    %select_n3A_3265 = arith.select %eq3A_3250, %get3A_3262, %broadcast_in_dim3A_3264 : vector<32x512xi1>, vector<32x512xf32>
    %reduce_sum3A_3266 = arith.constant dense<0.000000e+00> : vector<512xf32>
    %reduce_sum3A_3267 = vector.multi_reduction <add>, %select_n3A_3265, %reduce_sum3A_3266 [0] : vector<32x512xf32> to vector<512xf32>
    %broadcast_in_dim3A_3268 = vector.shape_cast %reduce_sum3A_3267 : vector<512xf32> to vector<1x512xf32>
    %ge3A_3269 = arith.constant 0 : i32
    %ge3A_3270 = vector.broadcast %ge3A_3269 : i32 to vector<1x512xi32>
    %ge3A_3271 = arith.cmpi sge, %broadcast_in_dim3A_3247, %ge3A_3270 : vector<1x512xi32>
    %get3A_3272 = arith.constant 430 : index
    %get3A_3273 = arith.constant 0 : index
    %get3A_3274 = vector.load %arg7[%get3A_3272, %get3A_3273] : memref<500x512xf32, #tpu.memory_space<vmem>>, vector<1x512xf32>
    %sub3A_3275 = arith.subf %broadcast_in_dim3A_3259, %get3A_3274 : vector<1x512xf32>
    %get3A_3276 = arith.constant 330 : index
    %get3A_3277 = arith.constant 0 : index
    %get3A_3278 = vector.load %arg7[%get3A_3276, %get3A_3277] : memref<500x512xf32, #tpu.memory_space<vmem>>, vector<1x512xf32>
    %select_n3A_3279 = arith.select %ge3A_3271, %sub3A_3275, %get3A_3278 : vector<1x512xi1>, vector<1x512xf32>
    %get3A_3280 = arith.constant 480 : index
    %get3A_3281 = arith.constant 0 : index
    %get3A_3282 = vector.load %arg7[%get3A_3280, %get3A_3281] : memref<500x512xf32, #tpu.memory_space<vmem>>, vector<1x512xf32>
    %sub3A_3283 = arith.subf %broadcast_in_dim3A_3268, %get3A_3282 : vector<1x512xf32>
    %get3A_3284 = arith.constant 380 : index
    %get3A_3285 = arith.constant 0 : index
    %get3A_3286 = vector.load %arg7[%get3A_3284, %get3A_3285] : memref<500x512xf32, #tpu.memory_space<vmem>>, vector<1x512xf32>
    %select_n3A_3287 = arith.select %ge3A_3271, %sub3A_3283, %get3A_3286 : vector<1x512xi1>, vector<1x512xf32>
    %swap3A_3288 = arith.constant 30 : index
    %swap3A_3289 = arith.constant 0 : index
    %swap3A_3290 = vector.load %arg8[%swap3A_3288, %swap3A_3289] : memref<100x512xf32, #tpu.memory_space<vmem>>, vector<1x512xf32>
    tpu.vector_store %arg8[%swap3A_3288, %swap3A_3289], %select_n3A_3279 {strides = array<i32>} : memref<100x512xf32, #tpu.memory_space<vmem>>, vector<1x512xf32>,
    %swap3A_3291 = arith.constant 80 : index
    %swap3A_3292 = arith.constant 0 : index
    %swap3A_3293 = vector.load %arg8[%swap3A_3291, %swap3A_3292] : memref<100x512xf32, #tpu.memory_space<vmem>>, vector<1x512xf32>
    tpu.vector_store %arg8[%swap3A_3291, %swap3A_3292], %select_n3A_3287 {strides = array<i32>} : memref<100x512xf32, #tpu.memory_space<vmem>>, vector<1x512xf32>,
    %get3A_3294 = arith.constant 230 : index
    %get3A_3295 = arith.constant 0 : index
    %get3A_3296 = vector.load %arg7[%get3A_3294, %get3A_3295] : memref<500x512xf32, #tpu.memory_space<vmem>>, vector<1x512xf32>
    %add3A_3297 = arith.addf %get3A_3296, %select_n3A_3279 : vector<1x512xf32>
    %get3A_3298 = arith.constant 280 : index
    %get3A_3299 = arith.constant 0 : index
    %get3A_3300 = vector.load %arg7[%get3A_3298, %get3A_3299] : memref<500x512xf32, #tpu.memory_space<vmem>>, vector<1x512xf32>
    %add3A_3301 = arith.addf %get3A_3300, %select_n3A_3287 : vector<1x512xf32>
    %get3A_3302 = arith.constant 30 : index
    %get3A_3303 = arith.constant 0 : index
    %get3A_3304 = vector.load %arg7[%get3A_3302, %get3A_3303] : memref<500x512xf32, #tpu.memory_space<vmem>>, vector<1x512xf32>
    %add3A_3305 = arith.addf %add3A_3297, %get3A_3304 : vector<1x512xf32>
    %get3A_3306 = arith.constant 80 : index
    %get3A_3307 = arith.constant 0 : index
    %get3A_3308 = vector.load %arg7[%get3A_3306, %get3A_3307] : memref<500x512xf32, #tpu.memory_space<vmem>>, vector<1x512xf32>
    %add3A_3309 = arith.addf %add3A_3301, %get3A_3308 : vector<1x512xf32>
    %max3A_3310 = arith.maximumf %add3A_3305, %add3A_3309 : vector<1x512xf32>
    %min3A_3311 = arith.minimumf %add3A_3305, %add3A_3309 : vector<1x512xf32>
    %sub3A_3312 = arith.subf %min3A_3311, %max3A_3310 : vector<1x512xf32>
    %exp3A_3313 = math.exp %sub3A_3312 : vector<1x512xf32>
    %log1p3A_3314 = math.log1p %exp3A_3313 : vector<1x512xf32>
    %add3A_3315 = arith.addf %max3A_3310, %log1p3A_3314 : vector<1x512xf32>
    %swap3A_3316 = arith.constant 30 : index
    %swap3A_3317 = arith.constant 0 : index
    %swap3A_3318 = vector.load %arg6[%swap3A_3316, %swap3A_3317] : memref<100x512xf32, #tpu.memory_space<vmem>>, vector<1x512xf32>
    tpu.vector_store %arg6[%swap3A_3316, %swap3A_3317], %add3A_3315 {strides = array<i32>} : memref<100x512xf32, #tpu.memory_space<vmem>>, vector<1x512xf32>,
    %get3A_3319 = arith.constant 130 : index
    %get3A_3320 = arith.constant 0 : index
    %get3A_3321 = vector.load %arg7[%get3A_3319, %get3A_3320] : memref<500x512xf32, #tpu.memory_space<vmem>>, vector<1x512xf32>
    %add3A_3322 = arith.addf %add3A_3297, %get3A_3321 : vector<1x512xf32>
    %get3A_3323 = arith.constant 180 : index
    %get3A_3324 = arith.constant 0 : index
    %get3A_3325 = vector.load %arg7[%get3A_3323, %get3A_3324] : memref<500x512xf32, #tpu.memory_space<vmem>>, vector<1x512xf32>
    %add3A_3326 = arith.addf %add3A_3301, %get3A_3325 : vector<1x512xf32>
    %max3A_3327 = arith.maximumf %add3A_3322, %add3A_3326 : vector<1x512xf32>
    %min3A_3328 = arith.minimumf %add3A_3322, %add3A_3326 : vector<1x512xf32>
    %sub3A_3329 = arith.subf %min3A_3328, %max3A_3327 : vector<1x512xf32>
    %exp3A_3330 = math.exp %sub3A_3329 : vector<1x512xf32>
    %log1p3A_3331 = math.log1p %exp3A_3330 : vector<1x512xf32>
    %add3A_3332 = arith.addf %max3A_3327, %log1p3A_3331 : vector<1x512xf32>
    %swap3A_3333 = arith.constant 80 : index
    %swap3A_3334 = arith.constant 0 : index
    %swap3A_3335 = vector.load %arg6[%swap3A_3333, %swap3A_3334] : memref<100x512xf32, #tpu.memory_space<vmem>>, vector<1x512xf32>
    tpu.vector_store %arg6[%swap3A_3333, %swap3A_3334], %add3A_3332 {strides = array<i32>} : memref<100x512xf32, #tpu.memory_space<vmem>>, vector<1x512xf32>,
    %get3A_3336 = arith.constant 31 : index
    %get3A_3337 = arith.constant 0 : index
    %get3A_3338 = vector.load %arg3[%get3A_3336, %get3A_3337] : memref<50x512xi32, #tpu.memory_space<vmem>>, vector<1x512xi32>
    %slice3A_3339 = vector.extract_strided_slice %get3A_109 {offsets = [0, 0], sizes = [32, 512], strides = [1, 1]} : vector<50x512xi32> to vector<32x512xi32>
    %eq3A_3340 = vector.broadcast %get3A_3338 : vector<1x512xi32> to vector<32x512xi32>
    %eq3A_3341 = arith.cmpi eq, %slice3A_3339, %eq3A_3340 : vector<32x512xi32>
    %slice3A_3342 = vector.extract_strided_slice %iota3A {offsets = [0, 0], sizes = [32, 512], strides = [1, 1]} : vector<50x512xi32> to vector<32x512xi32>
    %lt3A_3343 = arith.constant 31 : i32
    %lt3A_3344 = vector.broadcast %lt3A_3343 : i32 to vector<32x512xi32>
    %lt3A_3345 = arith.cmpi slt, %slice3A_3342, %lt3A_3344 : vector<32x512xi32>
    %and3A_3346 = arith.andi %eq3A_3341, %lt3A_3345 : vector<32x512xi1>
    %slice3A_3347 = vector.extract_strided_slice %iota3A {offsets = [0, 0], sizes = [32, 512], strides = [1, 1]} : vector<50x512xi32> to vector<32x512xi32>
    %jit3A_3348 = arith.constant -1 : i32
    %broadcast_in_dim3A_3349 = vector.broadcast %jit3A_3348 : i32 to vector<32x512xi32>
    %select_n3A_3350 = arith.select %and3A_3346, %slice3A_3347, %broadcast_in_dim3A_3349 : vector<32x512xi1>, vector<32x512xi32>
    %reduce_max3A_3351 = arith.constant dense<-2147483648> : vector<512xi32>
    %reduce_max3A_3352 = vector.multi_reduction <maxsi>, %select_n3A_3350, %reduce_max3A_3351 [0] : vector<32x512xi32> to vector<512xi32>
    %broadcast_in_dim3A_3353 = vector.shape_cast %reduce_max3A_3352 : vector<512xi32> to vector<1x512xi32>
    %slice3A_3354 = vector.extract_strided_slice %iota3A {offsets = [0, 0], sizes = [32, 512], strides = [1, 1]} : vector<50x512xi32> to vector<32x512xi32>
    %eq3A_3355 = vector.broadcast %broadcast_in_dim3A_3353 : vector<1x512xi32> to vector<32x512xi32>
    %eq3A_3356 = arith.cmpi eq, %slice3A_3354, %eq3A_3355 : vector<32x512xi32>
    %get3A_3357 = arith.constant 0 : index
    %get3A_3358 = arith.constant 0 : index
    %get3A_3359 = vector.load %arg6[%get3A_3357, %get3A_3358] : memref<100x512xf32, #tpu.memory_space<vmem>>, vector<32x512xf32>
    %jit3A_3360 = arith.constant 0.000000e+00 : f32
    %broadcast_in_dim3A_3361 = vector.broadcast %jit3A_3360 : f32 to vector<32x512xf32>
    %select_n3A_3362 = arith.select %eq3A_3356, %get3A_3359, %broadcast_in_dim3A_3361 : vector<32x512xi1>, vector<32x512xf32>
    %reduce_sum3A_3363 = arith.constant dense<0.000000e+00> : vector<512xf32>
    %reduce_sum3A_3364 = vector.multi_reduction <add>, %select_n3A_3362, %reduce_sum3A_3363 [0] : vector<32x512xf32> to vector<512xf32>
    %broadcast_in_dim3A_3365 = vector.shape_cast %reduce_sum3A_3364 : vector<512xf32> to vector<1x512xf32>
    %get3A_3366 = arith.constant 50 : index
    %get3A_3367 = arith.constant 0 : index
    %get3A_3368 = vector.load %arg6[%get3A_3366, %get3A_3367] : memref<100x512xf32, #tpu.memory_space<vmem>>, vector<32x512xf32>
    %jit3A_3369 = arith.constant 0.000000e+00 : f32
    %broadcast_in_dim3A_3370 = vector.broadcast %jit3A_3369 : f32 to vector<32x512xf32>
    %select_n3A_3371 = arith.select %eq3A_3356, %get3A_3368, %broadcast_in_dim3A_3370 : vector<32x512xi1>, vector<32x512xf32>
    %reduce_sum3A_3372 = arith.constant dense<0.000000e+00> : vector<512xf32>
    %reduce_sum3A_3373 = vector.multi_reduction <add>, %select_n3A_3371, %reduce_sum3A_3372 [0] : vector<32x512xf32> to vector<512xf32>
    %broadcast_in_dim3A_3374 = vector.shape_cast %reduce_sum3A_3373 : vector<512xf32> to vector<1x512xf32>
    %ge3A_3375 = arith.constant 0 : i32
    %ge3A_3376 = vector.broadcast %ge3A_3375 : i32 to vector<1x512xi32>
    %ge3A_3377 = arith.cmpi sge, %broadcast_in_dim3A_3353, %ge3A_3376 : vector<1x512xi32>
    %get3A_3378 = arith.constant 431 : index
    %get3A_3379 = arith.constant 0 : index
    %get3A_3380 = vector.load %arg7[%get3A_3378, %get3A_3379] : memref<500x512xf32, #tpu.memory_space<vmem>>, vector<1x512xf32>
    %sub3A_3381 = arith.subf %broadcast_in_dim3A_3365, %get3A_3380 : vector<1x512xf32>
    %get3A_3382 = arith.constant 331 : index
    %get3A_3383 = arith.constant 0 : index
    %get3A_3384 = vector.load %arg7[%get3A_3382, %get3A_3383] : memref<500x512xf32, #tpu.memory_space<vmem>>, vector<1x512xf32>
    %select_n3A_3385 = arith.select %ge3A_3377, %sub3A_3381, %get3A_3384 : vector<1x512xi1>, vector<1x512xf32>
    %get3A_3386 = arith.constant 481 : index
    %get3A_3387 = arith.constant 0 : index
    %get3A_3388 = vector.load %arg7[%get3A_3386, %get3A_3387] : memref<500x512xf32, #tpu.memory_space<vmem>>, vector<1x512xf32>
    %sub3A_3389 = arith.subf %broadcast_in_dim3A_3374, %get3A_3388 : vector<1x512xf32>
    %get3A_3390 = arith.constant 381 : index
    %get3A_3391 = arith.constant 0 : index
    %get3A_3392 = vector.load %arg7[%get3A_3390, %get3A_3391] : memref<500x512xf32, #tpu.memory_space<vmem>>, vector<1x512xf32>
    %select_n3A_3393 = arith.select %ge3A_3377, %sub3A_3389, %get3A_3392 : vector<1x512xi1>, vector<1x512xf32>
    %swap3A_3394 = arith.constant 31 : index
    %swap3A_3395 = arith.constant 0 : index
    %swap3A_3396 = vector.load %arg8[%swap3A_3394, %swap3A_3395] : memref<100x512xf32, #tpu.memory_space<vmem>>, vector<1x512xf32>
    tpu.vector_store %arg8[%swap3A_3394, %swap3A_3395], %select_n3A_3385 {strides = array<i32>} : memref<100x512xf32, #tpu.memory_space<vmem>>, vector<1x512xf32>,
    %swap3A_3397 = arith.constant 81 : index
    %swap3A_3398 = arith.constant 0 : index
    %swap3A_3399 = vector.load %arg8[%swap3A_3397, %swap3A_3398] : memref<100x512xf32, #tpu.memory_space<vmem>>, vector<1x512xf32>
    tpu.vector_store %arg8[%swap3A_3397, %swap3A_3398], %select_n3A_3393 {strides = array<i32>} : memref<100x512xf32, #tpu.memory_space<vmem>>, vector<1x512xf32>,
    %get3A_3400 = arith.constant 231 : index
    %get3A_3401 = arith.constant 0 : index
    %get3A_3402 = vector.load %arg7[%get3A_3400, %get3A_3401] : memref<500x512xf32, #tpu.memory_space<vmem>>, vector<1x512xf32>
    %add3A_3403 = arith.addf %get3A_3402, %select_n3A_3385 : vector<1x512xf32>
    %get3A_3404 = arith.constant 281 : index
    %get3A_3405 = arith.constant 0 : index
    %get3A_3406 = vector.load %arg7[%get3A_3404, %get3A_3405] : memref<500x512xf32, #tpu.memory_space<vmem>>, vector<1x512xf32>
    %add3A_3407 = arith.addf %get3A_3406, %select_n3A_3393 : vector<1x512xf32>
    %get3A_3408 = arith.constant 31 : index
    %get3A_3409 = arith.constant 0 : index
    %get3A_3410 = vector.load %arg7[%get3A_3408, %get3A_3409] : memref<500x512xf32, #tpu.memory_space<vmem>>, vector<1x512xf32>
    %add3A_3411 = arith.addf %add3A_3403, %get3A_3410 : vector<1x512xf32>
    %get3A_3412 = arith.constant 81 : index
    %get3A_3413 = arith.constant 0 : index
    %get3A_3414 = vector.load %arg7[%get3A_3412, %get3A_3413] : memref<500x512xf32, #tpu.memory_space<vmem>>, vector<1x512xf32>
    %add3A_3415 = arith.addf %add3A_3407, %get3A_3414 : vector<1x512xf32>
    %max3A_3416 = arith.maximumf %add3A_3411, %add3A_3415 : vector<1x512xf32>
    %min3A_3417 = arith.minimumf %add3A_3411, %add3A_3415 : vector<1x512xf32>
    %sub3A_3418 = arith.subf %min3A_3417, %max3A_3416 : vector<1x512xf32>
    %exp3A_3419 = math.exp %sub3A_3418 : vector<1x512xf32>
    %log1p3A_3420 = math.log1p %exp3A_3419 : vector<1x512xf32>
    %add3A_3421 = arith.addf %max3A_3416, %log1p3A_3420 : vector<1x512xf32>
    %swap3A_3422 = arith.constant 31 : index
    %swap3A_3423 = arith.constant 0 : index
    %swap3A_3424 = vector.load %arg6[%swap3A_3422, %swap3A_3423] : memref<100x512xf32, #tpu.memory_space<vmem>>, vector<1x512xf32>
    tpu.vector_store %arg6[%swap3A_3422, %swap3A_3423], %add3A_3421 {strides = array<i32>} : memref<100x512xf32, #tpu.memory_space<vmem>>, vector<1x512xf32>,
    %get3A_3425 = arith.constant 131 : index
    %get3A_3426 = arith.constant 0 : index
    %get3A_3427 = vector.load %arg7[%get3A_3425, %get3A_3426] : memref<500x512xf32, #tpu.memory_space<vmem>>, vector<1x512xf32>
    %add3A_3428 = arith.addf %add3A_3403, %get3A_3427 : vector<1x512xf32>
    %get3A_3429 = arith.constant 181 : index
    %get3A_3430 = arith.constant 0 : index
    %get3A_3431 = vector.load %arg7[%get3A_3429, %get3A_3430] : memref<500x512xf32, #tpu.memory_space<vmem>>, vector<1x512xf32>
    %add3A_3432 = arith.addf %add3A_3407, %get3A_3431 : vector<1x512xf32>
    %max3A_3433 = arith.maximumf %add3A_3428, %add3A_3432 : vector<1x512xf32>
    %min3A_3434 = arith.minimumf %add3A_3428, %add3A_3432 : vector<1x512xf32>
    %sub3A_3435 = arith.subf %min3A_3434, %max3A_3433 : vector<1x512xf32>
    %exp3A_3436 = math.exp %sub3A_3435 : vector<1x512xf32>
    %log1p3A_3437 = math.log1p %exp3A_3436 : vector<1x512xf32>
    %add3A_3438 = arith.addf %max3A_3433, %log1p3A_3437 : vector<1x512xf32>
    %swap3A_3439 = arith.constant 81 : index
    %swap3A_3440 = arith.constant 0 : index
    %swap3A_3441 = vector.load %arg6[%swap3A_3439, %swap3A_3440] : memref<100x512xf32, #tpu.memory_space<vmem>>, vector<1x512xf32>
    tpu.vector_store %arg6[%swap3A_3439, %swap3A_3440], %add3A_3438 {strides = array<i32>} : memref<100x512xf32, #tpu.memory_space<vmem>>, vector<1x512xf32>,
    %get3A_3442 = arith.constant 32 : index
    %get3A_3443 = arith.constant 0 : index
    %get3A_3444 = vector.load %arg3[%get3A_3442, %get3A_3443] : memref<50x512xi32, #tpu.memory_space<vmem>>, vector<1x512xi32>
    %slice3A_3445 = vector.extract_strided_slice %get3A_109 {offsets = [0, 0], sizes = [32, 512], strides = [1, 1]} : vector<50x512xi32> to vector<32x512xi32>
    %eq3A_3446 = vector.broadcast %get3A_3444 : vector<1x512xi32> to vector<32x512xi32>
    %eq3A_3447 = arith.cmpi eq, %slice3A_3445, %eq3A_3446 : vector<32x512xi32>
    %slice3A_3448 = vector.extract_strided_slice %iota3A {offsets = [0, 0], sizes = [32, 512], strides = [1, 1]} : vector<50x512xi32> to vector<32x512xi32>
    %lt3A_3449 = arith.constant 32 : i32
    %lt3A_3450 = vector.broadcast %lt3A_3449 : i32 to vector<32x512xi32>
    %lt3A_3451 = arith.cmpi slt, %slice3A_3448, %lt3A_3450 : vector<32x512xi32>
    %and3A_3452 = arith.andi %eq3A_3447, %lt3A_3451 : vector<32x512xi1>
    %slice3A_3453 = vector.extract_strided_slice %iota3A {offsets = [0, 0], sizes = [32, 512], strides = [1, 1]} : vector<50x512xi32> to vector<32x512xi32>
    %jit3A_3454 = arith.constant -1 : i32
    %broadcast_in_dim3A_3455 = vector.broadcast %jit3A_3454 : i32 to vector<32x512xi32>
    %select_n3A_3456 = arith.select %and3A_3452, %slice3A_3453, %broadcast_in_dim3A_3455 : vector<32x512xi1>, vector<32x512xi32>
    %reduce_max3A_3457 = arith.constant dense<-2147483648> : vector<512xi32>
    %reduce_max3A_3458 = vector.multi_reduction <maxsi>, %select_n3A_3456, %reduce_max3A_3457 [0] : vector<32x512xi32> to vector<512xi32>
    %broadcast_in_dim3A_3459 = vector.shape_cast %reduce_max3A_3458 : vector<512xi32> to vector<1x512xi32>
    %slice3A_3460 = vector.extract_strided_slice %iota3A {offsets = [0, 0], sizes = [32, 512], strides = [1, 1]} : vector<50x512xi32> to vector<32x512xi32>
    %eq3A_3461 = vector.broadcast %broadcast_in_dim3A_3459 : vector<1x512xi32> to vector<32x512xi32>
    %eq3A_3462 = arith.cmpi eq, %slice3A_3460, %eq3A_3461 : vector<32x512xi32>
    %get3A_3463 = arith.constant 0 : index
    %get3A_3464 = arith.constant 0 : index
    %get3A_3465 = vector.load %arg6[%get3A_3463, %get3A_3464] : memref<100x512xf32, #tpu.memory_space<vmem>>, vector<32x512xf32>
    %jit3A_3466 = arith.constant 0.000000e+00 : f32
    %broadcast_in_dim3A_3467 = vector.broadcast %jit3A_3466 : f32 to vector<32x512xf32>
    %select_n3A_3468 = arith.select %eq3A_3462, %get3A_3465, %broadcast_in_dim3A_3467 : vector<32x512xi1>, vector<32x512xf32>
    %reduce_sum3A_3469 = arith.constant dense<0.000000e+00> : vector<512xf32>
    %reduce_sum3A_3470 = vector.multi_reduction <add>, %select_n3A_3468, %reduce_sum3A_3469 [0] : vector<32x512xf32> to vector<512xf32>
    %broadcast_in_dim3A_3471 = vector.shape_cast %reduce_sum3A_3470 : vector<512xf32> to vector<1x512xf32>
    %get3A_3472 = arith.constant 50 : index
    %get3A_3473 = arith.constant 0 : index
    %get3A_3474 = vector.load %arg6[%get3A_3472, %get3A_3473] : memref<100x512xf32, #tpu.memory_space<vmem>>, vector<32x512xf32>
    %jit3A_3475 = arith.constant 0.000000e+00 : f32
    %broadcast_in_dim3A_3476 = vector.broadcast %jit3A_3475 : f32 to vector<32x512xf32>
    %select_n3A_3477 = arith.select %eq3A_3462, %get3A_3474, %broadcast_in_dim3A_3476 : vector<32x512xi1>, vector<32x512xf32>
    %reduce_sum3A_3478 = arith.constant dense<0.000000e+00> : vector<512xf32>
    %reduce_sum3A_3479 = vector.multi_reduction <add>, %select_n3A_3477, %reduce_sum3A_3478 [0] : vector<32x512xf32> to vector<512xf32>
    %broadcast_in_dim3A_3480 = vector.shape_cast %reduce_sum3A_3479 : vector<512xf32> to vector<1x512xf32>
    %ge3A_3481 = arith.constant 0 : i32
    %ge3A_3482 = vector.broadcast %ge3A_3481 : i32 to vector<1x512xi32>
    %ge3A_3483 = arith.cmpi sge, %broadcast_in_dim3A_3459, %ge3A_3482 : vector<1x512xi32>
    %get3A_3484 = arith.constant 432 : index
    %get3A_3485 = arith.constant 0 : index
    %get3A_3486 = vector.load %arg7[%get3A_3484, %get3A_3485] : memref<500x512xf32, #tpu.memory_space<vmem>>, vector<1x512xf32>
    %sub3A_3487 = arith.subf %broadcast_in_dim3A_3471, %get3A_3486 : vector<1x512xf32>
    %get3A_3488 = arith.constant 332 : index
    %get3A_3489 = arith.constant 0 : index
    %get3A_3490 = vector.load %arg7[%get3A_3488, %get3A_3489] : memref<500x512xf32, #tpu.memory_space<vmem>>, vector<1x512xf32>
    %select_n3A_3491 = arith.select %ge3A_3483, %sub3A_3487, %get3A_3490 : vector<1x512xi1>, vector<1x512xf32>
    %get3A_3492 = arith.constant 482 : index
    %get3A_3493 = arith.constant 0 : index
    %get3A_3494 = vector.load %arg7[%get3A_3492, %get3A_3493] : memref<500x512xf32, #tpu.memory_space<vmem>>, vector<1x512xf32>
    %sub3A_3495 = arith.subf %broadcast_in_dim3A_3480, %get3A_3494 : vector<1x512xf32>
    %get3A_3496 = arith.constant 382 : index
    %get3A_3497 = arith.constant 0 : index
    %get3A_3498 = vector.load %arg7[%get3A_3496, %get3A_3497] : memref<500x512xf32, #tpu.memory_space<vmem>>, vector<1x512xf32>
    %select_n3A_3499 = arith.select %ge3A_3483, %sub3A_3495, %get3A_3498 : vector<1x512xi1>, vector<1x512xf32>
    %swap3A_3500 = arith.constant 32 : index
    %swap3A_3501 = arith.constant 0 : index
    %swap3A_3502 = vector.load %arg8[%swap3A_3500, %swap3A_3501] : memref<100x512xf32, #tpu.memory_space<vmem>>, vector<1x512xf32>
    tpu.vector_store %arg8[%swap3A_3500, %swap3A_3501], %select_n3A_3491 {strides = array<i32>} : memref<100x512xf32, #tpu.memory_space<vmem>>, vector<1x512xf32>,
    %swap3A_3503 = arith.constant 82 : index
    %swap3A_3504 = arith.constant 0 : index
    %swap3A_3505 = vector.load %arg8[%swap3A_3503, %swap3A_3504] : memref<100x512xf32, #tpu.memory_space<vmem>>, vector<1x512xf32>
    tpu.vector_store %arg8[%swap3A_3503, %swap3A_3504], %select_n3A_3499 {strides = array<i32>} : memref<100x512xf32, #tpu.memory_space<vmem>>, vector<1x512xf32>,
    %get3A_3506 = arith.constant 232 : index
    %get3A_3507 = arith.constant 0 : index
    %get3A_3508 = vector.load %arg7[%get3A_3506, %get3A_3507] : memref<500x512xf32, #tpu.memory_space<vmem>>, vector<1x512xf32>
    %add3A_3509 = arith.addf %get3A_3508, %select_n3A_3491 : vector<1x512xf32>
    %get3A_3510 = arith.constant 282 : index
    %get3A_3511 = arith.constant 0 : index
    %get3A_3512 = vector.load %arg7[%get3A_3510, %get3A_3511] : memref<500x512xf32, #tpu.memory_space<vmem>>, vector<1x512xf32>
    %add3A_3513 = arith.addf %get3A_3512, %select_n3A_3499 : vector<1x512xf32>
    %get3A_3514 = arith.constant 32 : index
    %get3A_3515 = arith.constant 0 : index
    %get3A_3516 = vector.load %arg7[%get3A_3514, %get3A_3515] : memref<500x512xf32, #tpu.memory_space<vmem>>, vector<1x512xf32>
    %add3A_3517 = arith.addf %add3A_3509, %get3A_3516 : vector<1x512xf32>
    %get3A_3518 = arith.constant 82 : index
    %get3A_3519 = arith.constant 0 : index
    %get3A_3520 = vector.load %arg7[%get3A_3518, %get3A_3519] : memref<500x512xf32, #tpu.memory_space<vmem>>, vector<1x512xf32>
    %add3A_3521 = arith.addf %add3A_3513, %get3A_3520 : vector<1x512xf32>
    %max3A_3522 = arith.maximumf %add3A_3517, %add3A_3521 : vector<1x512xf32>
    %min3A_3523 = arith.minimumf %add3A_3517, %add3A_3521 : vector<1x512xf32>
    %sub3A_3524 = arith.subf %min3A_3523, %max3A_3522 : vector<1x512xf32>
    %exp3A_3525 = math.exp %sub3A_3524 : vector<1x512xf32>
    %log1p3A_3526 = math.log1p %exp3A_3525 : vector<1x512xf32>
    %add3A_3527 = arith.addf %max3A_3522, %log1p3A_3526 : vector<1x512xf32>
    %swap3A_3528 = arith.constant 32 : index
    %swap3A_3529 = arith.constant 0 : index
    %swap3A_3530 = vector.load %arg6[%swap3A_3528, %swap3A_3529] : memref<100x512xf32, #tpu.memory_space<vmem>>, vector<1x512xf32>
    tpu.vector_store %arg6[%swap3A_3528, %swap3A_3529], %add3A_3527 {strides = array<i32>} : memref<100x512xf32, #tpu.memory_space<vmem>>, vector<1x512xf32>,
    %get3A_3531 = arith.constant 132 : index
    %get3A_3532 = arith.constant 0 : index
    %get3A_3533 = vector.load %arg7[%get3A_3531, %get3A_3532] : memref<500x512xf32, #tpu.memory_space<vmem>>, vector<1x512xf32>
    %add3A_3534 = arith.addf %add3A_3509, %get3A_3533 : vector<1x512xf32>
    %get3A_3535 = arith.constant 182 : index
    %get3A_3536 = arith.constant 0 : index
    %get3A_3537 = vector.load %arg7[%get3A_3535, %get3A_3536] : memref<500x512xf32, #tpu.memory_space<vmem>>, vector<1x512xf32>
    %add3A_3538 = arith.addf %add3A_3513, %get3A_3537 : vector<1x512xf32>
    %max3A_3539 = arith.maximumf %add3A_3534, %add3A_3538 : vector<1x512xf32>
    %min3A_3540 = arith.minimumf %add3A_3534, %add3A_3538 : vector<1x512xf32>
    %sub3A_3541 = arith.subf %min3A_3540, %max3A_3539 : vector<1x512xf32>
    %exp3A_3542 = math.exp %sub3A_3541 : vector<1x512xf32>
    %log1p3A_3543 = math.log1p %exp3A_3542 : vector<1x512xf32>
    %add3A_3544 = arith.addf %max3A_3539, %log1p3A_3543 : vector<1x512xf32>
    %swap3A_3545 = arith.constant 82 : index
    %swap3A_3546 = arith.constant 0 : index
    %swap3A_3547 = vector.load %arg6[%swap3A_3545, %swap3A_3546] : memref<100x512xf32, #tpu.memory_space<vmem>>, vector<1x512xf32>
    tpu.vector_store %arg6[%swap3A_3545, %swap3A_3546], %add3A_3544 {strides = array<i32>} : memref<100x512xf32, #tpu.memory_space<vmem>>, vector<1x512xf32>,
    %get3A_3548 = arith.constant 33 : index
    %get3A_3549 = arith.constant 0 : index
    %get3A_3550 = vector.load %arg3[%get3A_3548, %get3A_3549] : memref<50x512xi32, #tpu.memory_space<vmem>>, vector<1x512xi32>
    %slice3A_3551 = vector.extract_strided_slice %get3A_109 {offsets = [0, 0], sizes = [40, 512], strides = [1, 1]} : vector<50x512xi32> to vector<40x512xi32>
    %eq3A_3552 = vector.broadcast %get3A_3550 : vector<1x512xi32> to vector<40x512xi32>
    %eq3A_3553 = arith.cmpi eq, %slice3A_3551, %eq3A_3552 : vector<40x512xi32>
    %slice3A_3554 = vector.extract_strided_slice %iota3A {offsets = [0, 0], sizes = [40, 512], strides = [1, 1]} : vector<50x512xi32> to vector<40x512xi32>
    %lt3A_3555 = arith.constant 33 : i32
    %lt3A_3556 = vector.broadcast %lt3A_3555 : i32 to vector<40x512xi32>
    %lt3A_3557 = arith.cmpi slt, %slice3A_3554, %lt3A_3556 : vector<40x512xi32>
    %and3A_3558 = arith.andi %eq3A_3553, %lt3A_3557 : vector<40x512xi1>
    %slice3A_3559 = vector.extract_strided_slice %iota3A {offsets = [0, 0], sizes = [40, 512], strides = [1, 1]} : vector<50x512xi32> to vector<40x512xi32>
    %jit3A_3560 = arith.constant -1 : i32
    %broadcast_in_dim3A_3561 = vector.broadcast %jit3A_3560 : i32 to vector<40x512xi32>
    %select_n3A_3562 = arith.select %and3A_3558, %slice3A_3559, %broadcast_in_dim3A_3561 : vector<40x512xi1>, vector<40x512xi32>
    %reduce_max3A_3563 = arith.constant dense<-2147483648> : vector<512xi32>
    %reduce_max3A_3564 = vector.multi_reduction <maxsi>, %select_n3A_3562, %reduce_max3A_3563 [0] : vector<40x512xi32> to vector<512xi32>
    %broadcast_in_dim3A_3565 = vector.shape_cast %reduce_max3A_3564 : vector<512xi32> to vector<1x512xi32>
    %slice3A_3566 = vector.extract_strided_slice %iota3A {offsets = [0, 0], sizes = [40, 512], strides = [1, 1]} : vector<50x512xi32> to vector<40x512xi32>
    %eq3A_3567 = vector.broadcast %broadcast_in_dim3A_3565 : vector<1x512xi32> to vector<40x512xi32>
    %eq3A_3568 = arith.cmpi eq, %slice3A_3566, %eq3A_3567 : vector<40x512xi32>
    %get3A_3569 = arith.constant 0 : index
    %get3A_3570 = arith.constant 0 : index
    %get3A_3571 = vector.load %arg6[%get3A_3569, %get3A_3570] : memref<100x512xf32, #tpu.memory_space<vmem>>, vector<40x512xf32>
    %jit3A_3572 = arith.constant 0.000000e+00 : f32
    %broadcast_in_dim3A_3573 = vector.broadcast %jit3A_3572 : f32 to vector<40x512xf32>
    %select_n3A_3574 = arith.select %eq3A_3568, %get3A_3571, %broadcast_in_dim3A_3573 : vector<40x512xi1>, vector<40x512xf32>
    %reduce_sum3A_3575 = arith.constant dense<0.000000e+00> : vector<512xf32>
    %reduce_sum3A_3576 = vector.multi_reduction <add>, %select_n3A_3574, %reduce_sum3A_3575 [0] : vector<40x512xf32> to vector<512xf32>
    %broadcast_in_dim3A_3577 = vector.shape_cast %reduce_sum3A_3576 : vector<512xf32> to vector<1x512xf32>
    %get3A_3578 = arith.constant 50 : index
    %get3A_3579 = arith.constant 0 : index
    %get3A_3580 = vector.load %arg6[%get3A_3578, %get3A_3579] : memref<100x512xf32, #tpu.memory_space<vmem>>, vector<40x512xf32>
    %jit3A_3581 = arith.constant 0.000000e+00 : f32
    %broadcast_in_dim3A_3582 = vector.broadcast %jit3A_3581 : f32 to vector<40x512xf32>
    %select_n3A_3583 = arith.select %eq3A_3568, %get3A_3580, %broadcast_in_dim3A_3582 : vector<40x512xi1>, vector<40x512xf32>
    %reduce_sum3A_3584 = arith.constant dense<0.000000e+00> : vector<512xf32>
    %reduce_sum3A_3585 = vector.multi_reduction <add>, %select_n3A_3583, %reduce_sum3A_3584 [0] : vector<40x512xf32> to vector<512xf32>
    %broadcast_in_dim3A_3586 = vector.shape_cast %reduce_sum3A_3585 : vector<512xf32> to vector<1x512xf32>
    %ge3A_3587 = arith.constant 0 : i32
    %ge3A_3588 = vector.broadcast %ge3A_3587 : i32 to vector<1x512xi32>
    %ge3A_3589 = arith.cmpi sge, %broadcast_in_dim3A_3565, %ge3A_3588 : vector<1x512xi32>
    %get3A_3590 = arith.constant 433 : index
    %get3A_3591 = arith.constant 0 : index
    %get3A_3592 = vector.load %arg7[%get3A_3590, %get3A_3591] : memref<500x512xf32, #tpu.memory_space<vmem>>, vector<1x512xf32>
    %sub3A_3593 = arith.subf %broadcast_in_dim3A_3577, %get3A_3592 : vector<1x512xf32>
    %get3A_3594 = arith.constant 333 : index
    %get3A_3595 = arith.constant 0 : index
    %get3A_3596 = vector.load %arg7[%get3A_3594, %get3A_3595] : memref<500x512xf32, #tpu.memory_space<vmem>>, vector<1x512xf32>
    %select_n3A_3597 = arith.select %ge3A_3589, %sub3A_3593, %get3A_3596 : vector<1x512xi1>, vector<1x512xf32>
    %get3A_3598 = arith.constant 483 : index
    %get3A_3599 = arith.constant 0 : index
    %get3A_3600 = vector.load %arg7[%get3A_3598, %get3A_3599] : memref<500x512xf32, #tpu.memory_space<vmem>>, vector<1x512xf32>
    %sub3A_3601 = arith.subf %broadcast_in_dim3A_3586, %get3A_3600 : vector<1x512xf32>
    %get3A_3602 = arith.constant 383 : index
    %get3A_3603 = arith.constant 0 : index
    %get3A_3604 = vector.load %arg7[%get3A_3602, %get3A_3603] : memref<500x512xf32, #tpu.memory_space<vmem>>, vector<1x512xf32>
    %select_n3A_3605 = arith.select %ge3A_3589, %sub3A_3601, %get3A_3604 : vector<1x512xi1>, vector<1x512xf32>
    %swap3A_3606 = arith.constant 33 : index
    %swap3A_3607 = arith.constant 0 : index
    %swap3A_3608 = vector.load %arg8[%swap3A_3606, %swap3A_3607] : memref<100x512xf32, #tpu.memory_space<vmem>>, vector<1x512xf32>
    tpu.vector_store %arg8[%swap3A_3606, %swap3A_3607], %select_n3A_3597 {strides = array<i32>} : memref<100x512xf32, #tpu.memory_space<vmem>>, vector<1x512xf32>,
    %swap3A_3609 = arith.constant 83 : index
    %swap3A_3610 = arith.constant 0 : index
    %swap3A_3611 = vector.load %arg8[%swap3A_3609, %swap3A_3610] : memref<100x512xf32, #tpu.memory_space<vmem>>, vector<1x512xf32>
    tpu.vector_store %arg8[%swap3A_3609, %swap3A_3610], %select_n3A_3605 {strides = array<i32>} : memref<100x512xf32, #tpu.memory_space<vmem>>, vector<1x512xf32>,
    %get3A_3612 = arith.constant 233 : index
    %get3A_3613 = arith.constant 0 : index
    %get3A_3614 = vector.load %arg7[%get3A_3612, %get3A_3613] : memref<500x512xf32, #tpu.memory_space<vmem>>, vector<1x512xf32>
    %add3A_3615 = arith.addf %get3A_3614, %select_n3A_3597 : vector<1x512xf32>
    %get3A_3616 = arith.constant 283 : index
    %get3A_3617 = arith.constant 0 : index
    %get3A_3618 = vector.load %arg7[%get3A_3616, %get3A_3617] : memref<500x512xf32, #tpu.memory_space<vmem>>, vector<1x512xf32>
    %add3A_3619 = arith.addf %get3A_3618, %select_n3A_3605 : vector<1x512xf32>
    %get3A_3620 = arith.constant 33 : index
    %get3A_3621 = arith.constant 0 : index
    %get3A_3622 = vector.load %arg7[%get3A_3620, %get3A_3621] : memref<500x512xf32, #tpu.memory_space<vmem>>, vector<1x512xf32>
    %add3A_3623 = arith.addf %add3A_3615, %get3A_3622 : vector<1x512xf32>
    %get3A_3624 = arith.constant 83 : index
    %get3A_3625 = arith.constant 0 : index
    %get3A_3626 = vector.load %arg7[%get3A_3624, %get3A_3625] : memref<500x512xf32, #tpu.memory_space<vmem>>, vector<1x512xf32>
    %add3A_3627 = arith.addf %add3A_3619, %get3A_3626 : vector<1x512xf32>
    %max3A_3628 = arith.maximumf %add3A_3623, %add3A_3627 : vector<1x512xf32>
    %min3A_3629 = arith.minimumf %add3A_3623, %add3A_3627 : vector<1x512xf32>
    %sub3A_3630 = arith.subf %min3A_3629, %max3A_3628 : vector<1x512xf32>
    %exp3A_3631 = math.exp %sub3A_3630 : vector<1x512xf32>
    %log1p3A_3632 = math.log1p %exp3A_3631 : vector<1x512xf32>
    %add3A_3633 = arith.addf %max3A_3628, %log1p3A_3632 : vector<1x512xf32>
    %swap3A_3634 = arith.constant 33 : index
    %swap3A_3635 = arith.constant 0 : index
    %swap3A_3636 = vector.load %arg6[%swap3A_3634, %swap3A_3635] : memref<100x512xf32, #tpu.memory_space<vmem>>, vector<1x512xf32>
    tpu.vector_store %arg6[%swap3A_3634, %swap3A_3635], %add3A_3633 {strides = array<i32>} : memref<100x512xf32, #tpu.memory_space<vmem>>, vector<1x512xf32>,
    %get3A_3637 = arith.constant 133 : index
    %get3A_3638 = arith.constant 0 : index
    %get3A_3639 = vector.load %arg7[%get3A_3637, %get3A_3638] : memref<500x512xf32, #tpu.memory_space<vmem>>, vector<1x512xf32>
    %add3A_3640 = arith.addf %add3A_3615, %get3A_3639 : vector<1x512xf32>
    %get3A_3641 = arith.constant 183 : index
    %get3A_3642 = arith.constant 0 : index
    %get3A_3643 = vector.load %arg7[%get3A_3641, %get3A_3642] : memref<500x512xf32, #tpu.memory_space<vmem>>, vector<1x512xf32>
    %add3A_3644 = arith.addf %add3A_3619, %get3A_3643 : vector<1x512xf32>
    %max3A_3645 = arith.maximumf %add3A_3640, %add3A_3644 : vector<1x512xf32>
    %min3A_3646 = arith.minimumf %add3A_3640, %add3A_3644 : vector<1x512xf32>
    %sub3A_3647 = arith.subf %min3A_3646, %max3A_3645 : vector<1x512xf32>
    %exp3A_3648 = math.exp %sub3A_3647 : vector<1x512xf32>
    %log1p3A_3649 = math.log1p %exp3A_3648 : vector<1x512xf32>
    %add3A_3650 = arith.addf %max3A_3645, %log1p3A_3649 : vector<1x512xf32>
    %swap3A_3651 = arith.constant 83 : index
    %swap3A_3652 = arith.constant 0 : index
    %swap3A_3653 = vector.load %arg6[%swap3A_3651, %swap3A_3652] : memref<100x512xf32, #tpu.memory_space<vmem>>, vector<1x512xf32>
    tpu.vector_store %arg6[%swap3A_3651, %swap3A_3652], %add3A_3650 {strides = array<i32>} : memref<100x512xf32, #tpu.memory_space<vmem>>, vector<1x512xf32>,
    %get3A_3654 = arith.constant 34 : index
    %get3A_3655 = arith.constant 0 : index
    %get3A_3656 = vector.load %arg3[%get3A_3654, %get3A_3655] : memref<50x512xi32, #tpu.memory_space<vmem>>, vector<1x512xi32>
    %slice3A_3657 = vector.extract_strided_slice %get3A_109 {offsets = [0, 0], sizes = [40, 512], strides = [1, 1]} : vector<50x512xi32> to vector<40x512xi32>
    %eq3A_3658 = vector.broadcast %get3A_3656 : vector<1x512xi32> to vector<40x512xi32>
    %eq3A_3659 = arith.cmpi eq, %slice3A_3657, %eq3A_3658 : vector<40x512xi32>
    %slice3A_3660 = vector.extract_strided_slice %iota3A {offsets = [0, 0], sizes = [40, 512], strides = [1, 1]} : vector<50x512xi32> to vector<40x512xi32>
    %lt3A_3661 = arith.constant 34 : i32
    %lt3A_3662 = vector.broadcast %lt3A_3661 : i32 to vector<40x512xi32>
    %lt3A_3663 = arith.cmpi slt, %slice3A_3660, %lt3A_3662 : vector<40x512xi32>
    %and3A_3664 = arith.andi %eq3A_3659, %lt3A_3663 : vector<40x512xi1>
    %slice3A_3665 = vector.extract_strided_slice %iota3A {offsets = [0, 0], sizes = [40, 512], strides = [1, 1]} : vector<50x512xi32> to vector<40x512xi32>
    %jit3A_3666 = arith.constant -1 : i32
    %broadcast_in_dim3A_3667 = vector.broadcast %jit3A_3666 : i32 to vector<40x512xi32>
    %select_n3A_3668 = arith.select %and3A_3664, %slice3A_3665, %broadcast_in_dim3A_3667 : vector<40x512xi1>, vector<40x512xi32>
    %reduce_max3A_3669 = arith.constant dense<-2147483648> : vector<512xi32>
    %reduce_max3A_3670 = vector.multi_reduction <maxsi>, %select_n3A_3668, %reduce_max3A_3669 [0] : vector<40x512xi32> to vector<512xi32>
    %broadcast_in_dim3A_3671 = vector.shape_cast %reduce_max3A_3670 : vector<512xi32> to vector<1x512xi32>
    %slice3A_3672 = vector.extract_strided_slice %iota3A {offsets = [0, 0], sizes = [40, 512], strides = [1, 1]} : vector<50x512xi32> to vector<40x512xi32>
    %eq3A_3673 = vector.broadcast %broadcast_in_dim3A_3671 : vector<1x512xi32> to vector<40x512xi32>
    %eq3A_3674 = arith.cmpi eq, %slice3A_3672, %eq3A_3673 : vector<40x512xi32>
    %get3A_3675 = arith.constant 0 : index
    %get3A_3676 = arith.constant 0 : index
    %get3A_3677 = vector.load %arg6[%get3A_3675, %get3A_3676] : memref<100x512xf32, #tpu.memory_space<vmem>>, vector<40x512xf32>
    %jit3A_3678 = arith.constant 0.000000e+00 : f32
    %broadcast_in_dim3A_3679 = vector.broadcast %jit3A_3678 : f32 to vector<40x512xf32>
    %select_n3A_3680 = arith.select %eq3A_3674, %get3A_3677, %broadcast_in_dim3A_3679 : vector<40x512xi1>, vector<40x512xf32>
    %reduce_sum3A_3681 = arith.constant dense<0.000000e+00> : vector<512xf32>
    %reduce_sum3A_3682 = vector.multi_reduction <add>, %select_n3A_3680, %reduce_sum3A_3681 [0] : vector<40x512xf32> to vector<512xf32>
    %broadcast_in_dim3A_3683 = vector.shape_cast %reduce_sum3A_3682 : vector<512xf32> to vector<1x512xf32>
    %get3A_3684 = arith.constant 50 : index
    %get3A_3685 = arith.constant 0 : index
    %get3A_3686 = vector.load %arg6[%get3A_3684, %get3A_3685] : memref<100x512xf32, #tpu.memory_space<vmem>>, vector<40x512xf32>
    %jit3A_3687 = arith.constant 0.000000e+00 : f32
    %broadcast_in_dim3A_3688 = vector.broadcast %jit3A_3687 : f32 to vector<40x512xf32>
    %select_n3A_3689 = arith.select %eq3A_3674, %get3A_3686, %broadcast_in_dim3A_3688 : vector<40x512xi1>, vector<40x512xf32>
    %reduce_sum3A_3690 = arith.constant dense<0.000000e+00> : vector<512xf32>
    %reduce_sum3A_3691 = vector.multi_reduction <add>, %select_n3A_3689, %reduce_sum3A_3690 [0] : vector<40x512xf32> to vector<512xf32>
    %broadcast_in_dim3A_3692 = vector.shape_cast %reduce_sum3A_3691 : vector<512xf32> to vector<1x512xf32>
    %ge3A_3693 = arith.constant 0 : i32
    %ge3A_3694 = vector.broadcast %ge3A_3693 : i32 to vector<1x512xi32>
    %ge3A_3695 = arith.cmpi sge, %broadcast_in_dim3A_3671, %ge3A_3694 : vector<1x512xi32>
    %get3A_3696 = arith.constant 434 : index
    %get3A_3697 = arith.constant 0 : index
    %get3A_3698 = vector.load %arg7[%get3A_3696, %get3A_3697] : memref<500x512xf32, #tpu.memory_space<vmem>>, vector<1x512xf32>
    %sub3A_3699 = arith.subf %broadcast_in_dim3A_3683, %get3A_3698 : vector<1x512xf32>
    %get3A_3700 = arith.constant 334 : index
    %get3A_3701 = arith.constant 0 : index
    %get3A_3702 = vector.load %arg7[%get3A_3700, %get3A_3701] : memref<500x512xf32, #tpu.memory_space<vmem>>, vector<1x512xf32>
    %select_n3A_3703 = arith.select %ge3A_3695, %sub3A_3699, %get3A_3702 : vector<1x512xi1>, vector<1x512xf32>
    %get3A_3704 = arith.constant 484 : index
    %get3A_3705 = arith.constant 0 : index
    %get3A_3706 = vector.load %arg7[%get3A_3704, %get3A_3705] : memref<500x512xf32, #tpu.memory_space<vmem>>, vector<1x512xf32>
    %sub3A_3707 = arith.subf %broadcast_in_dim3A_3692, %get3A_3706 : vector<1x512xf32>
    %get3A_3708 = arith.constant 384 : index
    %get3A_3709 = arith.constant 0 : index
    %get3A_3710 = vector.load %arg7[%get3A_3708, %get3A_3709] : memref<500x512xf32, #tpu.memory_space<vmem>>, vector<1x512xf32>
    %select_n3A_3711 = arith.select %ge3A_3695, %sub3A_3707, %get3A_3710 : vector<1x512xi1>, vector<1x512xf32>
    %swap3A_3712 = arith.constant 34 : index
    %swap3A_3713 = arith.constant 0 : index
    %swap3A_3714 = vector.load %arg8[%swap3A_3712, %swap3A_3713] : memref<100x512xf32, #tpu.memory_space<vmem>>, vector<1x512xf32>
    tpu.vector_store %arg8[%swap3A_3712, %swap3A_3713], %select_n3A_3703 {strides = array<i32>} : memref<100x512xf32, #tpu.memory_space<vmem>>, vector<1x512xf32>,
    %swap3A_3715 = arith.constant 84 : index
    %swap3A_3716 = arith.constant 0 : index
    %swap3A_3717 = vector.load %arg8[%swap3A_3715, %swap3A_3716] : memref<100x512xf32, #tpu.memory_space<vmem>>, vector<1x512xf32>
    tpu.vector_store %arg8[%swap3A_3715, %swap3A_3716], %select_n3A_3711 {strides = array<i32>} : memref<100x512xf32, #tpu.memory_space<vmem>>, vector<1x512xf32>,
    %get3A_3718 = arith.constant 234 : index
    %get3A_3719 = arith.constant 0 : index
    %get3A_3720 = vector.load %arg7[%get3A_3718, %get3A_3719] : memref<500x512xf32, #tpu.memory_space<vmem>>, vector<1x512xf32>
    %add3A_3721 = arith.addf %get3A_3720, %select_n3A_3703 : vector<1x512xf32>
    %get3A_3722 = arith.constant 284 : index
    %get3A_3723 = arith.constant 0 : index
    %get3A_3724 = vector.load %arg7[%get3A_3722, %get3A_3723] : memref<500x512xf32, #tpu.memory_space<vmem>>, vector<1x512xf32>
    %add3A_3725 = arith.addf %get3A_3724, %select_n3A_3711 : vector<1x512xf32>
    %get3A_3726 = arith.constant 34 : index
    %get3A_3727 = arith.constant 0 : index
    %get3A_3728 = vector.load %arg7[%get3A_3726, %get3A_3727] : memref<500x512xf32, #tpu.memory_space<vmem>>, vector<1x512xf32>
    %add3A_3729 = arith.addf %add3A_3721, %get3A_3728 : vector<1x512xf32>
    %get3A_3730 = arith.constant 84 : index
    %get3A_3731 = arith.constant 0 : index
    %get3A_3732 = vector.load %arg7[%get3A_3730, %get3A_3731] : memref<500x512xf32, #tpu.memory_space<vmem>>, vector<1x512xf32>
    %add3A_3733 = arith.addf %add3A_3725, %get3A_3732 : vector<1x512xf32>
    %max3A_3734 = arith.maximumf %add3A_3729, %add3A_3733 : vector<1x512xf32>
    %min3A_3735 = arith.minimumf %add3A_3729, %add3A_3733 : vector<1x512xf32>
    %sub3A_3736 = arith.subf %min3A_3735, %max3A_3734 : vector<1x512xf32>
    %exp3A_3737 = math.exp %sub3A_3736 : vector<1x512xf32>
    %log1p3A_3738 = math.log1p %exp3A_3737 : vector<1x512xf32>
    %add3A_3739 = arith.addf %max3A_3734, %log1p3A_3738 : vector<1x512xf32>
    %swap3A_3740 = arith.constant 34 : index
    %swap3A_3741 = arith.constant 0 : index
    %swap3A_3742 = vector.load %arg6[%swap3A_3740, %swap3A_3741] : memref<100x512xf32, #tpu.memory_space<vmem>>, vector<1x512xf32>
    tpu.vector_store %arg6[%swap3A_3740, %swap3A_3741], %add3A_3739 {strides = array<i32>} : memref<100x512xf32, #tpu.memory_space<vmem>>, vector<1x512xf32>,
    %get3A_3743 = arith.constant 134 : index
    %get3A_3744 = arith.constant 0 : index
    %get3A_3745 = vector.load %arg7[%get3A_3743, %get3A_3744] : memref<500x512xf32, #tpu.memory_space<vmem>>, vector<1x512xf32>
    %add3A_3746 = arith.addf %add3A_3721, %get3A_3745 : vector<1x512xf32>
    %get3A_3747 = arith.constant 184 : index
    %get3A_3748 = arith.constant 0 : index
    %get3A_3749 = vector.load %arg7[%get3A_3747, %get3A_3748] : memref<500x512xf32, #tpu.memory_space<vmem>>, vector<1x512xf32>
    %add3A_3750 = arith.addf %add3A_3725, %get3A_3749 : vector<1x512xf32>
    %max3A_3751 = arith.maximumf %add3A_3746, %add3A_3750 : vector<1x512xf32>
    %min3A_3752 = arith.minimumf %add3A_3746, %add3A_3750 : vector<1x512xf32>
    %sub3A_3753 = arith.subf %min3A_3752, %max3A_3751 : vector<1x512xf32>
    %exp3A_3754 = math.exp %sub3A_3753 : vector<1x512xf32>
    %log1p3A_3755 = math.log1p %exp3A_3754 : vector<1x512xf32>
    %add3A_3756 = arith.addf %max3A_3751, %log1p3A_3755 : vector<1x512xf32>
    %swap3A_3757 = arith.constant 84 : index
    %swap3A_3758 = arith.constant 0 : index
    %swap3A_3759 = vector.load %arg6[%swap3A_3757, %swap3A_3758] : memref<100x512xf32, #tpu.memory_space<vmem>>, vector<1x512xf32>
    tpu.vector_store %arg6[%swap3A_3757, %swap3A_3758], %add3A_3756 {strides = array<i32>} : memref<100x512xf32, #tpu.memory_space<vmem>>, vector<1x512xf32>,
    %get3A_3760 = arith.constant 35 : index
    %get3A_3761 = arith.constant 0 : index
    %get3A_3762 = vector.load %arg3[%get3A_3760, %get3A_3761] : memref<50x512xi32, #tpu.memory_space<vmem>>, vector<1x512xi32>
    %slice3A_3763 = vector.extract_strided_slice %get3A_109 {offsets = [0, 0], sizes = [40, 512], strides = [1, 1]} : vector<50x512xi32> to vector<40x512xi32>
    %eq3A_3764 = vector.broadcast %get3A_3762 : vector<1x512xi32> to vector<40x512xi32>
    %eq3A_3765 = arith.cmpi eq, %slice3A_3763, %eq3A_3764 : vector<40x512xi32>
    %slice3A_3766 = vector.extract_strided_slice %iota3A {offsets = [0, 0], sizes = [40, 512], strides = [1, 1]} : vector<50x512xi32> to vector<40x512xi32>
    %lt3A_3767 = arith.constant 35 : i32
    %lt3A_3768 = vector.broadcast %lt3A_3767 : i32 to vector<40x512xi32>
    %lt3A_3769 = arith.cmpi slt, %slice3A_3766, %lt3A_3768 : vector<40x512xi32>
    %and3A_3770 = arith.andi %eq3A_3765, %lt3A_3769 : vector<40x512xi1>
    %slice3A_3771 = vector.extract_strided_slice %iota3A {offsets = [0, 0], sizes = [40, 512], strides = [1, 1]} : vector<50x512xi32> to vector<40x512xi32>
    %jit3A_3772 = arith.constant -1 : i32
    %broadcast_in_dim3A_3773 = vector.broadcast %jit3A_3772 : i32 to vector<40x512xi32>
    %select_n3A_3774 = arith.select %and3A_3770, %slice3A_3771, %broadcast_in_dim3A_3773 : vector<40x512xi1>, vector<40x512xi32>
    %reduce_max3A_3775 = arith.constant dense<-2147483648> : vector<512xi32>
    %reduce_max3A_3776 = vector.multi_reduction <maxsi>, %select_n3A_3774, %reduce_max3A_3775 [0] : vector<40x512xi32> to vector<512xi32>
    %broadcast_in_dim3A_3777 = vector.shape_cast %reduce_max3A_3776 : vector<512xi32> to vector<1x512xi32>
    %slice3A_3778 = vector.extract_strided_slice %iota3A {offsets = [0, 0], sizes = [40, 512], strides = [1, 1]} : vector<50x512xi32> to vector<40x512xi32>
    %eq3A_3779 = vector.broadcast %broadcast_in_dim3A_3777 : vector<1x512xi32> to vector<40x512xi32>
    %eq3A_3780 = arith.cmpi eq, %slice3A_3778, %eq3A_3779 : vector<40x512xi32>
    %get3A_3781 = arith.constant 0 : index
    %get3A_3782 = arith.constant 0 : index
    %get3A_3783 = vector.load %arg6[%get3A_3781, %get3A_3782] : memref<100x512xf32, #tpu.memory_space<vmem>>, vector<40x512xf32>
    %jit3A_3784 = arith.constant 0.000000e+00 : f32
    %broadcast_in_dim3A_3785 = vector.broadcast %jit3A_3784 : f32 to vector<40x512xf32>
    %select_n3A_3786 = arith.select %eq3A_3780, %get3A_3783, %broadcast_in_dim3A_3785 : vector<40x512xi1>, vector<40x512xf32>
    %reduce_sum3A_3787 = arith.constant dense<0.000000e+00> : vector<512xf32>
    %reduce_sum3A_3788 = vector.multi_reduction <add>, %select_n3A_3786, %reduce_sum3A_3787 [0] : vector<40x512xf32> to vector<512xf32>
    %broadcast_in_dim3A_3789 = vector.shape_cast %reduce_sum3A_3788 : vector<512xf32> to vector<1x512xf32>
    %get3A_3790 = arith.constant 50 : index
    %get3A_3791 = arith.constant 0 : index
    %get3A_3792 = vector.load %arg6[%get3A_3790, %get3A_3791] : memref<100x512xf32, #tpu.memory_space<vmem>>, vector<40x512xf32>
    %jit3A_3793 = arith.constant 0.000000e+00 : f32
    %broadcast_in_dim3A_3794 = vector.broadcast %jit3A_3793 : f32 to vector<40x512xf32>
    %select_n3A_3795 = arith.select %eq3A_3780, %get3A_3792, %broadcast_in_dim3A_3794 : vector<40x512xi1>, vector<40x512xf32>
    %reduce_sum3A_3796 = arith.constant dense<0.000000e+00> : vector<512xf32>
    %reduce_sum3A_3797 = vector.multi_reduction <add>, %select_n3A_3795, %reduce_sum3A_3796 [0] : vector<40x512xf32> to vector<512xf32>
    %broadcast_in_dim3A_3798 = vector.shape_cast %reduce_sum3A_3797 : vector<512xf32> to vector<1x512xf32>
    %ge3A_3799 = arith.constant 0 : i32
    %ge3A_3800 = vector.broadcast %ge3A_3799 : i32 to vector<1x512xi32>
    %ge3A_3801 = arith.cmpi sge, %broadcast_in_dim3A_3777, %ge3A_3800 : vector<1x512xi32>
    %get3A_3802 = arith.constant 435 : index
    %get3A_3803 = arith.constant 0 : index
    %get3A_3804 = vector.load %arg7[%get3A_3802, %get3A_3803] : memref<500x512xf32, #tpu.memory_space<vmem>>, vector<1x512xf32>
    %sub3A_3805 = arith.subf %broadcast_in_dim3A_3789, %get3A_3804 : vector<1x512xf32>
    %get3A_3806 = arith.constant 335 : index
    %get3A_3807 = arith.constant 0 : index
    %get3A_3808 = vector.load %arg7[%get3A_3806, %get3A_3807] : memref<500x512xf32, #tpu.memory_space<vmem>>, vector<1x512xf32>
    %select_n3A_3809 = arith.select %ge3A_3801, %sub3A_3805, %get3A_3808 : vector<1x512xi1>, vector<1x512xf32>
    %get3A_3810 = arith.constant 485 : index
    %get3A_3811 = arith.constant 0 : index
    %get3A_3812 = vector.load %arg7[%get3A_3810, %get3A_3811] : memref<500x512xf32, #tpu.memory_space<vmem>>, vector<1x512xf32>
    %sub3A_3813 = arith.subf %broadcast_in_dim3A_3798, %get3A_3812 : vector<1x512xf32>
    %get3A_3814 = arith.constant 385 : index
    %get3A_3815 = arith.constant 0 : index
    %get3A_3816 = vector.load %arg7[%get3A_3814, %get3A_3815] : memref<500x512xf32, #tpu.memory_space<vmem>>, vector<1x512xf32>
    %select_n3A_3817 = arith.select %ge3A_3801, %sub3A_3813, %get3A_3816 : vector<1x512xi1>, vector<1x512xf32>
    %swap3A_3818 = arith.constant 35 : index
    %swap3A_3819 = arith.constant 0 : index
    %swap3A_3820 = vector.load %arg8[%swap3A_3818, %swap3A_3819] : memref<100x512xf32, #tpu.memory_space<vmem>>, vector<1x512xf32>
    tpu.vector_store %arg8[%swap3A_3818, %swap3A_3819], %select_n3A_3809 {strides = array<i32>} : memref<100x512xf32, #tpu.memory_space<vmem>>, vector<1x512xf32>,
    %swap3A_3821 = arith.constant 85 : index
    %swap3A_3822 = arith.constant 0 : index
    %swap3A_3823 = vector.load %arg8[%swap3A_3821, %swap3A_3822] : memref<100x512xf32, #tpu.memory_space<vmem>>, vector<1x512xf32>
    tpu.vector_store %arg8[%swap3A_3821, %swap3A_3822], %select_n3A_3817 {strides = array<i32>} : memref<100x512xf32, #tpu.memory_space<vmem>>, vector<1x512xf32>,
    %get3A_3824 = arith.constant 235 : index
    %get3A_3825 = arith.constant 0 : index
    %get3A_3826 = vector.load %arg7[%get3A_3824, %get3A_3825] : memref<500x512xf32, #tpu.memory_space<vmem>>, vector<1x512xf32>
    %add3A_3827 = arith.addf %get3A_3826, %select_n3A_3809 : vector<1x512xf32>
    %get3A_3828 = arith.constant 285 : index
    %get3A_3829 = arith.constant 0 : index
    %get3A_3830 = vector.load %arg7[%get3A_3828, %get3A_3829] : memref<500x512xf32, #tpu.memory_space<vmem>>, vector<1x512xf32>
    %add3A_3831 = arith.addf %get3A_3830, %select_n3A_3817 : vector<1x512xf32>
    %get3A_3832 = arith.constant 35 : index
    %get3A_3833 = arith.constant 0 : index
    %get3A_3834 = vector.load %arg7[%get3A_3832, %get3A_3833] : memref<500x512xf32, #tpu.memory_space<vmem>>, vector<1x512xf32>
    %add3A_3835 = arith.addf %add3A_3827, %get3A_3834 : vector<1x512xf32>
    %get3A_3836 = arith.constant 85 : index
    %get3A_3837 = arith.constant 0 : index
    %get3A_3838 = vector.load %arg7[%get3A_3836, %get3A_3837] : memref<500x512xf32, #tpu.memory_space<vmem>>, vector<1x512xf32>
    %add3A_3839 = arith.addf %add3A_3831, %get3A_3838 : vector<1x512xf32>
    %max3A_3840 = arith.maximumf %add3A_3835, %add3A_3839 : vector<1x512xf32>
    %min3A_3841 = arith.minimumf %add3A_3835, %add3A_3839 : vector<1x512xf32>
    %sub3A_3842 = arith.subf %min3A_3841, %max3A_3840 : vector<1x512xf32>
    %exp3A_3843 = math.exp %sub3A_3842 : vector<1x512xf32>
    %log1p3A_3844 = math.log1p %exp3A_3843 : vector<1x512xf32>
    %add3A_3845 = arith.addf %max3A_3840, %log1p3A_3844 : vector<1x512xf32>
    %swap3A_3846 = arith.constant 35 : index
    %swap3A_3847 = arith.constant 0 : index
    %swap3A_3848 = vector.load %arg6[%swap3A_3846, %swap3A_3847] : memref<100x512xf32, #tpu.memory_space<vmem>>, vector<1x512xf32>
    tpu.vector_store %arg6[%swap3A_3846, %swap3A_3847], %add3A_3845 {strides = array<i32>} : memref<100x512xf32, #tpu.memory_space<vmem>>, vector<1x512xf32>,
    %get3A_3849 = arith.constant 135 : index
    %get3A_3850 = arith.constant 0 : index
    %get3A_3851 = vector.load %arg7[%get3A_3849, %get3A_3850] : memref<500x512xf32, #tpu.memory_space<vmem>>, vector<1x512xf32>
    %add3A_3852 = arith.addf %add3A_3827, %get3A_3851 : vector<1x512xf32>
    %get3A_3853 = arith.constant 185 : index
    %get3A_3854 = arith.constant 0 : index
    %get3A_3855 = vector.load %arg7[%get3A_3853, %get3A_3854] : memref<500x512xf32, #tpu.memory_space<vmem>>, vector<1x512xf32>
    %add3A_3856 = arith.addf %add3A_3831, %get3A_3855 : vector<1x512xf32>
    %max3A_3857 = arith.maximumf %add3A_3852, %add3A_3856 : vector<1x512xf32>
    %min3A_3858 = arith.minimumf %add3A_3852, %add3A_3856 : vector<1x512xf32>
    %sub3A_3859 = arith.subf %min3A_3858, %max3A_3857 : vector<1x512xf32>
    %exp3A_3860 = math.exp %sub3A_3859 : vector<1x512xf32>
    %log1p3A_3861 = math.log1p %exp3A_3860 : vector<1x512xf32>
    %add3A_3862 = arith.addf %max3A_3857, %log1p3A_3861 : vector<1x512xf32>
    %swap3A_3863 = arith.constant 85 : index
    %swap3A_3864 = arith.constant 0 : index
    %swap3A_3865 = vector.load %arg6[%swap3A_3863, %swap3A_3864] : memref<100x512xf32, #tpu.memory_space<vmem>>, vector<1x512xf32>
    tpu.vector_store %arg6[%swap3A_3863, %swap3A_3864], %add3A_3862 {strides = array<i32>} : memref<100x512xf32, #tpu.memory_space<vmem>>, vector<1x512xf32>,
    %get3A_3866 = arith.constant 36 : index
    %get3A_3867 = arith.constant 0 : index
    %get3A_3868 = vector.load %arg3[%get3A_3866, %get3A_3867] : memref<50x512xi32, #tpu.memory_space<vmem>>, vector<1x512xi32>
    %slice3A_3869 = vector.extract_strided_slice %get3A_109 {offsets = [0, 0], sizes = [40, 512], strides = [1, 1]} : vector<50x512xi32> to vector<40x512xi32>
    %eq3A_3870 = vector.broadcast %get3A_3868 : vector<1x512xi32> to vector<40x512xi32>
    %eq3A_3871 = arith.cmpi eq, %slice3A_3869, %eq3A_3870 : vector<40x512xi32>
    %slice3A_3872 = vector.extract_strided_slice %iota3A {offsets = [0, 0], sizes = [40, 512], strides = [1, 1]} : vector<50x512xi32> to vector<40x512xi32>
    %lt3A_3873 = arith.constant 36 : i32
    %lt3A_3874 = vector.broadcast %lt3A_3873 : i32 to vector<40x512xi32>
    %lt3A_3875 = arith.cmpi slt, %slice3A_3872, %lt3A_3874 : vector<40x512xi32>
    %and3A_3876 = arith.andi %eq3A_3871, %lt3A_3875 : vector<40x512xi1>
    %slice3A_3877 = vector.extract_strided_slice %iota3A {offsets = [0, 0], sizes = [40, 512], strides = [1, 1]} : vector<50x512xi32> to vector<40x512xi32>
    %jit3A_3878 = arith.constant -1 : i32
    %broadcast_in_dim3A_3879 = vector.broadcast %jit3A_3878 : i32 to vector<40x512xi32>
    %select_n3A_3880 = arith.select %and3A_3876, %slice3A_3877, %broadcast_in_dim3A_3879 : vector<40x512xi1>, vector<40x512xi32>
    %reduce_max3A_3881 = arith.constant dense<-2147483648> : vector<512xi32>
    %reduce_max3A_3882 = vector.multi_reduction <maxsi>, %select_n3A_3880, %reduce_max3A_3881 [0] : vector<40x512xi32> to vector<512xi32>
    %broadcast_in_dim3A_3883 = vector.shape_cast %reduce_max3A_3882 : vector<512xi32> to vector<1x512xi32>
    %slice3A_3884 = vector.extract_strided_slice %iota3A {offsets = [0, 0], sizes = [40, 512], strides = [1, 1]} : vector<50x512xi32> to vector<40x512xi32>
    %eq3A_3885 = vector.broadcast %broadcast_in_dim3A_3883 : vector<1x512xi32> to vector<40x512xi32>
    %eq3A_3886 = arith.cmpi eq, %slice3A_3884, %eq3A_3885 : vector<40x512xi32>
    %get3A_3887 = arith.constant 0 : index
    %get3A_3888 = arith.constant 0 : index
    %get3A_3889 = vector.load %arg6[%get3A_3887, %get3A_3888] : memref<100x512xf32, #tpu.memory_space<vmem>>, vector<40x512xf32>
    %jit3A_3890 = arith.constant 0.000000e+00 : f32
    %broadcast_in_dim3A_3891 = vector.broadcast %jit3A_3890 : f32 to vector<40x512xf32>
    %select_n3A_3892 = arith.select %eq3A_3886, %get3A_3889, %broadcast_in_dim3A_3891 : vector<40x512xi1>, vector<40x512xf32>
    %reduce_sum3A_3893 = arith.constant dense<0.000000e+00> : vector<512xf32>
    %reduce_sum3A_3894 = vector.multi_reduction <add>, %select_n3A_3892, %reduce_sum3A_3893 [0] : vector<40x512xf32> to vector<512xf32>
    %broadcast_in_dim3A_3895 = vector.shape_cast %reduce_sum3A_3894 : vector<512xf32> to vector<1x512xf32>
    %get3A_3896 = arith.constant 50 : index
    %get3A_3897 = arith.constant 0 : index
    %get3A_3898 = vector.load %arg6[%get3A_3896, %get3A_3897] : memref<100x512xf32, #tpu.memory_space<vmem>>, vector<40x512xf32>
    %jit3A_3899 = arith.constant 0.000000e+00 : f32
    %broadcast_in_dim3A_3900 = vector.broadcast %jit3A_3899 : f32 to vector<40x512xf32>
    %select_n3A_3901 = arith.select %eq3A_3886, %get3A_3898, %broadcast_in_dim3A_3900 : vector<40x512xi1>, vector<40x512xf32>
    %reduce_sum3A_3902 = arith.constant dense<0.000000e+00> : vector<512xf32>
    %reduce_sum3A_3903 = vector.multi_reduction <add>, %select_n3A_3901, %reduce_sum3A_3902 [0] : vector<40x512xf32> to vector<512xf32>
    %broadcast_in_dim3A_3904 = vector.shape_cast %reduce_sum3A_3903 : vector<512xf32> to vector<1x512xf32>
    %ge3A_3905 = arith.constant 0 : i32
    %ge3A_3906 = vector.broadcast %ge3A_3905 : i32 to vector<1x512xi32>
    %ge3A_3907 = arith.cmpi sge, %broadcast_in_dim3A_3883, %ge3A_3906 : vector<1x512xi32>
    %get3A_3908 = arith.constant 436 : index
    %get3A_3909 = arith.constant 0 : index
    %get3A_3910 = vector.load %arg7[%get3A_3908, %get3A_3909] : memref<500x512xf32, #tpu.memory_space<vmem>>, vector<1x512xf32>
    %sub3A_3911 = arith.subf %broadcast_in_dim3A_3895, %get3A_3910 : vector<1x512xf32>
    %get3A_3912 = arith.constant 336 : index
    %get3A_3913 = arith.constant 0 : index
    %get3A_3914 = vector.load %arg7[%get3A_3912, %get3A_3913] : memref<500x512xf32, #tpu.memory_space<vmem>>, vector<1x512xf32>
    %select_n3A_3915 = arith.select %ge3A_3907, %sub3A_3911, %get3A_3914 : vector<1x512xi1>, vector<1x512xf32>
    %get3A_3916 = arith.constant 486 : index
    %get3A_3917 = arith.constant 0 : index
    %get3A_3918 = vector.load %arg7[%get3A_3916, %get3A_3917] : memref<500x512xf32, #tpu.memory_space<vmem>>, vector<1x512xf32>
    %sub3A_3919 = arith.subf %broadcast_in_dim3A_3904, %get3A_3918 : vector<1x512xf32>
    %get3A_3920 = arith.constant 386 : index
    %get3A_3921 = arith.constant 0 : index
    %get3A_3922 = vector.load %arg7[%get3A_3920, %get3A_3921] : memref<500x512xf32, #tpu.memory_space<vmem>>, vector<1x512xf32>
    %select_n3A_3923 = arith.select %ge3A_3907, %sub3A_3919, %get3A_3922 : vector<1x512xi1>, vector<1x512xf32>
    %swap3A_3924 = arith.constant 36 : index
    %swap3A_3925 = arith.constant 0 : index
    %swap3A_3926 = vector.load %arg8[%swap3A_3924, %swap3A_3925] : memref<100x512xf32, #tpu.memory_space<vmem>>, vector<1x512xf32>
    tpu.vector_store %arg8[%swap3A_3924, %swap3A_3925], %select_n3A_3915 {strides = array<i32>} : memref<100x512xf32, #tpu.memory_space<vmem>>, vector<1x512xf32>,
    %swap3A_3927 = arith.constant 86 : index
    %swap3A_3928 = arith.constant 0 : index
    %swap3A_3929 = vector.load %arg8[%swap3A_3927, %swap3A_3928] : memref<100x512xf32, #tpu.memory_space<vmem>>, vector<1x512xf32>
    tpu.vector_store %arg8[%swap3A_3927, %swap3A_3928], %select_n3A_3923 {strides = array<i32>} : memref<100x512xf32, #tpu.memory_space<vmem>>, vector<1x512xf32>,
    %get3A_3930 = arith.constant 236 : index
    %get3A_3931 = arith.constant 0 : index
    %get3A_3932 = vector.load %arg7[%get3A_3930, %get3A_3931] : memref<500x512xf32, #tpu.memory_space<vmem>>, vector<1x512xf32>
    %add3A_3933 = arith.addf %get3A_3932, %select_n3A_3915 : vector<1x512xf32>
    %get3A_3934 = arith.constant 286 : index
    %get3A_3935 = arith.constant 0 : index
    %get3A_3936 = vector.load %arg7[%get3A_3934, %get3A_3935] : memref<500x512xf32, #tpu.memory_space<vmem>>, vector<1x512xf32>
    %add3A_3937 = arith.addf %get3A_3936, %select_n3A_3923 : vector<1x512xf32>
    %get3A_3938 = arith.constant 36 : index
    %get3A_3939 = arith.constant 0 : index
    %get3A_3940 = vector.load %arg7[%get3A_3938, %get3A_3939] : memref<500x512xf32, #tpu.memory_space<vmem>>, vector<1x512xf32>
    %add3A_3941 = arith.addf %add3A_3933, %get3A_3940 : vector<1x512xf32>
    %get3A_3942 = arith.constant 86 : index
    %get3A_3943 = arith.constant 0 : index
    %get3A_3944 = vector.load %arg7[%get3A_3942, %get3A_3943] : memref<500x512xf32, #tpu.memory_space<vmem>>, vector<1x512xf32>
    %add3A_3945 = arith.addf %add3A_3937, %get3A_3944 : vector<1x512xf32>
    %max3A_3946 = arith.maximumf %add3A_3941, %add3A_3945 : vector<1x512xf32>
    %min3A_3947 = arith.minimumf %add3A_3941, %add3A_3945 : vector<1x512xf32>
    %sub3A_3948 = arith.subf %min3A_3947, %max3A_3946 : vector<1x512xf32>
    %exp3A_3949 = math.exp %sub3A_3948 : vector<1x512xf32>
    %log1p3A_3950 = math.log1p %exp3A_3949 : vector<1x512xf32>
    %add3A_3951 = arith.addf %max3A_3946, %log1p3A_3950 : vector<1x512xf32>
    %swap3A_3952 = arith.constant 36 : index
    %swap3A_3953 = arith.constant 0 : index
    %swap3A_3954 = vector.load %arg6[%swap3A_3952, %swap3A_3953] : memref<100x512xf32, #tpu.memory_space<vmem>>, vector<1x512xf32>
    tpu.vector_store %arg6[%swap3A_3952, %swap3A_3953], %add3A_3951 {strides = array<i32>} : memref<100x512xf32, #tpu.memory_space<vmem>>, vector<1x512xf32>,
    %get3A_3955 = arith.constant 136 : index
    %get3A_3956 = arith.constant 0 : index
    %get3A_3957 = vector.load %arg7[%get3A_3955, %get3A_3956] : memref<500x512xf32, #tpu.memory_space<vmem>>, vector<1x512xf32>
    %add3A_3958 = arith.addf %add3A_3933, %get3A_3957 : vector<1x512xf32>
    %get3A_3959 = arith.constant 186 : index
    %get3A_3960 = arith.constant 0 : index
    %get3A_3961 = vector.load %arg7[%get3A_3959, %get3A_3960] : memref<500x512xf32, #tpu.memory_space<vmem>>, vector<1x512xf32>
    %add3A_3962 = arith.addf %add3A_3937, %get3A_3961 : vector<1x512xf32>
    %max3A_3963 = arith.maximumf %add3A_3958, %add3A_3962 : vector<1x512xf32>
    %min3A_3964 = arith.minimumf %add3A_3958, %add3A_3962 : vector<1x512xf32>
    %sub3A_3965 = arith.subf %min3A_3964, %max3A_3963 : vector<1x512xf32>
    %exp3A_3966 = math.exp %sub3A_3965 : vector<1x512xf32>
    %log1p3A_3967 = math.log1p %exp3A_3966 : vector<1x512xf32>
    %add3A_3968 = arith.addf %max3A_3963, %log1p3A_3967 : vector<1x512xf32>
    %swap3A_3969 = arith.constant 86 : index
    %swap3A_3970 = arith.constant 0 : index
    %swap3A_3971 = vector.load %arg6[%swap3A_3969, %swap3A_3970] : memref<100x512xf32, #tpu.memory_space<vmem>>, vector<1x512xf32>
    tpu.vector_store %arg6[%swap3A_3969, %swap3A_3970], %add3A_3968 {strides = array<i32>} : memref<100x512xf32, #tpu.memory_space<vmem>>, vector<1x512xf32>,
    %get3A_3972 = arith.constant 37 : index
    %get3A_3973 = arith.constant 0 : index
    %get3A_3974 = vector.load %arg3[%get3A_3972, %get3A_3973] : memref<50x512xi32, #tpu.memory_space<vmem>>, vector<1x512xi32>
    %slice3A_3975 = vector.extract_strided_slice %get3A_109 {offsets = [0, 0], sizes = [40, 512], strides = [1, 1]} : vector<50x512xi32> to vector<40x512xi32>
    %eq3A_3976 = vector.broadcast %get3A_3974 : vector<1x512xi32> to vector<40x512xi32>
    %eq3A_3977 = arith.cmpi eq, %slice3A_3975, %eq3A_3976 : vector<40x512xi32>
    %slice3A_3978 = vector.extract_strided_slice %iota3A {offsets = [0, 0], sizes = [40, 512], strides = [1, 1]} : vector<50x512xi32> to vector<40x512xi32>
    %lt3A_3979 = arith.constant 37 : i32
    %lt3A_3980 = vector.broadcast %lt3A_3979 : i32 to vector<40x512xi32>
    %lt3A_3981 = arith.cmpi slt, %slice3A_3978, %lt3A_3980 : vector<40x512xi32>
    %and3A_3982 = arith.andi %eq3A_3977, %lt3A_3981 : vector<40x512xi1>
    %slice3A_3983 = vector.extract_strided_slice %iota3A {offsets = [0, 0], sizes = [40, 512], strides = [1, 1]} : vector<50x512xi32> to vector<40x512xi32>
    %jit3A_3984 = arith.constant -1 : i32
    %broadcast_in_dim3A_3985 = vector.broadcast %jit3A_3984 : i32 to vector<40x512xi32>
    %select_n3A_3986 = arith.select %and3A_3982, %slice3A_3983, %broadcast_in_dim3A_3985 : vector<40x512xi1>, vector<40x512xi32>
    %reduce_max3A_3987 = arith.constant dense<-2147483648> : vector<512xi32>
    %reduce_max3A_3988 = vector.multi_reduction <maxsi>, %select_n3A_3986, %reduce_max3A_3987 [0] : vector<40x512xi32> to vector<512xi32>
    %broadcast_in_dim3A_3989 = vector.shape_cast %reduce_max3A_3988 : vector<512xi32> to vector<1x512xi32>
    %slice3A_3990 = vector.extract_strided_slice %iota3A {offsets = [0, 0], sizes = [40, 512], strides = [1, 1]} : vector<50x512xi32> to vector<40x512xi32>
    %eq3A_3991 = vector.broadcast %broadcast_in_dim3A_3989 : vector<1x512xi32> to vector<40x512xi32>
    %eq3A_3992 = arith.cmpi eq, %slice3A_3990, %eq3A_3991 : vector<40x512xi32>
    %get3A_3993 = arith.constant 0 : index
    %get3A_3994 = arith.constant 0 : index
    %get3A_3995 = vector.load %arg6[%get3A_3993, %get3A_3994] : memref<100x512xf32, #tpu.memory_space<vmem>>, vector<40x512xf32>
    %jit3A_3996 = arith.constant 0.000000e+00 : f32
    %broadcast_in_dim3A_3997 = vector.broadcast %jit3A_3996 : f32 to vector<40x512xf32>
    %select_n3A_3998 = arith.select %eq3A_3992, %get3A_3995, %broadcast_in_dim3A_3997 : vector<40x512xi1>, vector<40x512xf32>
    %reduce_sum3A_3999 = arith.constant dense<0.000000e+00> : vector<512xf32>
    %reduce_sum3A_4000 = vector.multi_reduction <add>, %select_n3A_3998, %reduce_sum3A_3999 [0] : vector<40x512xf32> to vector<512xf32>
    %broadcast_in_dim3A_4001 = vector.shape_cast %reduce_sum3A_4000 : vector<512xf32> to vector<1x512xf32>
    %get3A_4002 = arith.constant 50 : index
    %get3A_4003 = arith.constant 0 : index
    %get3A_4004 = vector.load %arg6[%get3A_4002, %get3A_4003] : memref<100x512xf32, #tpu.memory_space<vmem>>, vector<40x512xf32>
    %jit3A_4005 = arith.constant 0.000000e+00 : f32
    %broadcast_in_dim3A_4006 = vector.broadcast %jit3A_4005 : f32 to vector<40x512xf32>
    %select_n3A_4007 = arith.select %eq3A_3992, %get3A_4004, %broadcast_in_dim3A_4006 : vector<40x512xi1>, vector<40x512xf32>
    %reduce_sum3A_4008 = arith.constant dense<0.000000e+00> : vector<512xf32>
    %reduce_sum3A_4009 = vector.multi_reduction <add>, %select_n3A_4007, %reduce_sum3A_4008 [0] : vector<40x512xf32> to vector<512xf32>
    %broadcast_in_dim3A_4010 = vector.shape_cast %reduce_sum3A_4009 : vector<512xf32> to vector<1x512xf32>
    %ge3A_4011 = arith.constant 0 : i32
    %ge3A_4012 = vector.broadcast %ge3A_4011 : i32 to vector<1x512xi32>
    %ge3A_4013 = arith.cmpi sge, %broadcast_in_dim3A_3989, %ge3A_4012 : vector<1x512xi32>
    %get3A_4014 = arith.constant 437 : index
    %get3A_4015 = arith.constant 0 : index
    %get3A_4016 = vector.load %arg7[%get3A_4014, %get3A_4015] : memref<500x512xf32, #tpu.memory_space<vmem>>, vector<1x512xf32>
    %sub3A_4017 = arith.subf %broadcast_in_dim3A_4001, %get3A_4016 : vector<1x512xf32>
    %get3A_4018 = arith.constant 337 : index
    %get3A_4019 = arith.constant 0 : index
    %get3A_4020 = vector.load %arg7[%get3A_4018, %get3A_4019] : memref<500x512xf32, #tpu.memory_space<vmem>>, vector<1x512xf32>
    %select_n3A_4021 = arith.select %ge3A_4013, %sub3A_4017, %get3A_4020 : vector<1x512xi1>, vector<1x512xf32>
    %get3A_4022 = arith.constant 487 : index
    %get3A_4023 = arith.constant 0 : index
    %get3A_4024 = vector.load %arg7[%get3A_4022, %get3A_4023] : memref<500x512xf32, #tpu.memory_space<vmem>>, vector<1x512xf32>
    %sub3A_4025 = arith.subf %broadcast_in_dim3A_4010, %get3A_4024 : vector<1x512xf32>
    %get3A_4026 = arith.constant 387 : index
    %get3A_4027 = arith.constant 0 : index
    %get3A_4028 = vector.load %arg7[%get3A_4026, %get3A_4027] : memref<500x512xf32, #tpu.memory_space<vmem>>, vector<1x512xf32>
    %select_n3A_4029 = arith.select %ge3A_4013, %sub3A_4025, %get3A_4028 : vector<1x512xi1>, vector<1x512xf32>
    %swap3A_4030 = arith.constant 37 : index
    %swap3A_4031 = arith.constant 0 : index
    %swap3A_4032 = vector.load %arg8[%swap3A_4030, %swap3A_4031] : memref<100x512xf32, #tpu.memory_space<vmem>>, vector<1x512xf32>
    tpu.vector_store %arg8[%swap3A_4030, %swap3A_4031], %select_n3A_4021 {strides = array<i32>} : memref<100x512xf32, #tpu.memory_space<vmem>>, vector<1x512xf32>,
    %swap3A_4033 = arith.constant 87 : index
    %swap3A_4034 = arith.constant 0 : index
    %swap3A_4035 = vector.load %arg8[%swap3A_4033, %swap3A_4034] : memref<100x512xf32, #tpu.memory_space<vmem>>, vector<1x512xf32>
    tpu.vector_store %arg8[%swap3A_4033, %swap3A_4034], %select_n3A_4029 {strides = array<i32>} : memref<100x512xf32, #tpu.memory_space<vmem>>, vector<1x512xf32>,
    %get3A_4036 = arith.constant 237 : index
    %get3A_4037 = arith.constant 0 : index
    %get3A_4038 = vector.load %arg7[%get3A_4036, %get3A_4037] : memref<500x512xf32, #tpu.memory_space<vmem>>, vector<1x512xf32>
    %add3A_4039 = arith.addf %get3A_4038, %select_n3A_4021 : vector<1x512xf32>
    %get3A_4040 = arith.constant 287 : index
    %get3A_4041 = arith.constant 0 : index
    %get3A_4042 = vector.load %arg7[%get3A_4040, %get3A_4041] : memref<500x512xf32, #tpu.memory_space<vmem>>, vector<1x512xf32>
    %add3A_4043 = arith.addf %get3A_4042, %select_n3A_4029 : vector<1x512xf32>
    %get3A_4044 = arith.constant 37 : index
    %get3A_4045 = arith.constant 0 : index
    %get3A_4046 = vector.load %arg7[%get3A_4044, %get3A_4045] : memref<500x512xf32, #tpu.memory_space<vmem>>, vector<1x512xf32>
    %add3A_4047 = arith.addf %add3A_4039, %get3A_4046 : vector<1x512xf32>
    %get3A_4048 = arith.constant 87 : index
    %get3A_4049 = arith.constant 0 : index
    %get3A_4050 = vector.load %arg7[%get3A_4048, %get3A_4049] : memref<500x512xf32, #tpu.memory_space<vmem>>, vector<1x512xf32>
    %add3A_4051 = arith.addf %add3A_4043, %get3A_4050 : vector<1x512xf32>
    %max3A_4052 = arith.maximumf %add3A_4047, %add3A_4051 : vector<1x512xf32>
    %min3A_4053 = arith.minimumf %add3A_4047, %add3A_4051 : vector<1x512xf32>
    %sub3A_4054 = arith.subf %min3A_4053, %max3A_4052 : vector<1x512xf32>
    %exp3A_4055 = math.exp %sub3A_4054 : vector<1x512xf32>
    %log1p3A_4056 = math.log1p %exp3A_4055 : vector<1x512xf32>
    %add3A_4057 = arith.addf %max3A_4052, %log1p3A_4056 : vector<1x512xf32>
    %swap3A_4058 = arith.constant 37 : index
    %swap3A_4059 = arith.constant 0 : index
    %swap3A_4060 = vector.load %arg6[%swap3A_4058, %swap3A_4059] : memref<100x512xf32, #tpu.memory_space<vmem>>, vector<1x512xf32>
    tpu.vector_store %arg6[%swap3A_4058, %swap3A_4059], %add3A_4057 {strides = array<i32>} : memref<100x512xf32, #tpu.memory_space<vmem>>, vector<1x512xf32>,
    %get3A_4061 = arith.constant 137 : index
    %get3A_4062 = arith.constant 0 : index
    %get3A_4063 = vector.load %arg7[%get3A_4061, %get3A_4062] : memref<500x512xf32, #tpu.memory_space<vmem>>, vector<1x512xf32>
    %add3A_4064 = arith.addf %add3A_4039, %get3A_4063 : vector<1x512xf32>
    %get3A_4065 = arith.constant 187 : index
    %get3A_4066 = arith.constant 0 : index
    %get3A_4067 = vector.load %arg7[%get3A_4065, %get3A_4066] : memref<500x512xf32, #tpu.memory_space<vmem>>, vector<1x512xf32>
    %add3A_4068 = arith.addf %add3A_4043, %get3A_4067 : vector<1x512xf32>
    %max3A_4069 = arith.maximumf %add3A_4064, %add3A_4068 : vector<1x512xf32>
    %min3A_4070 = arith.minimumf %add3A_4064, %add3A_4068 : vector<1x512xf32>
    %sub3A_4071 = arith.subf %min3A_4070, %max3A_4069 : vector<1x512xf32>
    %exp3A_4072 = math.exp %sub3A_4071 : vector<1x512xf32>
    %log1p3A_4073 = math.log1p %exp3A_4072 : vector<1x512xf32>
    %add3A_4074 = arith.addf %max3A_4069, %log1p3A_4073 : vector<1x512xf32>
    %swap3A_4075 = arith.constant 87 : index
    %swap3A_4076 = arith.constant 0 : index
    %swap3A_4077 = vector.load %arg6[%swap3A_4075, %swap3A_4076] : memref<100x512xf32, #tpu.memory_space<vmem>>, vector<1x512xf32>
    tpu.vector_store %arg6[%swap3A_4075, %swap3A_4076], %add3A_4074 {strides = array<i32>} : memref<100x512xf32, #tpu.memory_space<vmem>>, vector<1x512xf32>,
    %get3A_4078 = arith.constant 38 : index
    %get3A_4079 = arith.constant 0 : index
    %get3A_4080 = vector.load %arg3[%get3A_4078, %get3A_4079] : memref<50x512xi32, #tpu.memory_space<vmem>>, vector<1x512xi32>
    %slice3A_4081 = vector.extract_strided_slice %get3A_109 {offsets = [0, 0], sizes = [40, 512], strides = [1, 1]} : vector<50x512xi32> to vector<40x512xi32>
    %eq3A_4082 = vector.broadcast %get3A_4080 : vector<1x512xi32> to vector<40x512xi32>
    %eq3A_4083 = arith.cmpi eq, %slice3A_4081, %eq3A_4082 : vector<40x512xi32>
    %slice3A_4084 = vector.extract_strided_slice %iota3A {offsets = [0, 0], sizes = [40, 512], strides = [1, 1]} : vector<50x512xi32> to vector<40x512xi32>
    %lt3A_4085 = arith.constant 38 : i32
    %lt3A_4086 = vector.broadcast %lt3A_4085 : i32 to vector<40x512xi32>
    %lt3A_4087 = arith.cmpi slt, %slice3A_4084, %lt3A_4086 : vector<40x512xi32>
    %and3A_4088 = arith.andi %eq3A_4083, %lt3A_4087 : vector<40x512xi1>
    %slice3A_4089 = vector.extract_strided_slice %iota3A {offsets = [0, 0], sizes = [40, 512], strides = [1, 1]} : vector<50x512xi32> to vector<40x512xi32>
    %jit3A_4090 = arith.constant -1 : i32
    %broadcast_in_dim3A_4091 = vector.broadcast %jit3A_4090 : i32 to vector<40x512xi32>
    %select_n3A_4092 = arith.select %and3A_4088, %slice3A_4089, %broadcast_in_dim3A_4091 : vector<40x512xi1>, vector<40x512xi32>
    %reduce_max3A_4093 = arith.constant dense<-2147483648> : vector<512xi32>
    %reduce_max3A_4094 = vector.multi_reduction <maxsi>, %select_n3A_4092, %reduce_max3A_4093 [0] : vector<40x512xi32> to vector<512xi32>
    %broadcast_in_dim3A_4095 = vector.shape_cast %reduce_max3A_4094 : vector<512xi32> to vector<1x512xi32>
    %slice3A_4096 = vector.extract_strided_slice %iota3A {offsets = [0, 0], sizes = [40, 512], strides = [1, 1]} : vector<50x512xi32> to vector<40x512xi32>
    %eq3A_4097 = vector.broadcast %broadcast_in_dim3A_4095 : vector<1x512xi32> to vector<40x512xi32>
    %eq3A_4098 = arith.cmpi eq, %slice3A_4096, %eq3A_4097 : vector<40x512xi32>
    %get3A_4099 = arith.constant 0 : index
    %get3A_4100 = arith.constant 0 : index
    %get3A_4101 = vector.load %arg6[%get3A_4099, %get3A_4100] : memref<100x512xf32, #tpu.memory_space<vmem>>, vector<40x512xf32>
    %jit3A_4102 = arith.constant 0.000000e+00 : f32
    %broadcast_in_dim3A_4103 = vector.broadcast %jit3A_4102 : f32 to vector<40x512xf32>
    %select_n3A_4104 = arith.select %eq3A_4098, %get3A_4101, %broadcast_in_dim3A_4103 : vector<40x512xi1>, vector<40x512xf32>
    %reduce_sum3A_4105 = arith.constant dense<0.000000e+00> : vector<512xf32>
    %reduce_sum3A_4106 = vector.multi_reduction <add>, %select_n3A_4104, %reduce_sum3A_4105 [0] : vector<40x512xf32> to vector<512xf32>
    %broadcast_in_dim3A_4107 = vector.shape_cast %reduce_sum3A_4106 : vector<512xf32> to vector<1x512xf32>
    %get3A_4108 = arith.constant 50 : index
    %get3A_4109 = arith.constant 0 : index
    %get3A_4110 = vector.load %arg6[%get3A_4108, %get3A_4109] : memref<100x512xf32, #tpu.memory_space<vmem>>, vector<40x512xf32>
    %jit3A_4111 = arith.constant 0.000000e+00 : f32
    %broadcast_in_dim3A_4112 = vector.broadcast %jit3A_4111 : f32 to vector<40x512xf32>
    %select_n3A_4113 = arith.select %eq3A_4098, %get3A_4110, %broadcast_in_dim3A_4112 : vector<40x512xi1>, vector<40x512xf32>
    %reduce_sum3A_4114 = arith.constant dense<0.000000e+00> : vector<512xf32>
    %reduce_sum3A_4115 = vector.multi_reduction <add>, %select_n3A_4113, %reduce_sum3A_4114 [0] : vector<40x512xf32> to vector<512xf32>
    %broadcast_in_dim3A_4116 = vector.shape_cast %reduce_sum3A_4115 : vector<512xf32> to vector<1x512xf32>
    %ge3A_4117 = arith.constant 0 : i32
    %ge3A_4118 = vector.broadcast %ge3A_4117 : i32 to vector<1x512xi32>
    %ge3A_4119 = arith.cmpi sge, %broadcast_in_dim3A_4095, %ge3A_4118 : vector<1x512xi32>
    %get3A_4120 = arith.constant 438 : index
    %get3A_4121 = arith.constant 0 : index
    %get3A_4122 = vector.load %arg7[%get3A_4120, %get3A_4121] : memref<500x512xf32, #tpu.memory_space<vmem>>, vector<1x512xf32>
    %sub3A_4123 = arith.subf %broadcast_in_dim3A_4107, %get3A_4122 : vector<1x512xf32>
    %get3A_4124 = arith.constant 338 : index
    %get3A_4125 = arith.constant 0 : index
    %get3A_4126 = vector.load %arg7[%get3A_4124, %get3A_4125] : memref<500x512xf32, #tpu.memory_space<vmem>>, vector<1x512xf32>
    %select_n3A_4127 = arith.select %ge3A_4119, %sub3A_4123, %get3A_4126 : vector<1x512xi1>, vector<1x512xf32>
    %get3A_4128 = arith.constant 488 : index
    %get3A_4129 = arith.constant 0 : index
    %get3A_4130 = vector.load %arg7[%get3A_4128, %get3A_4129] : memref<500x512xf32, #tpu.memory_space<vmem>>, vector<1x512xf32>
    %sub3A_4131 = arith.subf %broadcast_in_dim3A_4116, %get3A_4130 : vector<1x512xf32>
    %get3A_4132 = arith.constant 388 : index
    %get3A_4133 = arith.constant 0 : index
    %get3A_4134 = vector.load %arg7[%get3A_4132, %get3A_4133] : memref<500x512xf32, #tpu.memory_space<vmem>>, vector<1x512xf32>
    %select_n3A_4135 = arith.select %ge3A_4119, %sub3A_4131, %get3A_4134 : vector<1x512xi1>, vector<1x512xf32>
    %swap3A_4136 = arith.constant 38 : index
    %swap3A_4137 = arith.constant 0 : index
    %swap3A_4138 = vector.load %arg8[%swap3A_4136, %swap3A_4137] : memref<100x512xf32, #tpu.memory_space<vmem>>, vector<1x512xf32>
    tpu.vector_store %arg8[%swap3A_4136, %swap3A_4137], %select_n3A_4127 {strides = array<i32>} : memref<100x512xf32, #tpu.memory_space<vmem>>, vector<1x512xf32>,
    %swap3A_4139 = arith.constant 88 : index
    %swap3A_4140 = arith.constant 0 : index
    %swap3A_4141 = vector.load %arg8[%swap3A_4139, %swap3A_4140] : memref<100x512xf32, #tpu.memory_space<vmem>>, vector<1x512xf32>
    tpu.vector_store %arg8[%swap3A_4139, %swap3A_4140], %select_n3A_4135 {strides = array<i32>} : memref<100x512xf32, #tpu.memory_space<vmem>>, vector<1x512xf32>,
    %get3A_4142 = arith.constant 238 : index
    %get3A_4143 = arith.constant 0 : index
    %get3A_4144 = vector.load %arg7[%get3A_4142, %get3A_4143] : memref<500x512xf32, #tpu.memory_space<vmem>>, vector<1x512xf32>
    %add3A_4145 = arith.addf %get3A_4144, %select_n3A_4127 : vector<1x512xf32>
    %get3A_4146 = arith.constant 288 : index
    %get3A_4147 = arith.constant 0 : index
    %get3A_4148 = vector.load %arg7[%get3A_4146, %get3A_4147] : memref<500x512xf32, #tpu.memory_space<vmem>>, vector<1x512xf32>
    %add3A_4149 = arith.addf %get3A_4148, %select_n3A_4135 : vector<1x512xf32>
    %get3A_4150 = arith.constant 38 : index
    %get3A_4151 = arith.constant 0 : index
    %get3A_4152 = vector.load %arg7[%get3A_4150, %get3A_4151] : memref<500x512xf32, #tpu.memory_space<vmem>>, vector<1x512xf32>
    %add3A_4153 = arith.addf %add3A_4145, %get3A_4152 : vector<1x512xf32>
    %get3A_4154 = arith.constant 88 : index
    %get3A_4155 = arith.constant 0 : index
    %get3A_4156 = vector.load %arg7[%get3A_4154, %get3A_4155] : memref<500x512xf32, #tpu.memory_space<vmem>>, vector<1x512xf32>
    %add3A_4157 = arith.addf %add3A_4149, %get3A_4156 : vector<1x512xf32>
    %max3A_4158 = arith.maximumf %add3A_4153, %add3A_4157 : vector<1x512xf32>
    %min3A_4159 = arith.minimumf %add3A_4153, %add3A_4157 : vector<1x512xf32>
    %sub3A_4160 = arith.subf %min3A_4159, %max3A_4158 : vector<1x512xf32>
    %exp3A_4161 = math.exp %sub3A_4160 : vector<1x512xf32>
    %log1p3A_4162 = math.log1p %exp3A_4161 : vector<1x512xf32>
    %add3A_4163 = arith.addf %max3A_4158, %log1p3A_4162 : vector<1x512xf32>
    %swap3A_4164 = arith.constant 38 : index
    %swap3A_4165 = arith.constant 0 : index
    %swap3A_4166 = vector.load %arg6[%swap3A_4164, %swap3A_4165] : memref<100x512xf32, #tpu.memory_space<vmem>>, vector<1x512xf32>
    tpu.vector_store %arg6[%swap3A_4164, %swap3A_4165], %add3A_4163 {strides = array<i32>} : memref<100x512xf32, #tpu.memory_space<vmem>>, vector<1x512xf32>,
    %get3A_4167 = arith.constant 138 : index
    %get3A_4168 = arith.constant 0 : index
    %get3A_4169 = vector.load %arg7[%get3A_4167, %get3A_4168] : memref<500x512xf32, #tpu.memory_space<vmem>>, vector<1x512xf32>
    %add3A_4170 = arith.addf %add3A_4145, %get3A_4169 : vector<1x512xf32>
    %get3A_4171 = arith.constant 188 : index
    %get3A_4172 = arith.constant 0 : index
    %get3A_4173 = vector.load %arg7[%get3A_4171, %get3A_4172] : memref<500x512xf32, #tpu.memory_space<vmem>>, vector<1x512xf32>
    %add3A_4174 = arith.addf %add3A_4149, %get3A_4173 : vector<1x512xf32>
    %max3A_4175 = arith.maximumf %add3A_4170, %add3A_4174 : vector<1x512xf32>
    %min3A_4176 = arith.minimumf %add3A_4170, %add3A_4174 : vector<1x512xf32>
    %sub3A_4177 = arith.subf %min3A_4176, %max3A_4175 : vector<1x512xf32>
    %exp3A_4178 = math.exp %sub3A_4177 : vector<1x512xf32>
    %log1p3A_4179 = math.log1p %exp3A_4178 : vector<1x512xf32>
    %add3A_4180 = arith.addf %max3A_4175, %log1p3A_4179 : vector<1x512xf32>
    %swap3A_4181 = arith.constant 88 : index
    %swap3A_4182 = arith.constant 0 : index
    %swap3A_4183 = vector.load %arg6[%swap3A_4181, %swap3A_4182] : memref<100x512xf32, #tpu.memory_space<vmem>>, vector<1x512xf32>
    tpu.vector_store %arg6[%swap3A_4181, %swap3A_4182], %add3A_4180 {strides = array<i32>} : memref<100x512xf32, #tpu.memory_space<vmem>>, vector<1x512xf32>,
    %get3A_4184 = arith.constant 39 : index
    %get3A_4185 = arith.constant 0 : index
    %get3A_4186 = vector.load %arg3[%get3A_4184, %get3A_4185] : memref<50x512xi32, #tpu.memory_space<vmem>>, vector<1x512xi32>
    %slice3A_4187 = vector.extract_strided_slice %get3A_109 {offsets = [0, 0], sizes = [40, 512], strides = [1, 1]} : vector<50x512xi32> to vector<40x512xi32>
    %eq3A_4188 = vector.broadcast %get3A_4186 : vector<1x512xi32> to vector<40x512xi32>
    %eq3A_4189 = arith.cmpi eq, %slice3A_4187, %eq3A_4188 : vector<40x512xi32>
    %slice3A_4190 = vector.extract_strided_slice %iota3A {offsets = [0, 0], sizes = [40, 512], strides = [1, 1]} : vector<50x512xi32> to vector<40x512xi32>
    %lt3A_4191 = arith.constant 39 : i32
    %lt3A_4192 = vector.broadcast %lt3A_4191 : i32 to vector<40x512xi32>
    %lt3A_4193 = arith.cmpi slt, %slice3A_4190, %lt3A_4192 : vector<40x512xi32>
    %and3A_4194 = arith.andi %eq3A_4189, %lt3A_4193 : vector<40x512xi1>
    %slice3A_4195 = vector.extract_strided_slice %iota3A {offsets = [0, 0], sizes = [40, 512], strides = [1, 1]} : vector<50x512xi32> to vector<40x512xi32>
    %jit3A_4196 = arith.constant -1 : i32
    %broadcast_in_dim3A_4197 = vector.broadcast %jit3A_4196 : i32 to vector<40x512xi32>
    %select_n3A_4198 = arith.select %and3A_4194, %slice3A_4195, %broadcast_in_dim3A_4197 : vector<40x512xi1>, vector<40x512xi32>
    %reduce_max3A_4199 = arith.constant dense<-2147483648> : vector<512xi32>
    %reduce_max3A_4200 = vector.multi_reduction <maxsi>, %select_n3A_4198, %reduce_max3A_4199 [0] : vector<40x512xi32> to vector<512xi32>
    %broadcast_in_dim3A_4201 = vector.shape_cast %reduce_max3A_4200 : vector<512xi32> to vector<1x512xi32>
    %slice3A_4202 = vector.extract_strided_slice %iota3A {offsets = [0, 0], sizes = [40, 512], strides = [1, 1]} : vector<50x512xi32> to vector<40x512xi32>
    %eq3A_4203 = vector.broadcast %broadcast_in_dim3A_4201 : vector<1x512xi32> to vector<40x512xi32>
    %eq3A_4204 = arith.cmpi eq, %slice3A_4202, %eq3A_4203 : vector<40x512xi32>
    %get3A_4205 = arith.constant 0 : index
    %get3A_4206 = arith.constant 0 : index
    %get3A_4207 = vector.load %arg6[%get3A_4205, %get3A_4206] : memref<100x512xf32, #tpu.memory_space<vmem>>, vector<40x512xf32>
    %jit3A_4208 = arith.constant 0.000000e+00 : f32
    %broadcast_in_dim3A_4209 = vector.broadcast %jit3A_4208 : f32 to vector<40x512xf32>
    %select_n3A_4210 = arith.select %eq3A_4204, %get3A_4207, %broadcast_in_dim3A_4209 : vector<40x512xi1>, vector<40x512xf32>
    %reduce_sum3A_4211 = arith.constant dense<0.000000e+00> : vector<512xf32>
    %reduce_sum3A_4212 = vector.multi_reduction <add>, %select_n3A_4210, %reduce_sum3A_4211 [0] : vector<40x512xf32> to vector<512xf32>
    %broadcast_in_dim3A_4213 = vector.shape_cast %reduce_sum3A_4212 : vector<512xf32> to vector<1x512xf32>
    %get3A_4214 = arith.constant 50 : index
    %get3A_4215 = arith.constant 0 : index
    %get3A_4216 = vector.load %arg6[%get3A_4214, %get3A_4215] : memref<100x512xf32, #tpu.memory_space<vmem>>, vector<40x512xf32>
    %jit3A_4217 = arith.constant 0.000000e+00 : f32
    %broadcast_in_dim3A_4218 = vector.broadcast %jit3A_4217 : f32 to vector<40x512xf32>
    %select_n3A_4219 = arith.select %eq3A_4204, %get3A_4216, %broadcast_in_dim3A_4218 : vector<40x512xi1>, vector<40x512xf32>
    %reduce_sum3A_4220 = arith.constant dense<0.000000e+00> : vector<512xf32>
    %reduce_sum3A_4221 = vector.multi_reduction <add>, %select_n3A_4219, %reduce_sum3A_4220 [0] : vector<40x512xf32> to vector<512xf32>
    %broadcast_in_dim3A_4222 = vector.shape_cast %reduce_sum3A_4221 : vector<512xf32> to vector<1x512xf32>
    %ge3A_4223 = arith.constant 0 : i32
    %ge3A_4224 = vector.broadcast %ge3A_4223 : i32 to vector<1x512xi32>
    %ge3A_4225 = arith.cmpi sge, %broadcast_in_dim3A_4201, %ge3A_4224 : vector<1x512xi32>
    %get3A_4226 = arith.constant 439 : index
    %get3A_4227 = arith.constant 0 : index
    %get3A_4228 = vector.load %arg7[%get3A_4226, %get3A_4227] : memref<500x512xf32, #tpu.memory_space<vmem>>, vector<1x512xf32>
    %sub3A_4229 = arith.subf %broadcast_in_dim3A_4213, %get3A_4228 : vector<1x512xf32>
    %get3A_4230 = arith.constant 339 : index
    %get3A_4231 = arith.constant 0 : index
    %get3A_4232 = vector.load %arg7[%get3A_4230, %get3A_4231] : memref<500x512xf32, #tpu.memory_space<vmem>>, vector<1x512xf32>
    %select_n3A_4233 = arith.select %ge3A_4225, %sub3A_4229, %get3A_4232 : vector<1x512xi1>, vector<1x512xf32>
    %get3A_4234 = arith.constant 489 : index
    %get3A_4235 = arith.constant 0 : index
    %get3A_4236 = vector.load %arg7[%get3A_4234, %get3A_4235] : memref<500x512xf32, #tpu.memory_space<vmem>>, vector<1x512xf32>
    %sub3A_4237 = arith.subf %broadcast_in_dim3A_4222, %get3A_4236 : vector<1x512xf32>
    %get3A_4238 = arith.constant 389 : index
    %get3A_4239 = arith.constant 0 : index
    %get3A_4240 = vector.load %arg7[%get3A_4238, %get3A_4239] : memref<500x512xf32, #tpu.memory_space<vmem>>, vector<1x512xf32>
    %select_n3A_4241 = arith.select %ge3A_4225, %sub3A_4237, %get3A_4240 : vector<1x512xi1>, vector<1x512xf32>
    %swap3A_4242 = arith.constant 39 : index
    %swap3A_4243 = arith.constant 0 : index
    %swap3A_4244 = vector.load %arg8[%swap3A_4242, %swap3A_4243] : memref<100x512xf32, #tpu.memory_space<vmem>>, vector<1x512xf32>
    tpu.vector_store %arg8[%swap3A_4242, %swap3A_4243], %select_n3A_4233 {strides = array<i32>} : memref<100x512xf32, #tpu.memory_space<vmem>>, vector<1x512xf32>,
    %swap3A_4245 = arith.constant 89 : index
    %swap3A_4246 = arith.constant 0 : index
    %swap3A_4247 = vector.load %arg8[%swap3A_4245, %swap3A_4246] : memref<100x512xf32, #tpu.memory_space<vmem>>, vector<1x512xf32>
    tpu.vector_store %arg8[%swap3A_4245, %swap3A_4246], %select_n3A_4241 {strides = array<i32>} : memref<100x512xf32, #tpu.memory_space<vmem>>, vector<1x512xf32>,
    %get3A_4248 = arith.constant 239 : index
    %get3A_4249 = arith.constant 0 : index
    %get3A_4250 = vector.load %arg7[%get3A_4248, %get3A_4249] : memref<500x512xf32, #tpu.memory_space<vmem>>, vector<1x512xf32>
    %add3A_4251 = arith.addf %get3A_4250, %select_n3A_4233 : vector<1x512xf32>
    %get3A_4252 = arith.constant 289 : index
    %get3A_4253 = arith.constant 0 : index
    %get3A_4254 = vector.load %arg7[%get3A_4252, %get3A_4253] : memref<500x512xf32, #tpu.memory_space<vmem>>, vector<1x512xf32>
    %add3A_4255 = arith.addf %get3A_4254, %select_n3A_4241 : vector<1x512xf32>
    %get3A_4256 = arith.constant 39 : index
    %get3A_4257 = arith.constant 0 : index
    %get3A_4258 = vector.load %arg7[%get3A_4256, %get3A_4257] : memref<500x512xf32, #tpu.memory_space<vmem>>, vector<1x512xf32>
    %add3A_4259 = arith.addf %add3A_4251, %get3A_4258 : vector<1x512xf32>
    %get3A_4260 = arith.constant 89 : index
    %get3A_4261 = arith.constant 0 : index
    %get3A_4262 = vector.load %arg7[%get3A_4260, %get3A_4261] : memref<500x512xf32, #tpu.memory_space<vmem>>, vector<1x512xf32>
    %add3A_4263 = arith.addf %add3A_4255, %get3A_4262 : vector<1x512xf32>
    %max3A_4264 = arith.maximumf %add3A_4259, %add3A_4263 : vector<1x512xf32>
    %min3A_4265 = arith.minimumf %add3A_4259, %add3A_4263 : vector<1x512xf32>
    %sub3A_4266 = arith.subf %min3A_4265, %max3A_4264 : vector<1x512xf32>
    %exp3A_4267 = math.exp %sub3A_4266 : vector<1x512xf32>
    %log1p3A_4268 = math.log1p %exp3A_4267 : vector<1x512xf32>
    %add3A_4269 = arith.addf %max3A_4264, %log1p3A_4268 : vector<1x512xf32>
    %swap3A_4270 = arith.constant 39 : index
    %swap3A_4271 = arith.constant 0 : index
    %swap3A_4272 = vector.load %arg6[%swap3A_4270, %swap3A_4271] : memref<100x512xf32, #tpu.memory_space<vmem>>, vector<1x512xf32>
    tpu.vector_store %arg6[%swap3A_4270, %swap3A_4271], %add3A_4269 {strides = array<i32>} : memref<100x512xf32, #tpu.memory_space<vmem>>, vector<1x512xf32>,
    %get3A_4273 = arith.constant 139 : index
    %get3A_4274 = arith.constant 0 : index
    %get3A_4275 = vector.load %arg7[%get3A_4273, %get3A_4274] : memref<500x512xf32, #tpu.memory_space<vmem>>, vector<1x512xf32>
    %add3A_4276 = arith.addf %add3A_4251, %get3A_4275 : vector<1x512xf32>
    %get3A_4277 = arith.constant 189 : index
    %get3A_4278 = arith.constant 0 : index
    %get3A_4279 = vector.load %arg7[%get3A_4277, %get3A_4278] : memref<500x512xf32, #tpu.memory_space<vmem>>, vector<1x512xf32>
    %add3A_4280 = arith.addf %add3A_4255, %get3A_4279 : vector<1x512xf32>
    %max3A_4281 = arith.maximumf %add3A_4276, %add3A_4280 : vector<1x512xf32>
    %min3A_4282 = arith.minimumf %add3A_4276, %add3A_4280 : vector<1x512xf32>
    %sub3A_4283 = arith.subf %min3A_4282, %max3A_4281 : vector<1x512xf32>
    %exp3A_4284 = math.exp %sub3A_4283 : vector<1x512xf32>
    %log1p3A_4285 = math.log1p %exp3A_4284 : vector<1x512xf32>
    %add3A_4286 = arith.addf %max3A_4281, %log1p3A_4285 : vector<1x512xf32>
    %swap3A_4287 = arith.constant 89 : index
    %swap3A_4288 = arith.constant 0 : index
    %swap3A_4289 = vector.load %arg6[%swap3A_4287, %swap3A_4288] : memref<100x512xf32, #tpu.memory_space<vmem>>, vector<1x512xf32>
    tpu.vector_store %arg6[%swap3A_4287, %swap3A_4288], %add3A_4286 {strides = array<i32>} : memref<100x512xf32, #tpu.memory_space<vmem>>, vector<1x512xf32>,
    %get3A_4290 = arith.constant 40 : index
    %get3A_4291 = arith.constant 0 : index
    %get3A_4292 = vector.load %arg3[%get3A_4290, %get3A_4291] : memref<50x512xi32, #tpu.memory_space<vmem>>, vector<1x512xi32>
    %slice3A_4293 = vector.extract_strided_slice %get3A_109 {offsets = [0, 0], sizes = [40, 512], strides = [1, 1]} : vector<50x512xi32> to vector<40x512xi32>
    %eq3A_4294 = vector.broadcast %get3A_4292 : vector<1x512xi32> to vector<40x512xi32>
    %eq3A_4295 = arith.cmpi eq, %slice3A_4293, %eq3A_4294 : vector<40x512xi32>
    %slice3A_4296 = vector.extract_strided_slice %iota3A {offsets = [0, 0], sizes = [40, 512], strides = [1, 1]} : vector<50x512xi32> to vector<40x512xi32>
    %lt3A_4297 = arith.constant 40 : i32
    %lt3A_4298 = vector.broadcast %lt3A_4297 : i32 to vector<40x512xi32>
    %lt3A_4299 = arith.cmpi slt, %slice3A_4296, %lt3A_4298 : vector<40x512xi32>
    %and3A_4300 = arith.andi %eq3A_4295, %lt3A_4299 : vector<40x512xi1>
    %slice3A_4301 = vector.extract_strided_slice %iota3A {offsets = [0, 0], sizes = [40, 512], strides = [1, 1]} : vector<50x512xi32> to vector<40x512xi32>
    %jit3A_4302 = arith.constant -1 : i32
    %broadcast_in_dim3A_4303 = vector.broadcast %jit3A_4302 : i32 to vector<40x512xi32>
    %select_n3A_4304 = arith.select %and3A_4300, %slice3A_4301, %broadcast_in_dim3A_4303 : vector<40x512xi1>, vector<40x512xi32>
    %reduce_max3A_4305 = arith.constant dense<-2147483648> : vector<512xi32>
    %reduce_max3A_4306 = vector.multi_reduction <maxsi>, %select_n3A_4304, %reduce_max3A_4305 [0] : vector<40x512xi32> to vector<512xi32>
    %broadcast_in_dim3A_4307 = vector.shape_cast %reduce_max3A_4306 : vector<512xi32> to vector<1x512xi32>
    %slice3A_4308 = vector.extract_strided_slice %iota3A {offsets = [0, 0], sizes = [40, 512], strides = [1, 1]} : vector<50x512xi32> to vector<40x512xi32>
    %eq3A_4309 = vector.broadcast %broadcast_in_dim3A_4307 : vector<1x512xi32> to vector<40x512xi32>
    %eq3A_4310 = arith.cmpi eq, %slice3A_4308, %eq3A_4309 : vector<40x512xi32>
    %get3A_4311 = arith.constant 0 : index
    %get3A_4312 = arith.constant 0 : index
    %get3A_4313 = vector.load %arg6[%get3A_4311, %get3A_4312] : memref<100x512xf32, #tpu.memory_space<vmem>>, vector<40x512xf32>
    %jit3A_4314 = arith.constant 0.000000e+00 : f32
    %broadcast_in_dim3A_4315 = vector.broadcast %jit3A_4314 : f32 to vector<40x512xf32>
    %select_n3A_4316 = arith.select %eq3A_4310, %get3A_4313, %broadcast_in_dim3A_4315 : vector<40x512xi1>, vector<40x512xf32>
    %reduce_sum3A_4317 = arith.constant dense<0.000000e+00> : vector<512xf32>
    %reduce_sum3A_4318 = vector.multi_reduction <add>, %select_n3A_4316, %reduce_sum3A_4317 [0] : vector<40x512xf32> to vector<512xf32>
    %broadcast_in_dim3A_4319 = vector.shape_cast %reduce_sum3A_4318 : vector<512xf32> to vector<1x512xf32>
    %get3A_4320 = arith.constant 50 : index
    %get3A_4321 = arith.constant 0 : index
    %get3A_4322 = vector.load %arg6[%get3A_4320, %get3A_4321] : memref<100x512xf32, #tpu.memory_space<vmem>>, vector<40x512xf32>
    %jit3A_4323 = arith.constant 0.000000e+00 : f32
    %broadcast_in_dim3A_4324 = vector.broadcast %jit3A_4323 : f32 to vector<40x512xf32>
    %select_n3A_4325 = arith.select %eq3A_4310, %get3A_4322, %broadcast_in_dim3A_4324 : vector<40x512xi1>, vector<40x512xf32>
    %reduce_sum3A_4326 = arith.constant dense<0.000000e+00> : vector<512xf32>
    %reduce_sum3A_4327 = vector.multi_reduction <add>, %select_n3A_4325, %reduce_sum3A_4326 [0] : vector<40x512xf32> to vector<512xf32>
    %broadcast_in_dim3A_4328 = vector.shape_cast %reduce_sum3A_4327 : vector<512xf32> to vector<1x512xf32>
    %ge3A_4329 = arith.constant 0 : i32
    %ge3A_4330 = vector.broadcast %ge3A_4329 : i32 to vector<1x512xi32>
    %ge3A_4331 = arith.cmpi sge, %broadcast_in_dim3A_4307, %ge3A_4330 : vector<1x512xi32>
    %get3A_4332 = arith.constant 440 : index
    %get3A_4333 = arith.constant 0 : index
    %get3A_4334 = vector.load %arg7[%get3A_4332, %get3A_4333] : memref<500x512xf32, #tpu.memory_space<vmem>>, vector<1x512xf32>
    %sub3A_4335 = arith.subf %broadcast_in_dim3A_4319, %get3A_4334 : vector<1x512xf32>
    %get3A_4336 = arith.constant 340 : index
    %get3A_4337 = arith.constant 0 : index
    %get3A_4338 = vector.load %arg7[%get3A_4336, %get3A_4337] : memref<500x512xf32, #tpu.memory_space<vmem>>, vector<1x512xf32>
    %select_n3A_4339 = arith.select %ge3A_4331, %sub3A_4335, %get3A_4338 : vector<1x512xi1>, vector<1x512xf32>
    %get3A_4340 = arith.constant 490 : index
    %get3A_4341 = arith.constant 0 : index
    %get3A_4342 = vector.load %arg7[%get3A_4340, %get3A_4341] : memref<500x512xf32, #tpu.memory_space<vmem>>, vector<1x512xf32>
    %sub3A_4343 = arith.subf %broadcast_in_dim3A_4328, %get3A_4342 : vector<1x512xf32>
    %get3A_4344 = arith.constant 390 : index
    %get3A_4345 = arith.constant 0 : index
    %get3A_4346 = vector.load %arg7[%get3A_4344, %get3A_4345] : memref<500x512xf32, #tpu.memory_space<vmem>>, vector<1x512xf32>
    %select_n3A_4347 = arith.select %ge3A_4331, %sub3A_4343, %get3A_4346 : vector<1x512xi1>, vector<1x512xf32>
    %swap3A_4348 = arith.constant 40 : index
    %swap3A_4349 = arith.constant 0 : index
    %swap3A_4350 = vector.load %arg8[%swap3A_4348, %swap3A_4349] : memref<100x512xf32, #tpu.memory_space<vmem>>, vector<1x512xf32>
    tpu.vector_store %arg8[%swap3A_4348, %swap3A_4349], %select_n3A_4339 {strides = array<i32>} : memref<100x512xf32, #tpu.memory_space<vmem>>, vector<1x512xf32>,
    %swap3A_4351 = arith.constant 90 : index
    %swap3A_4352 = arith.constant 0 : index
    %swap3A_4353 = vector.load %arg8[%swap3A_4351, %swap3A_4352] : memref<100x512xf32, #tpu.memory_space<vmem>>, vector<1x512xf32>
    tpu.vector_store %arg8[%swap3A_4351, %swap3A_4352], %select_n3A_4347 {strides = array<i32>} : memref<100x512xf32, #tpu.memory_space<vmem>>, vector<1x512xf32>,
    %get3A_4354 = arith.constant 240 : index
    %get3A_4355 = arith.constant 0 : index
    %get3A_4356 = vector.load %arg7[%get3A_4354, %get3A_4355] : memref<500x512xf32, #tpu.memory_space<vmem>>, vector<1x512xf32>
    %add3A_4357 = arith.addf %get3A_4356, %select_n3A_4339 : vector<1x512xf32>
    %get3A_4358 = arith.constant 290 : index
    %get3A_4359 = arith.constant 0 : index
    %get3A_4360 = vector.load %arg7[%get3A_4358, %get3A_4359] : memref<500x512xf32, #tpu.memory_space<vmem>>, vector<1x512xf32>
    %add3A_4361 = arith.addf %get3A_4360, %select_n3A_4347 : vector<1x512xf32>
    %get3A_4362 = arith.constant 40 : index
    %get3A_4363 = arith.constant 0 : index
    %get3A_4364 = vector.load %arg7[%get3A_4362, %get3A_4363] : memref<500x512xf32, #tpu.memory_space<vmem>>, vector<1x512xf32>
    %add3A_4365 = arith.addf %add3A_4357, %get3A_4364 : vector<1x512xf32>
    %get3A_4366 = arith.constant 90 : index
    %get3A_4367 = arith.constant 0 : index
    %get3A_4368 = vector.load %arg7[%get3A_4366, %get3A_4367] : memref<500x512xf32, #tpu.memory_space<vmem>>, vector<1x512xf32>
    %add3A_4369 = arith.addf %add3A_4361, %get3A_4368 : vector<1x512xf32>
    %max3A_4370 = arith.maximumf %add3A_4365, %add3A_4369 : vector<1x512xf32>
    %min3A_4371 = arith.minimumf %add3A_4365, %add3A_4369 : vector<1x512xf32>
    %sub3A_4372 = arith.subf %min3A_4371, %max3A_4370 : vector<1x512xf32>
    %exp3A_4373 = math.exp %sub3A_4372 : vector<1x512xf32>
    %log1p3A_4374 = math.log1p %exp3A_4373 : vector<1x512xf32>
    %add3A_4375 = arith.addf %max3A_4370, %log1p3A_4374 : vector<1x512xf32>
    %swap3A_4376 = arith.constant 40 : index
    %swap3A_4377 = arith.constant 0 : index
    %swap3A_4378 = vector.load %arg6[%swap3A_4376, %swap3A_4377] : memref<100x512xf32, #tpu.memory_space<vmem>>, vector<1x512xf32>
    tpu.vector_store %arg6[%swap3A_4376, %swap3A_4377], %add3A_4375 {strides = array<i32>} : memref<100x512xf32, #tpu.memory_space<vmem>>, vector<1x512xf32>,
    %get3A_4379 = arith.constant 140 : index
    %get3A_4380 = arith.constant 0 : index
    %get3A_4381 = vector.load %arg7[%get3A_4379, %get3A_4380] : memref<500x512xf32, #tpu.memory_space<vmem>>, vector<1x512xf32>
    %add3A_4382 = arith.addf %add3A_4357, %get3A_4381 : vector<1x512xf32>
    %get3A_4383 = arith.constant 190 : index
    %get3A_4384 = arith.constant 0 : index
    %get3A_4385 = vector.load %arg7[%get3A_4383, %get3A_4384] : memref<500x512xf32, #tpu.memory_space<vmem>>, vector<1x512xf32>
    %add3A_4386 = arith.addf %add3A_4361, %get3A_4385 : vector<1x512xf32>
    %max3A_4387 = arith.maximumf %add3A_4382, %add3A_4386 : vector<1x512xf32>
    %min3A_4388 = arith.minimumf %add3A_4382, %add3A_4386 : vector<1x512xf32>
    %sub3A_4389 = arith.subf %min3A_4388, %max3A_4387 : vector<1x512xf32>
    %exp3A_4390 = math.exp %sub3A_4389 : vector<1x512xf32>
    %log1p3A_4391 = math.log1p %exp3A_4390 : vector<1x512xf32>
    %add3A_4392 = arith.addf %max3A_4387, %log1p3A_4391 : vector<1x512xf32>
    %swap3A_4393 = arith.constant 90 : index
    %swap3A_4394 = arith.constant 0 : index
    %swap3A_4395 = vector.load %arg6[%swap3A_4393, %swap3A_4394] : memref<100x512xf32, #tpu.memory_space<vmem>>, vector<1x512xf32>
    tpu.vector_store %arg6[%swap3A_4393, %swap3A_4394], %add3A_4392 {strides = array<i32>} : memref<100x512xf32, #tpu.memory_space<vmem>>, vector<1x512xf32>,
    %get3A_4396 = arith.constant 41 : index
    %get3A_4397 = arith.constant 0 : index
    %get3A_4398 = vector.load %arg3[%get3A_4396, %get3A_4397] : memref<50x512xi32, #tpu.memory_space<vmem>>, vector<1x512xi32>
    %slice3A_4399 = vector.extract_strided_slice %get3A_109 {offsets = [0, 0], sizes = [48, 512], strides = [1, 1]} : vector<50x512xi32> to vector<48x512xi32>
    %eq3A_4400 = vector.broadcast %get3A_4398 : vector<1x512xi32> to vector<48x512xi32>
    %eq3A_4401 = arith.cmpi eq, %slice3A_4399, %eq3A_4400 : vector<48x512xi32>
    %slice3A_4402 = vector.extract_strided_slice %iota3A {offsets = [0, 0], sizes = [48, 512], strides = [1, 1]} : vector<50x512xi32> to vector<48x512xi32>
    %lt3A_4403 = arith.constant 41 : i32
    %lt3A_4404 = vector.broadcast %lt3A_4403 : i32 to vector<48x512xi32>
    %lt3A_4405 = arith.cmpi slt, %slice3A_4402, %lt3A_4404 : vector<48x512xi32>
    %and3A_4406 = arith.andi %eq3A_4401, %lt3A_4405 : vector<48x512xi1>
    %slice3A_4407 = vector.extract_strided_slice %iota3A {offsets = [0, 0], sizes = [48, 512], strides = [1, 1]} : vector<50x512xi32> to vector<48x512xi32>
    %jit3A_4408 = arith.constant -1 : i32
    %broadcast_in_dim3A_4409 = vector.broadcast %jit3A_4408 : i32 to vector<48x512xi32>
    %select_n3A_4410 = arith.select %and3A_4406, %slice3A_4407, %broadcast_in_dim3A_4409 : vector<48x512xi1>, vector<48x512xi32>
    %reduce_max3A_4411 = arith.constant dense<-2147483648> : vector<512xi32>
    %reduce_max3A_4412 = vector.multi_reduction <maxsi>, %select_n3A_4410, %reduce_max3A_4411 [0] : vector<48x512xi32> to vector<512xi32>
    %broadcast_in_dim3A_4413 = vector.shape_cast %reduce_max3A_4412 : vector<512xi32> to vector<1x512xi32>
    %slice3A_4414 = vector.extract_strided_slice %iota3A {offsets = [0, 0], sizes = [48, 512], strides = [1, 1]} : vector<50x512xi32> to vector<48x512xi32>
    %eq3A_4415 = vector.broadcast %broadcast_in_dim3A_4413 : vector<1x512xi32> to vector<48x512xi32>
    %eq3A_4416 = arith.cmpi eq, %slice3A_4414, %eq3A_4415 : vector<48x512xi32>
    %get3A_4417 = arith.constant 0 : index
    %get3A_4418 = arith.constant 0 : index
    %get3A_4419 = vector.load %arg6[%get3A_4417, %get3A_4418] : memref<100x512xf32, #tpu.memory_space<vmem>>, vector<48x512xf32>
    %jit3A_4420 = arith.constant 0.000000e+00 : f32
    %broadcast_in_dim3A_4421 = vector.broadcast %jit3A_4420 : f32 to vector<48x512xf32>
    %select_n3A_4422 = arith.select %eq3A_4416, %get3A_4419, %broadcast_in_dim3A_4421 : vector<48x512xi1>, vector<48x512xf32>
    %reduce_sum3A_4423 = arith.constant dense<0.000000e+00> : vector<512xf32>
    %reduce_sum3A_4424 = vector.multi_reduction <add>, %select_n3A_4422, %reduce_sum3A_4423 [0] : vector<48x512xf32> to vector<512xf32>
    %broadcast_in_dim3A_4425 = vector.shape_cast %reduce_sum3A_4424 : vector<512xf32> to vector<1x512xf32>
    %get3A_4426 = arith.constant 50 : index
    %get3A_4427 = arith.constant 0 : index
    %get3A_4428 = vector.load %arg6[%get3A_4426, %get3A_4427] : memref<100x512xf32, #tpu.memory_space<vmem>>, vector<48x512xf32>
    %jit3A_4429 = arith.constant 0.000000e+00 : f32
    %broadcast_in_dim3A_4430 = vector.broadcast %jit3A_4429 : f32 to vector<48x512xf32>
    %select_n3A_4431 = arith.select %eq3A_4416, %get3A_4428, %broadcast_in_dim3A_4430 : vector<48x512xi1>, vector<48x512xf32>
    %reduce_sum3A_4432 = arith.constant dense<0.000000e+00> : vector<512xf32>
    %reduce_sum3A_4433 = vector.multi_reduction <add>, %select_n3A_4431, %reduce_sum3A_4432 [0] : vector<48x512xf32> to vector<512xf32>
    %broadcast_in_dim3A_4434 = vector.shape_cast %reduce_sum3A_4433 : vector<512xf32> to vector<1x512xf32>
    %ge3A_4435 = arith.constant 0 : i32
    %ge3A_4436 = vector.broadcast %ge3A_4435 : i32 to vector<1x512xi32>
    %ge3A_4437 = arith.cmpi sge, %broadcast_in_dim3A_4413, %ge3A_4436 : vector<1x512xi32>
    %get3A_4438 = arith.constant 441 : index
    %get3A_4439 = arith.constant 0 : index
    %get3A_4440 = vector.load %arg7[%get3A_4438, %get3A_4439] : memref<500x512xf32, #tpu.memory_space<vmem>>, vector<1x512xf32>
    %sub3A_4441 = arith.subf %broadcast_in_dim3A_4425, %get3A_4440 : vector<1x512xf32>
    %get3A_4442 = arith.constant 341 : index
    %get3A_4443 = arith.constant 0 : index
    %get3A_4444 = vector.load %arg7[%get3A_4442, %get3A_4443] : memref<500x512xf32, #tpu.memory_space<vmem>>, vector<1x512xf32>
    %select_n3A_4445 = arith.select %ge3A_4437, %sub3A_4441, %get3A_4444 : vector<1x512xi1>, vector<1x512xf32>
    %get3A_4446 = arith.constant 491 : index
    %get3A_4447 = arith.constant 0 : index
    %get3A_4448 = vector.load %arg7[%get3A_4446, %get3A_4447] : memref<500x512xf32, #tpu.memory_space<vmem>>, vector<1x512xf32>
    %sub3A_4449 = arith.subf %broadcast_in_dim3A_4434, %get3A_4448 : vector<1x512xf32>
    %get3A_4450 = arith.constant 391 : index
    %get3A_4451 = arith.constant 0 : index
    %get3A_4452 = vector.load %arg7[%get3A_4450, %get3A_4451] : memref<500x512xf32, #tpu.memory_space<vmem>>, vector<1x512xf32>
    %select_n3A_4453 = arith.select %ge3A_4437, %sub3A_4449, %get3A_4452 : vector<1x512xi1>, vector<1x512xf32>
    %swap3A_4454 = arith.constant 41 : index
    %swap3A_4455 = arith.constant 0 : index
    %swap3A_4456 = vector.load %arg8[%swap3A_4454, %swap3A_4455] : memref<100x512xf32, #tpu.memory_space<vmem>>, vector<1x512xf32>
    tpu.vector_store %arg8[%swap3A_4454, %swap3A_4455], %select_n3A_4445 {strides = array<i32>} : memref<100x512xf32, #tpu.memory_space<vmem>>, vector<1x512xf32>,
    %swap3A_4457 = arith.constant 91 : index
    %swap3A_4458 = arith.constant 0 : index
    %swap3A_4459 = vector.load %arg8[%swap3A_4457, %swap3A_4458] : memref<100x512xf32, #tpu.memory_space<vmem>>, vector<1x512xf32>
    tpu.vector_store %arg8[%swap3A_4457, %swap3A_4458], %select_n3A_4453 {strides = array<i32>} : memref<100x512xf32, #tpu.memory_space<vmem>>, vector<1x512xf32>,
    %get3A_4460 = arith.constant 241 : index
    %get3A_4461 = arith.constant 0 : index
    %get3A_4462 = vector.load %arg7[%get3A_4460, %get3A_4461] : memref<500x512xf32, #tpu.memory_space<vmem>>, vector<1x512xf32>
    %add3A_4463 = arith.addf %get3A_4462, %select_n3A_4445 : vector<1x512xf32>
    %get3A_4464 = arith.constant 291 : index
    %get3A_4465 = arith.constant 0 : index
    %get3A_4466 = vector.load %arg7[%get3A_4464, %get3A_4465] : memref<500x512xf32, #tpu.memory_space<vmem>>, vector<1x512xf32>
    %add3A_4467 = arith.addf %get3A_4466, %select_n3A_4453 : vector<1x512xf32>
    %get3A_4468 = arith.constant 41 : index
    %get3A_4469 = arith.constant 0 : index
    %get3A_4470 = vector.load %arg7[%get3A_4468, %get3A_4469] : memref<500x512xf32, #tpu.memory_space<vmem>>, vector<1x512xf32>
    %add3A_4471 = arith.addf %add3A_4463, %get3A_4470 : vector<1x512xf32>
    %get3A_4472 = arith.constant 91 : index
    %get3A_4473 = arith.constant 0 : index
    %get3A_4474 = vector.load %arg7[%get3A_4472, %get3A_4473] : memref<500x512xf32, #tpu.memory_space<vmem>>, vector<1x512xf32>
    %add3A_4475 = arith.addf %add3A_4467, %get3A_4474 : vector<1x512xf32>
    %max3A_4476 = arith.maximumf %add3A_4471, %add3A_4475 : vector<1x512xf32>
    %min3A_4477 = arith.minimumf %add3A_4471, %add3A_4475 : vector<1x512xf32>
    %sub3A_4478 = arith.subf %min3A_4477, %max3A_4476 : vector<1x512xf32>
    %exp3A_4479 = math.exp %sub3A_4478 : vector<1x512xf32>
    %log1p3A_4480 = math.log1p %exp3A_4479 : vector<1x512xf32>
    %add3A_4481 = arith.addf %max3A_4476, %log1p3A_4480 : vector<1x512xf32>
    %swap3A_4482 = arith.constant 41 : index
    %swap3A_4483 = arith.constant 0 : index
    %swap3A_4484 = vector.load %arg6[%swap3A_4482, %swap3A_4483] : memref<100x512xf32, #tpu.memory_space<vmem>>, vector<1x512xf32>
    tpu.vector_store %arg6[%swap3A_4482, %swap3A_4483], %add3A_4481 {strides = array<i32>} : memref<100x512xf32, #tpu.memory_space<vmem>>, vector<1x512xf32>,
    %get3A_4485 = arith.constant 141 : index
    %get3A_4486 = arith.constant 0 : index
    %get3A_4487 = vector.load %arg7[%get3A_4485, %get3A_4486] : memref<500x512xf32, #tpu.memory_space<vmem>>, vector<1x512xf32>
    %add3A_4488 = arith.addf %add3A_4463, %get3A_4487 : vector<1x512xf32>
    %get3A_4489 = arith.constant 191 : index
    %get3A_4490 = arith.constant 0 : index
    %get3A_4491 = vector.load %arg7[%get3A_4489, %get3A_4490] : memref<500x512xf32, #tpu.memory_space<vmem>>, vector<1x512xf32>
    %add3A_4492 = arith.addf %add3A_4467, %get3A_4491 : vector<1x512xf32>
    %max3A_4493 = arith.maximumf %add3A_4488, %add3A_4492 : vector<1x512xf32>
    %min3A_4494 = arith.minimumf %add3A_4488, %add3A_4492 : vector<1x512xf32>
    %sub3A_4495 = arith.subf %min3A_4494, %max3A_4493 : vector<1x512xf32>
    %exp3A_4496 = math.exp %sub3A_4495 : vector<1x512xf32>
    %log1p3A_4497 = math.log1p %exp3A_4496 : vector<1x512xf32>
    %add3A_4498 = arith.addf %max3A_4493, %log1p3A_4497 : vector<1x512xf32>
    %swap3A_4499 = arith.constant 91 : index
    %swap3A_4500 = arith.constant 0 : index
    %swap3A_4501 = vector.load %arg6[%swap3A_4499, %swap3A_4500] : memref<100x512xf32, #tpu.memory_space<vmem>>, vector<1x512xf32>
    tpu.vector_store %arg6[%swap3A_4499, %swap3A_4500], %add3A_4498 {strides = array<i32>} : memref<100x512xf32, #tpu.memory_space<vmem>>, vector<1x512xf32>,
    %get3A_4502 = arith.constant 42 : index
    %get3A_4503 = arith.constant 0 : index
    %get3A_4504 = vector.load %arg3[%get3A_4502, %get3A_4503] : memref<50x512xi32, #tpu.memory_space<vmem>>, vector<1x512xi32>
    %slice3A_4505 = vector.extract_strided_slice %get3A_109 {offsets = [0, 0], sizes = [48, 512], strides = [1, 1]} : vector<50x512xi32> to vector<48x512xi32>
    %eq3A_4506 = vector.broadcast %get3A_4504 : vector<1x512xi32> to vector<48x512xi32>
    %eq3A_4507 = arith.cmpi eq, %slice3A_4505, %eq3A_4506 : vector<48x512xi32>
    %slice3A_4508 = vector.extract_strided_slice %iota3A {offsets = [0, 0], sizes = [48, 512], strides = [1, 1]} : vector<50x512xi32> to vector<48x512xi32>
    %lt3A_4509 = arith.constant 42 : i32
    %lt3A_4510 = vector.broadcast %lt3A_4509 : i32 to vector<48x512xi32>
    %lt3A_4511 = arith.cmpi slt, %slice3A_4508, %lt3A_4510 : vector<48x512xi32>
    %and3A_4512 = arith.andi %eq3A_4507, %lt3A_4511 : vector<48x512xi1>
    %slice3A_4513 = vector.extract_strided_slice %iota3A {offsets = [0, 0], sizes = [48, 512], strides = [1, 1]} : vector<50x512xi32> to vector<48x512xi32>
    %jit3A_4514 = arith.constant -1 : i32
    %broadcast_in_dim3A_4515 = vector.broadcast %jit3A_4514 : i32 to vector<48x512xi32>
    %select_n3A_4516 = arith.select %and3A_4512, %slice3A_4513, %broadcast_in_dim3A_4515 : vector<48x512xi1>, vector<48x512xi32>
    %reduce_max3A_4517 = arith.constant dense<-2147483648> : vector<512xi32>
    %reduce_max3A_4518 = vector.multi_reduction <maxsi>, %select_n3A_4516, %reduce_max3A_4517 [0] : vector<48x512xi32> to vector<512xi32>
    %broadcast_in_dim3A_4519 = vector.shape_cast %reduce_max3A_4518 : vector<512xi32> to vector<1x512xi32>
    %slice3A_4520 = vector.extract_strided_slice %iota3A {offsets = [0, 0], sizes = [48, 512], strides = [1, 1]} : vector<50x512xi32> to vector<48x512xi32>
    %eq3A_4521 = vector.broadcast %broadcast_in_dim3A_4519 : vector<1x512xi32> to vector<48x512xi32>
    %eq3A_4522 = arith.cmpi eq, %slice3A_4520, %eq3A_4521 : vector<48x512xi32>
    %get3A_4523 = arith.constant 0 : index
    %get3A_4524 = arith.constant 0 : index
    %get3A_4525 = vector.load %arg6[%get3A_4523, %get3A_4524] : memref<100x512xf32, #tpu.memory_space<vmem>>, vector<48x512xf32>
    %jit3A_4526 = arith.constant 0.000000e+00 : f32
    %broadcast_in_dim3A_4527 = vector.broadcast %jit3A_4526 : f32 to vector<48x512xf32>
    %select_n3A_4528 = arith.select %eq3A_4522, %get3A_4525, %broadcast_in_dim3A_4527 : vector<48x512xi1>, vector<48x512xf32>
    %reduce_sum3A_4529 = arith.constant dense<0.000000e+00> : vector<512xf32>
    %reduce_sum3A_4530 = vector.multi_reduction <add>, %select_n3A_4528, %reduce_sum3A_4529 [0] : vector<48x512xf32> to vector<512xf32>
    %broadcast_in_dim3A_4531 = vector.shape_cast %reduce_sum3A_4530 : vector<512xf32> to vector<1x512xf32>
    %get3A_4532 = arith.constant 50 : index
    %get3A_4533 = arith.constant 0 : index
    %get3A_4534 = vector.load %arg6[%get3A_4532, %get3A_4533] : memref<100x512xf32, #tpu.memory_space<vmem>>, vector<48x512xf32>
    %jit3A_4535 = arith.constant 0.000000e+00 : f32
    %broadcast_in_dim3A_4536 = vector.broadcast %jit3A_4535 : f32 to vector<48x512xf32>
    %select_n3A_4537 = arith.select %eq3A_4522, %get3A_4534, %broadcast_in_dim3A_4536 : vector<48x512xi1>, vector<48x512xf32>
    %reduce_sum3A_4538 = arith.constant dense<0.000000e+00> : vector<512xf32>
    %reduce_sum3A_4539 = vector.multi_reduction <add>, %select_n3A_4537, %reduce_sum3A_4538 [0] : vector<48x512xf32> to vector<512xf32>
    %broadcast_in_dim3A_4540 = vector.shape_cast %reduce_sum3A_4539 : vector<512xf32> to vector<1x512xf32>
    %ge3A_4541 = arith.constant 0 : i32
    %ge3A_4542 = vector.broadcast %ge3A_4541 : i32 to vector<1x512xi32>
    %ge3A_4543 = arith.cmpi sge, %broadcast_in_dim3A_4519, %ge3A_4542 : vector<1x512xi32>
    %get3A_4544 = arith.constant 442 : index
    %get3A_4545 = arith.constant 0 : index
    %get3A_4546 = vector.load %arg7[%get3A_4544, %get3A_4545] : memref<500x512xf32, #tpu.memory_space<vmem>>, vector<1x512xf32>
    %sub3A_4547 = arith.subf %broadcast_in_dim3A_4531, %get3A_4546 : vector<1x512xf32>
    %get3A_4548 = arith.constant 342 : index
    %get3A_4549 = arith.constant 0 : index
    %get3A_4550 = vector.load %arg7[%get3A_4548, %get3A_4549] : memref<500x512xf32, #tpu.memory_space<vmem>>, vector<1x512xf32>
    %select_n3A_4551 = arith.select %ge3A_4543, %sub3A_4547, %get3A_4550 : vector<1x512xi1>, vector<1x512xf32>
    %get3A_4552 = arith.constant 492 : index
    %get3A_4553 = arith.constant 0 : index
    %get3A_4554 = vector.load %arg7[%get3A_4552, %get3A_4553] : memref<500x512xf32, #tpu.memory_space<vmem>>, vector<1x512xf32>
    %sub3A_4555 = arith.subf %broadcast_in_dim3A_4540, %get3A_4554 : vector<1x512xf32>
    %get3A_4556 = arith.constant 392 : index
    %get3A_4557 = arith.constant 0 : index
    %get3A_4558 = vector.load %arg7[%get3A_4556, %get3A_4557] : memref<500x512xf32, #tpu.memory_space<vmem>>, vector<1x512xf32>
    %select_n3A_4559 = arith.select %ge3A_4543, %sub3A_4555, %get3A_4558 : vector<1x512xi1>, vector<1x512xf32>
    %swap3A_4560 = arith.constant 42 : index
    %swap3A_4561 = arith.constant 0 : index
    %swap3A_4562 = vector.load %arg8[%swap3A_4560, %swap3A_4561] : memref<100x512xf32, #tpu.memory_space<vmem>>, vector<1x512xf32>
    tpu.vector_store %arg8[%swap3A_4560, %swap3A_4561], %select_n3A_4551 {strides = array<i32>} : memref<100x512xf32, #tpu.memory_space<vmem>>, vector<1x512xf32>,
    %swap3A_4563 = arith.constant 92 : index
    %swap3A_4564 = arith.constant 0 : index
    %swap3A_4565 = vector.load %arg8[%swap3A_4563, %swap3A_4564] : memref<100x512xf32, #tpu.memory_space<vmem>>, vector<1x512xf32>
    tpu.vector_store %arg8[%swap3A_4563, %swap3A_4564], %select_n3A_4559 {strides = array<i32>} : memref<100x512xf32, #tpu.memory_space<vmem>>, vector<1x512xf32>,
    %get3A_4566 = arith.constant 242 : index
    %get3A_4567 = arith.constant 0 : index
    %get3A_4568 = vector.load %arg7[%get3A_4566, %get3A_4567] : memref<500x512xf32, #tpu.memory_space<vmem>>, vector<1x512xf32>
    %add3A_4569 = arith.addf %get3A_4568, %select_n3A_4551 : vector<1x512xf32>
    %get3A_4570 = arith.constant 292 : index
    %get3A_4571 = arith.constant 0 : index
    %get3A_4572 = vector.load %arg7[%get3A_4570, %get3A_4571] : memref<500x512xf32, #tpu.memory_space<vmem>>, vector<1x512xf32>
    %add3A_4573 = arith.addf %get3A_4572, %select_n3A_4559 : vector<1x512xf32>
    %get3A_4574 = arith.constant 42 : index
    %get3A_4575 = arith.constant 0 : index
    %get3A_4576 = vector.load %arg7[%get3A_4574, %get3A_4575] : memref<500x512xf32, #tpu.memory_space<vmem>>, vector<1x512xf32>
    %add3A_4577 = arith.addf %add3A_4569, %get3A_4576 : vector<1x512xf32>
    %get3A_4578 = arith.constant 92 : index
    %get3A_4579 = arith.constant 0 : index
    %get3A_4580 = vector.load %arg7[%get3A_4578, %get3A_4579] : memref<500x512xf32, #tpu.memory_space<vmem>>, vector<1x512xf32>
    %add3A_4581 = arith.addf %add3A_4573, %get3A_4580 : vector<1x512xf32>
    %max3A_4582 = arith.maximumf %add3A_4577, %add3A_4581 : vector<1x512xf32>
    %min3A_4583 = arith.minimumf %add3A_4577, %add3A_4581 : vector<1x512xf32>
    %sub3A_4584 = arith.subf %min3A_4583, %max3A_4582 : vector<1x512xf32>
    %exp3A_4585 = math.exp %sub3A_4584 : vector<1x512xf32>
    %log1p3A_4586 = math.log1p %exp3A_4585 : vector<1x512xf32>
    %add3A_4587 = arith.addf %max3A_4582, %log1p3A_4586 : vector<1x512xf32>
    %swap3A_4588 = arith.constant 42 : index
    %swap3A_4589 = arith.constant 0 : index
    %swap3A_4590 = vector.load %arg6[%swap3A_4588, %swap3A_4589] : memref<100x512xf32, #tpu.memory_space<vmem>>, vector<1x512xf32>
    tpu.vector_store %arg6[%swap3A_4588, %swap3A_4589], %add3A_4587 {strides = array<i32>} : memref<100x512xf32, #tpu.memory_space<vmem>>, vector<1x512xf32>,
    %get3A_4591 = arith.constant 142 : index
    %get3A_4592 = arith.constant 0 : index
    %get3A_4593 = vector.load %arg7[%get3A_4591, %get3A_4592] : memref<500x512xf32, #tpu.memory_space<vmem>>, vector<1x512xf32>
    %add3A_4594 = arith.addf %add3A_4569, %get3A_4593 : vector<1x512xf32>
    %get3A_4595 = arith.constant 192 : index
    %get3A_4596 = arith.constant 0 : index
    %get3A_4597 = vector.load %arg7[%get3A_4595, %get3A_4596] : memref<500x512xf32, #tpu.memory_space<vmem>>, vector<1x512xf32>
    %add3A_4598 = arith.addf %add3A_4573, %get3A_4597 : vector<1x512xf32>
    %max3A_4599 = arith.maximumf %add3A_4594, %add3A_4598 : vector<1x512xf32>
    %min3A_4600 = arith.minimumf %add3A_4594, %add3A_4598 : vector<1x512xf32>
    %sub3A_4601 = arith.subf %min3A_4600, %max3A_4599 : vector<1x512xf32>
    %exp3A_4602 = math.exp %sub3A_4601 : vector<1x512xf32>
    %log1p3A_4603 = math.log1p %exp3A_4602 : vector<1x512xf32>
    %add3A_4604 = arith.addf %max3A_4599, %log1p3A_4603 : vector<1x512xf32>
    %swap3A_4605 = arith.constant 92 : index
    %swap3A_4606 = arith.constant 0 : index
    %swap3A_4607 = vector.load %arg6[%swap3A_4605, %swap3A_4606] : memref<100x512xf32, #tpu.memory_space<vmem>>, vector<1x512xf32>
    tpu.vector_store %arg6[%swap3A_4605, %swap3A_4606], %add3A_4604 {strides = array<i32>} : memref<100x512xf32, #tpu.memory_space<vmem>>, vector<1x512xf32>,
    %get3A_4608 = arith.constant 43 : index
    %get3A_4609 = arith.constant 0 : index
    %get3A_4610 = vector.load %arg3[%get3A_4608, %get3A_4609] : memref<50x512xi32, #tpu.memory_space<vmem>>, vector<1x512xi32>
    %slice3A_4611 = vector.extract_strided_slice %get3A_109 {offsets = [0, 0], sizes = [48, 512], strides = [1, 1]} : vector<50x512xi32> to vector<48x512xi32>
    %eq3A_4612 = vector.broadcast %get3A_4610 : vector<1x512xi32> to vector<48x512xi32>
    %eq3A_4613 = arith.cmpi eq, %slice3A_4611, %eq3A_4612 : vector<48x512xi32>
    %slice3A_4614 = vector.extract_strided_slice %iota3A {offsets = [0, 0], sizes = [48, 512], strides = [1, 1]} : vector<50x512xi32> to vector<48x512xi32>
    %lt3A_4615 = arith.constant 43 : i32
    %lt3A_4616 = vector.broadcast %lt3A_4615 : i32 to vector<48x512xi32>
    %lt3A_4617 = arith.cmpi slt, %slice3A_4614, %lt3A_4616 : vector<48x512xi32>
    %and3A_4618 = arith.andi %eq3A_4613, %lt3A_4617 : vector<48x512xi1>
    %slice3A_4619 = vector.extract_strided_slice %iota3A {offsets = [0, 0], sizes = [48, 512], strides = [1, 1]} : vector<50x512xi32> to vector<48x512xi32>
    %jit3A_4620 = arith.constant -1 : i32
    %broadcast_in_dim3A_4621 = vector.broadcast %jit3A_4620 : i32 to vector<48x512xi32>
    %select_n3A_4622 = arith.select %and3A_4618, %slice3A_4619, %broadcast_in_dim3A_4621 : vector<48x512xi1>, vector<48x512xi32>
    %reduce_max3A_4623 = arith.constant dense<-2147483648> : vector<512xi32>
    %reduce_max3A_4624 = vector.multi_reduction <maxsi>, %select_n3A_4622, %reduce_max3A_4623 [0] : vector<48x512xi32> to vector<512xi32>
    %broadcast_in_dim3A_4625 = vector.shape_cast %reduce_max3A_4624 : vector<512xi32> to vector<1x512xi32>
    %slice3A_4626 = vector.extract_strided_slice %iota3A {offsets = [0, 0], sizes = [48, 512], strides = [1, 1]} : vector<50x512xi32> to vector<48x512xi32>
    %eq3A_4627 = vector.broadcast %broadcast_in_dim3A_4625 : vector<1x512xi32> to vector<48x512xi32>
    %eq3A_4628 = arith.cmpi eq, %slice3A_4626, %eq3A_4627 : vector<48x512xi32>
    %get3A_4629 = arith.constant 0 : index
    %get3A_4630 = arith.constant 0 : index
    %get3A_4631 = vector.load %arg6[%get3A_4629, %get3A_4630] : memref<100x512xf32, #tpu.memory_space<vmem>>, vector<48x512xf32>
    %jit3A_4632 = arith.constant 0.000000e+00 : f32
    %broadcast_in_dim3A_4633 = vector.broadcast %jit3A_4632 : f32 to vector<48x512xf32>
    %select_n3A_4634 = arith.select %eq3A_4628, %get3A_4631, %broadcast_in_dim3A_4633 : vector<48x512xi1>, vector<48x512xf32>
    %reduce_sum3A_4635 = arith.constant dense<0.000000e+00> : vector<512xf32>
    %reduce_sum3A_4636 = vector.multi_reduction <add>, %select_n3A_4634, %reduce_sum3A_4635 [0] : vector<48x512xf32> to vector<512xf32>
    %broadcast_in_dim3A_4637 = vector.shape_cast %reduce_sum3A_4636 : vector<512xf32> to vector<1x512xf32>
    %get3A_4638 = arith.constant 50 : index
    %get3A_4639 = arith.constant 0 : index
    %get3A_4640 = vector.load %arg6[%get3A_4638, %get3A_4639] : memref<100x512xf32, #tpu.memory_space<vmem>>, vector<48x512xf32>
    %jit3A_4641 = arith.constant 0.000000e+00 : f32
    %broadcast_in_dim3A_4642 = vector.broadcast %jit3A_4641 : f32 to vector<48x512xf32>
    %select_n3A_4643 = arith.select %eq3A_4628, %get3A_4640, %broadcast_in_dim3A_4642 : vector<48x512xi1>, vector<48x512xf32>
    %reduce_sum3A_4644 = arith.constant dense<0.000000e+00> : vector<512xf32>
    %reduce_sum3A_4645 = vector.multi_reduction <add>, %select_n3A_4643, %reduce_sum3A_4644 [0] : vector<48x512xf32> to vector<512xf32>
    %broadcast_in_dim3A_4646 = vector.shape_cast %reduce_sum3A_4645 : vector<512xf32> to vector<1x512xf32>
    %ge3A_4647 = arith.constant 0 : i32
    %ge3A_4648 = vector.broadcast %ge3A_4647 : i32 to vector<1x512xi32>
    %ge3A_4649 = arith.cmpi sge, %broadcast_in_dim3A_4625, %ge3A_4648 : vector<1x512xi32>
    %get3A_4650 = arith.constant 443 : index
    %get3A_4651 = arith.constant 0 : index
    %get3A_4652 = vector.load %arg7[%get3A_4650, %get3A_4651] : memref<500x512xf32, #tpu.memory_space<vmem>>, vector<1x512xf32>
    %sub3A_4653 = arith.subf %broadcast_in_dim3A_4637, %get3A_4652 : vector<1x512xf32>
    %get3A_4654 = arith.constant 343 : index
    %get3A_4655 = arith.constant 0 : index
    %get3A_4656 = vector.load %arg7[%get3A_4654, %get3A_4655] : memref<500x512xf32, #tpu.memory_space<vmem>>, vector<1x512xf32>
    %select_n3A_4657 = arith.select %ge3A_4649, %sub3A_4653, %get3A_4656 : vector<1x512xi1>, vector<1x512xf32>
    %get3A_4658 = arith.constant 493 : index
    %get3A_4659 = arith.constant 0 : index
    %get3A_4660 = vector.load %arg7[%get3A_4658, %get3A_4659] : memref<500x512xf32, #tpu.memory_space<vmem>>, vector<1x512xf32>
    %sub3A_4661 = arith.subf %broadcast_in_dim3A_4646, %get3A_4660 : vector<1x512xf32>
    %get3A_4662 = arith.constant 393 : index
    %get3A_4663 = arith.constant 0 : index
    %get3A_4664 = vector.load %arg7[%get3A_4662, %get3A_4663] : memref<500x512xf32, #tpu.memory_space<vmem>>, vector<1x512xf32>
    %select_n3A_4665 = arith.select %ge3A_4649, %sub3A_4661, %get3A_4664 : vector<1x512xi1>, vector<1x512xf32>
    %swap3A_4666 = arith.constant 43 : index
    %swap3A_4667 = arith.constant 0 : index
    %swap3A_4668 = vector.load %arg8[%swap3A_4666, %swap3A_4667] : memref<100x512xf32, #tpu.memory_space<vmem>>, vector<1x512xf32>
    tpu.vector_store %arg8[%swap3A_4666, %swap3A_4667], %select_n3A_4657 {strides = array<i32>} : memref<100x512xf32, #tpu.memory_space<vmem>>, vector<1x512xf32>,
    %swap3A_4669 = arith.constant 93 : index
    %swap3A_4670 = arith.constant 0 : index
    %swap3A_4671 = vector.load %arg8[%swap3A_4669, %swap3A_4670] : memref<100x512xf32, #tpu.memory_space<vmem>>, vector<1x512xf32>
    tpu.vector_store %arg8[%swap3A_4669, %swap3A_4670], %select_n3A_4665 {strides = array<i32>} : memref<100x512xf32, #tpu.memory_space<vmem>>, vector<1x512xf32>,
    %get3A_4672 = arith.constant 243 : index
    %get3A_4673 = arith.constant 0 : index
    %get3A_4674 = vector.load %arg7[%get3A_4672, %get3A_4673] : memref<500x512xf32, #tpu.memory_space<vmem>>, vector<1x512xf32>
    %add3A_4675 = arith.addf %get3A_4674, %select_n3A_4657 : vector<1x512xf32>
    %get3A_4676 = arith.constant 293 : index
    %get3A_4677 = arith.constant 0 : index
    %get3A_4678 = vector.load %arg7[%get3A_4676, %get3A_4677] : memref<500x512xf32, #tpu.memory_space<vmem>>, vector<1x512xf32>
    %add3A_4679 = arith.addf %get3A_4678, %select_n3A_4665 : vector<1x512xf32>
    %get3A_4680 = arith.constant 43 : index
    %get3A_4681 = arith.constant 0 : index
    %get3A_4682 = vector.load %arg7[%get3A_4680, %get3A_4681] : memref<500x512xf32, #tpu.memory_space<vmem>>, vector<1x512xf32>
    %add3A_4683 = arith.addf %add3A_4675, %get3A_4682 : vector<1x512xf32>
    %get3A_4684 = arith.constant 93 : index
    %get3A_4685 = arith.constant 0 : index
    %get3A_4686 = vector.load %arg7[%get3A_4684, %get3A_4685] : memref<500x512xf32, #tpu.memory_space<vmem>>, vector<1x512xf32>
    %add3A_4687 = arith.addf %add3A_4679, %get3A_4686 : vector<1x512xf32>
    %max3A_4688 = arith.maximumf %add3A_4683, %add3A_4687 : vector<1x512xf32>
    %min3A_4689 = arith.minimumf %add3A_4683, %add3A_4687 : vector<1x512xf32>
    %sub3A_4690 = arith.subf %min3A_4689, %max3A_4688 : vector<1x512xf32>
    %exp3A_4691 = math.exp %sub3A_4690 : vector<1x512xf32>
    %log1p3A_4692 = math.log1p %exp3A_4691 : vector<1x512xf32>
    %add3A_4693 = arith.addf %max3A_4688, %log1p3A_4692 : vector<1x512xf32>
    %swap3A_4694 = arith.constant 43 : index
    %swap3A_4695 = arith.constant 0 : index
    %swap3A_4696 = vector.load %arg6[%swap3A_4694, %swap3A_4695] : memref<100x512xf32, #tpu.memory_space<vmem>>, vector<1x512xf32>
    tpu.vector_store %arg6[%swap3A_4694, %swap3A_4695], %add3A_4693 {strides = array<i32>} : memref<100x512xf32, #tpu.memory_space<vmem>>, vector<1x512xf32>,
    %get3A_4697 = arith.constant 143 : index
    %get3A_4698 = arith.constant 0 : index
    %get3A_4699 = vector.load %arg7[%get3A_4697, %get3A_4698] : memref<500x512xf32, #tpu.memory_space<vmem>>, vector<1x512xf32>
    %add3A_4700 = arith.addf %add3A_4675, %get3A_4699 : vector<1x512xf32>
    %get3A_4701 = arith.constant 193 : index
    %get3A_4702 = arith.constant 0 : index
    %get3A_4703 = vector.load %arg7[%get3A_4701, %get3A_4702] : memref<500x512xf32, #tpu.memory_space<vmem>>, vector<1x512xf32>
    %add3A_4704 = arith.addf %add3A_4679, %get3A_4703 : vector<1x512xf32>
    %max3A_4705 = arith.maximumf %add3A_4700, %add3A_4704 : vector<1x512xf32>
    %min3A_4706 = arith.minimumf %add3A_4700, %add3A_4704 : vector<1x512xf32>
    %sub3A_4707 = arith.subf %min3A_4706, %max3A_4705 : vector<1x512xf32>
    %exp3A_4708 = math.exp %sub3A_4707 : vector<1x512xf32>
    %log1p3A_4709 = math.log1p %exp3A_4708 : vector<1x512xf32>
    %add3A_4710 = arith.addf %max3A_4705, %log1p3A_4709 : vector<1x512xf32>
    %swap3A_4711 = arith.constant 93 : index
    %swap3A_4712 = arith.constant 0 : index
    %swap3A_4713 = vector.load %arg6[%swap3A_4711, %swap3A_4712] : memref<100x512xf32, #tpu.memory_space<vmem>>, vector<1x512xf32>
    tpu.vector_store %arg6[%swap3A_4711, %swap3A_4712], %add3A_4710 {strides = array<i32>} : memref<100x512xf32, #tpu.memory_space<vmem>>, vector<1x512xf32>,
    %get3A_4714 = arith.constant 44 : index
    %get3A_4715 = arith.constant 0 : index
    %get3A_4716 = vector.load %arg3[%get3A_4714, %get3A_4715] : memref<50x512xi32, #tpu.memory_space<vmem>>, vector<1x512xi32>
    %slice3A_4717 = vector.extract_strided_slice %get3A_109 {offsets = [0, 0], sizes = [48, 512], strides = [1, 1]} : vector<50x512xi32> to vector<48x512xi32>
    %eq3A_4718 = vector.broadcast %get3A_4716 : vector<1x512xi32> to vector<48x512xi32>
    %eq3A_4719 = arith.cmpi eq, %slice3A_4717, %eq3A_4718 : vector<48x512xi32>
    %slice3A_4720 = vector.extract_strided_slice %iota3A {offsets = [0, 0], sizes = [48, 512], strides = [1, 1]} : vector<50x512xi32> to vector<48x512xi32>
    %lt3A_4721 = arith.constant 44 : i32
    %lt3A_4722 = vector.broadcast %lt3A_4721 : i32 to vector<48x512xi32>
    %lt3A_4723 = arith.cmpi slt, %slice3A_4720, %lt3A_4722 : vector<48x512xi32>
    %and3A_4724 = arith.andi %eq3A_4719, %lt3A_4723 : vector<48x512xi1>
    %slice3A_4725 = vector.extract_strided_slice %iota3A {offsets = [0, 0], sizes = [48, 512], strides = [1, 1]} : vector<50x512xi32> to vector<48x512xi32>
    %jit3A_4726 = arith.constant -1 : i32
    %broadcast_in_dim3A_4727 = vector.broadcast %jit3A_4726 : i32 to vector<48x512xi32>
    %select_n3A_4728 = arith.select %and3A_4724, %slice3A_4725, %broadcast_in_dim3A_4727 : vector<48x512xi1>, vector<48x512xi32>
    %reduce_max3A_4729 = arith.constant dense<-2147483648> : vector<512xi32>
    %reduce_max3A_4730 = vector.multi_reduction <maxsi>, %select_n3A_4728, %reduce_max3A_4729 [0] : vector<48x512xi32> to vector<512xi32>
    %broadcast_in_dim3A_4731 = vector.shape_cast %reduce_max3A_4730 : vector<512xi32> to vector<1x512xi32>
    %slice3A_4732 = vector.extract_strided_slice %iota3A {offsets = [0, 0], sizes = [48, 512], strides = [1, 1]} : vector<50x512xi32> to vector<48x512xi32>
    %eq3A_4733 = vector.broadcast %broadcast_in_dim3A_4731 : vector<1x512xi32> to vector<48x512xi32>
    %eq3A_4734 = arith.cmpi eq, %slice3A_4732, %eq3A_4733 : vector<48x512xi32>
    %get3A_4735 = arith.constant 0 : index
    %get3A_4736 = arith.constant 0 : index
    %get3A_4737 = vector.load %arg6[%get3A_4735, %get3A_4736] : memref<100x512xf32, #tpu.memory_space<vmem>>, vector<48x512xf32>
    %jit3A_4738 = arith.constant 0.000000e+00 : f32
    %broadcast_in_dim3A_4739 = vector.broadcast %jit3A_4738 : f32 to vector<48x512xf32>
    %select_n3A_4740 = arith.select %eq3A_4734, %get3A_4737, %broadcast_in_dim3A_4739 : vector<48x512xi1>, vector<48x512xf32>
    %reduce_sum3A_4741 = arith.constant dense<0.000000e+00> : vector<512xf32>
    %reduce_sum3A_4742 = vector.multi_reduction <add>, %select_n3A_4740, %reduce_sum3A_4741 [0] : vector<48x512xf32> to vector<512xf32>
    %broadcast_in_dim3A_4743 = vector.shape_cast %reduce_sum3A_4742 : vector<512xf32> to vector<1x512xf32>
    %get3A_4744 = arith.constant 50 : index
    %get3A_4745 = arith.constant 0 : index
    %get3A_4746 = vector.load %arg6[%get3A_4744, %get3A_4745] : memref<100x512xf32, #tpu.memory_space<vmem>>, vector<48x512xf32>
    %jit3A_4747 = arith.constant 0.000000e+00 : f32
    %broadcast_in_dim3A_4748 = vector.broadcast %jit3A_4747 : f32 to vector<48x512xf32>
    %select_n3A_4749 = arith.select %eq3A_4734, %get3A_4746, %broadcast_in_dim3A_4748 : vector<48x512xi1>, vector<48x512xf32>
    %reduce_sum3A_4750 = arith.constant dense<0.000000e+00> : vector<512xf32>
    %reduce_sum3A_4751 = vector.multi_reduction <add>, %select_n3A_4749, %reduce_sum3A_4750 [0] : vector<48x512xf32> to vector<512xf32>
    %broadcast_in_dim3A_4752 = vector.shape_cast %reduce_sum3A_4751 : vector<512xf32> to vector<1x512xf32>
    %ge3A_4753 = arith.constant 0 : i32
    %ge3A_4754 = vector.broadcast %ge3A_4753 : i32 to vector<1x512xi32>
    %ge3A_4755 = arith.cmpi sge, %broadcast_in_dim3A_4731, %ge3A_4754 : vector<1x512xi32>
    %get3A_4756 = arith.constant 444 : index
    %get3A_4757 = arith.constant 0 : index
    %get3A_4758 = vector.load %arg7[%get3A_4756, %get3A_4757] : memref<500x512xf32, #tpu.memory_space<vmem>>, vector<1x512xf32>
    %sub3A_4759 = arith.subf %broadcast_in_dim3A_4743, %get3A_4758 : vector<1x512xf32>
    %get3A_4760 = arith.constant 344 : index
    %get3A_4761 = arith.constant 0 : index
    %get3A_4762 = vector.load %arg7[%get3A_4760, %get3A_4761] : memref<500x512xf32, #tpu.memory_space<vmem>>, vector<1x512xf32>
    %select_n3A_4763 = arith.select %ge3A_4755, %sub3A_4759, %get3A_4762 : vector<1x512xi1>, vector<1x512xf32>
    %get3A_4764 = arith.constant 494 : index
    %get3A_4765 = arith.constant 0 : index
    %get3A_4766 = vector.load %arg7[%get3A_4764, %get3A_4765] : memref<500x512xf32, #tpu.memory_space<vmem>>, vector<1x512xf32>
    %sub3A_4767 = arith.subf %broadcast_in_dim3A_4752, %get3A_4766 : vector<1x512xf32>
    %get3A_4768 = arith.constant 394 : index
    %get3A_4769 = arith.constant 0 : index
    %get3A_4770 = vector.load %arg7[%get3A_4768, %get3A_4769] : memref<500x512xf32, #tpu.memory_space<vmem>>, vector<1x512xf32>
    %select_n3A_4771 = arith.select %ge3A_4755, %sub3A_4767, %get3A_4770 : vector<1x512xi1>, vector<1x512xf32>
    %swap3A_4772 = arith.constant 44 : index
    %swap3A_4773 = arith.constant 0 : index
    %swap3A_4774 = vector.load %arg8[%swap3A_4772, %swap3A_4773] : memref<100x512xf32, #tpu.memory_space<vmem>>, vector<1x512xf32>
    tpu.vector_store %arg8[%swap3A_4772, %swap3A_4773], %select_n3A_4763 {strides = array<i32>} : memref<100x512xf32, #tpu.memory_space<vmem>>, vector<1x512xf32>,
    %swap3A_4775 = arith.constant 94 : index
    %swap3A_4776 = arith.constant 0 : index
    %swap3A_4777 = vector.load %arg8[%swap3A_4775, %swap3A_4776] : memref<100x512xf32, #tpu.memory_space<vmem>>, vector<1x512xf32>
    tpu.vector_store %arg8[%swap3A_4775, %swap3A_4776], %select_n3A_4771 {strides = array<i32>} : memref<100x512xf32, #tpu.memory_space<vmem>>, vector<1x512xf32>,
    %get3A_4778 = arith.constant 244 : index
    %get3A_4779 = arith.constant 0 : index
    %get3A_4780 = vector.load %arg7[%get3A_4778, %get3A_4779] : memref<500x512xf32, #tpu.memory_space<vmem>>, vector<1x512xf32>
    %add3A_4781 = arith.addf %get3A_4780, %select_n3A_4763 : vector<1x512xf32>
    %get3A_4782 = arith.constant 294 : index
    %get3A_4783 = arith.constant 0 : index
    %get3A_4784 = vector.load %arg7[%get3A_4782, %get3A_4783] : memref<500x512xf32, #tpu.memory_space<vmem>>, vector<1x512xf32>
    %add3A_4785 = arith.addf %get3A_4784, %select_n3A_4771 : vector<1x512xf32>
    %get3A_4786 = arith.constant 44 : index
    %get3A_4787 = arith.constant 0 : index
    %get3A_4788 = vector.load %arg7[%get3A_4786, %get3A_4787] : memref<500x512xf32, #tpu.memory_space<vmem>>, vector<1x512xf32>
    %add3A_4789 = arith.addf %add3A_4781, %get3A_4788 : vector<1x512xf32>
    %get3A_4790 = arith.constant 94 : index
    %get3A_4791 = arith.constant 0 : index
    %get3A_4792 = vector.load %arg7[%get3A_4790, %get3A_4791] : memref<500x512xf32, #tpu.memory_space<vmem>>, vector<1x512xf32>
    %add3A_4793 = arith.addf %add3A_4785, %get3A_4792 : vector<1x512xf32>
    %max3A_4794 = arith.maximumf %add3A_4789, %add3A_4793 : vector<1x512xf32>
    %min3A_4795 = arith.minimumf %add3A_4789, %add3A_4793 : vector<1x512xf32>
    %sub3A_4796 = arith.subf %min3A_4795, %max3A_4794 : vector<1x512xf32>
    %exp3A_4797 = math.exp %sub3A_4796 : vector<1x512xf32>
    %log1p3A_4798 = math.log1p %exp3A_4797 : vector<1x512xf32>
    %add3A_4799 = arith.addf %max3A_4794, %log1p3A_4798 : vector<1x512xf32>
    %swap3A_4800 = arith.constant 44 : index
    %swap3A_4801 = arith.constant 0 : index
    %swap3A_4802 = vector.load %arg6[%swap3A_4800, %swap3A_4801] : memref<100x512xf32, #tpu.memory_space<vmem>>, vector<1x512xf32>
    tpu.vector_store %arg6[%swap3A_4800, %swap3A_4801], %add3A_4799 {strides = array<i32>} : memref<100x512xf32, #tpu.memory_space<vmem>>, vector<1x512xf32>,
    %get3A_4803 = arith.constant 144 : index
    %get3A_4804 = arith.constant 0 : index
    %get3A_4805 = vector.load %arg7[%get3A_4803, %get3A_4804] : memref<500x512xf32, #tpu.memory_space<vmem>>, vector<1x512xf32>
    %add3A_4806 = arith.addf %add3A_4781, %get3A_4805 : vector<1x512xf32>
    %get3A_4807 = arith.constant 194 : index
    %get3A_4808 = arith.constant 0 : index
    %get3A_4809 = vector.load %arg7[%get3A_4807, %get3A_4808] : memref<500x512xf32, #tpu.memory_space<vmem>>, vector<1x512xf32>
    %add3A_4810 = arith.addf %add3A_4785, %get3A_4809 : vector<1x512xf32>
    %max3A_4811 = arith.maximumf %add3A_4806, %add3A_4810 : vector<1x512xf32>
    %min3A_4812 = arith.minimumf %add3A_4806, %add3A_4810 : vector<1x512xf32>
    %sub3A_4813 = arith.subf %min3A_4812, %max3A_4811 : vector<1x512xf32>
    %exp3A_4814 = math.exp %sub3A_4813 : vector<1x512xf32>
    %log1p3A_4815 = math.log1p %exp3A_4814 : vector<1x512xf32>
    %add3A_4816 = arith.addf %max3A_4811, %log1p3A_4815 : vector<1x512xf32>
    %swap3A_4817 = arith.constant 94 : index
    %swap3A_4818 = arith.constant 0 : index
    %swap3A_4819 = vector.load %arg6[%swap3A_4817, %swap3A_4818] : memref<100x512xf32, #tpu.memory_space<vmem>>, vector<1x512xf32>
    tpu.vector_store %arg6[%swap3A_4817, %swap3A_4818], %add3A_4816 {strides = array<i32>} : memref<100x512xf32, #tpu.memory_space<vmem>>, vector<1x512xf32>,
    %get3A_4820 = arith.constant 45 : index
    %get3A_4821 = arith.constant 0 : index
    %get3A_4822 = vector.load %arg3[%get3A_4820, %get3A_4821] : memref<50x512xi32, #tpu.memory_space<vmem>>, vector<1x512xi32>
    %slice3A_4823 = vector.extract_strided_slice %get3A_109 {offsets = [0, 0], sizes = [48, 512], strides = [1, 1]} : vector<50x512xi32> to vector<48x512xi32>
    %eq3A_4824 = vector.broadcast %get3A_4822 : vector<1x512xi32> to vector<48x512xi32>
    %eq3A_4825 = arith.cmpi eq, %slice3A_4823, %eq3A_4824 : vector<48x512xi32>
    %slice3A_4826 = vector.extract_strided_slice %iota3A {offsets = [0, 0], sizes = [48, 512], strides = [1, 1]} : vector<50x512xi32> to vector<48x512xi32>
    %lt3A_4827 = arith.constant 45 : i32
    %lt3A_4828 = vector.broadcast %lt3A_4827 : i32 to vector<48x512xi32>
    %lt3A_4829 = arith.cmpi slt, %slice3A_4826, %lt3A_4828 : vector<48x512xi32>
    %and3A_4830 = arith.andi %eq3A_4825, %lt3A_4829 : vector<48x512xi1>
    %slice3A_4831 = vector.extract_strided_slice %iota3A {offsets = [0, 0], sizes = [48, 512], strides = [1, 1]} : vector<50x512xi32> to vector<48x512xi32>
    %jit3A_4832 = arith.constant -1 : i32
    %broadcast_in_dim3A_4833 = vector.broadcast %jit3A_4832 : i32 to vector<48x512xi32>
    %select_n3A_4834 = arith.select %and3A_4830, %slice3A_4831, %broadcast_in_dim3A_4833 : vector<48x512xi1>, vector<48x512xi32>
    %reduce_max3A_4835 = arith.constant dense<-2147483648> : vector<512xi32>
    %reduce_max3A_4836 = vector.multi_reduction <maxsi>, %select_n3A_4834, %reduce_max3A_4835 [0] : vector<48x512xi32> to vector<512xi32>
    %broadcast_in_dim3A_4837 = vector.shape_cast %reduce_max3A_4836 : vector<512xi32> to vector<1x512xi32>
    %slice3A_4838 = vector.extract_strided_slice %iota3A {offsets = [0, 0], sizes = [48, 512], strides = [1, 1]} : vector<50x512xi32> to vector<48x512xi32>
    %eq3A_4839 = vector.broadcast %broadcast_in_dim3A_4837 : vector<1x512xi32> to vector<48x512xi32>
    %eq3A_4840 = arith.cmpi eq, %slice3A_4838, %eq3A_4839 : vector<48x512xi32>
    %get3A_4841 = arith.constant 0 : index
    %get3A_4842 = arith.constant 0 : index
    %get3A_4843 = vector.load %arg6[%get3A_4841, %get3A_4842] : memref<100x512xf32, #tpu.memory_space<vmem>>, vector<48x512xf32>
    %jit3A_4844 = arith.constant 0.000000e+00 : f32
    %broadcast_in_dim3A_4845 = vector.broadcast %jit3A_4844 : f32 to vector<48x512xf32>
    %select_n3A_4846 = arith.select %eq3A_4840, %get3A_4843, %broadcast_in_dim3A_4845 : vector<48x512xi1>, vector<48x512xf32>
    %reduce_sum3A_4847 = arith.constant dense<0.000000e+00> : vector<512xf32>
    %reduce_sum3A_4848 = vector.multi_reduction <add>, %select_n3A_4846, %reduce_sum3A_4847 [0] : vector<48x512xf32> to vector<512xf32>
    %broadcast_in_dim3A_4849 = vector.shape_cast %reduce_sum3A_4848 : vector<512xf32> to vector<1x512xf32>
    %get3A_4850 = arith.constant 50 : index
    %get3A_4851 = arith.constant 0 : index
    %get3A_4852 = vector.load %arg6[%get3A_4850, %get3A_4851] : memref<100x512xf32, #tpu.memory_space<vmem>>, vector<48x512xf32>
    %jit3A_4853 = arith.constant 0.000000e+00 : f32
    %broadcast_in_dim3A_4854 = vector.broadcast %jit3A_4853 : f32 to vector<48x512xf32>
    %select_n3A_4855 = arith.select %eq3A_4840, %get3A_4852, %broadcast_in_dim3A_4854 : vector<48x512xi1>, vector<48x512xf32>
    %reduce_sum3A_4856 = arith.constant dense<0.000000e+00> : vector<512xf32>
    %reduce_sum3A_4857 = vector.multi_reduction <add>, %select_n3A_4855, %reduce_sum3A_4856 [0] : vector<48x512xf32> to vector<512xf32>
    %broadcast_in_dim3A_4858 = vector.shape_cast %reduce_sum3A_4857 : vector<512xf32> to vector<1x512xf32>
    %ge3A_4859 = arith.constant 0 : i32
    %ge3A_4860 = vector.broadcast %ge3A_4859 : i32 to vector<1x512xi32>
    %ge3A_4861 = arith.cmpi sge, %broadcast_in_dim3A_4837, %ge3A_4860 : vector<1x512xi32>
    %get3A_4862 = arith.constant 445 : index
    %get3A_4863 = arith.constant 0 : index
    %get3A_4864 = vector.load %arg7[%get3A_4862, %get3A_4863] : memref<500x512xf32, #tpu.memory_space<vmem>>, vector<1x512xf32>
    %sub3A_4865 = arith.subf %broadcast_in_dim3A_4849, %get3A_4864 : vector<1x512xf32>
    %get3A_4866 = arith.constant 345 : index
    %get3A_4867 = arith.constant 0 : index
    %get3A_4868 = vector.load %arg7[%get3A_4866, %get3A_4867] : memref<500x512xf32, #tpu.memory_space<vmem>>, vector<1x512xf32>
    %select_n3A_4869 = arith.select %ge3A_4861, %sub3A_4865, %get3A_4868 : vector<1x512xi1>, vector<1x512xf32>
    %get3A_4870 = arith.constant 495 : index
    %get3A_4871 = arith.constant 0 : index
    %get3A_4872 = vector.load %arg7[%get3A_4870, %get3A_4871] : memref<500x512xf32, #tpu.memory_space<vmem>>, vector<1x512xf32>
    %sub3A_4873 = arith.subf %broadcast_in_dim3A_4858, %get3A_4872 : vector<1x512xf32>
    %get3A_4874 = arith.constant 395 : index
    %get3A_4875 = arith.constant 0 : index
    %get3A_4876 = vector.load %arg7[%get3A_4874, %get3A_4875] : memref<500x512xf32, #tpu.memory_space<vmem>>, vector<1x512xf32>
    %select_n3A_4877 = arith.select %ge3A_4861, %sub3A_4873, %get3A_4876 : vector<1x512xi1>, vector<1x512xf32>
    %swap3A_4878 = arith.constant 45 : index
    %swap3A_4879 = arith.constant 0 : index
    %swap3A_4880 = vector.load %arg8[%swap3A_4878, %swap3A_4879] : memref<100x512xf32, #tpu.memory_space<vmem>>, vector<1x512xf32>
    tpu.vector_store %arg8[%swap3A_4878, %swap3A_4879], %select_n3A_4869 {strides = array<i32>} : memref<100x512xf32, #tpu.memory_space<vmem>>, vector<1x512xf32>,
    %swap3A_4881 = arith.constant 95 : index
    %swap3A_4882 = arith.constant 0 : index
    %swap3A_4883 = vector.load %arg8[%swap3A_4881, %swap3A_4882] : memref<100x512xf32, #tpu.memory_space<vmem>>, vector<1x512xf32>
    tpu.vector_store %arg8[%swap3A_4881, %swap3A_4882], %select_n3A_4877 {strides = array<i32>} : memref<100x512xf32, #tpu.memory_space<vmem>>, vector<1x512xf32>,
    %get3A_4884 = arith.constant 245 : index
    %get3A_4885 = arith.constant 0 : index
    %get3A_4886 = vector.load %arg7[%get3A_4884, %get3A_4885] : memref<500x512xf32, #tpu.memory_space<vmem>>, vector<1x512xf32>
    %add3A_4887 = arith.addf %get3A_4886, %select_n3A_4869 : vector<1x512xf32>
    %get3A_4888 = arith.constant 295 : index
    %get3A_4889 = arith.constant 0 : index
    %get3A_4890 = vector.load %arg7[%get3A_4888, %get3A_4889] : memref<500x512xf32, #tpu.memory_space<vmem>>, vector<1x512xf32>
    %add3A_4891 = arith.addf %get3A_4890, %select_n3A_4877 : vector<1x512xf32>
    %get3A_4892 = arith.constant 45 : index
    %get3A_4893 = arith.constant 0 : index
    %get3A_4894 = vector.load %arg7[%get3A_4892, %get3A_4893] : memref<500x512xf32, #tpu.memory_space<vmem>>, vector<1x512xf32>
    %add3A_4895 = arith.addf %add3A_4887, %get3A_4894 : vector<1x512xf32>
    %get3A_4896 = arith.constant 95 : index
    %get3A_4897 = arith.constant 0 : index
    %get3A_4898 = vector.load %arg7[%get3A_4896, %get3A_4897] : memref<500x512xf32, #tpu.memory_space<vmem>>, vector<1x512xf32>
    %add3A_4899 = arith.addf %add3A_4891, %get3A_4898 : vector<1x512xf32>
    %max3A_4900 = arith.maximumf %add3A_4895, %add3A_4899 : vector<1x512xf32>
    %min3A_4901 = arith.minimumf %add3A_4895, %add3A_4899 : vector<1x512xf32>
    %sub3A_4902 = arith.subf %min3A_4901, %max3A_4900 : vector<1x512xf32>
    %exp3A_4903 = math.exp %sub3A_4902 : vector<1x512xf32>
    %log1p3A_4904 = math.log1p %exp3A_4903 : vector<1x512xf32>
    %add3A_4905 = arith.addf %max3A_4900, %log1p3A_4904 : vector<1x512xf32>
    %swap3A_4906 = arith.constant 45 : index
    %swap3A_4907 = arith.constant 0 : index
    %swap3A_4908 = vector.load %arg6[%swap3A_4906, %swap3A_4907] : memref<100x512xf32, #tpu.memory_space<vmem>>, vector<1x512xf32>
    tpu.vector_store %arg6[%swap3A_4906, %swap3A_4907], %add3A_4905 {strides = array<i32>} : memref<100x512xf32, #tpu.memory_space<vmem>>, vector<1x512xf32>,
    %get3A_4909 = arith.constant 145 : index
    %get3A_4910 = arith.constant 0 : index
    %get3A_4911 = vector.load %arg7[%get3A_4909, %get3A_4910] : memref<500x512xf32, #tpu.memory_space<vmem>>, vector<1x512xf32>
    %add3A_4912 = arith.addf %add3A_4887, %get3A_4911 : vector<1x512xf32>
    %get3A_4913 = arith.constant 195 : index
    %get3A_4914 = arith.constant 0 : index
    %get3A_4915 = vector.load %arg7[%get3A_4913, %get3A_4914] : memref<500x512xf32, #tpu.memory_space<vmem>>, vector<1x512xf32>
    %add3A_4916 = arith.addf %add3A_4891, %get3A_4915 : vector<1x512xf32>
    %max3A_4917 = arith.maximumf %add3A_4912, %add3A_4916 : vector<1x512xf32>
    %min3A_4918 = arith.minimumf %add3A_4912, %add3A_4916 : vector<1x512xf32>
    %sub3A_4919 = arith.subf %min3A_4918, %max3A_4917 : vector<1x512xf32>
    %exp3A_4920 = math.exp %sub3A_4919 : vector<1x512xf32>
    %log1p3A_4921 = math.log1p %exp3A_4920 : vector<1x512xf32>
    %add3A_4922 = arith.addf %max3A_4917, %log1p3A_4921 : vector<1x512xf32>
    %swap3A_4923 = arith.constant 95 : index
    %swap3A_4924 = arith.constant 0 : index
    %swap3A_4925 = vector.load %arg6[%swap3A_4923, %swap3A_4924] : memref<100x512xf32, #tpu.memory_space<vmem>>, vector<1x512xf32>
    tpu.vector_store %arg6[%swap3A_4923, %swap3A_4924], %add3A_4922 {strides = array<i32>} : memref<100x512xf32, #tpu.memory_space<vmem>>, vector<1x512xf32>,
    %get3A_4926 = arith.constant 46 : index
    %get3A_4927 = arith.constant 0 : index
    %get3A_4928 = vector.load %arg3[%get3A_4926, %get3A_4927] : memref<50x512xi32, #tpu.memory_space<vmem>>, vector<1x512xi32>
    %slice3A_4929 = vector.extract_strided_slice %get3A_109 {offsets = [0, 0], sizes = [48, 512], strides = [1, 1]} : vector<50x512xi32> to vector<48x512xi32>
    %eq3A_4930 = vector.broadcast %get3A_4928 : vector<1x512xi32> to vector<48x512xi32>
    %eq3A_4931 = arith.cmpi eq, %slice3A_4929, %eq3A_4930 : vector<48x512xi32>
    %slice3A_4932 = vector.extract_strided_slice %iota3A {offsets = [0, 0], sizes = [48, 512], strides = [1, 1]} : vector<50x512xi32> to vector<48x512xi32>
    %lt3A_4933 = arith.constant 46 : i32
    %lt3A_4934 = vector.broadcast %lt3A_4933 : i32 to vector<48x512xi32>
    %lt3A_4935 = arith.cmpi slt, %slice3A_4932, %lt3A_4934 : vector<48x512xi32>
    %and3A_4936 = arith.andi %eq3A_4931, %lt3A_4935 : vector<48x512xi1>
    %slice3A_4937 = vector.extract_strided_slice %iota3A {offsets = [0, 0], sizes = [48, 512], strides = [1, 1]} : vector<50x512xi32> to vector<48x512xi32>
    %jit3A_4938 = arith.constant -1 : i32
    %broadcast_in_dim3A_4939 = vector.broadcast %jit3A_4938 : i32 to vector<48x512xi32>
    %select_n3A_4940 = arith.select %and3A_4936, %slice3A_4937, %broadcast_in_dim3A_4939 : vector<48x512xi1>, vector<48x512xi32>
    %reduce_max3A_4941 = arith.constant dense<-2147483648> : vector<512xi32>
    %reduce_max3A_4942 = vector.multi_reduction <maxsi>, %select_n3A_4940, %reduce_max3A_4941 [0] : vector<48x512xi32> to vector<512xi32>
    %broadcast_in_dim3A_4943 = vector.shape_cast %reduce_max3A_4942 : vector<512xi32> to vector<1x512xi32>
    %slice3A_4944 = vector.extract_strided_slice %iota3A {offsets = [0, 0], sizes = [48, 512], strides = [1, 1]} : vector<50x512xi32> to vector<48x512xi32>
    %eq3A_4945 = vector.broadcast %broadcast_in_dim3A_4943 : vector<1x512xi32> to vector<48x512xi32>
    %eq3A_4946 = arith.cmpi eq, %slice3A_4944, %eq3A_4945 : vector<48x512xi32>
    %get3A_4947 = arith.constant 0 : index
    %get3A_4948 = arith.constant 0 : index
    %get3A_4949 = vector.load %arg6[%get3A_4947, %get3A_4948] : memref<100x512xf32, #tpu.memory_space<vmem>>, vector<48x512xf32>
    %jit3A_4950 = arith.constant 0.000000e+00 : f32
    %broadcast_in_dim3A_4951 = vector.broadcast %jit3A_4950 : f32 to vector<48x512xf32>
    %select_n3A_4952 = arith.select %eq3A_4946, %get3A_4949, %broadcast_in_dim3A_4951 : vector<48x512xi1>, vector<48x512xf32>
    %reduce_sum3A_4953 = arith.constant dense<0.000000e+00> : vector<512xf32>
    %reduce_sum3A_4954 = vector.multi_reduction <add>, %select_n3A_4952, %reduce_sum3A_4953 [0] : vector<48x512xf32> to vector<512xf32>
    %broadcast_in_dim3A_4955 = vector.shape_cast %reduce_sum3A_4954 : vector<512xf32> to vector<1x512xf32>
    %get3A_4956 = arith.constant 50 : index
    %get3A_4957 = arith.constant 0 : index
    %get3A_4958 = vector.load %arg6[%get3A_4956, %get3A_4957] : memref<100x512xf32, #tpu.memory_space<vmem>>, vector<48x512xf32>
    %jit3A_4959 = arith.constant 0.000000e+00 : f32
    %broadcast_in_dim3A_4960 = vector.broadcast %jit3A_4959 : f32 to vector<48x512xf32>
    %select_n3A_4961 = arith.select %eq3A_4946, %get3A_4958, %broadcast_in_dim3A_4960 : vector<48x512xi1>, vector<48x512xf32>
    %reduce_sum3A_4962 = arith.constant dense<0.000000e+00> : vector<512xf32>
    %reduce_sum3A_4963 = vector.multi_reduction <add>, %select_n3A_4961, %reduce_sum3A_4962 [0] : vector<48x512xf32> to vector<512xf32>
    %broadcast_in_dim3A_4964 = vector.shape_cast %reduce_sum3A_4963 : vector<512xf32> to vector<1x512xf32>
    %ge3A_4965 = arith.constant 0 : i32
    %ge3A_4966 = vector.broadcast %ge3A_4965 : i32 to vector<1x512xi32>
    %ge3A_4967 = arith.cmpi sge, %broadcast_in_dim3A_4943, %ge3A_4966 : vector<1x512xi32>
    %get3A_4968 = arith.constant 446 : index
    %get3A_4969 = arith.constant 0 : index
    %get3A_4970 = vector.load %arg7[%get3A_4968, %get3A_4969] : memref<500x512xf32, #tpu.memory_space<vmem>>, vector<1x512xf32>
    %sub3A_4971 = arith.subf %broadcast_in_dim3A_4955, %get3A_4970 : vector<1x512xf32>
    %get3A_4972 = arith.constant 346 : index
    %get3A_4973 = arith.constant 0 : index
    %get3A_4974 = vector.load %arg7[%get3A_4972, %get3A_4973] : memref<500x512xf32, #tpu.memory_space<vmem>>, vector<1x512xf32>
    %select_n3A_4975 = arith.select %ge3A_4967, %sub3A_4971, %get3A_4974 : vector<1x512xi1>, vector<1x512xf32>
    %get3A_4976 = arith.constant 496 : index
    %get3A_4977 = arith.constant 0 : index
    %get3A_4978 = vector.load %arg7[%get3A_4976, %get3A_4977] : memref<500x512xf32, #tpu.memory_space<vmem>>, vector<1x512xf32>
    %sub3A_4979 = arith.subf %broadcast_in_dim3A_4964, %get3A_4978 : vector<1x512xf32>
    %get3A_4980 = arith.constant 396 : index
    %get3A_4981 = arith.constant 0 : index
    %get3A_4982 = vector.load %arg7[%get3A_4980, %get3A_4981] : memref<500x512xf32, #tpu.memory_space<vmem>>, vector<1x512xf32>
    %select_n3A_4983 = arith.select %ge3A_4967, %sub3A_4979, %get3A_4982 : vector<1x512xi1>, vector<1x512xf32>
    %swap3A_4984 = arith.constant 46 : index
    %swap3A_4985 = arith.constant 0 : index
    %swap3A_4986 = vector.load %arg8[%swap3A_4984, %swap3A_4985] : memref<100x512xf32, #tpu.memory_space<vmem>>, vector<1x512xf32>
    tpu.vector_store %arg8[%swap3A_4984, %swap3A_4985], %select_n3A_4975 {strides = array<i32>} : memref<100x512xf32, #tpu.memory_space<vmem>>, vector<1x512xf32>,
    %swap3A_4987 = arith.constant 96 : index
    %swap3A_4988 = arith.constant 0 : index
    %swap3A_4989 = vector.load %arg8[%swap3A_4987, %swap3A_4988] : memref<100x512xf32, #tpu.memory_space<vmem>>, vector<1x512xf32>
    tpu.vector_store %arg8[%swap3A_4987, %swap3A_4988], %select_n3A_4983 {strides = array<i32>} : memref<100x512xf32, #tpu.memory_space<vmem>>, vector<1x512xf32>,
    %get3A_4990 = arith.constant 246 : index
    %get3A_4991 = arith.constant 0 : index
    %get3A_4992 = vector.load %arg7[%get3A_4990, %get3A_4991] : memref<500x512xf32, #tpu.memory_space<vmem>>, vector<1x512xf32>
    %add3A_4993 = arith.addf %get3A_4992, %select_n3A_4975 : vector<1x512xf32>
    %get3A_4994 = arith.constant 296 : index
    %get3A_4995 = arith.constant 0 : index
    %get3A_4996 = vector.load %arg7[%get3A_4994, %get3A_4995] : memref<500x512xf32, #tpu.memory_space<vmem>>, vector<1x512xf32>
    %add3A_4997 = arith.addf %get3A_4996, %select_n3A_4983 : vector<1x512xf32>
    %get3A_4998 = arith.constant 46 : index
    %get3A_4999 = arith.constant 0 : index
    %get3A_5000 = vector.load %arg7[%get3A_4998, %get3A_4999] : memref<500x512xf32, #tpu.memory_space<vmem>>, vector<1x512xf32>
    %add3A_5001 = arith.addf %add3A_4993, %get3A_5000 : vector<1x512xf32>
    %get3A_5002 = arith.constant 96 : index
    %get3A_5003 = arith.constant 0 : index
    %get3A_5004 = vector.load %arg7[%get3A_5002, %get3A_5003] : memref<500x512xf32, #tpu.memory_space<vmem>>, vector<1x512xf32>
    %add3A_5005 = arith.addf %add3A_4997, %get3A_5004 : vector<1x512xf32>
    %max3A_5006 = arith.maximumf %add3A_5001, %add3A_5005 : vector<1x512xf32>
    %min3A_5007 = arith.minimumf %add3A_5001, %add3A_5005 : vector<1x512xf32>
    %sub3A_5008 = arith.subf %min3A_5007, %max3A_5006 : vector<1x512xf32>
    %exp3A_5009 = math.exp %sub3A_5008 : vector<1x512xf32>
    %log1p3A_5010 = math.log1p %exp3A_5009 : vector<1x512xf32>
    %add3A_5011 = arith.addf %max3A_5006, %log1p3A_5010 : vector<1x512xf32>
    %swap3A_5012 = arith.constant 46 : index
    %swap3A_5013 = arith.constant 0 : index
    %swap3A_5014 = vector.load %arg6[%swap3A_5012, %swap3A_5013] : memref<100x512xf32, #tpu.memory_space<vmem>>, vector<1x512xf32>
    tpu.vector_store %arg6[%swap3A_5012, %swap3A_5013], %add3A_5011 {strides = array<i32>} : memref<100x512xf32, #tpu.memory_space<vmem>>, vector<1x512xf32>,
    %get3A_5015 = arith.constant 146 : index
    %get3A_5016 = arith.constant 0 : index
    %get3A_5017 = vector.load %arg7[%get3A_5015, %get3A_5016] : memref<500x512xf32, #tpu.memory_space<vmem>>, vector<1x512xf32>
    %add3A_5018 = arith.addf %add3A_4993, %get3A_5017 : vector<1x512xf32>
    %get3A_5019 = arith.constant 196 : index
    %get3A_5020 = arith.constant 0 : index
    %get3A_5021 = vector.load %arg7[%get3A_5019, %get3A_5020] : memref<500x512xf32, #tpu.memory_space<vmem>>, vector<1x512xf32>
    %add3A_5022 = arith.addf %add3A_4997, %get3A_5021 : vector<1x512xf32>
    %max3A_5023 = arith.maximumf %add3A_5018, %add3A_5022 : vector<1x512xf32>
    %min3A_5024 = arith.minimumf %add3A_5018, %add3A_5022 : vector<1x512xf32>
    %sub3A_5025 = arith.subf %min3A_5024, %max3A_5023 : vector<1x512xf32>
    %exp3A_5026 = math.exp %sub3A_5025 : vector<1x512xf32>
    %log1p3A_5027 = math.log1p %exp3A_5026 : vector<1x512xf32>
    %add3A_5028 = arith.addf %max3A_5023, %log1p3A_5027 : vector<1x512xf32>
    %swap3A_5029 = arith.constant 96 : index
    %swap3A_5030 = arith.constant 0 : index
    %swap3A_5031 = vector.load %arg6[%swap3A_5029, %swap3A_5030] : memref<100x512xf32, #tpu.memory_space<vmem>>, vector<1x512xf32>
    tpu.vector_store %arg6[%swap3A_5029, %swap3A_5030], %add3A_5028 {strides = array<i32>} : memref<100x512xf32, #tpu.memory_space<vmem>>, vector<1x512xf32>,
    %get3A_5032 = arith.constant 47 : index
    %get3A_5033 = arith.constant 0 : index
    %get3A_5034 = vector.load %arg3[%get3A_5032, %get3A_5033] : memref<50x512xi32, #tpu.memory_space<vmem>>, vector<1x512xi32>
    %slice3A_5035 = vector.extract_strided_slice %get3A_109 {offsets = [0, 0], sizes = [48, 512], strides = [1, 1]} : vector<50x512xi32> to vector<48x512xi32>
    %eq3A_5036 = vector.broadcast %get3A_5034 : vector<1x512xi32> to vector<48x512xi32>
    %eq3A_5037 = arith.cmpi eq, %slice3A_5035, %eq3A_5036 : vector<48x512xi32>
    %slice3A_5038 = vector.extract_strided_slice %iota3A {offsets = [0, 0], sizes = [48, 512], strides = [1, 1]} : vector<50x512xi32> to vector<48x512xi32>
    %lt3A_5039 = arith.constant 47 : i32
    %lt3A_5040 = vector.broadcast %lt3A_5039 : i32 to vector<48x512xi32>
    %lt3A_5041 = arith.cmpi slt, %slice3A_5038, %lt3A_5040 : vector<48x512xi32>
    %and3A_5042 = arith.andi %eq3A_5037, %lt3A_5041 : vector<48x512xi1>
    %slice3A_5043 = vector.extract_strided_slice %iota3A {offsets = [0, 0], sizes = [48, 512], strides = [1, 1]} : vector<50x512xi32> to vector<48x512xi32>
    %jit3A_5044 = arith.constant -1 : i32
    %broadcast_in_dim3A_5045 = vector.broadcast %jit3A_5044 : i32 to vector<48x512xi32>
    %select_n3A_5046 = arith.select %and3A_5042, %slice3A_5043, %broadcast_in_dim3A_5045 : vector<48x512xi1>, vector<48x512xi32>
    %reduce_max3A_5047 = arith.constant dense<-2147483648> : vector<512xi32>
    %reduce_max3A_5048 = vector.multi_reduction <maxsi>, %select_n3A_5046, %reduce_max3A_5047 [0] : vector<48x512xi32> to vector<512xi32>
    %broadcast_in_dim3A_5049 = vector.shape_cast %reduce_max3A_5048 : vector<512xi32> to vector<1x512xi32>
    %slice3A_5050 = vector.extract_strided_slice %iota3A {offsets = [0, 0], sizes = [48, 512], strides = [1, 1]} : vector<50x512xi32> to vector<48x512xi32>
    %eq3A_5051 = vector.broadcast %broadcast_in_dim3A_5049 : vector<1x512xi32> to vector<48x512xi32>
    %eq3A_5052 = arith.cmpi eq, %slice3A_5050, %eq3A_5051 : vector<48x512xi32>
    %get3A_5053 = arith.constant 0 : index
    %get3A_5054 = arith.constant 0 : index
    %get3A_5055 = vector.load %arg6[%get3A_5053, %get3A_5054] : memref<100x512xf32, #tpu.memory_space<vmem>>, vector<48x512xf32>
    %jit3A_5056 = arith.constant 0.000000e+00 : f32
    %broadcast_in_dim3A_5057 = vector.broadcast %jit3A_5056 : f32 to vector<48x512xf32>
    %select_n3A_5058 = arith.select %eq3A_5052, %get3A_5055, %broadcast_in_dim3A_5057 : vector<48x512xi1>, vector<48x512xf32>
    %reduce_sum3A_5059 = arith.constant dense<0.000000e+00> : vector<512xf32>
    %reduce_sum3A_5060 = vector.multi_reduction <add>, %select_n3A_5058, %reduce_sum3A_5059 [0] : vector<48x512xf32> to vector<512xf32>
    %broadcast_in_dim3A_5061 = vector.shape_cast %reduce_sum3A_5060 : vector<512xf32> to vector<1x512xf32>
    %get3A_5062 = arith.constant 50 : index
    %get3A_5063 = arith.constant 0 : index
    %get3A_5064 = vector.load %arg6[%get3A_5062, %get3A_5063] : memref<100x512xf32, #tpu.memory_space<vmem>>, vector<48x512xf32>
    %jit3A_5065 = arith.constant 0.000000e+00 : f32
    %broadcast_in_dim3A_5066 = vector.broadcast %jit3A_5065 : f32 to vector<48x512xf32>
    %select_n3A_5067 = arith.select %eq3A_5052, %get3A_5064, %broadcast_in_dim3A_5066 : vector<48x512xi1>, vector<48x512xf32>
    %reduce_sum3A_5068 = arith.constant dense<0.000000e+00> : vector<512xf32>
    %reduce_sum3A_5069 = vector.multi_reduction <add>, %select_n3A_5067, %reduce_sum3A_5068 [0] : vector<48x512xf32> to vector<512xf32>
    %broadcast_in_dim3A_5070 = vector.shape_cast %reduce_sum3A_5069 : vector<512xf32> to vector<1x512xf32>
    %ge3A_5071 = arith.constant 0 : i32
    %ge3A_5072 = vector.broadcast %ge3A_5071 : i32 to vector<1x512xi32>
    %ge3A_5073 = arith.cmpi sge, %broadcast_in_dim3A_5049, %ge3A_5072 : vector<1x512xi32>
    %get3A_5074 = arith.constant 447 : index
    %get3A_5075 = arith.constant 0 : index
    %get3A_5076 = vector.load %arg7[%get3A_5074, %get3A_5075] : memref<500x512xf32, #tpu.memory_space<vmem>>, vector<1x512xf32>
    %sub3A_5077 = arith.subf %broadcast_in_dim3A_5061, %get3A_5076 : vector<1x512xf32>
    %get3A_5078 = arith.constant 347 : index
    %get3A_5079 = arith.constant 0 : index
    %get3A_5080 = vector.load %arg7[%get3A_5078, %get3A_5079] : memref<500x512xf32, #tpu.memory_space<vmem>>, vector<1x512xf32>
    %select_n3A_5081 = arith.select %ge3A_5073, %sub3A_5077, %get3A_5080 : vector<1x512xi1>, vector<1x512xf32>
    %get3A_5082 = arith.constant 497 : index
    %get3A_5083 = arith.constant 0 : index
    %get3A_5084 = vector.load %arg7[%get3A_5082, %get3A_5083] : memref<500x512xf32, #tpu.memory_space<vmem>>, vector<1x512xf32>
    %sub3A_5085 = arith.subf %broadcast_in_dim3A_5070, %get3A_5084 : vector<1x512xf32>
    %get3A_5086 = arith.constant 397 : index
    %get3A_5087 = arith.constant 0 : index
    %get3A_5088 = vector.load %arg7[%get3A_5086, %get3A_5087] : memref<500x512xf32, #tpu.memory_space<vmem>>, vector<1x512xf32>
    %select_n3A_5089 = arith.select %ge3A_5073, %sub3A_5085, %get3A_5088 : vector<1x512xi1>, vector<1x512xf32>
    %swap3A_5090 = arith.constant 47 : index
    %swap3A_5091 = arith.constant 0 : index
    %swap3A_5092 = vector.load %arg8[%swap3A_5090, %swap3A_5091] : memref<100x512xf32, #tpu.memory_space<vmem>>, vector<1x512xf32>
    tpu.vector_store %arg8[%swap3A_5090, %swap3A_5091], %select_n3A_5081 {strides = array<i32>} : memref<100x512xf32, #tpu.memory_space<vmem>>, vector<1x512xf32>,
    %swap3A_5093 = arith.constant 97 : index
    %swap3A_5094 = arith.constant 0 : index
    %swap3A_5095 = vector.load %arg8[%swap3A_5093, %swap3A_5094] : memref<100x512xf32, #tpu.memory_space<vmem>>, vector<1x512xf32>
    tpu.vector_store %arg8[%swap3A_5093, %swap3A_5094], %select_n3A_5089 {strides = array<i32>} : memref<100x512xf32, #tpu.memory_space<vmem>>, vector<1x512xf32>,
    %get3A_5096 = arith.constant 247 : index
    %get3A_5097 = arith.constant 0 : index
    %get3A_5098 = vector.load %arg7[%get3A_5096, %get3A_5097] : memref<500x512xf32, #tpu.memory_space<vmem>>, vector<1x512xf32>
    %add3A_5099 = arith.addf %get3A_5098, %select_n3A_5081 : vector<1x512xf32>
    %get3A_5100 = arith.constant 297 : index
    %get3A_5101 = arith.constant 0 : index
    %get3A_5102 = vector.load %arg7[%get3A_5100, %get3A_5101] : memref<500x512xf32, #tpu.memory_space<vmem>>, vector<1x512xf32>
    %add3A_5103 = arith.addf %get3A_5102, %select_n3A_5089 : vector<1x512xf32>
    %get3A_5104 = arith.constant 47 : index
    %get3A_5105 = arith.constant 0 : index
    %get3A_5106 = vector.load %arg7[%get3A_5104, %get3A_5105] : memref<500x512xf32, #tpu.memory_space<vmem>>, vector<1x512xf32>
    %add3A_5107 = arith.addf %add3A_5099, %get3A_5106 : vector<1x512xf32>
    %get3A_5108 = arith.constant 97 : index
    %get3A_5109 = arith.constant 0 : index
    %get3A_5110 = vector.load %arg7[%get3A_5108, %get3A_5109] : memref<500x512xf32, #tpu.memory_space<vmem>>, vector<1x512xf32>
    %add3A_5111 = arith.addf %add3A_5103, %get3A_5110 : vector<1x512xf32>
    %max3A_5112 = arith.maximumf %add3A_5107, %add3A_5111 : vector<1x512xf32>
    %min3A_5113 = arith.minimumf %add3A_5107, %add3A_5111 : vector<1x512xf32>
    %sub3A_5114 = arith.subf %min3A_5113, %max3A_5112 : vector<1x512xf32>
    %exp3A_5115 = math.exp %sub3A_5114 : vector<1x512xf32>
    %log1p3A_5116 = math.log1p %exp3A_5115 : vector<1x512xf32>
    %add3A_5117 = arith.addf %max3A_5112, %log1p3A_5116 : vector<1x512xf32>
    %swap3A_5118 = arith.constant 47 : index
    %swap3A_5119 = arith.constant 0 : index
    %swap3A_5120 = vector.load %arg6[%swap3A_5118, %swap3A_5119] : memref<100x512xf32, #tpu.memory_space<vmem>>, vector<1x512xf32>
    tpu.vector_store %arg6[%swap3A_5118, %swap3A_5119], %add3A_5117 {strides = array<i32>} : memref<100x512xf32, #tpu.memory_space<vmem>>, vector<1x512xf32>,
    %get3A_5121 = arith.constant 147 : index
    %get3A_5122 = arith.constant 0 : index
    %get3A_5123 = vector.load %arg7[%get3A_5121, %get3A_5122] : memref<500x512xf32, #tpu.memory_space<vmem>>, vector<1x512xf32>
    %add3A_5124 = arith.addf %add3A_5099, %get3A_5123 : vector<1x512xf32>
    %get3A_5125 = arith.constant 197 : index
    %get3A_5126 = arith.constant 0 : index
    %get3A_5127 = vector.load %arg7[%get3A_5125, %get3A_5126] : memref<500x512xf32, #tpu.memory_space<vmem>>, vector<1x512xf32>
    %add3A_5128 = arith.addf %add3A_5103, %get3A_5127 : vector<1x512xf32>
    %max3A_5129 = arith.maximumf %add3A_5124, %add3A_5128 : vector<1x512xf32>
    %min3A_5130 = arith.minimumf %add3A_5124, %add3A_5128 : vector<1x512xf32>
    %sub3A_5131 = arith.subf %min3A_5130, %max3A_5129 : vector<1x512xf32>
    %exp3A_5132 = math.exp %sub3A_5131 : vector<1x512xf32>
    %log1p3A_5133 = math.log1p %exp3A_5132 : vector<1x512xf32>
    %add3A_5134 = arith.addf %max3A_5129, %log1p3A_5133 : vector<1x512xf32>
    %swap3A_5135 = arith.constant 97 : index
    %swap3A_5136 = arith.constant 0 : index
    %swap3A_5137 = vector.load %arg6[%swap3A_5135, %swap3A_5136] : memref<100x512xf32, #tpu.memory_space<vmem>>, vector<1x512xf32>
    tpu.vector_store %arg6[%swap3A_5135, %swap3A_5136], %add3A_5134 {strides = array<i32>} : memref<100x512xf32, #tpu.memory_space<vmem>>, vector<1x512xf32>,
    %get3A_5138 = arith.constant 48 : index
    %get3A_5139 = arith.constant 0 : index
    %get3A_5140 = vector.load %arg3[%get3A_5138, %get3A_5139] : memref<50x512xi32, #tpu.memory_space<vmem>>, vector<1x512xi32>
    %slice3A_5141 = vector.extract_strided_slice %get3A_109 {offsets = [0, 0], sizes = [48, 512], strides = [1, 1]} : vector<50x512xi32> to vector<48x512xi32>
    %eq3A_5142 = vector.broadcast %get3A_5140 : vector<1x512xi32> to vector<48x512xi32>
    %eq3A_5143 = arith.cmpi eq, %slice3A_5141, %eq3A_5142 : vector<48x512xi32>
    %slice3A_5144 = vector.extract_strided_slice %iota3A {offsets = [0, 0], sizes = [48, 512], strides = [1, 1]} : vector<50x512xi32> to vector<48x512xi32>
    %lt3A_5145 = arith.constant 48 : i32
    %lt3A_5146 = vector.broadcast %lt3A_5145 : i32 to vector<48x512xi32>
    %lt3A_5147 = arith.cmpi slt, %slice3A_5144, %lt3A_5146 : vector<48x512xi32>
    %and3A_5148 = arith.andi %eq3A_5143, %lt3A_5147 : vector<48x512xi1>
    %slice3A_5149 = vector.extract_strided_slice %iota3A {offsets = [0, 0], sizes = [48, 512], strides = [1, 1]} : vector<50x512xi32> to vector<48x512xi32>
    %jit3A_5150 = arith.constant -1 : i32
    %broadcast_in_dim3A_5151 = vector.broadcast %jit3A_5150 : i32 to vector<48x512xi32>
    %select_n3A_5152 = arith.select %and3A_5148, %slice3A_5149, %broadcast_in_dim3A_5151 : vector<48x512xi1>, vector<48x512xi32>
    %reduce_max3A_5153 = arith.constant dense<-2147483648> : vector<512xi32>
    %reduce_max3A_5154 = vector.multi_reduction <maxsi>, %select_n3A_5152, %reduce_max3A_5153 [0] : vector<48x512xi32> to vector<512xi32>
    %broadcast_in_dim3A_5155 = vector.shape_cast %reduce_max3A_5154 : vector<512xi32> to vector<1x512xi32>
    %slice3A_5156 = vector.extract_strided_slice %iota3A {offsets = [0, 0], sizes = [48, 512], strides = [1, 1]} : vector<50x512xi32> to vector<48x512xi32>
    %eq3A_5157 = vector.broadcast %broadcast_in_dim3A_5155 : vector<1x512xi32> to vector<48x512xi32>
    %eq3A_5158 = arith.cmpi eq, %slice3A_5156, %eq3A_5157 : vector<48x512xi32>
    %get3A_5159 = arith.constant 0 : index
    %get3A_5160 = arith.constant 0 : index
    %get3A_5161 = vector.load %arg6[%get3A_5159, %get3A_5160] : memref<100x512xf32, #tpu.memory_space<vmem>>, vector<48x512xf32>
    %jit3A_5162 = arith.constant 0.000000e+00 : f32
    %broadcast_in_dim3A_5163 = vector.broadcast %jit3A_5162 : f32 to vector<48x512xf32>
    %select_n3A_5164 = arith.select %eq3A_5158, %get3A_5161, %broadcast_in_dim3A_5163 : vector<48x512xi1>, vector<48x512xf32>
    %reduce_sum3A_5165 = arith.constant dense<0.000000e+00> : vector<512xf32>
    %reduce_sum3A_5166 = vector.multi_reduction <add>, %select_n3A_5164, %reduce_sum3A_5165 [0] : vector<48x512xf32> to vector<512xf32>
    %broadcast_in_dim3A_5167 = vector.shape_cast %reduce_sum3A_5166 : vector<512xf32> to vector<1x512xf32>
    %get3A_5168 = arith.constant 50 : index
    %get3A_5169 = arith.constant 0 : index
    %get3A_5170 = vector.load %arg6[%get3A_5168, %get3A_5169] : memref<100x512xf32, #tpu.memory_space<vmem>>, vector<48x512xf32>
    %jit3A_5171 = arith.constant 0.000000e+00 : f32
    %broadcast_in_dim3A_5172 = vector.broadcast %jit3A_5171 : f32 to vector<48x512xf32>
    %select_n3A_5173 = arith.select %eq3A_5158, %get3A_5170, %broadcast_in_dim3A_5172 : vector<48x512xi1>, vector<48x512xf32>
    %reduce_sum3A_5174 = arith.constant dense<0.000000e+00> : vector<512xf32>
    %reduce_sum3A_5175 = vector.multi_reduction <add>, %select_n3A_5173, %reduce_sum3A_5174 [0] : vector<48x512xf32> to vector<512xf32>
    %broadcast_in_dim3A_5176 = vector.shape_cast %reduce_sum3A_5175 : vector<512xf32> to vector<1x512xf32>
    %ge3A_5177 = arith.constant 0 : i32
    %ge3A_5178 = vector.broadcast %ge3A_5177 : i32 to vector<1x512xi32>
    %ge3A_5179 = arith.cmpi sge, %broadcast_in_dim3A_5155, %ge3A_5178 : vector<1x512xi32>
    %get3A_5180 = arith.constant 448 : index
    %get3A_5181 = arith.constant 0 : index
    %get3A_5182 = vector.load %arg7[%get3A_5180, %get3A_5181] : memref<500x512xf32, #tpu.memory_space<vmem>>, vector<1x512xf32>
    %sub3A_5183 = arith.subf %broadcast_in_dim3A_5167, %get3A_5182 : vector<1x512xf32>
    %get3A_5184 = arith.constant 348 : index
    %get3A_5185 = arith.constant 0 : index
    %get3A_5186 = vector.load %arg7[%get3A_5184, %get3A_5185] : memref<500x512xf32, #tpu.memory_space<vmem>>, vector<1x512xf32>
    %select_n3A_5187 = arith.select %ge3A_5179, %sub3A_5183, %get3A_5186 : vector<1x512xi1>, vector<1x512xf32>
    %get3A_5188 = arith.constant 498 : index
    %get3A_5189 = arith.constant 0 : index
    %get3A_5190 = vector.load %arg7[%get3A_5188, %get3A_5189] : memref<500x512xf32, #tpu.memory_space<vmem>>, vector<1x512xf32>
    %sub3A_5191 = arith.subf %broadcast_in_dim3A_5176, %get3A_5190 : vector<1x512xf32>
    %get3A_5192 = arith.constant 398 : index
    %get3A_5193 = arith.constant 0 : index
    %get3A_5194 = vector.load %arg7[%get3A_5192, %get3A_5193] : memref<500x512xf32, #tpu.memory_space<vmem>>, vector<1x512xf32>
    %select_n3A_5195 = arith.select %ge3A_5179, %sub3A_5191, %get3A_5194 : vector<1x512xi1>, vector<1x512xf32>
    %swap3A_5196 = arith.constant 48 : index
    %swap3A_5197 = arith.constant 0 : index
    %swap3A_5198 = vector.load %arg8[%swap3A_5196, %swap3A_5197] : memref<100x512xf32, #tpu.memory_space<vmem>>, vector<1x512xf32>
    tpu.vector_store %arg8[%swap3A_5196, %swap3A_5197], %select_n3A_5187 {strides = array<i32>} : memref<100x512xf32, #tpu.memory_space<vmem>>, vector<1x512xf32>,
    %swap3A_5199 = arith.constant 98 : index
    %swap3A_5200 = arith.constant 0 : index
    %swap3A_5201 = vector.load %arg8[%swap3A_5199, %swap3A_5200] : memref<100x512xf32, #tpu.memory_space<vmem>>, vector<1x512xf32>
    tpu.vector_store %arg8[%swap3A_5199, %swap3A_5200], %select_n3A_5195 {strides = array<i32>} : memref<100x512xf32, #tpu.memory_space<vmem>>, vector<1x512xf32>,
    %get3A_5202 = arith.constant 248 : index
    %get3A_5203 = arith.constant 0 : index
    %get3A_5204 = vector.load %arg7[%get3A_5202, %get3A_5203] : memref<500x512xf32, #tpu.memory_space<vmem>>, vector<1x512xf32>
    %add3A_5205 = arith.addf %get3A_5204, %select_n3A_5187 : vector<1x512xf32>
    %get3A_5206 = arith.constant 298 : index
    %get3A_5207 = arith.constant 0 : index
    %get3A_5208 = vector.load %arg7[%get3A_5206, %get3A_5207] : memref<500x512xf32, #tpu.memory_space<vmem>>, vector<1x512xf32>
    %add3A_5209 = arith.addf %get3A_5208, %select_n3A_5195 : vector<1x512xf32>
    %get3A_5210 = arith.constant 48 : index
    %get3A_5211 = arith.constant 0 : index
    %get3A_5212 = vector.load %arg7[%get3A_5210, %get3A_5211] : memref<500x512xf32, #tpu.memory_space<vmem>>, vector<1x512xf32>
    %add3A_5213 = arith.addf %add3A_5205, %get3A_5212 : vector<1x512xf32>
    %get3A_5214 = arith.constant 98 : index
    %get3A_5215 = arith.constant 0 : index
    %get3A_5216 = vector.load %arg7[%get3A_5214, %get3A_5215] : memref<500x512xf32, #tpu.memory_space<vmem>>, vector<1x512xf32>
    %add3A_5217 = arith.addf %add3A_5209, %get3A_5216 : vector<1x512xf32>
    %max3A_5218 = arith.maximumf %add3A_5213, %add3A_5217 : vector<1x512xf32>
    %min3A_5219 = arith.minimumf %add3A_5213, %add3A_5217 : vector<1x512xf32>
    %sub3A_5220 = arith.subf %min3A_5219, %max3A_5218 : vector<1x512xf32>
    %exp3A_5221 = math.exp %sub3A_5220 : vector<1x512xf32>
    %log1p3A_5222 = math.log1p %exp3A_5221 : vector<1x512xf32>
    %add3A_5223 = arith.addf %max3A_5218, %log1p3A_5222 : vector<1x512xf32>
    %swap3A_5224 = arith.constant 48 : index
    %swap3A_5225 = arith.constant 0 : index
    %swap3A_5226 = vector.load %arg6[%swap3A_5224, %swap3A_5225] : memref<100x512xf32, #tpu.memory_space<vmem>>, vector<1x512xf32>
    tpu.vector_store %arg6[%swap3A_5224, %swap3A_5225], %add3A_5223 {strides = array<i32>} : memref<100x512xf32, #tpu.memory_space<vmem>>, vector<1x512xf32>,
    %get3A_5227 = arith.constant 148 : index
    %get3A_5228 = arith.constant 0 : index
    %get3A_5229 = vector.load %arg7[%get3A_5227, %get3A_5228] : memref<500x512xf32, #tpu.memory_space<vmem>>, vector<1x512xf32>
    %add3A_5230 = arith.addf %add3A_5205, %get3A_5229 : vector<1x512xf32>
    %get3A_5231 = arith.constant 198 : index
    %get3A_5232 = arith.constant 0 : index
    %get3A_5233 = vector.load %arg7[%get3A_5231, %get3A_5232] : memref<500x512xf32, #tpu.memory_space<vmem>>, vector<1x512xf32>
    %add3A_5234 = arith.addf %add3A_5209, %get3A_5233 : vector<1x512xf32>
    %max3A_5235 = arith.maximumf %add3A_5230, %add3A_5234 : vector<1x512xf32>
    %min3A_5236 = arith.minimumf %add3A_5230, %add3A_5234 : vector<1x512xf32>
    %sub3A_5237 = arith.subf %min3A_5236, %max3A_5235 : vector<1x512xf32>
    %exp3A_5238 = math.exp %sub3A_5237 : vector<1x512xf32>
    %log1p3A_5239 = math.log1p %exp3A_5238 : vector<1x512xf32>
    %add3A_5240 = arith.addf %max3A_5235, %log1p3A_5239 : vector<1x512xf32>
    %swap3A_5241 = arith.constant 98 : index
    %swap3A_5242 = arith.constant 0 : index
    %swap3A_5243 = vector.load %arg6[%swap3A_5241, %swap3A_5242] : memref<100x512xf32, #tpu.memory_space<vmem>>, vector<1x512xf32>
    tpu.vector_store %arg6[%swap3A_5241, %swap3A_5242], %add3A_5240 {strides = array<i32>} : memref<100x512xf32, #tpu.memory_space<vmem>>, vector<1x512xf32>,
    %get3A_5244 = arith.constant 49 : index
    %get3A_5245 = arith.constant 0 : index
    %get3A_5246 = vector.load %arg3[%get3A_5244, %get3A_5245] : memref<50x512xi32, #tpu.memory_space<vmem>>, vector<1x512xi32>
    %eq3A_5247 = vector.broadcast %get3A_5246 : vector<1x512xi32> to vector<50x512xi32>
    %eq3A_5248 = arith.cmpi eq, %get3A_109, %eq3A_5247 : vector<50x512xi32>
    %lt3A_5249 = arith.constant 49 : i32
    %lt3A_5250 = vector.broadcast %lt3A_5249 : i32 to vector<50x512xi32>
    %lt3A_5251 = arith.cmpi slt, %iota3A, %lt3A_5250 : vector<50x512xi32>
    %and3A_5252 = arith.andi %eq3A_5248, %lt3A_5251 : vector<50x512xi1>
    %jit3A_5253 = arith.constant -1 : i32
    %broadcast_in_dim3A_5254 = vector.broadcast %jit3A_5253 : i32 to vector<50x512xi32>
    %select_n3A_5255 = arith.select %and3A_5252, %iota3A, %broadcast_in_dim3A_5254 : vector<50x512xi1>, vector<50x512xi32>
    %reduce_max3A_5256 = arith.constant dense<-2147483648> : vector<512xi32>
    %reduce_max3A_5257 = vector.multi_reduction <maxsi>, %select_n3A_5255, %reduce_max3A_5256 [0] : vector<50x512xi32> to vector<512xi32>
    %broadcast_in_dim3A_5258 = vector.shape_cast %reduce_max3A_5257 : vector<512xi32> to vector<1x512xi32>
    %eq3A_5259 = vector.broadcast %broadcast_in_dim3A_5258 : vector<1x512xi32> to vector<50x512xi32>
    %eq3A_5260 = arith.cmpi eq, %iota3A, %eq3A_5259 : vector<50x512xi32>
    %get3A_5261 = arith.constant 0 : index
    %get3A_5262 = arith.constant 0 : index
    %get3A_5263 = vector.load %arg6[%get3A_5261, %get3A_5262] : memref<100x512xf32, #tpu.memory_space<vmem>>, vector<50x512xf32>
    %jit3A_5264 = arith.constant 0.000000e+00 : f32
    %broadcast_in_dim3A_5265 = vector.broadcast %jit3A_5264 : f32 to vector<50x512xf32>
    %select_n3A_5266 = arith.select %eq3A_5260, %get3A_5263, %broadcast_in_dim3A_5265 : vector<50x512xi1>, vector<50x512xf32>
    %reduce_sum3A_5267 = arith.constant dense<0.000000e+00> : vector<512xf32>
    %reduce_sum3A_5268 = vector.multi_reduction <add>, %select_n3A_5266, %reduce_sum3A_5267 [0] : vector<50x512xf32> to vector<512xf32>
    %broadcast_in_dim3A_5269 = vector.shape_cast %reduce_sum3A_5268 : vector<512xf32> to vector<1x512xf32>
    %get3A_5270 = arith.constant 50 : index
    %get3A_5271 = arith.constant 0 : index
    %get3A_5272 = vector.load %arg6[%get3A_5270, %get3A_5271] : memref<100x512xf32, #tpu.memory_space<vmem>>, vector<50x512xf32>
    %jit3A_5273 = arith.constant 0.000000e+00 : f32
    %broadcast_in_dim3A_5274 = vector.broadcast %jit3A_5273 : f32 to vector<50x512xf32>
    %select_n3A_5275 = arith.select %eq3A_5260, %get3A_5272, %broadcast_in_dim3A_5274 : vector<50x512xi1>, vector<50x512xf32>
    %reduce_sum3A_5276 = arith.constant dense<0.000000e+00> : vector<512xf32>
    %reduce_sum3A_5277 = vector.multi_reduction <add>, %select_n3A_5275, %reduce_sum3A_5276 [0] : vector<50x512xf32> to vector<512xf32>
    %broadcast_in_dim3A_5278 = vector.shape_cast %reduce_sum3A_5277 : vector<512xf32> to vector<1x512xf32>
    %ge3A_5279 = arith.constant 0 : i32
    %ge3A_5280 = vector.broadcast %ge3A_5279 : i32 to vector<1x512xi32>
    %ge3A_5281 = arith.cmpi sge, %broadcast_in_dim3A_5258, %ge3A_5280 : vector<1x512xi32>
    %get3A_5282 = arith.constant 449 : index
    %get3A_5283 = arith.constant 0 : index
    %get3A_5284 = vector.load %arg7[%get3A_5282, %get3A_5283] : memref<500x512xf32, #tpu.memory_space<vmem>>, vector<1x512xf32>
    %sub3A_5285 = arith.subf %broadcast_in_dim3A_5269, %get3A_5284 : vector<1x512xf32>
    %get3A_5286 = arith.constant 349 : index
    %get3A_5287 = arith.constant 0 : index
    %get3A_5288 = vector.load %arg7[%get3A_5286, %get3A_5287] : memref<500x512xf32, #tpu.memory_space<vmem>>, vector<1x512xf32>
    %select_n3A_5289 = arith.select %ge3A_5281, %sub3A_5285, %get3A_5288 : vector<1x512xi1>, vector<1x512xf32>
    %get3A_5290 = arith.constant 499 : index
    %get3A_5291 = arith.constant 0 : index
    %get3A_5292 = vector.load %arg7[%get3A_5290, %get3A_5291] : memref<500x512xf32, #tpu.memory_space<vmem>>, vector<1x512xf32>
    %sub3A_5293 = arith.subf %broadcast_in_dim3A_5278, %get3A_5292 : vector<1x512xf32>
    %get3A_5294 = arith.constant 399 : index
    %get3A_5295 = arith.constant 0 : index
    %get3A_5296 = vector.load %arg7[%get3A_5294, %get3A_5295] : memref<500x512xf32, #tpu.memory_space<vmem>>, vector<1x512xf32>
    %select_n3A_5297 = arith.select %ge3A_5281, %sub3A_5293, %get3A_5296 : vector<1x512xi1>, vector<1x512xf32>
    %swap3A_5298 = arith.constant 49 : index
    %swap3A_5299 = arith.constant 0 : index
    %swap3A_5300 = vector.load %arg8[%swap3A_5298, %swap3A_5299] : memref<100x512xf32, #tpu.memory_space<vmem>>, vector<1x512xf32>
    tpu.vector_store %arg8[%swap3A_5298, %swap3A_5299], %select_n3A_5289 {strides = array<i32>} : memref<100x512xf32, #tpu.memory_space<vmem>>, vector<1x512xf32>,
    %swap3A_5301 = arith.constant 99 : index
    %swap3A_5302 = arith.constant 0 : index
    %swap3A_5303 = vector.load %arg8[%swap3A_5301, %swap3A_5302] : memref<100x512xf32, #tpu.memory_space<vmem>>, vector<1x512xf32>
    tpu.vector_store %arg8[%swap3A_5301, %swap3A_5302], %select_n3A_5297 {strides = array<i32>} : memref<100x512xf32, #tpu.memory_space<vmem>>, vector<1x512xf32>,
    %get3A_5304 = arith.constant 249 : index
    %get3A_5305 = arith.constant 0 : index
    %get3A_5306 = vector.load %arg7[%get3A_5304, %get3A_5305] : memref<500x512xf32, #tpu.memory_space<vmem>>, vector<1x512xf32>
    %add3A_5307 = arith.addf %get3A_5306, %select_n3A_5289 : vector<1x512xf32>
    %get3A_5308 = arith.constant 299 : index
    %get3A_5309 = arith.constant 0 : index
    %get3A_5310 = vector.load %arg7[%get3A_5308, %get3A_5309] : memref<500x512xf32, #tpu.memory_space<vmem>>, vector<1x512xf32>
    %add3A_5311 = arith.addf %get3A_5310, %select_n3A_5297 : vector<1x512xf32>
    %get3A_5312 = arith.constant 49 : index
    %get3A_5313 = arith.constant 0 : index
    %get3A_5314 = vector.load %arg7[%get3A_5312, %get3A_5313] : memref<500x512xf32, #tpu.memory_space<vmem>>, vector<1x512xf32>
    %add3A_5315 = arith.addf %add3A_5307, %get3A_5314 : vector<1x512xf32>
    %get3A_5316 = arith.constant 99 : index
    %get3A_5317 = arith.constant 0 : index
    %get3A_5318 = vector.load %arg7[%get3A_5316, %get3A_5317] : memref<500x512xf32, #tpu.memory_space<vmem>>, vector<1x512xf32>
    %add3A_5319 = arith.addf %add3A_5311, %get3A_5318 : vector<1x512xf32>
    %max3A_5320 = arith.maximumf %add3A_5315, %add3A_5319 : vector<1x512xf32>
    %min3A_5321 = arith.minimumf %add3A_5315, %add3A_5319 : vector<1x512xf32>
    %sub3A_5322 = arith.subf %min3A_5321, %max3A_5320 : vector<1x512xf32>
    %exp3A_5323 = math.exp %sub3A_5322 : vector<1x512xf32>
    %log1p3A_5324 = math.log1p %exp3A_5323 : vector<1x512xf32>
    %add3A_5325 = arith.addf %max3A_5320, %log1p3A_5324 : vector<1x512xf32>
    %swap3A_5326 = arith.constant 49 : index
    %swap3A_5327 = arith.constant 0 : index
    %swap3A_5328 = vector.load %arg6[%swap3A_5326, %swap3A_5327] : memref<100x512xf32, #tpu.memory_space<vmem>>, vector<1x512xf32>
    tpu.vector_store %arg6[%swap3A_5326, %swap3A_5327], %add3A_5325 {strides = array<i32>} : memref<100x512xf32, #tpu.memory_space<vmem>>, vector<1x512xf32>,
    %get3A_5329 = arith.constant 149 : index
    %get3A_5330 = arith.constant 0 : index
    %get3A_5331 = vector.load %arg7[%get3A_5329, %get3A_5330] : memref<500x512xf32, #tpu.memory_space<vmem>>, vector<1x512xf32>
    %add3A_5332 = arith.addf %add3A_5307, %get3A_5331 : vector<1x512xf32>
    %get3A_5333 = arith.constant 199 : index
    %get3A_5334 = arith.constant 0 : index
    %get3A_5335 = vector.load %arg7[%get3A_5333, %get3A_5334] : memref<500x512xf32, #tpu.memory_space<vmem>>, vector<1x512xf32>
    %add3A_5336 = arith.addf %add3A_5311, %get3A_5335 : vector<1x512xf32>
    %max3A_5337 = arith.maximumf %add3A_5332, %add3A_5336 : vector<1x512xf32>
    %min3A_5338 = arith.minimumf %add3A_5332, %add3A_5336 : vector<1x512xf32>
    %sub3A_5339 = arith.subf %min3A_5338, %max3A_5337 : vector<1x512xf32>
    %exp3A_5340 = math.exp %sub3A_5339 : vector<1x512xf32>
    %log1p3A_5341 = math.log1p %exp3A_5340 : vector<1x512xf32>
    %add3A_5342 = arith.addf %max3A_5337, %log1p3A_5341 : vector<1x512xf32>
    %swap3A_5343 = arith.constant 99 : index
    %swap3A_5344 = arith.constant 0 : index
    %swap3A_5345 = vector.load %arg6[%swap3A_5343, %swap3A_5344] : memref<100x512xf32, #tpu.memory_space<vmem>>, vector<1x512xf32>
    tpu.vector_store %arg6[%swap3A_5343, %swap3A_5344], %add3A_5342 {strides = array<i32>} : memref<100x512xf32, #tpu.memory_space<vmem>>, vector<1x512xf32>,
    %get3A_5346 = arith.constant 0 : index
    %get3A_5347 = arith.constant 0 : index
    %get3A_5348 = vector.load %arg8[%get3A_5346, %get3A_5347] : memref<100x512xf32, #tpu.memory_space<vmem>>, vector<50x512xf32>
    %get3A_5349 = arith.constant 50 : index
    %get3A_5350 = arith.constant 0 : index
    %get3A_5351 = vector.load %arg8[%get3A_5349, %get3A_5350] : memref<100x512xf32, #tpu.memory_space<vmem>>, vector<50x512xf32>
    %add3A_5352 = arith.addf %add3A, %get3A_5348 : vector<50x512xf32>
    %add3A_5353 = arith.addf %add3A_36, %get3A_5351 : vector<50x512xf32>
    %max3A_5354 = arith.maximumf %add3A_5352, %add3A_5353 : vector<50x512xf32>
    %min3A_5355 = arith.minimumf %add3A_5352, %add3A_5353 : vector<50x512xf32>
    %sub3A_5356 = arith.subf %min3A_5355, %max3A_5354 : vector<50x512xf32>
    %exp3A_5357 = math.exp %sub3A_5356 : vector<50x512xf32>
    %log1p3A_5358 = math.log1p %exp3A_5357 : vector<50x512xf32>
    %add3A_5359 = arith.addf %max3A_5354, %log1p3A_5358 : vector<50x512xf32>
    %add3A_5360 = arith.addf %sub3A, %get3A_5348 : vector<50x512xf32>
    %add3A_5361 = arith.addf %sub3A_37, %get3A_5351 : vector<50x512xf32>
    %max3A_5362 = arith.maximumf %add3A_5360, %add3A_5361 : vector<50x512xf32>
    %min3A_5363 = arith.minimumf %add3A_5360, %add3A_5361 : vector<50x512xf32>
    %sub3A_5364 = arith.subf %min3A_5363, %max3A_5362 : vector<50x512xf32>
    %exp3A_5365 = math.exp %sub3A_5364 : vector<50x512xf32>
    %log1p3A_5366 = math.log1p %exp3A_5365 : vector<50x512xf32>
    %add3A_5367 = arith.addf %max3A_5362, %log1p3A_5366 : vector<50x512xf32>
    %max3A_5368 = arith.maximumf %add3A_5359, %add3A_5367 : vector<50x512xf32>
    %min3A_5369 = arith.minimumf %add3A_5359, %add3A_5367 : vector<50x512xf32>
    %sub3A_5370 = arith.subf %min3A_5369, %max3A_5368 : vector<50x512xf32>
    %exp3A_5371 = math.exp %sub3A_5370 : vector<50x512xf32>
    %log1p3A_5372 = math.log1p %exp3A_5371 : vector<50x512xf32>
    %add3A_5373 = arith.addf %max3A_5368, %log1p3A_5372 : vector<50x512xf32>
    %sub3A_5374 = arith.subf %add3A_5359, %add3A_5373 : vector<50x512xf32>
    %swap3A_5375 = arith.constant 0 : index
    %swap3A_5376 = arith.constant 0 : index
    %swap3A_5377 = vector.load %arg5[%swap3A_5375, %swap3A_5376] : memref<100x512xf32, #tpu.memory_space<vmem>>, vector<50x512xf32>
    tpu.vector_store %arg5[%swap3A_5375, %swap3A_5376], %sub3A_5374 {strides = array<i32>} : memref<100x512xf32, #tpu.memory_space<vmem>>, vector<50x512xf32>,
    %sub3A_5378 = arith.subf %add3A_5367, %add3A_5373 : vector<50x512xf32>
    %swap3A_5379 = arith.constant 50 : index
    %swap3A_5380 = arith.constant 0 : index
    %swap3A_5381 = vector.load %arg5[%swap3A_5379, %swap3A_5380] : memref<100x512xf32, #tpu.memory_space<vmem>>, vector<50x512xf32>
    tpu.vector_store %arg5[%swap3A_5379, %swap3A_5380], %sub3A_5378 {strides = array<i32>} : memref<100x512xf32, #tpu.memory_space<vmem>>, vector<50x512xf32>,
    return
  }
}

</mosaic_0001>

<sc_bundles>
// kernel: kernel.5.cloned.1.call-start
scs
__scs_entry_jumppad:
0x0: {  	(pc) =	sbr.rel $0x88, $3  }
0x1: {  	(tag) =	ssettag $0x0;
	lr =	simm.s32 $0x1  }
0x2: {  	[smem:$0x3F97] =	sst lr;
	_ =	strace $0xD0000000  }
0x3: {  	_ = 	snop  }
0x4: {  	_ = 	snop  }
0x5: {  	_ = 	snop  }
0x6: {  	_ = 	snop  }
0x7: {  	_ = 	snop  }
__scs_overlays_trampoline_lowered:
0x8: {  	[smem:$0x3FA6] =	sst s0  }
0x9: {  	[smem:$0x3FA7] =	sst s1  }
0xa: {  	[smem:$0x3FA8] =	sst s2  }
0xb: {  	[smem:$0x3FA9] =	sst s3  }
0xc: {  	[smem:$0x3FAA] =	sst s4  }
0xd: {  	[smem:$0x3FAB] =	sst s5  }
0xe: {  	[smem:$0x3FAC] =	sst s6  }
0xf: {  	[smem:$0x3FAD] =	sst s7  }
0x10: {  	[smem:$0x3FAE] =	sst s8  }
0x11: {  	[smem:$0x3FAF] =	sst s9;
	s0 =	simm.s32 @!p0 $0x0  }
0x12: {  	s1 =	sld [smem:$0x3F95];
	s0 =	simm.s32 @p0 $0x1  }
0x13: {  	[smem:$0x3FB0] =	sst s0;
	s0 =	simm.s32 @!p1 $0x0  }
0x14: {  	s2 =	sld [smem:$0x3F94];
	s0 =	simm.s32 @p1 $0x1  }
0x15: {  	[smem:$0x3FB1] =	sst s0;
	s0 =	simm.s32 @!p2 $0x0  }
0x16: {  	s3 =	sld [smem:$0x3FDB];
	s0 =	simm.s32 @p2 $0x1  }
0x17: {  	s4 =	simm.s32 $0x1BF5;
	[smem:$0x3FB3] =	sst s0  }
0x18: {  	s0 =	sld [smem:$0x3F96];
	_ =	swait.ge [sflag:s4], $0x0  }
0x19: {  	s7 =	sld [smem:$0x3F97]  }
0x1a: {  	s8 =	sadd.s32 $0xFFFFE003, lr  }
0x1b: {  	s9 =	sadd.s32 $0xFFFFFEF7, lr;
	s5 =	simm.s32 $0xFFFFFFFF;
	p2 =	slt.u32 s8, $0xFFFFF086  }
0x1c: {  	p1 =	slt.u32 s9, $0xF7A;
	s5 =	simm.s32 @!p2 $0x0  }
0x1d: {  	s5 =	simm.s32 @p1 $0x1;
	p0 =	seq.s32 s7, s2  }
0x1e: {  	s7 =	smul.u32 @!p0 $0xF7A, s2;
	p2 =	seq.s32 @!p0 s5, $0x0  }
0x1f: {  	s9 =	smul.u32 $0xF7A, s1;
	s8 =	simm.s32 @!p0 $0x1BF5;
	p2 =	por !p2, p0  }
0x20: {  	[sflag:s8] =	ssyncset.s32 @!p0 $0xFFFFF086;
	s6 =	sadd.s32 @!p0 s3, s7;
	s7 =	simm.s32 @!p0 $0x108  }
0x21: {  	s3 =	sadd.s32 s3, s9;
	s6 =	sadd.s32 @!p0 $0x88, s6;
	s7 =	simm.s32 @p2 $0x1082  }
0x22: {  	[simem:s7], [sflag:s8] =	dma.local @!p0 [hbm:s6], $0xF7A  }
0x23: {  	s9 =	sor.u32 $0xD0000000, s2;
	s6 =	simm.s32 $0x108;
	_ =	swait.ge @!p0 [sflag:s8], $0x0  }
0x24: {  	s3 =	sadd.s32 $0x88, s3;
	s6 =	simm.s32 @!p1 $0x1082;
	[sflag:s4] =	ssyncset.s32 $0xFFFFF086  }
0x25: {  	[simem:s6], [sflag:s4] =	dma.local [hbm:s3], $0xF7A  }
0x26: {  	[smem:$0x3F97] =	sst s1;
	(tag) =	ssettag s2;
	_ =	strace s9  }
0x27: {  	s1 =	sld [smem:$0x3FA7]  }
0x28: {  	s2 =	sld [smem:$0x3FA8]  }
0x29: {  	s4 =	sld [smem:$0x3FAA]  }
0x2a: {  	p0 =	seq.s32 s5, $0x0;
	s5 =	sld [smem:$0x3FAB]  }
0x2b: {  	s6 =	sld [smem:$0x3FAC]  }
0x2c: {  	s7 =	sld [smem:$0x3FAD]  }
0x2d: {  	s3 =	simm.s32 $0x108;
	s8 =	sld [smem:$0x3FAE]  }
0x2e: {  	s3 =	simm.s32 @!p0 $0x1082;
	s9 =	sld [smem:$0x3FAF]  }
0x2f: {  	lr =	sadd.s32 s0, s3;
	s0 =	sld [smem:$0x3FA6]  }
0x30: {  	s3 =	sld [smem:$0x3FA9]  }
0x31: {  	[smem:$0x3FB2] =	sst s10  }
0x32: {  	s10 =	sld [smem:$0x3FB0];
	_ =	sdelay $0x3  }
0x33: {  	p0 =	seq.s32 s10, $0x1;
	s10 =	sld [smem:$0x3FB2];
	_ =	sdelay $0x3  }
0x34: {  	[smem:$0x3FB2] =	sst s10  }
0x35: {  	s10 =	sld [smem:$0x3FB1];
	_ =	sdelay $0x3  }
0x36: {  	p1 =	seq.s32 s10, $0x1;
	s10 =	sld [smem:$0x3FB2];
	_ =	sdelay $0x3  }
0x37: {  	[smem:$0x3FB2] =	sst s10  }
0x38: {  	s10 =	sld [smem:$0x3FB3]  }
0x39: {  	_ = 	snop;
	(pc) =	sbr.ind lr, $3  }
0x3a: {  	_ = 	snop  }
0x3b: {  	_ = 	snop  }
0x3c: {  	p2 =	seq.s32 s10, $0x1;
	s10 =	sld [smem:$0x3FB2]  }
0x3d: {  	_ =	shalt  }
0x3e: {  	_ =	shalt  }
0x3f: {  	_ =	shalt  }
0x40: {  	_ =	shalt  }
0x41: {  	_ =	shalt  }
0x42: {  	_ =	shalt  }
0x43: {  	_ =	shalt  }
0x44: {  	_ =	shalt  }
0x45: {  	_ =	shalt  }
0x46: {  	_ =	shalt  }
0x47: {  	_ =	shalt  }
0x48: {  	_ =	shalt  }
0x49: {  	_ =	shalt  }
0x4a: {  	_ =	shalt  }
0x4b: {  	_ =	shalt  }
0x4c: {  	_ =	shalt  }
0x4d: {  	_ =	shalt  }
0x4e: {  	_ =	shalt  }
0x4f: {  	_ =	shalt  }
0x50: {  	_ =	shalt  }
0x51: {  	_ =	shalt  }
0x52: {  	_ =	shalt  }
0x53: {  	_ =	shalt  }
0x54: {  	_ =	shalt  }
0x55: {  	_ =	shalt  }
0x56: {  	_ =	shalt  }
0x57: {  	_ =	shalt  }
0x58: {  	_ =	shalt  }
0x59: {  	_ =	shalt  }
0x5a: {  	_ =	shalt  }
0x5b: {  	_ =	shalt  }
0x5c: {  	_ =	shalt  }
0x5d: {  	_ =	shalt  }
0x5e: {  	_ =	shalt  }
0x5f: {  	_ =	shalt  }
0x60: {  	_ =	shalt  }
0x61: {  	_ =	shalt  }
0x62: {  	_ =	shalt  }
0x63: {  	_ =	shalt  }
0x64: {  	_ =	shalt  }
0x65: {  	_ =	shalt  }
0x66: {  	_ =	shalt  }
0x67: {  	_ =	shalt  }
0x68: {  	_ =	shalt  }
0x69: {  	_ =	shalt  }
0x6a: {  	_ =	shalt  }
0x6b: {  	_ =	shalt  }
0x6c: {  	_ =	shalt  }
0x6d: {  	_ =	shalt  }
0x6e: {  	_ =	shalt  }
0x6f: {  	_ =	shalt  }
0x70: {  	_ =	shalt  }
0x71: {  	_ =	shalt  }
0x72: {  	_ =	shalt  }
0x73: {  	_ =	shalt  }
0x74: {  	_ =	shalt  }
0x75: {  	_ =	shalt  }
0x76: {  	_ =	shalt  }
0x77: {  	_ =	shalt  }
0x78: {  	_ =	shalt  }
0x79: {  	_ =	shalt  }
0x7a: {  	_ =	shalt  }
0x7b: {  	_ =	shalt  }
0x7c: {  	_ =	shalt  }
0x7d: {  	_ =	shalt  }
0x7e: {  	_ =	shalt  }
0x7f: {  	_ =	shalt  }
0x80: {  	_ =	shalt  }
0x81: {  	_ =	shalt  }
0x82: {  	_ =	shalt  }
0x83: {  	_ =	shalt  }
0x84: {  	_ =	shalt  }
0x85: {  	_ =	shalt  }
0x86: {  	_ =	shalt  }
0x87: {  	_ =	shalt  }
.Lfunc_end0:
.L_simem_size_0:
called_computation_lowered:
.L_overlay_start_0:
0x88: {  	s2 =	sld [smem:$0x3FD9]  }
0x89: {  	s3 =	sld [smem:$0x3FFE];
	_ =	sdelay $0x1  }
0x8a: {  	s1 =	srdreg.scid  }
0x8b: {  	s0 =	sand.u32 $0x1, s1  }
0x8c: {  	s17 =	sshll.u32 s0, $0xA;
	s2 =	sadd.s32 s3, s2  }
0x8d: {  	s2 =	sadd.s32 s2, s17  }
0x8e: {  	[smem:$0x3FBE] =	sst s2  }
0x8f: {  	_ = 	snop  }
0x90: {  	s2 =	sld [smem:$0x3FD0];
	(tm) =	ssettm $0x1  }
0x91: {  	s18 =	sld [smem:$0x3FFB];
	_ =	sdelay $0x3  }
0x92: {  	_ =	strace s18  }
0x93: {  	s3 =	sld [smem:$0x3FFC];
	_ =	sdelay $0x3  }
0x94: {  	_ =	strace s3  }
0x95: {  	s3 =	sld [smem:$0x3FFD];
	_ =	sdelay $0x3  }
0x96: {  	_ =	strace s3  }
0x97: {  	_ =	strace $0x8FFFFFFF  }
0x98: {  	s19 =	sld [smem:$0x3FDB];
	_ =	sdelay $0x1  }
0x99: {  	s4 =	simm.s32 $_scs_section_size  }
0x9a: {  	s5 =	simm.s32 $_size__tile_overlayer_lowered;
	s6 =	simm.s32 $_tile_overlayer_lowered  }
0x9b: {  	s22 =	simm.s32 $0x1BFF;
	s21 =	sshll.u32 s6, $0x1;
	s3 =	sadd.s32 s4, s19  }
0x9c: {  	s7 =	simm.s32 $0x0;
	s20 =	sshll.u32 s5, $0x1;
	s5 =	sadd.s32 s21, s3  }
0x9d: {  	[timem:s7], [sflag:s22] =	dma.local [hbm:s5], s20  }
0x9e: {  	_ =	swait.ge [sflag:s22], s20  }
0x9f: {  	s4 =	ssub.s32 $0x0, s20;
	[sflag:s22] =	ssyncset.done $0x0  }
0xa0: {  	[sflag:s22] =	ssyncadd.s32 s4;
	_ =	sdelay $0x1  }
0xa1: {  	s23 =	simm.s32 $0x1B8B  }
0xa2: {  	_ =	swait.ge [sflag:s23], $0x1  }
0xa3: {  	[sflag:s23] =	ssyncset.done $0x0  }
0xa4: {  	s25 =	simm.s32 $0x1B8E;
	s24 =	sld [smem:$0x3FFE];
	[sflag:s23] =	ssyncadd.s32 $0xFFFFFFFF  }
0xa5: {  	s26 =	simm.s32 $execute0_lowered;
	[smem:$0x3FD2] =	sst s25  }
0xa6: {  	s5 =	sshll.u32 s26, $0x1;
	_ =	strace $0x80000046;
	[dreg:$0x1] =	wrdreg $0xFFFFFFFF  }
0xa7: {  	s28 =	simm.s32 $_size_execute0_lowered;
	s3 =	sadd.s32 s3, s5;
	[dreg:$0x0] =	wrdreg $0x0  }
0xa8: {  	s5 =	sshll.u32 s28, $0x1;
	[dreg:$0x2] =	wrdreg s3  }
0xa9: {  	[dreg:$0x3] =	wrdreg s5  }
0xaa: {  	[dreg:$0x4] =	wrdreg $0xC0  }
0xab: {  	_ =	task [dreg:s7], $0x5FFFF  }
0xac: {  	[dreg:$0x1] =	wrdreg $0xFFFFFFFF  }
0xad: {  	[dreg:$0x0] =	wrdreg $0x60  }
0xae: {  	[dreg:$0x2] =	wrdreg s24  }
0xaf: {  	[dreg:$0x3] =	wrdreg s2  }
0xb0: {  	[dreg:$0x4] =	wrdreg $0x9  }
0xb1: {  	_ =	task.clear_ibuf [dreg:s7], $0x5FFFF;
	_ =	strace $0x90000046  }
0xb2: {  	s29 =	simm.s32 $0x9;
	_ =	strace $0x80000048  }
0xb3: {  	_ =	swait.ge [sflag:s29], $0x1  }
0xb4: {  	[sflag:s29] =	ssyncadd.s32 $0xFFFFFFFF  }
0xb5: {  	_ =	strace $0x90000048  }
0xb6: {  	_ =	sfence  }
0xb7: {  	s30 =	sld [smem:$0x0];
	_ =	sdelay $0x2  }
0xb8: {  	s31 =	sshll.u32 s1, $0xD;
	s1 =	sshrl.u32 s1, $0x2  }
0xb9: {  	s3 =	sand.u32 $0x4000, s31;
	s1 =	sadd.s32 s1, s30  }
0xba: {  	s0 =	sor.u32 s3, s0;
	s1 =	sshll.u32 s1, $0x11  }
0xbb: {  	s0 =	sor.u32 s1, s0  }
0xbc: {  	s0 =	sadd.s32 $0x8F2B, s0  }
0xbd: {  	[sflag:s0] =	ssyncadd.remote.s32 $0x1  }
0xbe: {  	_ =	sfence.sel $0xFFFF  }
0xbf: {  	[dreg:$0x0] =	wrdreg $0xFFFFFFFF;
	(pc) =	sbr.abs _section_cstart, $3  }
0xc0: {  	[dreg:$0x1] =	wrdreg $0xFFFFFFFF  }
0xc1: {  	_ =	task.clear_ibuf [dreg:s7], $0x2FFFF;
	_ =	strace $0x9FFFFFFF  }
0xc2: {  	(tm) =	ssettm $0x7FFFFFFF  }
0xc3: {  	_ =	shalt  }
tec
execute0_lowered:
.L_overlay_start_1:
0x0: {  	(tag) =	ssettag $0x1  }
0x1: {  	s1 =	srdreg.scid  }
0x2: {  	s0 =	stileid.u32;
	s8 =	rddreg [dreg:$0x0]  }
0x3: {  	s3 =	rddreg [dreg:$0x1];
	s6 =	sand.u32 $0x1, s1;
	s30 =	sshll.u32 s0, $0x1  }
0x4: {  	s2 =	simm.s32 $0x0;
	s1 =	rddreg [dreg:$0x2];
	s7 =	sor.u32 s6, s30  }
0x5: {  	[smem:$0x7FF] =	sst s2;
	s4 =	smul.u32 $0x64, s7  }
0x6: {  	s5 =	sadd.s32 $0x800, s8;
	_ =	strace $0x80000047;
	s10 =	ssub.s32 $0x2, s6  }
0x7: {  	s6 =	simm.s32 $0x320;
	s4 =	sadd.s32 s3, s4;
	s3 =	simm.s32 $0x2  }
0x8: {  	[tilespmem:s2], [sflag:$0x2] =	stream.linear.gather [hbm4b:s4+s2], $0x320, $0x38;
	[tilespmem:$0x3520] =	vst v63  }
0x9: {  	s9 =	smul.u32 $0x640, s7;
	s11 =	sshrl.u32 s10, $0x1;
	_ =	swait.ge [sflag:s3], $0x320  }
0xa: {  	s7 =	simm.s32 $0x1;
	s31 =	ssub.s32 s10, s11;
	[sflag:s3] =	ssyncset.done $0x0  }
0xb: {  	s8 =	sadd.s32 s9, s8;
	s9 =	smax.u32 s31, $0x1;
	[sflag:s3] =	ssyncadd.s32 $0xFFFFFCE0  }
0xc: {  	[tilespmem:s6], [sflag:$0x1] =	stream.indirect.gather [hbm4b:s5+s6], $0x10, s2, s6, $0xb8;
	[tilespmem:$0x3520] =	vst v63  }
0xd: {  	p0 =	sne.s32 s9, $0x1;
	_ =	swait.ge [sflag:s7], $0x3200  }
.Ltmp0:
0xe: {  	[sflag:s7] =	ssyncset.done $0x0;
	(pc) =	sbr.rel @!p0 .LBB2_2-.Ltmp0, $4  }
0xf: {  	s8 =	sadd.s32 $0x1000, s8;
	[sflag:s7] =	ssyncadd.s32 $0xFFFFCE00  }
0x10: {  	[hbm4b:s8+s2] =	stream.linear.scatter [tilespmem:s6], [sflag:$0x2], $0x3200, $0x38;
	[tilespmem:$0x3520] =	vst v63  }
0x11: {  	_ =	swait.ge [sflag:s3], $0x3200  }
0x12: {  	s9 =	sadd.s32 $0xFFFFFFFF, s9;
	[sflag:s3] =	ssyncset.done $0x0  }
.LBB2_1:
0x13: {  	p0 =	sne.s32 s9, $0x1;
	s9 =	sadd.s32 $0xFFFFFFFF, s9;
	[sflag:s3] =	ssyncadd.s32 $0xFFFFCE00  }
0x14: {  	[tilespmem:s2], [sflag:$0x2] =	stream.linear.gather [hbm4b:s4+s2], $0x320, $0x38;
	[tilespmem:$0x3520] =	vst v63  }
0x15: {  	_ =	swait.ge [sflag:s3], $0x320  }
0x16: {  	[sflag:s3] =	ssyncset.done $0x0  }
0x17: {  	[sflag:s3] =	ssyncadd.s32 $0xFFFFFCE0  }
0x18: {  	[tilespmem:s6], [sflag:$0x1] =	stream.indirect.gather [hbm4b:s5+s6], $0x10, s2, s6, $0xb8;
	[tilespmem:$0x3520] =	vst v63  }
0x19: {  	_ =	swait.ge [sflag:s7], $0x3200  }
.Ltmp1:
0x1a: {  	[sflag:s7] =	ssyncset.done $0x0;
	(pc) =	sbr.rel @p0 .LBB2_1-.Ltmp1, $4  }
0x1b: {  	[sflag:s7] =	ssyncadd.s32 $0xFFFFCE00  }
0x1c: {  	[hbm4b:s8+s2] =	stream.linear.scatter [tilespmem:s6], [sflag:$0x2], $0x3200, $0x38;
	[tilespmem:$0x3520] =	vst v63  }
0x1d: {  	_ =	swait.ge [sflag:s3], $0x3200  }
0x1e: {  	[sflag:s3] =	ssyncset.done $0x0  }
.LBB2_2:
0x1f: {  	[sflag:s3] =	ssyncadd.s32 $0xFFFFCE00  }
0x20: {  	_ =	sfence.sel $0x180000  }
0x21: {  	[bflag:$0x0] =	sbarrier.arrive $0xFFFF  }
0x22: {  	p0 =	sne.s32 s0, $0x0;
	_ =	strace $0x90000047  }
0x23: {  	s0 =	sadd.s32 @!p0 $0x100000, s1;
	[bflag:$0x2] =	sbarrier.arrive $0xFFFF  }
0x24: {  	[sflag:s0] =	ssyncadd.tile.s32 @!p0 $0x1;
	_ =	shalt  }
.Lfunc_end2:
_tile_overlayer_lowered:
.L_overlay_start_2:
0x25: {  	(tag) =	ssettag $0x2  }
0x26: {  	s0 =	rddreg [dreg:$0x0];
	s2 =	stileid.u32  }
0x27: {  	s1 =	rddreg [dreg:$0x1];
	p0 =	sne.s32 s2, $0x0  }
0x28: {  	s3 =	rddreg [dreg:$0x2];
	[bflag:$0x3] =	sbarrier.arrive $0xFFFF;
	s2 =	simm.s32 @!p0 $0x1C02  }
0x29: {  	[timem:s3], [sflag:s2] =	dma.local @!p0 [hbm:s0], s1  }
0x2a: {  	s0 =	simm.s32 @!p0 $0x2  }
0x2b: {  	_ =	swait.ge @!p0 [sflag:s0], s1  }
0x2c: {  	s1 =	ssub.s32 @!p0 $0x0, s1;
	[sflag:s0] =	ssyncset.done @!p0 $0x0  }
0x2d: {  	[sflag:s0] =	ssyncadd.s32 @!p0 s1  }
0x2e: {  	[bflag:$0x3] =	sbarrier.arrive $0xFFFF  }
0x2f: {  	_ =	shalt  }

</sc_bundles>
